<compile_context>
chip_gen: v7x
topology: tpu7x:2x2x1
jax: 0.10.2.dev20260603
libtpu: 0.0.44.dev20260713+nightly
codegen_flags: <defaults>
</compile_context>

<pallas_src>
import functools

import numpy as np
import jax
import jax.numpy as jnp
from jax import lax
from jax.experimental import pallas as pl
from jax.experimental.pallas import tpu as pltpu
from jax.experimental.pallas import tpu_sc as plsc

_LANES = 16


def _positional_encoding_np(seq_len, d_model):
    pos = np.arange(seq_len, dtype=np.float32)[:, None]
    i = np.arange(0, d_model, 2, dtype=np.float32)[None, :]
    angles = pos / np.power(10000.0, i / d_model)
    pe = np.zeros((seq_len, d_model), dtype=np.float32)
    pe[:, 0::2] = np.sin(angles)
    pe[:, 1::2] = np.cos(angles)
    return pe


@functools.lru_cache(maxsize=None)
def _build(B, L, D, V):
    info = plsc.get_sparse_core_info()
    NC, NS = info.num_cores, info.num_subcores
    NW = NC * NS
    assert L % 8 == 0 and B % 128 == 0 and D % 8 == 0
    LT, BT, DT = L // 8, B // 128, D // 8
    assert BT % 2 == 0 and NW % (BT // 2) == 0
    btp_per = BT // 2
    l_splits = NW // btp_per
    assert L % l_splits == 0
    l_per = L // l_splits
    RB = 2
    DG = D // _LANES

    mesh = plsc.VectorSubcoreMesh(core_axis_name="c", subcore_axis_name="s")

    @functools.partial(
        pl.kernel,
        mesh=mesh,
        compiler_params=pltpu.CompilerParams(use_tc_tiling_on_sc=False,
                                             needs_layout_passes=False),
        out_type=jax.ShapeDtypeStruct((L, DT, BT, 8, 128), jnp.float32),
        scratch_types=(
            [pltpu.VMEM((2, 128), jnp.int32) for _ in range(RB)]
            + [pltpu.VMEM((2, 128, D), jnp.float32) for _ in range(RB)]
            + [pltpu.VMEM((DT, 2, 8, 128), jnp.float32) for _ in range(RB)]
            + [pltpu.VMEM((256 * (D + 1),), jnp.float32)]
            + [pltpu.VMEM((L, D), jnp.float32)]
            + [pltpu.SemaphoreType.DMA for _ in range(2 * RB)]
        ),
    )
    def _k(x4_hbm, pe_hbm, table_hbm, out5_hbm, *scratch):
        idx_v = scratch[:RB]
        rows_v = scratch[RB:2 * RB]
        outt_v = scratch[2 * RB:3 * RB]
        pad_v = scratch[3 * RB]
        pe_v = scratch[3 * RB + 1]
        gsem = scratch[3 * RB + 2:3 * RB + 2 + RB]
        osem = scratch[3 * RB + 2 + RB:]

        wid = lax.axis_index("s") * NC + lax.axis_index("c")
        btp = wid % btp_per
        l0 = (wid // btp_per) * l_per
        pltpu.sync_copy(pe_hbm, pe_v)

        def fetch(g, r):
            l = l0 + g
            lt = l // 8
            lr = l % 8
            for h in range(2):
                pltpu.sync_copy(x4_hbm.at[lt, 2 * btp + h, lr],
                                idx_v[r].at[h])
            for h in range(2):
                pltpu.async_copy(
                    table_hbm.at[idx_v[r].at[h]],
                    rows_v[r].at[h], gsem[r])

        fetch(0, 0)

        @pl.loop(0, l_per)
        def _grp(g):
            r = lax.rem(g, RB)

            @pl.when(g + 1 < l_per)
            def _():
                for rr in range(RB):
                    @pl.when(lax.rem(g + 1, RB) == rr)
                    def _():
                        fetch(g + 1, rr)

            for rr in range(RB):
                @pl.when(r == rr)
                def _():
                    l = l0 + g
                    for h in range(2):
                        pltpu.make_async_copy(
                            table_hbm.at[idx_v[rr].at[h]],
                            rows_v[rr].at[h], gsem[rr]).wait()

                    lane = lax.iota(jnp.int32, _LANES)
                    pes = [pe_v[l, pl.ds(dg * _LANES, _LANES)]
                           for dg in range(DG)]
                    lane_dg = [lane + dg * _LANES for dg in range(DG)]

                    U1 = 4
                    for h in range(2):
                        @pl.loop(0, 128, step=U1)
                        def _row(b):
                            bases = [jnp.full((16,),
                                              (h * 128 + b + u) * (D + 1),
                                              jnp.int32) for u in range(U1)]
                            idxs = [bases[u] + lane_dg[dg]
                                    for u in range(U1) for dg in range(DG)]
                            lds = [rows_v[rr][h, b + u,
                                              pl.ds(dg * _LANES, _LANES)]
                                   for u in range(U1) for dg in range(DG)]
                            sums = [lds[u * DG + dg] + pes[dg]
                                    for u in range(U1) for dg in range(DG)]
                            for k in range(U1 * DG):
                                plsc.store_scatter(pad_v, [idxs[k]],
                                                   sums[k])

                    @pl.when(g >= RB)
                    def _():
                        l_old = l0 + g - RB
                        pltpu.make_async_copy(
                            outt_v[rr],
                            out5_hbm.at[l_old, :, pl.ds(2 * btp, 2)],
                            osem[rr]).wait()

                    lane65 = lane * (D + 1)

                    @pl.loop(0, DT)
                    def _dt(dt):
                        d0 = dt * 8
                        for h in range(2):
                            for bg0 in range(0, 8, 2):
                                bases = [lane65 + ((h * 128 + bg * 16)
                                                   * (D + 1) + d0)
                                         for bg in (bg0, bg0 + 1)]
                                idxs = [b + dr for b in bases
                                        for dr in range(8)]
                                vals = [plsc.load_gather(pad_v, [ix])
                                        for ix in idxs]
                                for j, bg in enumerate((bg0, bg0 + 1)):
                                    for dr in range(8):
                                        outt_v[rr][dt, h, dr,
                                                   pl.ds(bg * 16, 16)] = (
                                            vals[j * 8 + dr])

                    pltpu.async_copy(
                        outt_v[rr],
                        out5_hbm.at[l, :, pl.ds(2 * btp, 2)],
                        osem[rr])

        for rr in range(RB):
            g_last = l_per - RB + rr
            pltpu.make_async_copy(
                outt_v[rr],
                out5_hbm.at[l0 + g_last, :, pl.ds(2 * btp, 2)],
                osem[rr]).wait()

    return _k


def kernel(x, table):
    B, L = x.shape
    V, D = table.shape
    pe = jnp.asarray(_positional_encoding_np(L, D))
    x4 = x.T.reshape(L // 8, 8, B // 128, 128).transpose(0, 2, 1, 3)
    x4 = x4.astype(jnp.int32)
    out5 = _build(B, L, D, V)(x4, pe, table)
    out = out5.transpose(2, 4, 0, 1, 3).reshape(B, L, D)
    return out

# --- scband reference (transcript-rebuilt; emitter-appended) ---
"""Pipeline reference for scband-seq-embedding-33303176413489 (READ-ONLY COPY).

The authoritative reference and input builder live on the scoring server;
editing this copy changes nothing except your own understanding.
"""

import jax, jax.numpy as jnp
import numpy as np

VOCAB = 1000000
D_MODEL = 64
BATCH = 4096
SEQ_LEN = 200


def _positional_encoding(seq_len, d_model):
    pos = np.arange(seq_len, dtype=np.float32)[:, None]
    i = np.arange(0, d_model, 2, dtype=np.float32)[None, :]
    angles = pos / np.power(10000.0, i / d_model)
    pe = np.zeros((seq_len, d_model), dtype=np.float32)
    pe[:, 0::2] = np.sin(angles)
    pe[:, 1::2] = np.cos(angles)
    return jnp.asarray(pe)


def setup_inputs(seed: int = 0) -> dict:
    key = jax.random.key(seed)
    k1, k2 = jax.random.split(key)
    x = jax.random.randint(k1, (BATCH, SEQ_LEN), 0, VOCAB, dtype=jnp.int64 if jax.config.jax_enable_x64 else jnp.int32)
    table = jax.random.normal(k2, (VOCAB, D_MODEL), dtype=jnp.float32) * 0.02
    return {"x": x, "table": table}


def reference(x, table):
    # embedding lookup (SparseCore-mappable gather)
    emb = jnp.take(table, x, axis=0)  # [B, L, D]
    pe = _positional_encoding(emb.shape[1], emb.shape[2])
    out = emb + pe[None, :, :]
    return out

if __name__ == "__main__":
    import jax
    _d = setup_inputs()
    print(jax.jit(kernel)(*tuple(_d.values())))

</pallas_src>

<mosaic_0001>
#map = affine_map<(d0, d1) -> (0, 0, 0, 0)>
#map1 = affine_map<(d0, d1) -> (0, 0)>
#map2 = affine_map<(d0, d1) -> (0, 0, 0, 0, 0)>
module attributes {stable_mosaic.version = 14 : i64} {
  func.func @_k(%arg0: i32, %arg1: i32, %arg2: memref<25x32x8x128xi32, #tpu.memory_space<hbm>>, %arg3: memref<200x64xf32, #tpu.memory_space<hbm>>, %arg4: memref<1000000x64xf32, #tpu.memory_space<hbm>>, %arg5: memref<200x8x32x8x128xf32, #tpu.memory_space<hbm>>, %arg6: memref<2x128xi32, #tpu.memory_space<vmem>>, %arg7: memref<2x128xi32, #tpu.memory_space<vmem>>, %arg8: memref<2x128x64xf32, #tpu.memory_space<vmem>>, %arg9: memref<2x128x64xf32, #tpu.memory_space<vmem>>, %arg10: memref<8x2x8x128xf32, #tpu.memory_space<vmem>>, %arg11: memref<8x2x8x128xf32, #tpu.memory_space<vmem>>, %arg12: memref<16640xf32, #tpu.memory_space<vmem>>, %arg13: memref<200x64xf32, #tpu.memory_space<vmem>>, %arg14: memref<!tpu.dma_semaphore, #tpu.memory_space<semaphore_mem>>, %arg15: memref<!tpu.dma_semaphore, #tpu.memory_space<semaphore_mem>>, %arg16: memref<!tpu.dma_semaphore, #tpu.memory_space<semaphore_mem>>, %arg17: memref<!tpu.dma_semaphore, #tpu.memory_space<semaphore_mem>>) attributes {dimension_semantics = [#tpu.dimension_semantics<core_parallel>, #tpu.dimension_semantics<subcore_parallel>], iteration_bounds = array<i64: 2, 16>, scalar_prefetch = 0 : i64, scratch_operands = 12 : i64, tpu.core_type = #tpu.core_type<sc_vector_subcore>, window_params = [{transform_indices = #map}, {transform_indices = #map1}, {transform_indices = #map1}, {transform_indices = #map2}]} {
    %mul3A = arith.constant 2 : i32
    %mul3A_0 = arith.muli %arg1, %mul3A : i32
    %add3A = arith.addi %mul3A_0, %arg0 : i32
    %jit3A = arith.constant 16 : i32
    %eq3A = arith.constant 0 : i32
    %eq3A_1 = arith.cmpi eq, %jit3A, %eq3A : i32
    %jit3A_2 = arith.constant 1 : i32
    %select_n3A = arith.select %eq3A_1, %jit3A_2, %jit3A : i32
    %rem3A = arith.remsi %add3A, %select_n3A : i32
    %ne3A = arith.constant 0 : i32
    %ne3A_3 = arith.cmpi ne, %rem3A, %ne3A : i32
    %lt3A = arith.constant 0 : i32
    %lt3A_4 = arith.cmpi slt, %rem3A, %lt3A : i32
    %lt3A_5 = arith.constant 0 : i32
    %lt3A_6 = arith.cmpi slt, %select_n3A, %lt3A_5 : i32
    %ne3A_7 = arith.xori %lt3A_4, %lt3A_6 : i1
    %and3A = arith.andi %ne3A_7, %ne3A_3 : i1
    %add3A_8 = arith.addi %rem3A, %select_n3A : i32
    %select_n3A_9 = arith.select %and3A, %add3A_8, %rem3A : i32
    %jit3A_10 = arith.constant 16 : i32
    %div3A = arith.divsi %add3A, %jit3A_10 : i32
    %sign3A = arith.constant 0 : i32
    %sign3A_11 = arith.cmpi sgt, %add3A, %sign3A : i32
    %sign3A_12 = arith.extui %sign3A_11 : i1 to i32
    %sign3A_13 = arith.constant 0 : i32
    %sign3A_14 = arith.cmpi slt, %add3A, %sign3A_13 : i32
    %sign3A_15 = arith.extui %sign3A_14 : i1 to i32
    %sign3A_16 = arith.subi %sign3A_12, %sign3A_15 : i32
    %sign3A_17 = arith.constant 0 : i32
    %sign3A_18 = arith.cmpi sgt, %jit3A_10, %sign3A_17 : i32
    %sign3A_19 = arith.extui %sign3A_18 : i1 to i32
    %sign3A_20 = arith.constant 0 : i32
    %sign3A_21 = arith.cmpi slt, %jit3A_10, %sign3A_20 : i32
    %sign3A_22 = arith.extui %sign3A_21 : i1 to i32
    %sign3A_23 = arith.subi %sign3A_19, %sign3A_22 : i32
    %ne3A_24 = arith.cmpi ne, %sign3A_16, %sign3A_23 : i32
    %rem3A_25 = arith.remsi %add3A, %jit3A_10 : i32
    %ne3A_26 = arith.constant 0 : i32
    %ne3A_27 = arith.cmpi ne, %rem3A_25, %ne3A_26 : i32
    %and3A_28 = arith.andi %ne3A_24, %ne3A_27 : i1
    %sub3A = arith.constant 1 : i32
    %sub3A_29 = arith.subi %div3A, %sub3A : i32
    %select_n3A_30 = arith.select %and3A_28, %sub3A_29, %div3A : i32
    %mul3A_31 = arith.constant 100 : i32
    %mul3A_32 = arith.muli %select_n3A_30, %mul3A_31 : i32
    "tpu.region"() ({
      %run_scoped3A_138 = tpu.sem_alloc : memref<!tpu.dma_semaphore, #tpu.memory_space<semaphore_mem>>
      tpu.enqueue_dma source(%arg3 : memref<200x64xf32, #tpu.memory_space<hbm>>) target(%arg13 : memref<200x64xf32, #tpu.memory_space<vmem>>) target_semaphore(%run_scoped3A_138 : memref<!tpu.dma_semaphore, #tpu.memory_space<semaphore_mem>>)
      tpu.wait_dma2 semaphore(%run_scoped3A_138 : memref<!tpu.dma_semaphore, #tpu.memory_space<semaphore_mem>>) src(%arg3 : memref<200x64xf32, #tpu.memory_space<hbm>>) dst(%arg13 : memref<200x64xf32, #tpu.memory_space<vmem>>)
      tpu.yield
    }) : () -> ()
    %add3A_33 = arith.constant 0 : i32
    %add3A_34 = arith.addi %mul3A_32, %add3A_33 : i32
    %jit3A_35 = arith.constant 8 : i32
    %div3A_36 = arith.divsi %add3A_34, %jit3A_35 : i32
    %sign3A_37 = arith.constant 0 : i32
    %sign3A_38 = arith.cmpi sgt, %add3A_34, %sign3A_37 : i32
    %sign3A_39 = arith.extui %sign3A_38 : i1 to i32
    %sign3A_40 = arith.constant 0 : i32
    %sign3A_41 = arith.cmpi slt, %add3A_34, %sign3A_40 : i32
    %sign3A_42 = arith.extui %sign3A_41 : i1 to i32
    %sign3A_43 = arith.subi %sign3A_39, %sign3A_42 : i32
    %sign3A_44 = arith.constant 0 : i32
    %sign3A_45 = arith.cmpi sgt, %jit3A_35, %sign3A_44 : i32
    %sign3A_46 = arith.extui %sign3A_45 : i1 to i32
    %sign3A_47 = arith.constant 0 : i32
    %sign3A_48 = arith.cmpi slt, %jit3A_35, %sign3A_47 : i32
    %sign3A_49 = arith.extui %sign3A_48 : i1 to i32
    %sign3A_50 = arith.subi %sign3A_46, %sign3A_49 : i32
    %ne3A_51 = arith.cmpi ne, %sign3A_43, %sign3A_50 : i32
    %rem3A_52 = arith.remsi %add3A_34, %jit3A_35 : i32
    %ne3A_53 = arith.constant 0 : i32
    %ne3A_54 = arith.cmpi ne, %rem3A_52, %ne3A_53 : i32
    %and3A_55 = arith.andi %ne3A_51, %ne3A_54 : i1
    %sub3A_56 = arith.constant 1 : i32
    %sub3A_57 = arith.subi %div3A_36, %sub3A_56 : i32
    %select_n3A_58 = arith.select %and3A_55, %sub3A_57, %div3A_36 : i32
    %jit3A_59 = arith.constant 8 : i32
    %eq3A_60 = arith.constant 0 : i32
    %eq3A_61 = arith.cmpi eq, %jit3A_59, %eq3A_60 : i32
    %jit3A_62 = arith.constant 1 : i32
    %select_n3A_63 = arith.select %eq3A_61, %jit3A_62, %jit3A_59 : i32
    %rem3A_64 = arith.remsi %add3A_34, %select_n3A_63 : i32
    %ne3A_65 = arith.constant 0 : i32
    %ne3A_66 = arith.cmpi ne, %rem3A_64, %ne3A_65 : i32
    %lt3A_67 = arith.constant 0 : i32
    %lt3A_68 = arith.cmpi slt, %rem3A_64, %lt3A_67 : i32
    %lt3A_69 = arith.constant 0 : i32
    %lt3A_70 = arith.cmpi slt, %select_n3A_63, %lt3A_69 : i32
    %ne3A_71 = arith.xori %lt3A_68, %lt3A_70 : i1
    %and3A_72 = arith.andi %ne3A_71, %ne3A_66 : i1
    %add3A_73 = arith.addi %rem3A_64, %select_n3A_63 : i32
    %select_n3A_74 = arith.select %and3A_72, %add3A_73, %rem3A_64 : i32
    %mul3A_75 = arith.constant 2 : i32
    %mul3A_76 = arith.muli %mul3A_75, %select_n3A_9 : i32
    %add3A_77 = arith.constant 0 : i32
    %add3A_78 = arith.addi %mul3A_76, %add3A_77 : i32
    %run_scoped3A = arith.constant 0 : i32
    "tpu.region"() ({
      %run_scoped3A_138 = tpu.sem_alloc : memref<!tpu.dma_semaphore, #tpu.memory_space<semaphore_mem>>
      %dma_start3A_139 = arith.constant 0 : i32
      %dma_start3A_140 = tpu.memref_slice %arg6[%run_scoped3A, %dma_start3A_139] : memref<2x128xi32, #tpu.memory_space<vmem>> -> memref<1x128xi32, #tpu.memory_space<vmem>>
      %dma_start3A_141 = tpu.memref_squeeze %dma_start3A_140 : memref<1x128xi32, #tpu.memory_space<vmem>> -> memref<128xi32, #tpu.memory_space<vmem>>
      %dma_start3A_142 = arith.constant 0 : i32
      %dma_start3A_143 = tpu.memref_slice %arg2[%select_n3A_58, %add3A_78, %select_n3A_74, %dma_start3A_142] : memref<25x32x8x128xi32, #tpu.memory_space<hbm>> -> memref<1x1x1x128xi32, #tpu.memory_space<hbm>>
      %dma_start3A_144 = tpu.memref_squeeze %dma_start3A_143 : memref<1x1x1x128xi32, #tpu.memory_space<hbm>> -> memref<128xi32, #tpu.memory_space<hbm>>
      %dma_start3A_145 = arith.constant 0 : i32
      %dma_start3A_146 = tpu.memref_slice %arg6[%run_scoped3A, %dma_start3A_145] : memref<2x128xi32, #tpu.memory_space<vmem>> -> memref<1x128xi32, #tpu.memory_space<vmem>>
      %dma_start3A_147 = tpu.memref_squeeze %dma_start3A_146 : memref<1x128xi32, #tpu.memory_space<vmem>> -> memref<128xi32, #tpu.memory_space<vmem>>
      %dma_start3A_148 = arith.constant 0 : i32
      %dma_start3A_149 = tpu.memref_slice %arg2[%select_n3A_58, %add3A_78, %select_n3A_74, %dma_start3A_148] : memref<25x32x8x128xi32, #tpu.memory_space<hbm>> -> memref<1x1x1x128xi32, #tpu.memory_space<hbm>>
      %dma_start3A_150 = tpu.memref_squeeze %dma_start3A_149 : memref<1x1x1x128xi32, #tpu.memory_space<hbm>> -> memref<128xi32, #tpu.memory_space<hbm>>
      tpu.enqueue_dma source(%dma_start3A_150 : memref<128xi32, #tpu.memory_space<hbm>>) target(%dma_start3A_147 : memref<128xi32, #tpu.memory_space<vmem>>) target_semaphore(%run_scoped3A_138 : memref<!tpu.dma_semaphore, #tpu.memory_space<semaphore_mem>>)
      %dma_wait3A_151 = arith.constant 0 : i32
      %dma_wait3A_152 = tpu.memref_slice %arg6[%run_scoped3A, %dma_wait3A_151] : memref<2x128xi32, #tpu.memory_space<vmem>> -> memref<1x128xi32, #tpu.memory_space<vmem>>
      %dma_wait3A_153 = tpu.memref_squeeze %dma_wait3A_152 : memref<1x128xi32, #tpu.memory_space<vmem>> -> memref<128xi32, #tpu.memory_space<vmem>>
      %dma_wait3A_154 = arith.constant 0 : i32
      %dma_wait3A_155 = tpu.memref_slice %arg2[%select_n3A_58, %add3A_78, %select_n3A_74, %dma_wait3A_154] : memref<25x32x8x128xi32, #tpu.memory_space<hbm>> -> memref<1x1x1x128xi32, #tpu.memory_space<hbm>>
      %dma_wait3A_156 = tpu.memref_squeeze %dma_wait3A_155 : memref<1x1x1x128xi32, #tpu.memory_space<hbm>> -> memref<128xi32, #tpu.memory_space<hbm>>
      %dma_wait3A_157 = arith.constant 0 : i32
      %dma_wait3A_158 = tpu.memref_slice %arg6[%run_scoped3A, %dma_wait3A_157] : memref<2x128xi32, #tpu.memory_space<vmem>> -> memref<1x128xi32, #tpu.memory_space<vmem>>
      %dma_wait3A_159 = tpu.memref_squeeze %dma_wait3A_158 : memref<1x128xi32, #tpu.memory_space<vmem>> -> memref<128xi32, #tpu.memory_space<vmem>>
      %dma_wait3A_160 = arith.constant 0 : i32
      %dma_wait3A_161 = tpu.memref_slice %arg2[%select_n3A_58, %add3A_78, %select_n3A_74, %dma_wait3A_160] : memref<25x32x8x128xi32, #tpu.memory_space<hbm>> -> memref<1x1x1x128xi32, #tpu.memory_space<hbm>>
      %dma_wait3A_162 = tpu.memref_squeeze %dma_wait3A_161 : memref<1x1x1x128xi32, #tpu.memory_space<hbm>> -> memref<128xi32, #tpu.memory_space<hbm>>
      tpu.wait_dma2 semaphore(%run_scoped3A_138 : memref<!tpu.dma_semaphore, #tpu.memory_space<semaphore_mem>>) src(%dma_wait3A_162 : memref<128xi32, #tpu.memory_space<hbm>>) dst(%dma_wait3A_159 : memref<128xi32, #tpu.memory_space<vmem>>)
      tpu.yield
    }) : () -> ()
    %mul3A_79 = arith.constant 2 : i32
    %mul3A_80 = arith.muli %mul3A_79, %select_n3A_9 : i32
    %add3A_81 = arith.constant 1 : i32
    %add3A_82 = arith.addi %mul3A_80, %add3A_81 : i32
    %run_scoped3A_83 = arith.constant 1 : i32
    "tpu.region"() ({
      %run_scoped3A_138 = tpu.sem_alloc : memref<!tpu.dma_semaphore, #tpu.memory_space<semaphore_mem>>
      %dma_start3A_139 = arith.constant 0 : i32
      %dma_start3A_140 = tpu.memref_slice %arg6[%run_scoped3A_83, %dma_start3A_139] : memref<2x128xi32, #tpu.memory_space<vmem>> -> memref<1x128xi32, #tpu.memory_space<vmem>>
      %dma_start3A_141 = tpu.memref_squeeze %dma_start3A_140 : memref<1x128xi32, #tpu.memory_space<vmem>> -> memref<128xi32, #tpu.memory_space<vmem>>
      %dma_start3A_142 = arith.constant 0 : i32
      %dma_start3A_143 = tpu.memref_slice %arg2[%select_n3A_58, %add3A_82, %select_n3A_74, %dma_start3A_142] : memref<25x32x8x128xi32, #tpu.memory_space<hbm>> -> memref<1x1x1x128xi32, #tpu.memory_space<hbm>>
      %dma_start3A_144 = tpu.memref_squeeze %dma_start3A_143 : memref<1x1x1x128xi32, #tpu.memory_space<hbm>> -> memref<128xi32, #tpu.memory_space<hbm>>
      %dma_start3A_145 = arith.constant 0 : i32
      %dma_start3A_146 = tpu.memref_slice %arg6[%run_scoped3A_83, %dma_start3A_145] : memref<2x128xi32, #tpu.memory_space<vmem>> -> memref<1x128xi32, #tpu.memory_space<vmem>>
      %dma_start3A_147 = tpu.memref_squeeze %dma_start3A_146 : memref<1x128xi32, #tpu.memory_space<vmem>> -> memref<128xi32, #tpu.memory_space<vmem>>
      %dma_start3A_148 = arith.constant 0 : i32
      %dma_start3A_149 = tpu.memref_slice %arg2[%select_n3A_58, %add3A_82, %select_n3A_74, %dma_start3A_148] : memref<25x32x8x128xi32, #tpu.memory_space<hbm>> -> memref<1x1x1x128xi32, #tpu.memory_space<hbm>>
      %dma_start3A_150 = tpu.memref_squeeze %dma_start3A_149 : memref<1x1x1x128xi32, #tpu.memory_space<hbm>> -> memref<128xi32, #tpu.memory_space<hbm>>
      tpu.enqueue_dma source(%dma_start3A_150 : memref<128xi32, #tpu.memory_space<hbm>>) target(%dma_start3A_147 : memref<128xi32, #tpu.memory_space<vmem>>) target_semaphore(%run_scoped3A_138 : memref<!tpu.dma_semaphore, #tpu.memory_space<semaphore_mem>>)
      %dma_wait3A_151 = arith.constant 0 : i32
      %dma_wait3A_152 = tpu.memref_slice %arg6[%run_scoped3A_83, %dma_wait3A_151] : memref<2x128xi32, #tpu.memory_space<vmem>> -> memref<1x128xi32, #tpu.memory_space<vmem>>
      %dma_wait3A_153 = tpu.memref_squeeze %dma_wait3A_152 : memref<1x128xi32, #tpu.memory_space<vmem>> -> memref<128xi32, #tpu.memory_space<vmem>>
      %dma_wait3A_154 = arith.constant 0 : i32
      %dma_wait3A_155 = tpu.memref_slice %arg2[%select_n3A_58, %add3A_82, %select_n3A_74, %dma_wait3A_154] : memref<25x32x8x128xi32, #tpu.memory_space<hbm>> -> memref<1x1x1x128xi32, #tpu.memory_space<hbm>>
      %dma_wait3A_156 = tpu.memref_squeeze %dma_wait3A_155 : memref<1x1x1x128xi32, #tpu.memory_space<hbm>> -> memref<128xi32, #tpu.memory_space<hbm>>
      %dma_wait3A_157 = arith.constant 0 : i32
      %dma_wait3A_158 = tpu.memref_slice %arg6[%run_scoped3A_83, %dma_wait3A_157] : memref<2x128xi32, #tpu.memory_space<vmem>> -> memref<1x128xi32, #tpu.memory_space<vmem>>
      %dma_wait3A_159 = tpu.memref_squeeze %dma_wait3A_158 : memref<1x128xi32, #tpu.memory_space<vmem>> -> memref<128xi32, #tpu.memory_space<vmem>>
      %dma_wait3A_160 = arith.constant 0 : i32
      %dma_wait3A_161 = tpu.memref_slice %arg2[%select_n3A_58, %add3A_82, %select_n3A_74, %dma_wait3A_160] : memref<25x32x8x128xi32, #tpu.memory_space<hbm>> -> memref<1x1x1x128xi32, #tpu.memory_space<hbm>>
      %dma_wait3A_162 = tpu.memref_squeeze %dma_wait3A_161 : memref<1x1x1x128xi32, #tpu.memory_space<hbm>> -> memref<128xi32, #tpu.memory_space<hbm>>
      tpu.wait_dma2 semaphore(%run_scoped3A_138 : memref<!tpu.dma_semaphore, #tpu.memory_space<semaphore_mem>>) src(%dma_wait3A_162 : memref<128xi32, #tpu.memory_space<hbm>>) dst(%dma_wait3A_159 : memref<128xi32, #tpu.memory_space<vmem>>)
      tpu.yield
    }) : () -> ()
    %dma_start3A = arith.constant 0 : i32
    %dma_start3A_84 = arith.constant 0 : i32
    %dma_start3A_85 = arith.constant 0 : i32
    %dma_start3A_86 = arith.constant 0 : i32
    %dma_start3A_87 = tpu.memref_slice %arg8[%dma_start3A_84, %dma_start3A_85, %dma_start3A_86] : memref<2x128x64xf32, #tpu.memory_space<vmem>> -> memref<1x128x64xf32, #tpu.memory_space<vmem>>
    %dma_start3A_88 = tpu.memref_squeeze %dma_start3A_87 : memref<1x128x64xf32, #tpu.memory_space<vmem>> -> memref<128x64xf32, #tpu.memory_space<vmem>>
    %dma_start3A_89 = arith.constant 0 : i32
    %dma_start3A_90 = tpu.memref_slice %arg6[%dma_start3A, %dma_start3A_89] : memref<2x128xi32, #tpu.memory_space<vmem>> -> memref<1x128xi32, #tpu.memory_space<vmem>>
    %dma_start3A_91 = tpu.memref_squeeze %dma_start3A_90 : memref<1x128xi32, #tpu.memory_space<vmem>> -> memref<128xi32, #tpu.memory_space<vmem>>
    %dma_start3A_92 = arith.constant 0 : i32
    %dma_start3A_93 = arith.constant 0 : i32
    %dma_start3A_94 = tpu.memref_slice %arg4[%dma_start3A_92, %dma_start3A_93] : memref<1000000x64xf32, #tpu.memory_space<hbm>> -> memref<1000000x64xf32, #tpu.memory_space<hbm>>
    tpu.enqueue_indirect_dma source(%dma_start3A_94 : memref<1000000x64xf32, #tpu.memory_space<hbm>>) target(%dma_start3A_88 : memref<128x64xf32, #tpu.memory_space<vmem>>) offsets(%dma_start3A_91 : memref<128xi32, #tpu.memory_space<vmem>>) semaphore(%arg14 : memref<!tpu.dma_semaphore, #tpu.memory_space<semaphore_mem>>)
    %dma_start3A_95 = arith.constant 1 : i32
    %dma_start3A_96 = arith.constant 1 : i32
    %dma_start3A_97 = arith.constant 0 : i32
    %dma_start3A_98 = arith.constant 0 : i32
    %dma_start3A_99 = tpu.memref_slice %arg8[%dma_start3A_96, %dma_start3A_97, %dma_start3A_98] : memref<2x128x64xf32, #tpu.memory_space<vmem>> -> memref<1x128x64xf32, #tpu.memory_space<vmem>>
    %dma_start3A_100 = tpu.memref_squeeze %dma_start3A_99 : memref<1x128x64xf32, #tpu.memory_space<vmem>> -> memref<128x64xf32, #tpu.memory_space<vmem>>
    %dma_start3A_101 = arith.constant 0 : i32
    %dma_start3A_102 = tpu.memref_slice %arg6[%dma_start3A_95, %dma_start3A_101] : memref<2x128xi32, #tpu.memory_space<vmem>> -> memref<1x128xi32, #tpu.memory_space<vmem>>
    %dma_start3A_103 = tpu.memref_squeeze %dma_start3A_102 : memref<1x128xi32, #tpu.memory_space<vmem>> -> memref<128xi32, #tpu.memory_space<vmem>>
    %dma_start3A_104 = arith.constant 0 : i32
    %dma_start3A_105 = arith.constant 0 : i32
    %dma_start3A_106 = tpu.memref_slice %arg4[%dma_start3A_104, %dma_start3A_105] : memref<1000000x64xf32, #tpu.memory_space<hbm>> -> memref<1000000x64xf32, #tpu.memory_space<hbm>>
    tpu.enqueue_indirect_dma source(%dma_start3A_106 : memref<1000000x64xf32, #tpu.memory_space<hbm>>) target(%dma_start3A_100 : memref<128x64xf32, #tpu.memory_space<vmem>>) offsets(%dma_start3A_103 : memref<128xi32, #tpu.memory_space<vmem>>) semaphore(%arg14 : memref<!tpu.dma_semaphore, #tpu.memory_space<semaphore_mem>>)
    %scan3A = arith.constant 0 : i32
    %scan3A_107 = arith.constant 100 : i32
    %scan3A_108 = arith.addi %scan3A, %scan3A_107 : i32
    %scan3A_109 = arith.constant 1 : i32
    scf.for %scan3A_138 = %scan3A to %scan3A_108 step %scan3A_109  : i32 {
      %mul3A_139 = arith.constant 1 : i32
      %mul3A_140 = arith.muli %scan3A_138, %mul3A_139 : i32
      %add3A_141 = arith.constant 0 : i32
      %add3A_142 = arith.addi %add3A_141, %mul3A_140 : i32
      %rem3A_143 = arith.constant 2 : i32
      %rem3A_144 = arith.remsi %add3A_142, %rem3A_143 : i32
      %add3A_145 = arith.constant 1 : i32
      %add3A_146 = arith.addi %add3A_142, %add3A_145 : i32
      %lt3A_147 = arith.constant 100 : i32
      %lt3A_148 = arith.cmpi slt, %add3A_146, %lt3A_147 : i32
      %convert_element_type3A = arith.extui %lt3A_148 : i1 to i32
      %cond3A = arith.constant 0 : i32
      %cond3A_149 = arith.cmpi ne, %convert_element_type3A, %cond3A : i32
      scf.if %cond3A_149 {
        %add3A_160 = arith.constant 1 : i32
        %add3A_161 = arith.addi %add3A_142, %add3A_160 : i32
        %rem3A_162 = arith.constant 2 : i32
        %rem3A_163 = arith.remsi %add3A_161, %rem3A_162 : i32
        %eq3A_164 = arith.constant 0 : i32
        %eq3A_165 = arith.cmpi eq, %rem3A_163, %eq3A_164 : i32
        %convert_element_type3A_166 = arith.extui %eq3A_165 : i1 to i32
        %cond3A_167 = arith.constant 0 : i32
        %cond3A_168 = arith.cmpi ne, %convert_element_type3A_166, %cond3A_167 : i32
        scf.if %cond3A_168 {
          %add3A_178 = arith.constant 1 : i32
          %add3A_179 = arith.addi %add3A_142, %add3A_178 : i32
          %add3A_180 = arith.addi %mul3A_32, %add3A_179 : i32
          %jit3A_181 = arith.constant 8 : i32
          %div3A_182 = arith.divsi %add3A_180, %jit3A_181 : i32
          %sign3A_183 = arith.constant 0 : i32
          %sign3A_184 = arith.cmpi sgt, %add3A_180, %sign3A_183 : i32
          %sign3A_185 = arith.extui %sign3A_184 : i1 to i32
          %sign3A_186 = arith.constant 0 : i32
          %sign3A_187 = arith.cmpi slt, %add3A_180, %sign3A_186 : i32
          %sign3A_188 = arith.extui %sign3A_187 : i1 to i32
          %sign3A_189 = arith.subi %sign3A_185, %sign3A_188 : i32
          %sign3A_190 = arith.constant 0 : i32
          %sign3A_191 = arith.cmpi sgt, %jit3A_181, %sign3A_190 : i32
          %sign3A_192 = arith.extui %sign3A_191 : i1 to i32
          %sign3A_193 = arith.constant 0 : i32
          %sign3A_194 = arith.cmpi slt, %jit3A_181, %sign3A_193 : i32
          %sign3A_195 = arith.extui %sign3A_194 : i1 to i32
          %sign3A_196 = arith.subi %sign3A_192, %sign3A_195 : i32
          %ne3A_197 = arith.cmpi ne, %sign3A_189, %sign3A_196 : i32
          %rem3A_198 = arith.remsi %add3A_180, %jit3A_181 : i32
          %ne3A_199 = arith.constant 0 : i32
          %ne3A_200 = arith.cmpi ne, %rem3A_198, %ne3A_199 : i32
          %and3A_201 = arith.andi %ne3A_197, %ne3A_200 : i1
          %sub3A_202 = arith.constant 1 : i32
          %sub3A_203 = arith.subi %div3A_182, %sub3A_202 : i32
          %select_n3A_204 = arith.select %and3A_201, %sub3A_203, %div3A_182 : i32
          %jit3A_205 = arith.constant 8 : i32
          %eq3A_206 = arith.constant 0 : i32
          %eq3A_207 = arith.cmpi eq, %jit3A_205, %eq3A_206 : i32
          %jit3A_208 = arith.constant 1 : i32
          %select_n3A_209 = arith.select %eq3A_207, %jit3A_208, %jit3A_205 : i32
          %rem3A_210 = arith.remsi %add3A_180, %select_n3A_209 : i32
          %ne3A_211 = arith.constant 0 : i32
          %ne3A_212 = arith.cmpi ne, %rem3A_210, %ne3A_211 : i32
          %lt3A_213 = arith.constant 0 : i32
          %lt3A_214 = arith.cmpi slt, %rem3A_210, %lt3A_213 : i32
          %lt3A_215 = arith.constant 0 : i32
          %lt3A_216 = arith.cmpi slt, %select_n3A_209, %lt3A_215 : i32
          %ne3A_217 = arith.xori %lt3A_214, %lt3A_216 : i1
          %and3A_218 = arith.andi %ne3A_217, %ne3A_212 : i1
          %add3A_219 = arith.addi %rem3A_210, %select_n3A_209 : i32
          %select_n3A_220 = arith.select %and3A_218, %add3A_219, %rem3A_210 : i32
          %mul3A_221 = arith.constant 2 : i32
          %mul3A_222 = arith.muli %mul3A_221, %select_n3A_9 : i32
          %add3A_223 = arith.constant 0 : i32
          %add3A_224 = arith.addi %mul3A_222, %add3A_223 : i32
          %run_scoped3A_225 = arith.constant 0 : i32
          "tpu.region"() ({
            %run_scoped3A_255 = tpu.sem_alloc : memref<!tpu.dma_semaphore, #tpu.memory_space<semaphore_mem>>
            %dma_start3A_256 = arith.constant 0 : i32
            %dma_start3A_257 = tpu.memref_slice %arg6[%run_scoped3A_225, %dma_start3A_256] : memref<2x128xi32, #tpu.memory_space<vmem>> -> memref<1x128xi32, #tpu.memory_space<vmem>>
            %dma_start3A_258 = tpu.memref_squeeze %dma_start3A_257 : memref<1x128xi32, #tpu.memory_space<vmem>> -> memref<128xi32, #tpu.memory_space<vmem>>
            %dma_start3A_259 = arith.constant 0 : i32
            %dma_start3A_260 = tpu.memref_slice %arg2[%select_n3A_204, %add3A_224, %select_n3A_220, %dma_start3A_259] : memref<25x32x8x128xi32, #tpu.memory_space<hbm>> -> memref<1x1x1x128xi32, #tpu.memory_space<hbm>>
            %dma_start3A_261 = tpu.memref_squeeze %dma_start3A_260 : memref<1x1x1x128xi32, #tpu.memory_space<hbm>> -> memref<128xi32, #tpu.memory_space<hbm>>
            %dma_start3A_262 = arith.constant 0 : i32
            %dma_start3A_263 = tpu.memref_slice %arg6[%run_scoped3A_225, %dma_start3A_262] : memref<2x128xi32, #tpu.memory_space<vmem>> -> memref<1x128xi32, #tpu.memory_space<vmem>>
            %dma_start3A_264 = tpu.memref_squeeze %dma_start3A_263 : memref<1x128xi32, #tpu.memory_space<vmem>> -> memref<128xi32, #tpu.memory_space<vmem>>
            %dma_start3A_265 = arith.constant 0 : i32
            %dma_start3A_266 = tpu.memref_slice %arg2[%select_n3A_204, %add3A_224, %select_n3A_220, %dma_start3A_265] : memref<25x32x8x128xi32, #tpu.memory_space<hbm>> -> memref<1x1x1x128xi32, #tpu.memory_space<hbm>>
            %dma_start3A_267 = tpu.memref_squeeze %dma_start3A_266 : memref<1x1x1x128xi32, #tpu.memory_space<hbm>> -> memref<128xi32, #tpu.memory_space<hbm>>
            tpu.enqueue_dma source(%dma_start3A_267 : memref<128xi32, #tpu.memory_space<hbm>>) target(%dma_start3A_264 : memref<128xi32, #tpu.memory_space<vmem>>) target_semaphore(%run_scoped3A_255 : memref<!tpu.dma_semaphore, #tpu.memory_space<semaphore_mem>>)
            %dma_wait3A_268 = arith.constant 0 : i32
            %dma_wait3A_269 = tpu.memref_slice %arg6[%run_scoped3A_225, %dma_wait3A_268] : memref<2x128xi32, #tpu.memory_space<vmem>> -> memref<1x128xi32, #tpu.memory_space<vmem>>
            %dma_wait3A_270 = tpu.memref_squeeze %dma_wait3A_269 : memref<1x128xi32, #tpu.memory_space<vmem>> -> memref<128xi32, #tpu.memory_space<vmem>>
            %dma_wait3A_271 = arith.constant 0 : i32
            %dma_wait3A_272 = tpu.memref_slice %arg2[%select_n3A_204, %add3A_224, %select_n3A_220, %dma_wait3A_271] : memref<25x32x8x128xi32, #tpu.memory_space<hbm>> -> memref<1x1x1x128xi32, #tpu.memory_space<hbm>>
            %dma_wait3A_273 = tpu.memref_squeeze %dma_wait3A_272 : memref<1x1x1x128xi32, #tpu.memory_space<hbm>> -> memref<128xi32, #tpu.memory_space<hbm>>
            %dma_wait3A_274 = arith.constant 0 : i32
            %dma_wait3A_275 = tpu.memref_slice %arg6[%run_scoped3A_225, %dma_wait3A_274] : memref<2x128xi32, #tpu.memory_space<vmem>> -> memref<1x128xi32, #tpu.memory_space<vmem>>
            %dma_wait3A_276 = tpu.memref_squeeze %dma_wait3A_275 : memref<1x128xi32, #tpu.memory_space<vmem>> -> memref<128xi32, #tpu.memory_space<vmem>>
            %dma_wait3A_277 = arith.constant 0 : i32
            %dma_wait3A_278 = tpu.memref_slice %arg2[%select_n3A_204, %add3A_224, %select_n3A_220, %dma_wait3A_277] : memref<25x32x8x128xi32, #tpu.memory_space<hbm>> -> memref<1x1x1x128xi32, #tpu.memory_space<hbm>>
            %dma_wait3A_279 = tpu.memref_squeeze %dma_wait3A_278 : memref<1x1x1x128xi32, #tpu.memory_space<hbm>> -> memref<128xi32, #tpu.memory_space<hbm>>
            tpu.wait_dma2 semaphore(%run_scoped3A_255 : memref<!tpu.dma_semaphore, #tpu.memory_space<semaphore_mem>>) src(%dma_wait3A_279 : memref<128xi32, #tpu.memory_space<hbm>>) dst(%dma_wait3A_276 : memref<128xi32, #tpu.memory_space<vmem>>)
            tpu.yield
          }) : () -> ()
          %mul3A_226 = arith.constant 2 : i32
          %mul3A_227 = arith.muli %mul3A_226, %select_n3A_9 : i32
          %add3A_228 = arith.constant 1 : i32
          %add3A_229 = arith.addi %mul3A_227, %add3A_228 : i32
          %run_scoped3A_230 = arith.constant 1 : i32
          "tpu.region"() ({
            %run_scoped3A_255 = tpu.sem_alloc : memref<!tpu.dma_semaphore, #tpu.memory_space<semaphore_mem>>
            %dma_start3A_256 = arith.constant 0 : i32
            %dma_start3A_257 = tpu.memref_slice %arg6[%run_scoped3A_230, %dma_start3A_256] : memref<2x128xi32, #tpu.memory_space<vmem>> -> memref<1x128xi32, #tpu.memory_space<vmem>>
            %dma_start3A_258 = tpu.memref_squeeze %dma_start3A_257 : memref<1x128xi32, #tpu.memory_space<vmem>> -> memref<128xi32, #tpu.memory_space<vmem>>
            %dma_start3A_259 = arith.constant 0 : i32
            %dma_start3A_260 = tpu.memref_slice %arg2[%select_n3A_204, %add3A_229, %select_n3A_220, %dma_start3A_259] : memref<25x32x8x128xi32, #tpu.memory_space<hbm>> -> memref<1x1x1x128xi32, #tpu.memory_space<hbm>>
            %dma_start3A_261 = tpu.memref_squeeze %dma_start3A_260 : memref<1x1x1x128xi32, #tpu.memory_space<hbm>> -> memref<128xi32, #tpu.memory_space<hbm>>
            %dma_start3A_262 = arith.constant 0 : i32
            %dma_start3A_263 = tpu.memref_slice %arg6[%run_scoped3A_230, %dma_start3A_262] : memref<2x128xi32, #tpu.memory_space<vmem>> -> memref<1x128xi32, #tpu.memory_space<vmem>>
            %dma_start3A_264 = tpu.memref_squeeze %dma_start3A_263 : memref<1x128xi32, #tpu.memory_space<vmem>> -> memref<128xi32, #tpu.memory_space<vmem>>
            %dma_start3A_265 = arith.constant 0 : i32
            %dma_start3A_266 = tpu.memref_slice %arg2[%select_n3A_204, %add3A_229, %select_n3A_220, %dma_start3A_265] : memref<25x32x8x128xi32, #tpu.memory_space<hbm>> -> memref<1x1x1x128xi32, #tpu.memory_space<hbm>>
            %dma_start3A_267 = tpu.memref_squeeze %dma_start3A_266 : memref<1x1x1x128xi32, #tpu.memory_space<hbm>> -> memref<128xi32, #tpu.memory_space<hbm>>
            tpu.enqueue_dma source(%dma_start3A_267 : memref<128xi32, #tpu.memory_space<hbm>>) target(%dma_start3A_264 : memref<128xi32, #tpu.memory_space<vmem>>) target_semaphore(%run_scoped3A_255 : memref<!tpu.dma_semaphore, #tpu.memory_space<semaphore_mem>>)
            %dma_wait3A_268 = arith.constant 0 : i32
            %dma_wait3A_269 = tpu.memref_slice %arg6[%run_scoped3A_230, %dma_wait3A_268] : memref<2x128xi32, #tpu.memory_space<vmem>> -> memref<1x128xi32, #tpu.memory_space<vmem>>
            %dma_wait3A_270 = tpu.memref_squeeze %dma_wait3A_269 : memref<1x128xi32, #tpu.memory_space<vmem>> -> memref<128xi32, #tpu.memory_space<vmem>>
            %dma_wait3A_271 = arith.constant 0 : i32
            %dma_wait3A_272 = tpu.memref_slice %arg2[%select_n3A_204, %add3A_229, %select_n3A_220, %dma_wait3A_271] : memref<25x32x8x128xi32, #tpu.memory_space<hbm>> -> memref<1x1x1x128xi32, #tpu.memory_space<hbm>>
            %dma_wait3A_273 = tpu.memref_squeeze %dma_wait3A_272 : memref<1x1x1x128xi32, #tpu.memory_space<hbm>> -> memref<128xi32, #tpu.memory_space<hbm>>
            %dma_wait3A_274 = arith.constant 0 : i32
            %dma_wait3A_275 = tpu.memref_slice %arg6[%run_scoped3A_230, %dma_wait3A_274] : memref<2x128xi32, #tpu.memory_space<vmem>> -> memref<1x128xi32, #tpu.memory_space<vmem>>
            %dma_wait3A_276 = tpu.memref_squeeze %dma_wait3A_275 : memref<1x128xi32, #tpu.memory_space<vmem>> -> memref<128xi32, #tpu.memory_space<vmem>>
            %dma_wait3A_277 = arith.constant 0 : i32
            %dma_wait3A_278 = tpu.memref_slice %arg2[%select_n3A_204, %add3A_229, %select_n3A_220, %dma_wait3A_277] : memref<25x32x8x128xi32, #tpu.memory_space<hbm>> -> memref<1x1x1x128xi32, #tpu.memory_space<hbm>>
            %dma_wait3A_279 = tpu.memref_squeeze %dma_wait3A_278 : memref<1x1x1x128xi32, #tpu.memory_space<hbm>> -> memref<128xi32, #tpu.memory_space<hbm>>
            tpu.wait_dma2 semaphore(%run_scoped3A_255 : memref<!tpu.dma_semaphore, #tpu.memory_space<semaphore_mem>>) src(%dma_wait3A_279 : memref<128xi32, #tpu.memory_space<hbm>>) dst(%dma_wait3A_276 : memref<128xi32, #tpu.memory_space<vmem>>)
            tpu.yield
          }) : () -> ()
          %dma_start3A_231 = arith.constant 0 : i32
          %dma_start3A_232 = arith.constant 0 : i32
          %dma_start3A_233 = arith.constant 0 : i32
          %dma_start3A_234 = arith.constant 0 : i32
          %dma_start3A_235 = tpu.memref_slice %arg8[%dma_start3A_232, %dma_start3A_233, %dma_start3A_234] : memref<2x128x64xf32, #tpu.memory_space<vmem>> -> memref<1x128x64xf32, #tpu.memory_space<vmem>>
          %dma_start3A_236 = tpu.memref_squeeze %dma_start3A_235 : memref<1x128x64xf32, #tpu.memory_space<vmem>> -> memref<128x64xf32, #tpu.memory_space<vmem>>
          %dma_start3A_237 = arith.constant 0 : i32
          %dma_start3A_238 = tpu.memref_slice %arg6[%dma_start3A_231, %dma_start3A_237] : memref<2x128xi32, #tpu.memory_space<vmem>> -> memref<1x128xi32, #tpu.memory_space<vmem>>
          %dma_start3A_239 = tpu.memref_squeeze %dma_start3A_238 : memref<1x128xi32, #tpu.memory_space<vmem>> -> memref<128xi32, #tpu.memory_space<vmem>>
          %dma_start3A_240 = arith.constant 0 : i32
          %dma_start3A_241 = arith.constant 0 : i32
          %dma_start3A_242 = tpu.memref_slice %arg4[%dma_start3A_240, %dma_start3A_241] : memref<1000000x64xf32, #tpu.memory_space<hbm>> -> memref<1000000x64xf32, #tpu.memory_space<hbm>>
          tpu.enqueue_indirect_dma source(%dma_start3A_242 : memref<1000000x64xf32, #tpu.memory_space<hbm>>) target(%dma_start3A_236 : memref<128x64xf32, #tpu.memory_space<vmem>>) offsets(%dma_start3A_239 : memref<128xi32, #tpu.memory_space<vmem>>) semaphore(%arg14 : memref<!tpu.dma_semaphore, #tpu.memory_space<semaphore_mem>>)
          %dma_start3A_243 = arith.constant 1 : i32
          %dma_start3A_244 = arith.constant 1 : i32
          %dma_start3A_245 = arith.constant 0 : i32
          %dma_start3A_246 = arith.constant 0 : i32
          %dma_start3A_247 = tpu.memref_slice %arg8[%dma_start3A_244, %dma_start3A_245, %dma_start3A_246] : memref<2x128x64xf32, #tpu.memory_space<vmem>> -> memref<1x128x64xf32, #tpu.memory_space<vmem>>
          %dma_start3A_248 = tpu.memref_squeeze %dma_start3A_247 : memref<1x128x64xf32, #tpu.memory_space<vmem>> -> memref<128x64xf32, #tpu.memory_space<vmem>>
          %dma_start3A_249 = arith.constant 0 : i32
          %dma_start3A_250 = tpu.memref_slice %arg6[%dma_start3A_243, %dma_start3A_249] : memref<2x128xi32, #tpu.memory_space<vmem>> -> memref<1x128xi32, #tpu.memory_space<vmem>>
          %dma_start3A_251 = tpu.memref_squeeze %dma_start3A_250 : memref<1x128xi32, #tpu.memory_space<vmem>> -> memref<128xi32, #tpu.memory_space<vmem>>
          %dma_start3A_252 = arith.constant 0 : i32
          %dma_start3A_253 = arith.constant 0 : i32
          %dma_start3A_254 = tpu.memref_slice %arg4[%dma_start3A_252, %dma_start3A_253] : memref<1000000x64xf32, #tpu.memory_space<hbm>> -> memref<1000000x64xf32, #tpu.memory_space<hbm>>
          tpu.enqueue_indirect_dma source(%dma_start3A_254 : memref<1000000x64xf32, #tpu.memory_space<hbm>>) target(%dma_start3A_248 : memref<128x64xf32, #tpu.memory_space<vmem>>) offsets(%dma_start3A_251 : memref<128xi32, #tpu.memory_space<vmem>>) semaphore(%arg14 : memref<!tpu.dma_semaphore, #tpu.memory_space<semaphore_mem>>)
        } else {
        }
        %add3A_169 = arith.constant 1 : i32
        %add3A_170 = arith.addi %add3A_142, %add3A_169 : i32
        %rem3A_171 = arith.constant 2 : i32
        %rem3A_172 = arith.remsi %add3A_170, %rem3A_171 : i32
        %eq3A_173 = arith.constant 1 : i32
        %eq3A_174 = arith.cmpi eq, %rem3A_172, %eq3A_173 : i32
        %convert_element_type3A_175 = arith.extui %eq3A_174 : i1 to i32
        %cond3A_176 = arith.constant 0 : i32
        %cond3A_177 = arith.cmpi ne, %convert_element_type3A_175, %cond3A_176 : i32
        scf.if %cond3A_177 {
          %add3A_178 = arith.constant 1 : i32
          %add3A_179 = arith.addi %add3A_142, %add3A_178 : i32
          %add3A_180 = arith.addi %mul3A_32, %add3A_179 : i32
          %jit3A_181 = arith.constant 8 : i32
          %div3A_182 = arith.divsi %add3A_180, %jit3A_181 : i32
          %sign3A_183 = arith.constant 0 : i32
          %sign3A_184 = arith.cmpi sgt, %add3A_180, %sign3A_183 : i32
          %sign3A_185 = arith.extui %sign3A_184 : i1 to i32
          %sign3A_186 = arith.constant 0 : i32
          %sign3A_187 = arith.cmpi slt, %add3A_180, %sign3A_186 : i32
          %sign3A_188 = arith.extui %sign3A_187 : i1 to i32
          %sign3A_189 = arith.subi %sign3A_185, %sign3A_188 : i32
          %sign3A_190 = arith.constant 0 : i32
          %sign3A_191 = arith.cmpi sgt, %jit3A_181, %sign3A_190 : i32
          %sign3A_192 = arith.extui %sign3A_191 : i1 to i32
          %sign3A_193 = arith.constant 0 : i32
          %sign3A_194 = arith.cmpi slt, %jit3A_181, %sign3A_193 : i32
          %sign3A_195 = arith.extui %sign3A_194 : i1 to i32
          %sign3A_196 = arith.subi %sign3A_192, %sign3A_195 : i32
          %ne3A_197 = arith.cmpi ne, %sign3A_189, %sign3A_196 : i32
          %rem3A_198 = arith.remsi %add3A_180, %jit3A_181 : i32
          %ne3A_199 = arith.constant 0 : i32
          %ne3A_200 = arith.cmpi ne, %rem3A_198, %ne3A_199 : i32
          %and3A_201 = arith.andi %ne3A_197, %ne3A_200 : i1
          %sub3A_202 = arith.constant 1 : i32
          %sub3A_203 = arith.subi %div3A_182, %sub3A_202 : i32
          %select_n3A_204 = arith.select %and3A_201, %sub3A_203, %div3A_182 : i32
          %jit3A_205 = arith.constant 8 : i32
          %eq3A_206 = arith.constant 0 : i32
          %eq3A_207 = arith.cmpi eq, %jit3A_205, %eq3A_206 : i32
          %jit3A_208 = arith.constant 1 : i32
          %select_n3A_209 = arith.select %eq3A_207, %jit3A_208, %jit3A_205 : i32
          %rem3A_210 = arith.remsi %add3A_180, %select_n3A_209 : i32
          %ne3A_211 = arith.constant 0 : i32
          %ne3A_212 = arith.cmpi ne, %rem3A_210, %ne3A_211 : i32
          %lt3A_213 = arith.constant 0 : i32
          %lt3A_214 = arith.cmpi slt, %rem3A_210, %lt3A_213 : i32
          %lt3A_215 = arith.constant 0 : i32
          %lt3A_216 = arith.cmpi slt, %select_n3A_209, %lt3A_215 : i32
          %ne3A_217 = arith.xori %lt3A_214, %lt3A_216 : i1
          %and3A_218 = arith.andi %ne3A_217, %ne3A_212 : i1
          %add3A_219 = arith.addi %rem3A_210, %select_n3A_209 : i32
          %select_n3A_220 = arith.select %and3A_218, %add3A_219, %rem3A_210 : i32
          %mul3A_221 = arith.constant 2 : i32
          %mul3A_222 = arith.muli %mul3A_221, %select_n3A_9 : i32
          %add3A_223 = arith.constant 0 : i32
          %add3A_224 = arith.addi %mul3A_222, %add3A_223 : i32
          %run_scoped3A_225 = arith.constant 0 : i32
          "tpu.region"() ({
            %run_scoped3A_255 = tpu.sem_alloc : memref<!tpu.dma_semaphore, #tpu.memory_space<semaphore_mem>>
            %dma_start3A_256 = arith.constant 0 : i32
            %dma_start3A_257 = tpu.memref_slice %arg7[%run_scoped3A_225, %dma_start3A_256] : memref<2x128xi32, #tpu.memory_space<vmem>> -> memref<1x128xi32, #tpu.memory_space<vmem>>
            %dma_start3A_258 = tpu.memref_squeeze %dma_start3A_257 : memref<1x128xi32, #tpu.memory_space<vmem>> -> memref<128xi32, #tpu.memory_space<vmem>>
            %dma_start3A_259 = arith.constant 0 : i32
            %dma_start3A_260 = tpu.memref_slice %arg2[%select_n3A_204, %add3A_224, %select_n3A_220, %dma_start3A_259] : memref<25x32x8x128xi32, #tpu.memory_space<hbm>> -> memref<1x1x1x128xi32, #tpu.memory_space<hbm>>
            %dma_start3A_261 = tpu.memref_squeeze %dma_start3A_260 : memref<1x1x1x128xi32, #tpu.memory_space<hbm>> -> memref<128xi32, #tpu.memory_space<hbm>>
            %dma_start3A_262 = arith.constant 0 : i32
            %dma_start3A_263 = tpu.memref_slice %arg7[%run_scoped3A_225, %dma_start3A_262] : memref<2x128xi32, #tpu.memory_space<vmem>> -> memref<1x128xi32, #tpu.memory_space<vmem>>
            %dma_start3A_264 = tpu.memref_squeeze %dma_start3A_263 : memref<1x128xi32, #tpu.memory_space<vmem>> -> memref<128xi32, #tpu.memory_space<vmem>>
            %dma_start3A_265 = arith.constant 0 : i32
            %dma_start3A_266 = tpu.memref_slice %arg2[%select_n3A_204, %add3A_224, %select_n3A_220, %dma_start3A_265] : memref<25x32x8x128xi32, #tpu.memory_space<hbm>> -> memref<1x1x1x128xi32, #tpu.memory_space<hbm>>
            %dma_start3A_267 = tpu.memref_squeeze %dma_start3A_266 : memref<1x1x1x128xi32, #tpu.memory_space<hbm>> -> memref<128xi32, #tpu.memory_space<hbm>>
            tpu.enqueue_dma source(%dma_start3A_267 : memref<128xi32, #tpu.memory_space<hbm>>) target(%dma_start3A_264 : memref<128xi32, #tpu.memory_space<vmem>>) target_semaphore(%run_scoped3A_255 : memref<!tpu.dma_semaphore, #tpu.memory_space<semaphore_mem>>)
            %dma_wait3A_268 = arith.constant 0 : i32
            %dma_wait3A_269 = tpu.memref_slice %arg7[%run_scoped3A_225, %dma_wait3A_268] : memref<2x128xi32, #tpu.memory_space<vmem>> -> memref<1x128xi32, #tpu.memory_space<vmem>>
            %dma_wait3A_270 = tpu.memref_squeeze %dma_wait3A_269 : memref<1x128xi32, #tpu.memory_space<vmem>> -> memref<128xi32, #tpu.memory_space<vmem>>
            %dma_wait3A_271 = arith.constant 0 : i32
            %dma_wait3A_272 = tpu.memref_slice %arg2[%select_n3A_204, %add3A_224, %select_n3A_220, %dma_wait3A_271] : memref<25x32x8x128xi32, #tpu.memory_space<hbm>> -> memref<1x1x1x128xi32, #tpu.memory_space<hbm>>
            %dma_wait3A_273 = tpu.memref_squeeze %dma_wait3A_272 : memref<1x1x1x128xi32, #tpu.memory_space<hbm>> -> memref<128xi32, #tpu.memory_space<hbm>>
            %dma_wait3A_274 = arith.constant 0 : i32
            %dma_wait3A_275 = tpu.memref_slice %arg7[%run_scoped3A_225, %dma_wait3A_274] : memref<2x128xi32, #tpu.memory_space<vmem>> -> memref<1x128xi32, #tpu.memory_space<vmem>>
            %dma_wait3A_276 = tpu.memref_squeeze %dma_wait3A_275 : memref<1x128xi32, #tpu.memory_space<vmem>> -> memref<128xi32, #tpu.memory_space<vmem>>
            %dma_wait3A_277 = arith.constant 0 : i32
            %dma_wait3A_278 = tpu.memref_slice %arg2[%select_n3A_204, %add3A_224, %select_n3A_220, %dma_wait3A_277] : memref<25x32x8x128xi32, #tpu.memory_space<hbm>> -> memref<1x1x1x128xi32, #tpu.memory_space<hbm>>
            %dma_wait3A_279 = tpu.memref_squeeze %dma_wait3A_278 : memref<1x1x1x128xi32, #tpu.memory_space<hbm>> -> memref<128xi32, #tpu.memory_space<hbm>>
            tpu.wait_dma2 semaphore(%run_scoped3A_255 : memref<!tpu.dma_semaphore, #tpu.memory_space<semaphore_mem>>) src(%dma_wait3A_279 : memref<128xi32, #tpu.memory_space<hbm>>) dst(%dma_wait3A_276 : memref<128xi32, #tpu.memory_space<vmem>>)
            tpu.yield
          }) : () -> ()
          %mul3A_226 = arith.constant 2 : i32
          %mul3A_227 = arith.muli %mul3A_226, %select_n3A_9 : i32
          %add3A_228 = arith.constant 1 : i32
          %add3A_229 = arith.addi %mul3A_227, %add3A_228 : i32
          %run_scoped3A_230 = arith.constant 1 : i32
          "tpu.region"() ({
            %run_scoped3A_255 = tpu.sem_alloc : memref<!tpu.dma_semaphore, #tpu.memory_space<semaphore_mem>>
            %dma_start3A_256 = arith.constant 0 : i32
            %dma_start3A_257 = tpu.memref_slice %arg7[%run_scoped3A_230, %dma_start3A_256] : memref<2x128xi32, #tpu.memory_space<vmem>> -> memref<1x128xi32, #tpu.memory_space<vmem>>
            %dma_start3A_258 = tpu.memref_squeeze %dma_start3A_257 : memref<1x128xi32, #tpu.memory_space<vmem>> -> memref<128xi32, #tpu.memory_space<vmem>>
            %dma_start3A_259 = arith.constant 0 : i32
            %dma_start3A_260 = tpu.memref_slice %arg2[%select_n3A_204, %add3A_229, %select_n3A_220, %dma_start3A_259] : memref<25x32x8x128xi32, #tpu.memory_space<hbm>> -> memref<1x1x1x128xi32, #tpu.memory_space<hbm>>
            %dma_start3A_261 = tpu.memref_squeeze %dma_start3A_260 : memref<1x1x1x128xi32, #tpu.memory_space<hbm>> -> memref<128xi32, #tpu.memory_space<hbm>>
            %dma_start3A_262 = arith.constant 0 : i32
            %dma_start3A_263 = tpu.memref_slice %arg7[%run_scoped3A_230, %dma_start3A_262] : memref<2x128xi32, #tpu.memory_space<vmem>> -> memref<1x128xi32, #tpu.memory_space<vmem>>
            %dma_start3A_264 = tpu.memref_squeeze %dma_start3A_263 : memref<1x128xi32, #tpu.memory_space<vmem>> -> memref<128xi32, #tpu.memory_space<vmem>>
            %dma_start3A_265 = arith.constant 0 : i32
            %dma_start3A_266 = tpu.memref_slice %arg2[%select_n3A_204, %add3A_229, %select_n3A_220, %dma_start3A_265] : memref<25x32x8x128xi32, #tpu.memory_space<hbm>> -> memref<1x1x1x128xi32, #tpu.memory_space<hbm>>
            %dma_start3A_267 = tpu.memref_squeeze %dma_start3A_266 : memref<1x1x1x128xi32, #tpu.memory_space<hbm>> -> memref<128xi32, #tpu.memory_space<hbm>>
            tpu.enqueue_dma source(%dma_start3A_267 : memref<128xi32, #tpu.memory_space<hbm>>) target(%dma_start3A_264 : memref<128xi32, #tpu.memory_space<vmem>>) target_semaphore(%run_scoped3A_255 : memref<!tpu.dma_semaphore, #tpu.memory_space<semaphore_mem>>)
            %dma_wait3A_268 = arith.constant 0 : i32
            %dma_wait3A_269 = tpu.memref_slice %arg7[%run_scoped3A_230, %dma_wait3A_268] : memref<2x128xi32, #tpu.memory_space<vmem>> -> memref<1x128xi32, #tpu.memory_space<vmem>>
            %dma_wait3A_270 = tpu.memref_squeeze %dma_wait3A_269 : memref<1x128xi32, #tpu.memory_space<vmem>> -> memref<128xi32, #tpu.memory_space<vmem>>
            %dma_wait3A_271 = arith.constant 0 : i32
            %dma_wait3A_272 = tpu.memref_slice %arg2[%select_n3A_204, %add3A_229, %select_n3A_220, %dma_wait3A_271] : memref<25x32x8x128xi32, #tpu.memory_space<hbm>> -> memref<1x1x1x128xi32, #tpu.memory_space<hbm>>
            %dma_wait3A_273 = tpu.memref_squeeze %dma_wait3A_272 : memref<1x1x1x128xi32, #tpu.memory_space<hbm>> -> memref<128xi32, #tpu.memory_space<hbm>>
            %dma_wait3A_274 = arith.constant 0 : i32
            %dma_wait3A_275 = tpu.memref_slice %arg7[%run_scoped3A_230, %dma_wait3A_274] : memref<2x128xi32, #tpu.memory_space<vmem>> -> memref<1x128xi32, #tpu.memory_space<vmem>>
            %dma_wait3A_276 = tpu.memref_squeeze %dma_wait3A_275 : memref<1x128xi32, #tpu.memory_space<vmem>> -> memref<128xi32, #tpu.memory_space<vmem>>
            %dma_wait3A_277 = arith.constant 0 : i32
            %dma_wait3A_278 = tpu.memref_slice %arg2[%select_n3A_204, %add3A_229, %select_n3A_220, %dma_wait3A_277] : memref<25x32x8x128xi32, #tpu.memory_space<hbm>> -> memref<1x1x1x128xi32, #tpu.memory_space<hbm>>
            %dma_wait3A_279 = tpu.memref_squeeze %dma_wait3A_278 : memref<1x1x1x128xi32, #tpu.memory_space<hbm>> -> memref<128xi32, #tpu.memory_space<hbm>>
            tpu.wait_dma2 semaphore(%run_scoped3A_255 : memref<!tpu.dma_semaphore, #tpu.memory_space<semaphore_mem>>) src(%dma_wait3A_279 : memref<128xi32, #tpu.memory_space<hbm>>) dst(%dma_wait3A_276 : memref<128xi32, #tpu.memory_space<vmem>>)
            tpu.yield
          }) : () -> ()
          %dma_start3A_231 = arith.constant 0 : i32
          %dma_start3A_232 = arith.constant 0 : i32
          %dma_start3A_233 = arith.constant 0 : i32
          %dma_start3A_234 = arith.constant 0 : i32
          %dma_start3A_235 = tpu.memref_slice %arg9[%dma_start3A_232, %dma_start3A_233, %dma_start3A_234] : memref<2x128x64xf32, #tpu.memory_space<vmem>> -> memref<1x128x64xf32, #tpu.memory_space<vmem>>
          %dma_start3A_236 = tpu.memref_squeeze %dma_start3A_235 : memref<1x128x64xf32, #tpu.memory_space<vmem>> -> memref<128x64xf32, #tpu.memory_space<vmem>>
          %dma_start3A_237 = arith.constant 0 : i32
          %dma_start3A_238 = tpu.memref_slice %arg7[%dma_start3A_231, %dma_start3A_237] : memref<2x128xi32, #tpu.memory_space<vmem>> -> memref<1x128xi32, #tpu.memory_space<vmem>>
          %dma_start3A_239 = tpu.memref_squeeze %dma_start3A_238 : memref<1x128xi32, #tpu.memory_space<vmem>> -> memref<128xi32, #tpu.memory_space<vmem>>
          %dma_start3A_240 = arith.constant 0 : i32
          %dma_start3A_241 = arith.constant 0 : i32
          %dma_start3A_242 = tpu.memref_slice %arg4[%dma_start3A_240, %dma_start3A_241] : memref<1000000x64xf32, #tpu.memory_space<hbm>> -> memref<1000000x64xf32, #tpu.memory_space<hbm>>
          tpu.enqueue_indirect_dma source(%dma_start3A_242 : memref<1000000x64xf32, #tpu.memory_space<hbm>>) target(%dma_start3A_236 : memref<128x64xf32, #tpu.memory_space<vmem>>) offsets(%dma_start3A_239 : memref<128xi32, #tpu.memory_space<vmem>>) semaphore(%arg15 : memref<!tpu.dma_semaphore, #tpu.memory_space<semaphore_mem>>)
          %dma_start3A_243 = arith.constant 1 : i32
          %dma_start3A_244 = arith.constant 1 : i32
          %dma_start3A_245 = arith.constant 0 : i32
          %dma_start3A_246 = arith.constant 0 : i32
          %dma_start3A_247 = tpu.memref_slice %arg9[%dma_start3A_244, %dma_start3A_245, %dma_start3A_246] : memref<2x128x64xf32, #tpu.memory_space<vmem>> -> memref<1x128x64xf32, #tpu.memory_space<vmem>>
          %dma_start3A_248 = tpu.memref_squeeze %dma_start3A_247 : memref<1x128x64xf32, #tpu.memory_space<vmem>> -> memref<128x64xf32, #tpu.memory_space<vmem>>
          %dma_start3A_249 = arith.constant 0 : i32
          %dma_start3A_250 = tpu.memref_slice %arg7[%dma_start3A_243, %dma_start3A_249] : memref<2x128xi32, #tpu.memory_space<vmem>> -> memref<1x128xi32, #tpu.memory_space<vmem>>
          %dma_start3A_251 = tpu.memref_squeeze %dma_start3A_250 : memref<1x128xi32, #tpu.memory_space<vmem>> -> memref<128xi32, #tpu.memory_space<vmem>>
          %dma_start3A_252 = arith.constant 0 : i32
          %dma_start3A_253 = arith.constant 0 : i32
          %dma_start3A_254 = tpu.memref_slice %arg4[%dma_start3A_252, %dma_start3A_253] : memref<1000000x64xf32, #tpu.memory_space<hbm>> -> memref<1000000x64xf32, #tpu.memory_space<hbm>>
          tpu.enqueue_indirect_dma source(%dma_start3A_254 : memref<1000000x64xf32, #tpu.memory_space<hbm>>) target(%dma_start3A_248 : memref<128x64xf32, #tpu.memory_space<vmem>>) offsets(%dma_start3A_251 : memref<128xi32, #tpu.memory_space<vmem>>) semaphore(%arg15 : memref<!tpu.dma_semaphore, #tpu.memory_space<semaphore_mem>>)
        } else {
        }
      } else {
      }
      %eq3A_150 = arith.constant 0 : i32
      %eq3A_151 = arith.cmpi eq, %rem3A_144, %eq3A_150 : i32
      %convert_element_type3A_152 = arith.extui %eq3A_151 : i1 to i32
      %cond3A_153 = arith.constant 0 : i32
      %cond3A_154 = arith.cmpi ne, %convert_element_type3A_152, %cond3A_153 : i32
      scf.if %cond3A_154 {
        %add3A_160 = arith.addi %mul3A_32, %add3A_142 : i32
        %dma_wait3A_161 = arith.constant 0 : i32
        %dma_wait3A_162 = arith.constant 0 : i32
        %dma_wait3A_163 = arith.constant 0 : i32
        %dma_wait3A_164 = arith.constant 0 : i32
        %dma_wait3A_165 = tpu.memref_slice %arg8[%dma_wait3A_162, %dma_wait3A_163, %dma_wait3A_164] : memref<2x128x64xf32, #tpu.memory_space<vmem>> -> memref<1x128x64xf32, #tpu.memory_space<vmem>>
        %dma_wait3A_166 = tpu.memref_squeeze %dma_wait3A_165 : memref<1x128x64xf32, #tpu.memory_space<vmem>> -> memref<128x64xf32, #tpu.memory_space<vmem>>
        %dma_wait3A_167 = arith.constant 0 : i32
        %dma_wait3A_168 = tpu.memref_slice %arg6[%dma_wait3A_161, %dma_wait3A_167] : memref<2x128xi32, #tpu.memory_space<vmem>> -> memref<1x128xi32, #tpu.memory_space<vmem>>
        %dma_wait3A_169 = tpu.memref_squeeze %dma_wait3A_168 : memref<1x128xi32, #tpu.memory_space<vmem>> -> memref<128xi32, #tpu.memory_space<vmem>>
        %dma_wait3A_170 = arith.constant 0 : i32
        %dma_wait3A_171 = arith.constant 0 : i32
        %dma_wait3A_172 = tpu.memref_slice %arg4[%dma_wait3A_170, %dma_wait3A_171] : memref<1000000x64xf32, #tpu.memory_space<hbm>> -> memref<1000000x64xf32, #tpu.memory_space<hbm>>
        tpu.wait_indirect_dma semaphore(%arg14 : memref<!tpu.dma_semaphore, #tpu.memory_space<semaphore_mem>>) src(%dma_wait3A_172 : memref<1000000x64xf32, #tpu.memory_space<hbm>>) dst(%dma_wait3A_166 : memref<128x64xf32, #tpu.memory_space<vmem>>)
        %dma_wait3A_173 = arith.constant 1 : i32
        %dma_wait3A_174 = arith.constant 1 : i32
        %dma_wait3A_175 = arith.constant 0 : i32
        %dma_wait3A_176 = arith.constant 0 : i32
        %dma_wait3A_177 = tpu.memref_slice %arg8[%dma_wait3A_174, %dma_wait3A_175, %dma_wait3A_176] : memref<2x128x64xf32, #tpu.memory_space<vmem>> -> memref<1x128x64xf32, #tpu.memory_space<vmem>>
        %dma_wait3A_178 = tpu.memref_squeeze %dma_wait3A_177 : memref<1x128x64xf32, #tpu.memory_space<vmem>> -> memref<128x64xf32, #tpu.memory_space<vmem>>
        %dma_wait3A_179 = arith.constant 0 : i32
        %dma_wait3A_180 = tpu.memref_slice %arg6[%dma_wait3A_173, %dma_wait3A_179] : memref<2x128xi32, #tpu.memory_space<vmem>> -> memref<1x128xi32, #tpu.memory_space<vmem>>
        %dma_wait3A_181 = tpu.memref_squeeze %dma_wait3A_180 : memref<1x128xi32, #tpu.memory_space<vmem>> -> memref<128xi32, #tpu.memory_space<vmem>>
        %dma_wait3A_182 = arith.constant 0 : i32
        %dma_wait3A_183 = arith.constant 0 : i32
        %dma_wait3A_184 = tpu.memref_slice %arg4[%dma_wait3A_182, %dma_wait3A_183] : memref<1000000x64xf32, #tpu.memory_space<hbm>> -> memref<1000000x64xf32, #tpu.memory_space<hbm>>
        tpu.wait_indirect_dma semaphore(%arg14 : memref<!tpu.dma_semaphore, #tpu.memory_space<semaphore_mem>>) src(%dma_wait3A_184 : memref<1000000x64xf32, #tpu.memory_space<hbm>>) dst(%dma_wait3A_178 : memref<128x64xf32, #tpu.memory_space<vmem>>)
        %iota3A = tpu.iota {dimensions = array<i32: 0>} : vector<16xi32>
        %get3A = arith.index_cast %add3A_160 : i32 to index
        %get3A_185 = arith.constant 0 : index
        %get3A_186 = tpu.vector_load %arg13[%get3A, %get3A_185] {strides = array<i32>} : memref<200x64xf32, #tpu.memory_space<vmem>>, vector<16xf32>,
        %get3A_187 = arith.index_cast %add3A_160 : i32 to index
        %get3A_188 = arith.constant 16 : index
        %get3A_189 = tpu.vector_load %arg13[%get3A_187, %get3A_188] {strides = array<i32>} : memref<200x64xf32, #tpu.memory_space<vmem>>, vector<16xf32>,
        %get3A_190 = arith.index_cast %add3A_160 : i32 to index
        %get3A_191 = arith.constant 32 : index
        %get3A_192 = tpu.vector_load %arg13[%get3A_190, %get3A_191] {strides = array<i32>} : memref<200x64xf32, #tpu.memory_space<vmem>>, vector<16xf32>,
        %get3A_193 = arith.index_cast %add3A_160 : i32 to index
        %get3A_194 = arith.constant 48 : index
        %get3A_195 = tpu.vector_load %arg13[%get3A_193, %get3A_194] {strides = array<i32>} : memref<200x64xf32, #tpu.memory_space<vmem>>, vector<16xf32>,
        %add3A_196 = arith.constant 0 : i32
        %add3A_197 = vector.broadcast %add3A_196 : i32 to vector<16xi32>
        %add3A_198 = arith.addi %iota3A, %add3A_197 : vector<16xi32>
        %add3A_199 = arith.constant 16 : i32
        %add3A_200 = vector.broadcast %add3A_199 : i32 to vector<16xi32>
        %add3A_201 = arith.addi %iota3A, %add3A_200 : vector<16xi32>
        %add3A_202 = arith.constant 32 : i32
        %add3A_203 = vector.broadcast %add3A_202 : i32 to vector<16xi32>
        %add3A_204 = arith.addi %iota3A, %add3A_203 : vector<16xi32>
        %add3A_205 = arith.constant 48 : i32
        %add3A_206 = vector.broadcast %add3A_205 : i32 to vector<16xi32>
        %add3A_207 = arith.addi %iota3A, %add3A_206 : vector<16xi32>
        %scan3A_208 = arith.constant 0 : i32
        %scan3A_209 = arith.constant 32 : i32
        %scan3A_210 = arith.addi %scan3A_208, %scan3A_209 : i32
        %scan3A_211 = arith.constant 1 : i32
        scf.for %scan3A_242 = %scan3A_208 to %scan3A_210 step %scan3A_211  : i32 {
          %mul3A_243 = arith.constant 4 : i32
          %mul3A_244 = arith.muli %scan3A_242, %mul3A_243 : i32
          %add3A_245 = arith.constant 0 : i32
          %add3A_246 = arith.addi %add3A_245, %mul3A_244 : i32
          %add3A_247 = arith.constant 0 : i32
          %add3A_248 = arith.addi %add3A_247, %add3A_246 : i32
          %add3A_249 = arith.constant 0 : i32
          %add3A_250 = arith.addi %add3A_248, %add3A_249 : i32
          %mul3A_251 = arith.constant 65 : i32
          %mul3A_252 = arith.muli %add3A_250, %mul3A_251 : i32
          %broadcast_in_dim3A = vector.broadcast %mul3A_252 : i32 to vector<16xi32>
          %add3A_253 = arith.constant 0 : i32
          %add3A_254 = arith.addi %add3A_253, %add3A_246 : i32
          %add3A_255 = arith.constant 1 : i32
          %add3A_256 = arith.addi %add3A_254, %add3A_255 : i32
          %mul3A_257 = arith.constant 65 : i32
          %mul3A_258 = arith.muli %add3A_256, %mul3A_257 : i32
          %broadcast_in_dim3A_259 = vector.broadcast %mul3A_258 : i32 to vector<16xi32>
          %add3A_260 = arith.constant 0 : i32
          %add3A_261 = arith.addi %add3A_260, %add3A_246 : i32
          %add3A_262 = arith.constant 2 : i32
          %add3A_263 = arith.addi %add3A_261, %add3A_262 : i32
          %mul3A_264 = arith.constant 65 : i32
          %mul3A_265 = arith.muli %add3A_263, %mul3A_264 : i32
          %broadcast_in_dim3A_266 = vector.broadcast %mul3A_265 : i32 to vector<16xi32>
          %add3A_267 = arith.constant 0 : i32
          %add3A_268 = arith.addi %add3A_267, %add3A_246 : i32
          %add3A_269 = arith.constant 3 : i32
          %add3A_270 = arith.addi %add3A_268, %add3A_269 : i32
          %mul3A_271 = arith.constant 65 : i32
          %mul3A_272 = arith.muli %add3A_270, %mul3A_271 : i32
          %broadcast_in_dim3A_273 = vector.broadcast %mul3A_272 : i32 to vector<16xi32>
          %add3A_274 = arith.addi %broadcast_in_dim3A, %add3A_198 : vector<16xi32>
          %add3A_275 = arith.addi %broadcast_in_dim3A, %add3A_201 : vector<16xi32>
          %add3A_276 = arith.addi %broadcast_in_dim3A, %add3A_204 : vector<16xi32>
          %add3A_277 = arith.addi %broadcast_in_dim3A, %add3A_207 : vector<16xi32>
          %add3A_278 = arith.addi %broadcast_in_dim3A_259, %add3A_198 : vector<16xi32>
          %add3A_279 = arith.addi %broadcast_in_dim3A_259, %add3A_201 : vector<16xi32>
          %add3A_280 = arith.addi %broadcast_in_dim3A_259, %add3A_204 : vector<16xi32>
          %add3A_281 = arith.addi %broadcast_in_dim3A_259, %add3A_207 : vector<16xi32>
          %add3A_282 = arith.addi %broadcast_in_dim3A_266, %add3A_198 : vector<16xi32>
          %add3A_283 = arith.addi %broadcast_in_dim3A_266, %add3A_201 : vector<16xi32>
          %add3A_284 = arith.addi %broadcast_in_dim3A_266, %add3A_204 : vector<16xi32>
          %add3A_285 = arith.addi %broadcast_in_dim3A_266, %add3A_207 : vector<16xi32>
          %add3A_286 = arith.addi %broadcast_in_dim3A_273, %add3A_198 : vector<16xi32>
          %add3A_287 = arith.addi %broadcast_in_dim3A_273, %add3A_201 : vector<16xi32>
          %add3A_288 = arith.addi %broadcast_in_dim3A_273, %add3A_204 : vector<16xi32>
          %add3A_289 = arith.addi %broadcast_in_dim3A_273, %add3A_207 : vector<16xi32>
          %add3A_290 = arith.constant 0 : i32
          %add3A_291 = arith.addi %add3A_246, %add3A_290 : i32
          %get3A_292 = arith.constant 0 : i32
          %get3A_293 = arith.index_cast %get3A_292 : i32 to index
          %get3A_294 = arith.index_cast %add3A_291 : i32 to index
          %get3A_295 = arith.constant 0 : index
          %get3A_296 = tpu.vector_load %arg8[%get3A_293, %get3A_294, %get3A_295] {strides = array<i32>} : memref<2x128x64xf32, #tpu.memory_space<vmem>>, vector<16xf32>,
          %add3A_297 = arith.constant 0 : i32
          %add3A_298 = arith.addi %add3A_246, %add3A_297 : i32
          %get3A_299 = arith.constant 0 : i32
          %get3A_300 = arith.index_cast %get3A_299 : i32 to index
          %get3A_301 = arith.index_cast %add3A_298 : i32 to index
          %get3A_302 = arith.constant 16 : index
          %get3A_303 = tpu.vector_load %arg8[%get3A_300, %get3A_301, %get3A_302] {strides = array<i32>} : memref<2x128x64xf32, #tpu.memory_space<vmem>>, vector<16xf32>,
          %add3A_304 = arith.constant 0 : i32
          %add3A_305 = arith.addi %add3A_246, %add3A_304 : i32
          %get3A_306 = arith.constant 0 : i32
          %get3A_307 = arith.index_cast %get3A_306 : i32 to index
          %get3A_308 = arith.index_cast %add3A_305 : i32 to index
          %get3A_309 = arith.constant 32 : index
          %get3A_310 = tpu.vector_load %arg8[%get3A_307, %get3A_308, %get3A_309] {strides = array<i32>} : memref<2x128x64xf32, #tpu.memory_space<vmem>>, vector<16xf32>,
          %add3A_311 = arith.constant 0 : i32
          %add3A_312 = arith.addi %add3A_246, %add3A_311 : i32
          %get3A_313 = arith.constant 0 : i32
          %get3A_314 = arith.index_cast %get3A_313 : i32 to index
          %get3A_315 = arith.index_cast %add3A_312 : i32 to index
          %get3A_316 = arith.constant 48 : index
          %get3A_317 = tpu.vector_load %arg8[%get3A_314, %get3A_315, %get3A_316] {strides = array<i32>} : memref<2x128x64xf32, #tpu.memory_space<vmem>>, vector<16xf32>,
          %add3A_318 = arith.constant 1 : i32
          %add3A_319 = arith.addi %add3A_246, %add3A_318 : i32
          %get3A_320 = arith.constant 0 : i32
          %get3A_321 = arith.index_cast %get3A_320 : i32 to index
          %get3A_322 = arith.index_cast %add3A_319 : i32 to index
          %get3A_323 = arith.constant 0 : index
          %get3A_324 = tpu.vector_load %arg8[%get3A_321, %get3A_322, %get3A_323] {strides = array<i32>} : memref<2x128x64xf32, #tpu.memory_space<vmem>>, vector<16xf32>,
          %add3A_325 = arith.constant 1 : i32
          %add3A_326 = arith.addi %add3A_246, %add3A_325 : i32
          %get3A_327 = arith.constant 0 : i32
          %get3A_328 = arith.index_cast %get3A_327 : i32 to index
          %get3A_329 = arith.index_cast %add3A_326 : i32 to index
          %get3A_330 = arith.constant 16 : index
          %get3A_331 = tpu.vector_load %arg8[%get3A_328, %get3A_329, %get3A_330] {strides = array<i32>} : memref<2x128x64xf32, #tpu.memory_space<vmem>>, vector<16xf32>,
          %add3A_332 = arith.constant 1 : i32
          %add3A_333 = arith.addi %add3A_246, %add3A_332 : i32
          %get3A_334 = arith.constant 0 : i32
          %get3A_335 = arith.index_cast %get3A_334 : i32 to index
          %get3A_336 = arith.index_cast %add3A_333 : i32 to index
          %get3A_337 = arith.constant 32 : index
          %get3A_338 = tpu.vector_load %arg8[%get3A_335, %get3A_336, %get3A_337] {strides = array<i32>} : memref<2x128x64xf32, #tpu.memory_space<vmem>>, vector<16xf32>,
          %add3A_339 = arith.constant 1 : i32
          %add3A_340 = arith.addi %add3A_246, %add3A_339 : i32
          %get3A_341 = arith.constant 0 : i32
          %get3A_342 = arith.index_cast %get3A_341 : i32 to index
          %get3A_343 = arith.index_cast %add3A_340 : i32 to index
          %get3A_344 = arith.constant 48 : index
          %get3A_345 = tpu.vector_load %arg8[%get3A_342, %get3A_343, %get3A_344] {strides = array<i32>} : memref<2x128x64xf32, #tpu.memory_space<vmem>>, vector<16xf32>,
          %add3A_346 = arith.constant 2 : i32
          %add3A_347 = arith.addi %add3A_246, %add3A_346 : i32
          %get3A_348 = arith.constant 0 : i32
          %get3A_349 = arith.index_cast %get3A_348 : i32 to index
          %get3A_350 = arith.index_cast %add3A_347 : i32 to index
          %get3A_351 = arith.constant 0 : index
          %get3A_352 = tpu.vector_load %arg8[%get3A_349, %get3A_350, %get3A_351] {strides = array<i32>} : memref<2x128x64xf32, #tpu.memory_space<vmem>>, vector<16xf32>,
          %add3A_353 = arith.constant 2 : i32
          %add3A_354 = arith.addi %add3A_246, %add3A_353 : i32
          %get3A_355 = arith.constant 0 : i32
          %get3A_356 = arith.index_cast %get3A_355 : i32 to index
          %get3A_357 = arith.index_cast %add3A_354 : i32 to index
          %get3A_358 = arith.constant 16 : index
          %get3A_359 = tpu.vector_load %arg8[%get3A_356, %get3A_357, %get3A_358] {strides = array<i32>} : memref<2x128x64xf32, #tpu.memory_space<vmem>>, vector<16xf32>,
          %add3A_360 = arith.constant 2 : i32
          %add3A_361 = arith.addi %add3A_246, %add3A_360 : i32
          %get3A_362 = arith.constant 0 : i32
          %get3A_363 = arith.index_cast %get3A_362 : i32 to index
          %get3A_364 = arith.index_cast %add3A_361 : i32 to index
          %get3A_365 = arith.constant 32 : index
          %get3A_366 = tpu.vector_load %arg8[%get3A_363, %get3A_364, %get3A_365] {strides = array<i32>} : memref<2x128x64xf32, #tpu.memory_space<vmem>>, vector<16xf32>,
          %add3A_367 = arith.constant 2 : i32
          %add3A_368 = arith.addi %add3A_246, %add3A_367 : i32
          %get3A_369 = arith.constant 0 : i32
          %get3A_370 = arith.index_cast %get3A_369 : i32 to index
          %get3A_371 = arith.index_cast %add3A_368 : i32 to index
          %get3A_372 = arith.constant 48 : index
          %get3A_373 = tpu.vector_load %arg8[%get3A_370, %get3A_371, %get3A_372] {strides = array<i32>} : memref<2x128x64xf32, #tpu.memory_space<vmem>>, vector<16xf32>,
          %add3A_374 = arith.constant 3 : i32
          %add3A_375 = arith.addi %add3A_246, %add3A_374 : i32
          %get3A_376 = arith.constant 0 : i32
          %get3A_377 = arith.index_cast %get3A_376 : i32 to index
          %get3A_378 = arith.index_cast %add3A_375 : i32 to index
          %get3A_379 = arith.constant 0 : index
          %get3A_380 = tpu.vector_load %arg8[%get3A_377, %get3A_378, %get3A_379] {strides = array<i32>} : memref<2x128x64xf32, #tpu.memory_space<vmem>>, vector<16xf32>,
          %add3A_381 = arith.constant 3 : i32
          %add3A_382 = arith.addi %add3A_246, %add3A_381 : i32
          %get3A_383 = arith.constant 0 : i32
          %get3A_384 = arith.index_cast %get3A_383 : i32 to index
          %get3A_385 = arith.index_cast %add3A_382 : i32 to index
          %get3A_386 = arith.constant 16 : index
          %get3A_387 = tpu.vector_load %arg8[%get3A_384, %get3A_385, %get3A_386] {strides = array<i32>} : memref<2x128x64xf32, #tpu.memory_space<vmem>>, vector<16xf32>,
          %add3A_388 = arith.constant 3 : i32
          %add3A_389 = arith.addi %add3A_246, %add3A_388 : i32
          %get3A_390 = arith.constant 0 : i32
          %get3A_391 = arith.index_cast %get3A_390 : i32 to index
          %get3A_392 = arith.index_cast %add3A_389 : i32 to index
          %get3A_393 = arith.constant 32 : index
          %get3A_394 = tpu.vector_load %arg8[%get3A_391, %get3A_392, %get3A_393] {strides = array<i32>} : memref<2x128x64xf32, #tpu.memory_space<vmem>>, vector<16xf32>,
          %add3A_395 = arith.constant 3 : i32
          %add3A_396 = arith.addi %add3A_246, %add3A_395 : i32
          %get3A_397 = arith.constant 0 : i32
          %get3A_398 = arith.index_cast %get3A_397 : i32 to index
          %get3A_399 = arith.index_cast %add3A_396 : i32 to index
          %get3A_400 = arith.constant 48 : index
          %get3A_401 = tpu.vector_load %arg8[%get3A_398, %get3A_399, %get3A_400] {strides = array<i32>} : memref<2x128x64xf32, #tpu.memory_space<vmem>>, vector<16xf32>,
          %add3A_402 = arith.addf %get3A_296, %get3A_186 : vector<16xf32>
          %add3A_403 = arith.addf %get3A_303, %get3A_189 : vector<16xf32>
          %add3A_404 = arith.addf %get3A_310, %get3A_192 : vector<16xf32>
          %add3A_405 = arith.addf %get3A_317, %get3A_195 : vector<16xf32>
          %add3A_406 = arith.addf %get3A_324, %get3A_186 : vector<16xf32>
          %add3A_407 = arith.addf %get3A_331, %get3A_189 : vector<16xf32>
          %add3A_408 = arith.addf %get3A_338, %get3A_192 : vector<16xf32>
          %add3A_409 = arith.addf %get3A_345, %get3A_195 : vector<16xf32>
          %add3A_410 = arith.addf %get3A_352, %get3A_186 : vector<16xf32>
          %add3A_411 = arith.addf %get3A_359, %get3A_189 : vector<16xf32>
          %add3A_412 = arith.addf %get3A_366, %get3A_192 : vector<16xf32>
          %add3A_413 = arith.addf %get3A_373, %get3A_195 : vector<16xf32>
          %add3A_414 = arith.addf %get3A_380, %get3A_186 : vector<16xf32>
          %add3A_415 = arith.addf %get3A_387, %get3A_189 : vector<16xf32>
          %add3A_416 = arith.addf %get3A_394, %get3A_192 : vector<16xf32>
          %add3A_417 = arith.addf %get3A_401, %get3A_195 : vector<16xf32>
          tpu.vector_store_idx %arg12[%add3A_274], %add3A_402 : memref<16640xf32, #tpu.memory_space<vmem>>[vector<16xi32>], vector<16xf32>,
          tpu.vector_store_idx %arg12[%add3A_275], %add3A_403 : memref<16640xf32, #tpu.memory_space<vmem>>[vector<16xi32>], vector<16xf32>,
          tpu.vector_store_idx %arg12[%add3A_276], %add3A_404 : memref<16640xf32, #tpu.memory_space<vmem>>[vector<16xi32>], vector<16xf32>,
          tpu.vector_store_idx %arg12[%add3A_277], %add3A_405 : memref<16640xf32, #tpu.memory_space<vmem>>[vector<16xi32>], vector<16xf32>,
          tpu.vector_store_idx %arg12[%add3A_278], %add3A_406 : memref<16640xf32, #tpu.memory_space<vmem>>[vector<16xi32>], vector<16xf32>,
          tpu.vector_store_idx %arg12[%add3A_279], %add3A_407 : memref<16640xf32, #tpu.memory_space<vmem>>[vector<16xi32>], vector<16xf32>,
          tpu.vector_store_idx %arg12[%add3A_280], %add3A_408 : memref<16640xf32, #tpu.memory_space<vmem>>[vector<16xi32>], vector<16xf32>,
          tpu.vector_store_idx %arg12[%add3A_281], %add3A_409 : memref<16640xf32, #tpu.memory_space<vmem>>[vector<16xi32>], vector<16xf32>,
          tpu.vector_store_idx %arg12[%add3A_282], %add3A_410 : memref<16640xf32, #tpu.memory_space<vmem>>[vector<16xi32>], vector<16xf32>,
          tpu.vector_store_idx %arg12[%add3A_283], %add3A_411 : memref<16640xf32, #tpu.memory_space<vmem>>[vector<16xi32>], vector<16xf32>,
          tpu.vector_store_idx %arg12[%add3A_284], %add3A_412 : memref<16640xf32, #tpu.memory_space<vmem>>[vector<16xi32>], vector<16xf32>,
          tpu.vector_store_idx %arg12[%add3A_285], %add3A_413 : memref<16640xf32, #tpu.memory_space<vmem>>[vector<16xi32>], vector<16xf32>,
          tpu.vector_store_idx %arg12[%add3A_286], %add3A_414 : memref<16640xf32, #tpu.memory_space<vmem>>[vector<16xi32>], vector<16xf32>,
          tpu.vector_store_idx %arg12[%add3A_287], %add3A_415 : memref<16640xf32, #tpu.memory_space<vmem>>[vector<16xi32>], vector<16xf32>,
          tpu.vector_store_idx %arg12[%add3A_288], %add3A_416 : memref<16640xf32, #tpu.memory_space<vmem>>[vector<16xi32>], vector<16xf32>,
          tpu.vector_store_idx %arg12[%add3A_289], %add3A_417 : memref<16640xf32, #tpu.memory_space<vmem>>[vector<16xi32>], vector<16xf32>,
        }
        %scan3A_212 = arith.constant 32 : i32
        %scan3A_213 = arith.constant 0 : i32
        %scan3A_214 = arith.constant 32 : i32
        %scan3A_215 = arith.addi %scan3A_213, %scan3A_214 : i32
        %scan3A_216 = arith.constant 1 : i32
        scf.for %scan3A_242 = %scan3A_213 to %scan3A_215 step %scan3A_216  : i32 {
          %mul3A_243 = arith.constant 4 : i32
          %mul3A_244 = arith.muli %scan3A_242, %mul3A_243 : i32
          %add3A_245 = arith.constant 0 : i32
          %add3A_246 = arith.addi %add3A_245, %mul3A_244 : i32
          %add3A_247 = arith.constant 128 : i32
          %add3A_248 = arith.addi %add3A_247, %add3A_246 : i32
          %add3A_249 = arith.constant 0 : i32
          %add3A_250 = arith.addi %add3A_248, %add3A_249 : i32
          %mul3A_251 = arith.constant 65 : i32
          %mul3A_252 = arith.muli %add3A_250, %mul3A_251 : i32
          %broadcast_in_dim3A = vector.broadcast %mul3A_252 : i32 to vector<16xi32>
          %add3A_253 = arith.constant 128 : i32
          %add3A_254 = arith.addi %add3A_253, %add3A_246 : i32
          %add3A_255 = arith.constant 1 : i32
          %add3A_256 = arith.addi %add3A_254, %add3A_255 : i32
          %mul3A_257 = arith.constant 65 : i32
          %mul3A_258 = arith.muli %add3A_256, %mul3A_257 : i32
          %broadcast_in_dim3A_259 = vector.broadcast %mul3A_258 : i32 to vector<16xi32>
          %add3A_260 = arith.constant 128 : i32
          %add3A_261 = arith.addi %add3A_260, %add3A_246 : i32
          %add3A_262 = arith.constant 2 : i32
          %add3A_263 = arith.addi %add3A_261, %add3A_262 : i32
          %mul3A_264 = arith.constant 65 : i32
          %mul3A_265 = arith.muli %add3A_263, %mul3A_264 : i32
          %broadcast_in_dim3A_266 = vector.broadcast %mul3A_265 : i32 to vector<16xi32>
          %add3A_267 = arith.constant 128 : i32
          %add3A_268 = arith.addi %add3A_267, %add3A_246 : i32
          %add3A_269 = arith.constant 3 : i32
          %add3A_270 = arith.addi %add3A_268, %add3A_269 : i32
          %mul3A_271 = arith.constant 65 : i32
          %mul3A_272 = arith.muli %add3A_270, %mul3A_271 : i32
          %broadcast_in_dim3A_273 = vector.broadcast %mul3A_272 : i32 to vector<16xi32>
          %add3A_274 = arith.addi %broadcast_in_dim3A, %add3A_198 : vector<16xi32>
          %add3A_275 = arith.addi %broadcast_in_dim3A, %add3A_201 : vector<16xi32>
          %add3A_276 = arith.addi %broadcast_in_dim3A, %add3A_204 : vector<16xi32>
          %add3A_277 = arith.addi %broadcast_in_dim3A, %add3A_207 : vector<16xi32>
          %add3A_278 = arith.addi %broadcast_in_dim3A_259, %add3A_198 : vector<16xi32>
          %add3A_279 = arith.addi %broadcast_in_dim3A_259, %add3A_201 : vector<16xi32>
          %add3A_280 = arith.addi %broadcast_in_dim3A_259, %add3A_204 : vector<16xi32>
          %add3A_281 = arith.addi %broadcast_in_dim3A_259, %add3A_207 : vector<16xi32>
          %add3A_282 = arith.addi %broadcast_in_dim3A_266, %add3A_198 : vector<16xi32>
          %add3A_283 = arith.addi %broadcast_in_dim3A_266, %add3A_201 : vector<16xi32>
          %add3A_284 = arith.addi %broadcast_in_dim3A_266, %add3A_204 : vector<16xi32>
          %add3A_285 = arith.addi %broadcast_in_dim3A_266, %add3A_207 : vector<16xi32>
          %add3A_286 = arith.addi %broadcast_in_dim3A_273, %add3A_198 : vector<16xi32>
          %add3A_287 = arith.addi %broadcast_in_dim3A_273, %add3A_201 : vector<16xi32>
          %add3A_288 = arith.addi %broadcast_in_dim3A_273, %add3A_204 : vector<16xi32>
          %add3A_289 = arith.addi %broadcast_in_dim3A_273, %add3A_207 : vector<16xi32>
          %add3A_290 = arith.constant 0 : i32
          %add3A_291 = arith.addi %add3A_246, %add3A_290 : i32
          %get3A_292 = arith.constant 1 : i32
          %get3A_293 = arith.index_cast %get3A_292 : i32 to index
          %get3A_294 = arith.index_cast %add3A_291 : i32 to index
          %get3A_295 = arith.constant 0 : index
          %get3A_296 = tpu.vector_load %arg8[%get3A_293, %get3A_294, %get3A_295] {strides = array<i32>} : memref<2x128x64xf32, #tpu.memory_space<vmem>>, vector<16xf32>,
          %add3A_297 = arith.constant 0 : i32
          %add3A_298 = arith.addi %add3A_246, %add3A_297 : i32
          %get3A_299 = arith.constant 1 : i32
          %get3A_300 = arith.index_cast %get3A_299 : i32 to index
          %get3A_301 = arith.index_cast %add3A_298 : i32 to index
          %get3A_302 = arith.constant 16 : index
          %get3A_303 = tpu.vector_load %arg8[%get3A_300, %get3A_301, %get3A_302] {strides = array<i32>} : memref<2x128x64xf32, #tpu.memory_space<vmem>>, vector<16xf32>,
          %add3A_304 = arith.constant 0 : i32
          %add3A_305 = arith.addi %add3A_246, %add3A_304 : i32
          %get3A_306 = arith.constant 1 : i32
          %get3A_307 = arith.index_cast %get3A_306 : i32 to index
          %get3A_308 = arith.index_cast %add3A_305 : i32 to index
          %get3A_309 = arith.constant 32 : index
          %get3A_310 = tpu.vector_load %arg8[%get3A_307, %get3A_308, %get3A_309] {strides = array<i32>} : memref<2x128x64xf32, #tpu.memory_space<vmem>>, vector<16xf32>,
          %add3A_311 = arith.constant 0 : i32
          %add3A_312 = arith.addi %add3A_246, %add3A_311 : i32
          %get3A_313 = arith.constant 1 : i32
          %get3A_314 = arith.index_cast %get3A_313 : i32 to index
          %get3A_315 = arith.index_cast %add3A_312 : i32 to index
          %get3A_316 = arith.constant 48 : index
          %get3A_317 = tpu.vector_load %arg8[%get3A_314, %get3A_315, %get3A_316] {strides = array<i32>} : memref<2x128x64xf32, #tpu.memory_space<vmem>>, vector<16xf32>,
          %add3A_318 = arith.constant 1 : i32
          %add3A_319 = arith.addi %add3A_246, %add3A_318 : i32
          %get3A_320 = arith.constant 1 : i32
          %get3A_321 = arith.index_cast %get3A_320 : i32 to index
          %get3A_322 = arith.index_cast %add3A_319 : i32 to index
          %get3A_323 = arith.constant 0 : index
          %get3A_324 = tpu.vector_load %arg8[%get3A_321, %get3A_322, %get3A_323] {strides = array<i32>} : memref<2x128x64xf32, #tpu.memory_space<vmem>>, vector<16xf32>,
          %add3A_325 = arith.constant 1 : i32
          %add3A_326 = arith.addi %add3A_246, %add3A_325 : i32
          %get3A_327 = arith.constant 1 : i32
          %get3A_328 = arith.index_cast %get3A_327 : i32 to index
          %get3A_329 = arith.index_cast %add3A_326 : i32 to index
          %get3A_330 = arith.constant 16 : index
          %get3A_331 = tpu.vector_load %arg8[%get3A_328, %get3A_329, %get3A_330] {strides = array<i32>} : memref<2x128x64xf32, #tpu.memory_space<vmem>>, vector<16xf32>,
          %add3A_332 = arith.constant 1 : i32
          %add3A_333 = arith.addi %add3A_246, %add3A_332 : i32
          %get3A_334 = arith.constant 1 : i32
          %get3A_335 = arith.index_cast %get3A_334 : i32 to index
          %get3A_336 = arith.index_cast %add3A_333 : i32 to index
          %get3A_337 = arith.constant 32 : index
          %get3A_338 = tpu.vector_load %arg8[%get3A_335, %get3A_336, %get3A_337] {strides = array<i32>} : memref<2x128x64xf32, #tpu.memory_space<vmem>>, vector<16xf32>,
          %add3A_339 = arith.constant 1 : i32
          %add3A_340 = arith.addi %add3A_246, %add3A_339 : i32
          %get3A_341 = arith.constant 1 : i32
          %get3A_342 = arith.index_cast %get3A_341 : i32 to index
          %get3A_343 = arith.index_cast %add3A_340 : i32 to index
          %get3A_344 = arith.constant 48 : index
          %get3A_345 = tpu.vector_load %arg8[%get3A_342, %get3A_343, %get3A_344] {strides = array<i32>} : memref<2x128x64xf32, #tpu.memory_space<vmem>>, vector<16xf32>,
          %add3A_346 = arith.constant 2 : i32
          %add3A_347 = arith.addi %add3A_246, %add3A_346 : i32
          %get3A_348 = arith.constant 1 : i32
          %get3A_349 = arith.index_cast %get3A_348 : i32 to index
          %get3A_350 = arith.index_cast %add3A_347 : i32 to index
          %get3A_351 = arith.constant 0 : index
          %get3A_352 = tpu.vector_load %arg8[%get3A_349, %get3A_350, %get3A_351] {strides = array<i32>} : memref<2x128x64xf32, #tpu.memory_space<vmem>>, vector<16xf32>,
          %add3A_353 = arith.constant 2 : i32
          %add3A_354 = arith.addi %add3A_246, %add3A_353 : i32
          %get3A_355 = arith.constant 1 : i32
          %get3A_356 = arith.index_cast %get3A_355 : i32 to index
          %get3A_357 = arith.index_cast %add3A_354 : i32 to index
          %get3A_358 = arith.constant 16 : index
          %get3A_359 = tpu.vector_load %arg8[%get3A_356, %get3A_357, %get3A_358] {strides = array<i32>} : memref<2x128x64xf32, #tpu.memory_space<vmem>>, vector<16xf32>,
          %add3A_360 = arith.constant 2 : i32
          %add3A_361 = arith.addi %add3A_246, %add3A_360 : i32
          %get3A_362 = arith.constant 1 : i32
          %get3A_363 = arith.index_cast %get3A_362 : i32 to index
          %get3A_364 = arith.index_cast %add3A_361 : i32 to index
          %get3A_365 = arith.constant 32 : index
          %get3A_366 = tpu.vector_load %arg8[%get3A_363, %get3A_364, %get3A_365] {strides = array<i32>} : memref<2x128x64xf32, #tpu.memory_space<vmem>>, vector<16xf32>,
          %add3A_367 = arith.constant 2 : i32
          %add3A_368 = arith.addi %add3A_246, %add3A_367 : i32
          %get3A_369 = arith.constant 1 : i32
          %get3A_370 = arith.index_cast %get3A_369 : i32 to index
          %get3A_371 = arith.index_cast %add3A_368 : i32 to index
          %get3A_372 = arith.constant 48 : index
          %get3A_373 = tpu.vector_load %arg8[%get3A_370, %get3A_371, %get3A_372] {strides = array<i32>} : memref<2x128x64xf32, #tpu.memory_space<vmem>>, vector<16xf32>,
          %add3A_374 = arith.constant 3 : i32
          %add3A_375 = arith.addi %add3A_246, %add3A_374 : i32
          %get3A_376 = arith.constant 1 : i32
          %get3A_377 = arith.index_cast %get3A_376 : i32 to index
          %get3A_378 = arith.index_cast %add3A_375 : i32 to index
          %get3A_379 = arith.constant 0 : index
          %get3A_380 = tpu.vector_load %arg8[%get3A_377, %get3A_378, %get3A_379] {strides = array<i32>} : memref<2x128x64xf32, #tpu.memory_space<vmem>>, vector<16xf32>,
          %add3A_381 = arith.constant 3 : i32
          %add3A_382 = arith.addi %add3A_246, %add3A_381 : i32
          %get3A_383 = arith.constant 1 : i32
          %get3A_384 = arith.index_cast %get3A_383 : i32 to index
          %get3A_385 = arith.index_cast %add3A_382 : i32 to index
          %get3A_386 = arith.constant 16 : index
          %get3A_387 = tpu.vector_load %arg8[%get3A_384, %get3A_385, %get3A_386] {strides = array<i32>} : memref<2x128x64xf32, #tpu.memory_space<vmem>>, vector<16xf32>,
          %add3A_388 = arith.constant 3 : i32
          %add3A_389 = arith.addi %add3A_246, %add3A_388 : i32
          %get3A_390 = arith.constant 1 : i32
          %get3A_391 = arith.index_cast %get3A_390 : i32 to index
          %get3A_392 = arith.index_cast %add3A_389 : i32 to index
          %get3A_393 = arith.constant 32 : index
          %get3A_394 = tpu.vector_load %arg8[%get3A_391, %get3A_392, %get3A_393] {strides = array<i32>} : memref<2x128x64xf32, #tpu.memory_space<vmem>>, vector<16xf32>,
          %add3A_395 = arith.constant 3 : i32
          %add3A_396 = arith.addi %add3A_246, %add3A_395 : i32
          %get3A_397 = arith.constant 1 : i32
          %get3A_398 = arith.index_cast %get3A_397 : i32 to index
          %get3A_399 = arith.index_cast %add3A_396 : i32 to index
          %get3A_400 = arith.constant 48 : index
          %get3A_401 = tpu.vector_load %arg8[%get3A_398, %get3A_399, %get3A_400] {strides = array<i32>} : memref<2x128x64xf32, #tpu.memory_space<vmem>>, vector<16xf32>,
          %add3A_402 = arith.addf %get3A_296, %get3A_186 : vector<16xf32>
          %add3A_403 = arith.addf %get3A_303, %get3A_189 : vector<16xf32>
          %add3A_404 = arith.addf %get3A_310, %get3A_192 : vector<16xf32>
          %add3A_405 = arith.addf %get3A_317, %get3A_195 : vector<16xf32>
          %add3A_406 = arith.addf %get3A_324, %get3A_186 : vector<16xf32>
          %add3A_407 = arith.addf %get3A_331, %get3A_189 : vector<16xf32>
          %add3A_408 = arith.addf %get3A_338, %get3A_192 : vector<16xf32>
          %add3A_409 = arith.addf %get3A_345, %get3A_195 : vector<16xf32>
          %add3A_410 = arith.addf %get3A_352, %get3A_186 : vector<16xf32>
          %add3A_411 = arith.addf %get3A_359, %get3A_189 : vector<16xf32>
          %add3A_412 = arith.addf %get3A_366, %get3A_192 : vector<16xf32>
          %add3A_413 = arith.addf %get3A_373, %get3A_195 : vector<16xf32>
          %add3A_414 = arith.addf %get3A_380, %get3A_186 : vector<16xf32>
          %add3A_415 = arith.addf %get3A_387, %get3A_189 : vector<16xf32>
          %add3A_416 = arith.addf %get3A_394, %get3A_192 : vector<16xf32>
          %add3A_417 = arith.addf %get3A_401, %get3A_195 : vector<16xf32>
          tpu.vector_store_idx %arg12[%add3A_274], %add3A_402 : memref<16640xf32, #tpu.memory_space<vmem>>[vector<16xi32>], vector<16xf32>,
          tpu.vector_store_idx %arg12[%add3A_275], %add3A_403 : memref<16640xf32, #tpu.memory_space<vmem>>[vector<16xi32>], vector<16xf32>,
          tpu.vector_store_idx %arg12[%add3A_276], %add3A_404 : memref<16640xf32, #tpu.memory_space<vmem>>[vector<16xi32>], vector<16xf32>,
          tpu.vector_store_idx %arg12[%add3A_277], %add3A_405 : memref<16640xf32, #tpu.memory_space<vmem>>[vector<16xi32>], vector<16xf32>,
          tpu.vector_store_idx %arg12[%add3A_278], %add3A_406 : memref<16640xf32, #tpu.memory_space<vmem>>[vector<16xi32>], vector<16xf32>,
          tpu.vector_store_idx %arg12[%add3A_279], %add3A_407 : memref<16640xf32, #tpu.memory_space<vmem>>[vector<16xi32>], vector<16xf32>,
          tpu.vector_store_idx %arg12[%add3A_280], %add3A_408 : memref<16640xf32, #tpu.memory_space<vmem>>[vector<16xi32>], vector<16xf32>,
          tpu.vector_store_idx %arg12[%add3A_281], %add3A_409 : memref<16640xf32, #tpu.memory_space<vmem>>[vector<16xi32>], vector<16xf32>,
          tpu.vector_store_idx %arg12[%add3A_282], %add3A_410 : memref<16640xf32, #tpu.memory_space<vmem>>[vector<16xi32>], vector<16xf32>,
          tpu.vector_store_idx %arg12[%add3A_283], %add3A_411 : memref<16640xf32, #tpu.memory_space<vmem>>[vector<16xi32>], vector<16xf32>,
          tpu.vector_store_idx %arg12[%add3A_284], %add3A_412 : memref<16640xf32, #tpu.memory_space<vmem>>[vector<16xi32>], vector<16xf32>,
          tpu.vector_store_idx %arg12[%add3A_285], %add3A_413 : memref<16640xf32, #tpu.memory_space<vmem>>[vector<16xi32>], vector<16xf32>,
          tpu.vector_store_idx %arg12[%add3A_286], %add3A_414 : memref<16640xf32, #tpu.memory_space<vmem>>[vector<16xi32>], vector<16xf32>,
          tpu.vector_store_idx %arg12[%add3A_287], %add3A_415 : memref<16640xf32, #tpu.memory_space<vmem>>[vector<16xi32>], vector<16xf32>,
          tpu.vector_store_idx %arg12[%add3A_288], %add3A_416 : memref<16640xf32, #tpu.memory_space<vmem>>[vector<16xi32>], vector<16xf32>,
          tpu.vector_store_idx %arg12[%add3A_289], %add3A_417 : memref<16640xf32, #tpu.memory_space<vmem>>[vector<16xi32>], vector<16xf32>,
        }
        %scan3A_217 = arith.constant 32 : i32
        %ge3A = arith.constant 2 : i32
        %ge3A_218 = arith.cmpi sge, %add3A_142, %ge3A : i32
        %convert_element_type3A_219 = arith.extui %ge3A_218 : i1 to i32
        %cond3A_220 = arith.constant 0 : i32
        %cond3A_221 = arith.cmpi ne, %convert_element_type3A_219, %cond3A_220 : i32
        scf.if %cond3A_221 {
          %add3A_242 = arith.addi %mul3A_32, %add3A_142 : i32
          %sub3A_243 = arith.constant 2 : i32
          %sub3A_244 = arith.subi %add3A_242, %sub3A_243 : i32
          %mul3A_245 = arith.constant 2 : i32
          %mul3A_246 = arith.muli %mul3A_245, %select_n3A_9 : i32
          %dma_wait3A_247 = arith.constant 0 : i32
          %dma_wait3A_248 = arith.constant 0 : i32
          %dma_wait3A_249 = arith.constant 0 : i32
          %dma_wait3A_250 = tpu.memref_slice %arg5[%sub3A_244, %dma_wait3A_247, %mul3A_246, %dma_wait3A_248, %dma_wait3A_249] : memref<200x8x32x8x128xf32, #tpu.memory_space<hbm>> -> memref<1x8x2x8x128xf32, #tpu.memory_space<hbm>>
          %dma_wait3A_251 = tpu.memref_squeeze %dma_wait3A_250 : memref<1x8x2x8x128xf32, #tpu.memory_space<hbm>> -> memref<8x2x8x128xf32, #tpu.memory_space<hbm>>
          %dma_wait3A_252 = arith.constant 0 : i32
          %dma_wait3A_253 = arith.constant 0 : i32
          %dma_wait3A_254 = arith.constant 0 : i32
          %dma_wait3A_255 = tpu.memref_slice %arg5[%sub3A_244, %dma_wait3A_252, %mul3A_246, %dma_wait3A_253, %dma_wait3A_254] : memref<200x8x32x8x128xf32, #tpu.memory_space<hbm>> -> memref<1x8x2x8x128xf32, #tpu.memory_space<hbm>>
          %dma_wait3A_256 = tpu.memref_squeeze %dma_wait3A_255 : memref<1x8x2x8x128xf32, #tpu.memory_space<hbm>> -> memref<8x2x8x128xf32, #tpu.memory_space<hbm>>
          tpu.wait_dma2 semaphore(%arg16 : memref<!tpu.dma_semaphore, #tpu.memory_space<semaphore_mem>>) src(%arg10 : memref<8x2x8x128xf32, #tpu.memory_space<vmem>>) dst(%dma_wait3A_256 : memref<8x2x8x128xf32, #tpu.memory_space<hbm>>)
        } else {
        }
        %mul3A_222 = arith.constant 65 : i32
        %mul3A_223 = vector.broadcast %mul3A_222 : i32 to vector<16xi32>
        %mul3A_224 = arith.muli %iota3A, %mul3A_223 : vector<16xi32>
        %scan3A_225 = arith.constant 0 : i32
        %scan3A_226 = arith.constant 8 : i32
        %scan3A_227 = arith.addi %scan3A_225, %scan3A_226 : i32
        %scan3A_228 = arith.constant 1 : i32
        scf.for %scan3A_242 = %scan3A_225 to %scan3A_227 step %scan3A_228  : i32 {
          %mul3A_243 = arith.constant 1 : i32
          %mul3A_244 = arith.muli %scan3A_242, %mul3A_243 : i32
          %add3A_245 = arith.constant 0 : i32
          %add3A_246 = arith.addi %add3A_245, %mul3A_244 : i32
          %mul3A_247 = arith.constant 8 : i32
          %mul3A_248 = arith.muli %add3A_246, %mul3A_247 : i32
          %add3A_249 = arith.constant 0 : i32
          %add3A_250 = arith.addi %add3A_249, %mul3A_248 : i32
          %add3A_251 = vector.broadcast %add3A_250 : i32 to vector<16xi32>
          %add3A_252 = arith.addi %mul3A_224, %add3A_251 : vector<16xi32>
          %add3A_253 = arith.constant 1040 : i32
          %add3A_254 = arith.addi %add3A_253, %mul3A_248 : i32
          %add3A_255 = vector.broadcast %add3A_254 : i32 to vector<16xi32>
          %add3A_256 = arith.addi %mul3A_224, %add3A_255 : vector<16xi32>
          %add3A_257 = arith.constant 0 : i32
          %add3A_258 = vector.broadcast %add3A_257 : i32 to vector<16xi32>
          %add3A_259 = arith.addi %add3A_252, %add3A_258 : vector<16xi32>
          %add3A_260 = arith.constant 1 : i32
          %add3A_261 = vector.broadcast %add3A_260 : i32 to vector<16xi32>
          %add3A_262 = arith.addi %add3A_252, %add3A_261 : vector<16xi32>
          %add3A_263 = arith.constant 2 : i32
          %add3A_264 = vector.broadcast %add3A_263 : i32 to vector<16xi32>
          %add3A_265 = arith.addi %add3A_252, %add3A_264 : vector<16xi32>
          %add3A_266 = arith.constant 3 : i32
          %add3A_267 = vector.broadcast %add3A_266 : i32 to vector<16xi32>
          %add3A_268 = arith.addi %add3A_252, %add3A_267 : vector<16xi32>
          %add3A_269 = arith.constant 4 : i32
          %add3A_270 = vector.broadcast %add3A_269 : i32 to vector<16xi32>
          %add3A_271 = arith.addi %add3A_252, %add3A_270 : vector<16xi32>
          %add3A_272 = arith.constant 5 : i32
          %add3A_273 = vector.broadcast %add3A_272 : i32 to vector<16xi32>
          %add3A_274 = arith.addi %add3A_252, %add3A_273 : vector<16xi32>
          %add3A_275 = arith.constant 6 : i32
          %add3A_276 = vector.broadcast %add3A_275 : i32 to vector<16xi32>
          %add3A_277 = arith.addi %add3A_252, %add3A_276 : vector<16xi32>
          %add3A_278 = arith.constant 7 : i32
          %add3A_279 = vector.broadcast %add3A_278 : i32 to vector<16xi32>
          %add3A_280 = arith.addi %add3A_252, %add3A_279 : vector<16xi32>
          %add3A_281 = arith.constant 0 : i32
          %add3A_282 = vector.broadcast %add3A_281 : i32 to vector<16xi32>
          %add3A_283 = arith.addi %add3A_256, %add3A_282 : vector<16xi32>
          %add3A_284 = arith.constant 1 : i32
          %add3A_285 = vector.broadcast %add3A_284 : i32 to vector<16xi32>
          %add3A_286 = arith.addi %add3A_256, %add3A_285 : vector<16xi32>
          %add3A_287 = arith.constant 2 : i32
          %add3A_288 = vector.broadcast %add3A_287 : i32 to vector<16xi32>
          %add3A_289 = arith.addi %add3A_256, %add3A_288 : vector<16xi32>
          %add3A_290 = arith.constant 3 : i32
          %add3A_291 = vector.broadcast %add3A_290 : i32 to vector<16xi32>
          %add3A_292 = arith.addi %add3A_256, %add3A_291 : vector<16xi32>
          %add3A_293 = arith.constant 4 : i32
          %add3A_294 = vector.broadcast %add3A_293 : i32 to vector<16xi32>
          %add3A_295 = arith.addi %add3A_256, %add3A_294 : vector<16xi32>
          %add3A_296 = arith.constant 5 : i32
          %add3A_297 = vector.broadcast %add3A_296 : i32 to vector<16xi32>
          %add3A_298 = arith.addi %add3A_256, %add3A_297 : vector<16xi32>
          %add3A_299 = arith.constant 6 : i32
          %add3A_300 = vector.broadcast %add3A_299 : i32 to vector<16xi32>
          %add3A_301 = arith.addi %add3A_256, %add3A_300 : vector<16xi32>
          %add3A_302 = arith.constant 7 : i32
          %add3A_303 = vector.broadcast %add3A_302 : i32 to vector<16xi32>
          %add3A_304 = arith.addi %add3A_256, %add3A_303 : vector<16xi32>
          %gather3A = tpu.vector_load_idx %arg12[%add3A_259] : memref<16640xf32, #tpu.memory_space<vmem>>[vector<16xi32>], vector<16xf32>,
          %gather3A_305 = tpu.vector_load_idx %arg12[%add3A_262] : memref<16640xf32, #tpu.memory_space<vmem>>[vector<16xi32>], vector<16xf32>,
          %gather3A_306 = tpu.vector_load_idx %arg12[%add3A_265] : memref<16640xf32, #tpu.memory_space<vmem>>[vector<16xi32>], vector<16xf32>,
          %gather3A_307 = tpu.vector_load_idx %arg12[%add3A_268] : memref<16640xf32, #tpu.memory_space<vmem>>[vector<16xi32>], vector<16xf32>,
          %gather3A_308 = tpu.vector_load_idx %arg12[%add3A_271] : memref<16640xf32, #tpu.memory_space<vmem>>[vector<16xi32>], vector<16xf32>,
          %gather3A_309 = tpu.vector_load_idx %arg12[%add3A_274] : memref<16640xf32, #tpu.memory_space<vmem>>[vector<16xi32>], vector<16xf32>,
          %gather3A_310 = tpu.vector_load_idx %arg12[%add3A_277] : memref<16640xf32, #tpu.memory_space<vmem>>[vector<16xi32>], vector<16xf32>,
          %gather3A_311 = tpu.vector_load_idx %arg12[%add3A_280] : memref<16640xf32, #tpu.memory_space<vmem>>[vector<16xi32>], vector<16xf32>,
          %gather3A_312 = tpu.vector_load_idx %arg12[%add3A_283] : memref<16640xf32, #tpu.memory_space<vmem>>[vector<16xi32>], vector<16xf32>,
          %gather3A_313 = tpu.vector_load_idx %arg12[%add3A_286] : memref<16640xf32, #tpu.memory_space<vmem>>[vector<16xi32>], vector<16xf32>,
          %gather3A_314 = tpu.vector_load_idx %arg12[%add3A_289] : memref<16640xf32, #tpu.memory_space<vmem>>[vector<16xi32>], vector<16xf32>,
          %gather3A_315 = tpu.vector_load_idx %arg12[%add3A_292] : memref<16640xf32, #tpu.memory_space<vmem>>[vector<16xi32>], vector<16xf32>,
          %gather3A_316 = tpu.vector_load_idx %arg12[%add3A_295] : memref<16640xf32, #tpu.memory_space<vmem>>[vector<16xi32>], vector<16xf32>,
          %gather3A_317 = tpu.vector_load_idx %arg12[%add3A_298] : memref<16640xf32, #tpu.memory_space<vmem>>[vector<16xi32>], vector<16xf32>,
          %gather3A_318 = tpu.vector_load_idx %arg12[%add3A_301] : memref<16640xf32, #tpu.memory_space<vmem>>[vector<16xi32>], vector<16xf32>,
          %gather3A_319 = tpu.vector_load_idx %arg12[%add3A_304] : memref<16640xf32, #tpu.memory_space<vmem>>[vector<16xi32>], vector<16xf32>,
          %swap3A = arith.constant 0 : i32
          %swap3A_320 = arith.constant 0 : i32
          %swap3A_321 = arith.index_cast %add3A_246 : i32 to index
          %swap3A_322 = arith.index_cast %swap3A : i32 to index
          %swap3A_323 = arith.index_cast %swap3A_320 : i32 to index
          %swap3A_324 = arith.constant 0 : index
          %swap3A_325 = tpu.vector_load %arg10[%swap3A_321, %swap3A_322, %swap3A_323, %swap3A_324] {strides = array<i32>} : memref<8x2x8x128xf32, #tpu.memory_space<vmem>>, vector<16xf32>,
          tpu.vector_store %arg10[%swap3A_321, %swap3A_322, %swap3A_323, %swap3A_324], %gather3A {strides = array<i32>} : memref<8x2x8x128xf32, #tpu.memory_space<vmem>>, vector<16xf32>,
          %swap3A_326 = arith.constant 0 : i32
          %swap3A_327 = arith.constant 1 : i32
          %swap3A_328 = arith.index_cast %add3A_246 : i32 to index
          %swap3A_329 = arith.index_cast %swap3A_326 : i32 to index
          %swap3A_330 = arith.index_cast %swap3A_327 : i32 to index
          %swap3A_331 = arith.constant 0 : index
          %swap3A_332 = tpu.vector_load %arg10[%swap3A_328, %swap3A_329, %swap3A_330, %swap3A_331] {strides = array<i32>} : memref<8x2x8x128xf32, #tpu.memory_space<vmem>>, vector<16xf32>,
          tpu.vector_store %arg10[%swap3A_328, %swap3A_329, %swap3A_330, %swap3A_331], %gather3A_305 {strides = array<i32>} : memref<8x2x8x128xf32, #tpu.memory_space<vmem>>, vector<16xf32>,
          %swap3A_333 = arith.constant 0 : i32
          %swap3A_334 = arith.constant 2 : i32
          %swap3A_335 = arith.index_cast %add3A_246 : i32 to index
          %swap3A_336 = arith.index_cast %swap3A_333 : i32 to index
          %swap3A_337 = arith.index_cast %swap3A_334 : i32 to index
          %swap3A_338 = arith.constant 0 : index
          %swap3A_339 = tpu.vector_load %arg10[%swap3A_335, %swap3A_336, %swap3A_337, %swap3A_338] {strides = array<i32>} : memref<8x2x8x128xf32, #tpu.memory_space<vmem>>, vector<16xf32>,
          tpu.vector_store %arg10[%swap3A_335, %swap3A_336, %swap3A_337, %swap3A_338], %gather3A_306 {strides = array<i32>} : memref<8x2x8x128xf32, #tpu.memory_space<vmem>>, vector<16xf32>,
          %swap3A_340 = arith.constant 0 : i32
          %swap3A_341 = arith.constant 3 : i32
          %swap3A_342 = arith.index_cast %add3A_246 : i32 to index
          %swap3A_343 = arith.index_cast %swap3A_340 : i32 to index
          %swap3A_344 = arith.index_cast %swap3A_341 : i32 to index
          %swap3A_345 = arith.constant 0 : index
          %swap3A_346 = tpu.vector_load %arg10[%swap3A_342, %swap3A_343, %swap3A_344, %swap3A_345] {strides = array<i32>} : memref<8x2x8x128xf32, #tpu.memory_space<vmem>>, vector<16xf32>,
          tpu.vector_store %arg10[%swap3A_342, %swap3A_343, %swap3A_344, %swap3A_345], %gather3A_307 {strides = array<i32>} : memref<8x2x8x128xf32, #tpu.memory_space<vmem>>, vector<16xf32>,
          %swap3A_347 = arith.constant 0 : i32
          %swap3A_348 = arith.constant 4 : i32
          %swap3A_349 = arith.index_cast %add3A_246 : i32 to index
          %swap3A_350 = arith.index_cast %swap3A_347 : i32 to index
          %swap3A_351 = arith.index_cast %swap3A_348 : i32 to index
          %swap3A_352 = arith.constant 0 : index
          %swap3A_353 = tpu.vector_load %arg10[%swap3A_349, %swap3A_350, %swap3A_351, %swap3A_352] {strides = array<i32>} : memref<8x2x8x128xf32, #tpu.memory_space<vmem>>, vector<16xf32>,
          tpu.vector_store %arg10[%swap3A_349, %swap3A_350, %swap3A_351, %swap3A_352], %gather3A_308 {strides = array<i32>} : memref<8x2x8x128xf32, #tpu.memory_space<vmem>>, vector<16xf32>,
          %swap3A_354 = arith.constant 0 : i32
          %swap3A_355 = arith.constant 5 : i32
          %swap3A_356 = arith.index_cast %add3A_246 : i32 to index
          %swap3A_357 = arith.index_cast %swap3A_354 : i32 to index
          %swap3A_358 = arith.index_cast %swap3A_355 : i32 to index
          %swap3A_359 = arith.constant 0 : index
          %swap3A_360 = tpu.vector_load %arg10[%swap3A_356, %swap3A_357, %swap3A_358, %swap3A_359] {strides = array<i32>} : memref<8x2x8x128xf32, #tpu.memory_space<vmem>>, vector<16xf32>,
          tpu.vector_store %arg10[%swap3A_356, %swap3A_357, %swap3A_358, %swap3A_359], %gather3A_309 {strides = array<i32>} : memref<8x2x8x128xf32, #tpu.memory_space<vmem>>, vector<16xf32>,
          %swap3A_361 = arith.constant 0 : i32
          %swap3A_362 = arith.constant 6 : i32
          %swap3A_363 = arith.index_cast %add3A_246 : i32 to index
          %swap3A_364 = arith.index_cast %swap3A_361 : i32 to index
          %swap3A_365 = arith.index_cast %swap3A_362 : i32 to index
          %swap3A_366 = arith.constant 0 : index
          %swap3A_367 = tpu.vector_load %arg10[%swap3A_363, %swap3A_364, %swap3A_365, %swap3A_366] {strides = array<i32>} : memref<8x2x8x128xf32, #tpu.memory_space<vmem>>, vector<16xf32>,
          tpu.vector_store %arg10[%swap3A_363, %swap3A_364, %swap3A_365, %swap3A_366], %gather3A_310 {strides = array<i32>} : memref<8x2x8x128xf32, #tpu.memory_space<vmem>>, vector<16xf32>,
          %swap3A_368 = arith.constant 0 : i32
          %swap3A_369 = arith.constant 7 : i32
          %swap3A_370 = arith.index_cast %add3A_246 : i32 to index
          %swap3A_371 = arith.index_cast %swap3A_368 : i32 to index
          %swap3A_372 = arith.index_cast %swap3A_369 : i32 to index
          %swap3A_373 = arith.constant 0 : index
          %swap3A_374 = tpu.vector_load %arg10[%swap3A_370, %swap3A_371, %swap3A_372, %swap3A_373] {strides = array<i32>} : memref<8x2x8x128xf32, #tpu.memory_space<vmem>>, vector<16xf32>,
          tpu.vector_store %arg10[%swap3A_370, %swap3A_371, %swap3A_372, %swap3A_373], %gather3A_311 {strides = array<i32>} : memref<8x2x8x128xf32, #tpu.memory_space<vmem>>, vector<16xf32>,
          %swap3A_375 = arith.constant 0 : i32
          %swap3A_376 = arith.constant 0 : i32
          %swap3A_377 = arith.index_cast %add3A_246 : i32 to index
          %swap3A_378 = arith.index_cast %swap3A_375 : i32 to index
          %swap3A_379 = arith.index_cast %swap3A_376 : i32 to index
          %swap3A_380 = arith.constant 16 : index
          %swap3A_381 = tpu.vector_load %arg10[%swap3A_377, %swap3A_378, %swap3A_379, %swap3A_380] {strides = array<i32>} : memref<8x2x8x128xf32, #tpu.memory_space<vmem>>, vector<16xf32>,
          tpu.vector_store %arg10[%swap3A_377, %swap3A_378, %swap3A_379, %swap3A_380], %gather3A_312 {strides = array<i32>} : memref<8x2x8x128xf32, #tpu.memory_space<vmem>>, vector<16xf32>,
          %swap3A_382 = arith.constant 0 : i32
          %swap3A_383 = arith.constant 1 : i32
          %swap3A_384 = arith.index_cast %add3A_246 : i32 to index
          %swap3A_385 = arith.index_cast %swap3A_382 : i32 to index
          %swap3A_386 = arith.index_cast %swap3A_383 : i32 to index
          %swap3A_387 = arith.constant 16 : index
          %swap3A_388 = tpu.vector_load %arg10[%swap3A_384, %swap3A_385, %swap3A_386, %swap3A_387] {strides = array<i32>} : memref<8x2x8x128xf32, #tpu.memory_space<vmem>>, vector<16xf32>,
          tpu.vector_store %arg10[%swap3A_384, %swap3A_385, %swap3A_386, %swap3A_387], %gather3A_313 {strides = array<i32>} : memref<8x2x8x128xf32, #tpu.memory_space<vmem>>, vector<16xf32>,
          %swap3A_389 = arith.constant 0 : i32
          %swap3A_390 = arith.constant 2 : i32
          %swap3A_391 = arith.index_cast %add3A_246 : i32 to index
          %swap3A_392 = arith.index_cast %swap3A_389 : i32 to index
          %swap3A_393 = arith.index_cast %swap3A_390 : i32 to index
          %swap3A_394 = arith.constant 16 : index
          %swap3A_395 = tpu.vector_load %arg10[%swap3A_391, %swap3A_392, %swap3A_393, %swap3A_394] {strides = array<i32>} : memref<8x2x8x128xf32, #tpu.memory_space<vmem>>, vector<16xf32>,
          tpu.vector_store %arg10[%swap3A_391, %swap3A_392, %swap3A_393, %swap3A_394], %gather3A_314 {strides = array<i32>} : memref<8x2x8x128xf32, #tpu.memory_space<vmem>>, vector<16xf32>,
          %swap3A_396 = arith.constant 0 : i32
          %swap3A_397 = arith.constant 3 : i32
          %swap3A_398 = arith.index_cast %add3A_246 : i32 to index
          %swap3A_399 = arith.index_cast %swap3A_396 : i32 to index
          %swap3A_400 = arith.index_cast %swap3A_397 : i32 to index
          %swap3A_401 = arith.constant 16 : index
          %swap3A_402 = tpu.vector_load %arg10[%swap3A_398, %swap3A_399, %swap3A_400, %swap3A_401] {strides = array<i32>} : memref<8x2x8x128xf32, #tpu.memory_space<vmem>>, vector<16xf32>,
          tpu.vector_store %arg10[%swap3A_398, %swap3A_399, %swap3A_400, %swap3A_401], %gather3A_315 {strides = array<i32>} : memref<8x2x8x128xf32, #tpu.memory_space<vmem>>, vector<16xf32>,
          %swap3A_403 = arith.constant 0 : i32
          %swap3A_404 = arith.constant 4 : i32
          %swap3A_405 = arith.index_cast %add3A_246 : i32 to index
          %swap3A_406 = arith.index_cast %swap3A_403 : i32 to index
          %swap3A_407 = arith.index_cast %swap3A_404 : i32 to index
          %swap3A_408 = arith.constant 16 : index
          %swap3A_409 = tpu.vector_load %arg10[%swap3A_405, %swap3A_406, %swap3A_407, %swap3A_408] {strides = array<i32>} : memref<8x2x8x128xf32, #tpu.memory_space<vmem>>, vector<16xf32>,
          tpu.vector_store %arg10[%swap3A_405, %swap3A_406, %swap3A_407, %swap3A_408], %gather3A_316 {strides = array<i32>} : memref<8x2x8x128xf32, #tpu.memory_space<vmem>>, vector<16xf32>,
          %swap3A_410 = arith.constant 0 : i32
          %swap3A_411 = arith.constant 5 : i32
          %swap3A_412 = arith.index_cast %add3A_246 : i32 to index
          %swap3A_413 = arith.index_cast %swap3A_410 : i32 to index
          %swap3A_414 = arith.index_cast %swap3A_411 : i32 to index
          %swap3A_415 = arith.constant 16 : index
          %swap3A_416 = tpu.vector_load %arg10[%swap3A_412, %swap3A_413, %swap3A_414, %swap3A_415] {strides = array<i32>} : memref<8x2x8x128xf32, #tpu.memory_space<vmem>>, vector<16xf32>,
          tpu.vector_store %arg10[%swap3A_412, %swap3A_413, %swap3A_414, %swap3A_415], %gather3A_317 {strides = array<i32>} : memref<8x2x8x128xf32, #tpu.memory_space<vmem>>, vector<16xf32>,
          %swap3A_417 = arith.constant 0 : i32
          %swap3A_418 = arith.constant 6 : i32
          %swap3A_419 = arith.index_cast %add3A_246 : i32 to index
          %swap3A_420 = arith.index_cast %swap3A_417 : i32 to index
          %swap3A_421 = arith.index_cast %swap3A_418 : i32 to index
          %swap3A_422 = arith.constant 16 : index
          %swap3A_423 = tpu.vector_load %arg10[%swap3A_419, %swap3A_420, %swap3A_421, %swap3A_422] {strides = array<i32>} : memref<8x2x8x128xf32, #tpu.memory_space<vmem>>, vector<16xf32>,
          tpu.vector_store %arg10[%swap3A_419, %swap3A_420, %swap3A_421, %swap3A_422], %gather3A_318 {strides = array<i32>} : memref<8x2x8x128xf32, #tpu.memory_space<vmem>>, vector<16xf32>,
          %swap3A_424 = arith.constant 0 : i32
          %swap3A_425 = arith.constant 7 : i32
          %swap3A_426 = arith.index_cast %add3A_246 : i32 to index
          %swap3A_427 = arith.index_cast %swap3A_424 : i32 to index
          %swap3A_428 = arith.index_cast %swap3A_425 : i32 to index
          %swap3A_429 = arith.constant 16 : index
          %swap3A_430 = tpu.vector_load %arg10[%swap3A_426, %swap3A_427, %swap3A_428, %swap3A_429] {strides = array<i32>} : memref<8x2x8x128xf32, #tpu.memory_space<vmem>>, vector<16xf32>,
          tpu.vector_store %arg10[%swap3A_426, %swap3A_427, %swap3A_428, %swap3A_429], %gather3A_319 {strides = array<i32>} : memref<8x2x8x128xf32, #tpu.memory_space<vmem>>, vector<16xf32>,
          %add3A_431 = arith.constant 2080 : i32
          %add3A_432 = arith.addi %add3A_431, %mul3A_248 : i32
          %add3A_433 = vector.broadcast %add3A_432 : i32 to vector<16xi32>
          %add3A_434 = arith.addi %mul3A_224, %add3A_433 : vector<16xi32>
          %add3A_435 = arith.constant 3120 : i32
          %add3A_436 = arith.addi %add3A_435, %mul3A_248 : i32
          %add3A_437 = vector.broadcast %add3A_436 : i32 to vector<16xi32>
          %add3A_438 = arith.addi %mul3A_224, %add3A_437 : vector<16xi32>
          %add3A_439 = arith.constant 0 : i32
          %add3A_440 = vector.broadcast %add3A_439 : i32 to vector<16xi32>
          %add3A_441 = arith.addi %add3A_434, %add3A_440 : vector<16xi32>
          %add3A_442 = arith.constant 1 : i32
          %add3A_443 = vector.broadcast %add3A_442 : i32 to vector<16xi32>
          %add3A_444 = arith.addi %add3A_434, %add3A_443 : vector<16xi32>
          %add3A_445 = arith.constant 2 : i32
          %add3A_446 = vector.broadcast %add3A_445 : i32 to vector<16xi32>
          %add3A_447 = arith.addi %add3A_434, %add3A_446 : vector<16xi32>
          %add3A_448 = arith.constant 3 : i32
          %add3A_449 = vector.broadcast %add3A_448 : i32 to vector<16xi32>
          %add3A_450 = arith.addi %add3A_434, %add3A_449 : vector<16xi32>
          %add3A_451 = arith.constant 4 : i32
          %add3A_452 = vector.broadcast %add3A_451 : i32 to vector<16xi32>
          %add3A_453 = arith.addi %add3A_434, %add3A_452 : vector<16xi32>
          %add3A_454 = arith.constant 5 : i32
          %add3A_455 = vector.broadcast %add3A_454 : i32 to vector<16xi32>
          %add3A_456 = arith.addi %add3A_434, %add3A_455 : vector<16xi32>
          %add3A_457 = arith.constant 6 : i32
          %add3A_458 = vector.broadcast %add3A_457 : i32 to vector<16xi32>
          %add3A_459 = arith.addi %add3A_434, %add3A_458 : vector<16xi32>
          %add3A_460 = arith.constant 7 : i32
          %add3A_461 = vector.broadcast %add3A_460 : i32 to vector<16xi32>
          %add3A_462 = arith.addi %add3A_434, %add3A_461 : vector<16xi32>
          %add3A_463 = arith.constant 0 : i32
          %add3A_464 = vector.broadcast %add3A_463 : i32 to vector<16xi32>
          %add3A_465 = arith.addi %add3A_438, %add3A_464 : vector<16xi32>
          %add3A_466 = arith.constant 1 : i32
          %add3A_467 = vector.broadcast %add3A_466 : i32 to vector<16xi32>
          %add3A_468 = arith.addi %add3A_438, %add3A_467 : vector<16xi32>
          %add3A_469 = arith.constant 2 : i32
          %add3A_470 = vector.broadcast %add3A_469 : i32 to vector<16xi32>
          %add3A_471 = arith.addi %add3A_438, %add3A_470 : vector<16xi32>
          %add3A_472 = arith.constant 3 : i32
          %add3A_473 = vector.broadcast %add3A_472 : i32 to vector<16xi32>
          %add3A_474 = arith.addi %add3A_438, %add3A_473 : vector<16xi32>
          %add3A_475 = arith.constant 4 : i32
          %add3A_476 = vector.broadcast %add3A_475 : i32 to vector<16xi32>
          %add3A_477 = arith.addi %add3A_438, %add3A_476 : vector<16xi32>
          %add3A_478 = arith.constant 5 : i32
          %add3A_479 = vector.broadcast %add3A_478 : i32 to vector<16xi32>
          %add3A_480 = arith.addi %add3A_438, %add3A_479 : vector<16xi32>
          %add3A_481 = arith.constant 6 : i32
          %add3A_482 = vector.broadcast %add3A_481 : i32 to vector<16xi32>
          %add3A_483 = arith.addi %add3A_438, %add3A_482 : vector<16xi32>
          %add3A_484 = arith.constant 7 : i32
          %add3A_485 = vector.broadcast %add3A_484 : i32 to vector<16xi32>
          %add3A_486 = arith.addi %add3A_438, %add3A_485 : vector<16xi32>
          %gather3A_487 = tpu.vector_load_idx %arg12[%add3A_441] : memref<16640xf32, #tpu.memory_space<vmem>>[vector<16xi32>], vector<16xf32>,
          %gather3A_488 = tpu.vector_load_idx %arg12[%add3A_444] : memref<16640xf32, #tpu.memory_space<vmem>>[vector<16xi32>], vector<16xf32>,
          %gather3A_489 = tpu.vector_load_idx %arg12[%add3A_447] : memref<16640xf32, #tpu.memory_space<vmem>>[vector<16xi32>], vector<16xf32>,
          %gather3A_490 = tpu.vector_load_idx %arg12[%add3A_450] : memref<16640xf32, #tpu.memory_space<vmem>>[vector<16xi32>], vector<16xf32>,
          %gather3A_491 = tpu.vector_load_idx %arg12[%add3A_453] : memref<16640xf32, #tpu.memory_space<vmem>>[vector<16xi32>], vector<16xf32>,
          %gather3A_492 = tpu.vector_load_idx %arg12[%add3A_456] : memref<16640xf32, #tpu.memory_space<vmem>>[vector<16xi32>], vector<16xf32>,
          %gather3A_493 = tpu.vector_load_idx %arg12[%add3A_459] : memref<16640xf32, #tpu.memory_space<vmem>>[vector<16xi32>], vector<16xf32>,
          %gather3A_494 = tpu.vector_load_idx %arg12[%add3A_462] : memref<16640xf32, #tpu.memory_space<vmem>>[vector<16xi32>], vector<16xf32>,
          %gather3A_495 = tpu.vector_load_idx %arg12[%add3A_465] : memref<16640xf32, #tpu.memory_space<vmem>>[vector<16xi32>], vector<16xf32>,
          %gather3A_496 = tpu.vector_load_idx %arg12[%add3A_468] : memref<16640xf32, #tpu.memory_space<vmem>>[vector<16xi32>], vector<16xf32>,
          %gather3A_497 = tpu.vector_load_idx %arg12[%add3A_471] : memref<16640xf32, #tpu.memory_space<vmem>>[vector<16xi32>], vector<16xf32>,
          %gather3A_498 = tpu.vector_load_idx %arg12[%add3A_474] : memref<16640xf32, #tpu.memory_space<vmem>>[vector<16xi32>], vector<16xf32>,
          %gather3A_499 = tpu.vector_load_idx %arg12[%add3A_477] : memref<16640xf32, #tpu.memory_space<vmem>>[vector<16xi32>], vector<16xf32>,
          %gather3A_500 = tpu.vector_load_idx %arg12[%add3A_480] : memref<16640xf32, #tpu.memory_space<vmem>>[vector<16xi32>], vector<16xf32>,
          %gather3A_501 = tpu.vector_load_idx %arg12[%add3A_483] : memref<16640xf32, #tpu.memory_space<vmem>>[vector<16xi32>], vector<16xf32>,
          %gather3A_502 = tpu.vector_load_idx %arg12[%add3A_486] : memref<16640xf32, #tpu.memory_space<vmem>>[vector<16xi32>], vector<16xf32>,
          %swap3A_503 = arith.constant 0 : i32
          %swap3A_504 = arith.constant 0 : i32
          %swap3A_505 = arith.index_cast %add3A_246 : i32 to index
          %swap3A_506 = arith.index_cast %swap3A_503 : i32 to index
          %swap3A_507 = arith.index_cast %swap3A_504 : i32 to index
          %swap3A_508 = arith.constant 32 : index
          %swap3A_509 = tpu.vector_load %arg10[%swap3A_505, %swap3A_506, %swap3A_507, %swap3A_508] {strides = array<i32>} : memref<8x2x8x128xf32, #tpu.memory_space<vmem>>, vector<16xf32>,
          tpu.vector_store %arg10[%swap3A_505, %swap3A_506, %swap3A_507, %swap3A_508], %gather3A_487 {strides = array<i32>} : memref<8x2x8x128xf32, #tpu.memory_space<vmem>>, vector<16xf32>,
          %swap3A_510 = arith.constant 0 : i32
          %swap3A_511 = arith.constant 1 : i32
          %swap3A_512 = arith.index_cast %add3A_246 : i32 to index
          %swap3A_513 = arith.index_cast %swap3A_510 : i32 to index
          %swap3A_514 = arith.index_cast %swap3A_511 : i32 to index
          %swap3A_515 = arith.constant 32 : index
          %swap3A_516 = tpu.vector_load %arg10[%swap3A_512, %swap3A_513, %swap3A_514, %swap3A_515] {strides = array<i32>} : memref<8x2x8x128xf32, #tpu.memory_space<vmem>>, vector<16xf32>,
          tpu.vector_store %arg10[%swap3A_512, %swap3A_513, %swap3A_514, %swap3A_515], %gather3A_488 {strides = array<i32>} : memref<8x2x8x128xf32, #tpu.memory_space<vmem>>, vector<16xf32>,
          %swap3A_517 = arith.constant 0 : i32
          %swap3A_518 = arith.constant 2 : i32
          %swap3A_519 = arith.index_cast %add3A_246 : i32 to index
          %swap3A_520 = arith.index_cast %swap3A_517 : i32 to index
          %swap3A_521 = arith.index_cast %swap3A_518 : i32 to index
          %swap3A_522 = arith.constant 32 : index
          %swap3A_523 = tpu.vector_load %arg10[%swap3A_519, %swap3A_520, %swap3A_521, %swap3A_522] {strides = array<i32>} : memref<8x2x8x128xf32, #tpu.memory_space<vmem>>, vector<16xf32>,
          tpu.vector_store %arg10[%swap3A_519, %swap3A_520, %swap3A_521, %swap3A_522], %gather3A_489 {strides = array<i32>} : memref<8x2x8x128xf32, #tpu.memory_space<vmem>>, vector<16xf32>,
          %swap3A_524 = arith.constant 0 : i32
          %swap3A_525 = arith.constant 3 : i32
          %swap3A_526 = arith.index_cast %add3A_246 : i32 to index
          %swap3A_527 = arith.index_cast %swap3A_524 : i32 to index
          %swap3A_528 = arith.index_cast %swap3A_525 : i32 to index
          %swap3A_529 = arith.constant 32 : index
          %swap3A_530 = tpu.vector_load %arg10[%swap3A_526, %swap3A_527, %swap3A_528, %swap3A_529] {strides = array<i32>} : memref<8x2x8x128xf32, #tpu.memory_space<vmem>>, vector<16xf32>,
          tpu.vector_store %arg10[%swap3A_526, %swap3A_527, %swap3A_528, %swap3A_529], %gather3A_490 {strides = array<i32>} : memref<8x2x8x128xf32, #tpu.memory_space<vmem>>, vector<16xf32>,
          %swap3A_531 = arith.constant 0 : i32
          %swap3A_532 = arith.constant 4 : i32
          %swap3A_533 = arith.index_cast %add3A_246 : i32 to index
          %swap3A_534 = arith.index_cast %swap3A_531 : i32 to index
          %swap3A_535 = arith.index_cast %swap3A_532 : i32 to index
          %swap3A_536 = arith.constant 32 : index
          %swap3A_537 = tpu.vector_load %arg10[%swap3A_533, %swap3A_534, %swap3A_535, %swap3A_536] {strides = array<i32>} : memref<8x2x8x128xf32, #tpu.memory_space<vmem>>, vector<16xf32>,
          tpu.vector_store %arg10[%swap3A_533, %swap3A_534, %swap3A_535, %swap3A_536], %gather3A_491 {strides = array<i32>} : memref<8x2x8x128xf32, #tpu.memory_space<vmem>>, vector<16xf32>,
          %swap3A_538 = arith.constant 0 : i32
          %swap3A_539 = arith.constant 5 : i32
          %swap3A_540 = arith.index_cast %add3A_246 : i32 to index
          %swap3A_541 = arith.index_cast %swap3A_538 : i32 to index
          %swap3A_542 = arith.index_cast %swap3A_539 : i32 to index
          %swap3A_543 = arith.constant 32 : index
          %swap3A_544 = tpu.vector_load %arg10[%swap3A_540, %swap3A_541, %swap3A_542, %swap3A_543] {strides = array<i32>} : memref<8x2x8x128xf32, #tpu.memory_space<vmem>>, vector<16xf32>,
          tpu.vector_store %arg10[%swap3A_540, %swap3A_541, %swap3A_542, %swap3A_543], %gather3A_492 {strides = array<i32>} : memref<8x2x8x128xf32, #tpu.memory_space<vmem>>, vector<16xf32>,
          %swap3A_545 = arith.constant 0 : i32
          %swap3A_546 = arith.constant 6 : i32
          %swap3A_547 = arith.index_cast %add3A_246 : i32 to index
          %swap3A_548 = arith.index_cast %swap3A_545 : i32 to index
          %swap3A_549 = arith.index_cast %swap3A_546 : i32 to index
          %swap3A_550 = arith.constant 32 : index
          %swap3A_551 = tpu.vector_load %arg10[%swap3A_547, %swap3A_548, %swap3A_549, %swap3A_550] {strides = array<i32>} : memref<8x2x8x128xf32, #tpu.memory_space<vmem>>, vector<16xf32>,
          tpu.vector_store %arg10[%swap3A_547, %swap3A_548, %swap3A_549, %swap3A_550], %gather3A_493 {strides = array<i32>} : memref<8x2x8x128xf32, #tpu.memory_space<vmem>>, vector<16xf32>,
          %swap3A_552 = arith.constant 0 : i32
          %swap3A_553 = arith.constant 7 : i32
          %swap3A_554 = arith.index_cast %add3A_246 : i32 to index
          %swap3A_555 = arith.index_cast %swap3A_552 : i32 to index
          %swap3A_556 = arith.index_cast %swap3A_553 : i32 to index
          %swap3A_557 = arith.constant 32 : index
          %swap3A_558 = tpu.vector_load %arg10[%swap3A_554, %swap3A_555, %swap3A_556, %swap3A_557] {strides = array<i32>} : memref<8x2x8x128xf32, #tpu.memory_space<vmem>>, vector<16xf32>,
          tpu.vector_store %arg10[%swap3A_554, %swap3A_555, %swap3A_556, %swap3A_557], %gather3A_494 {strides = array<i32>} : memref<8x2x8x128xf32, #tpu.memory_space<vmem>>, vector<16xf32>,
          %swap3A_559 = arith.constant 0 : i32
          %swap3A_560 = arith.constant 0 : i32
          %swap3A_561 = arith.index_cast %add3A_246 : i32 to index
          %swap3A_562 = arith.index_cast %swap3A_559 : i32 to index
          %swap3A_563 = arith.index_cast %swap3A_560 : i32 to index
          %swap3A_564 = arith.constant 48 : index
          %swap3A_565 = tpu.vector_load %arg10[%swap3A_561, %swap3A_562, %swap3A_563, %swap3A_564] {strides = array<i32>} : memref<8x2x8x128xf32, #tpu.memory_space<vmem>>, vector<16xf32>,
          tpu.vector_store %arg10[%swap3A_561, %swap3A_562, %swap3A_563, %swap3A_564], %gather3A_495 {strides = array<i32>} : memref<8x2x8x128xf32, #tpu.memory_space<vmem>>, vector<16xf32>,
          %swap3A_566 = arith.constant 0 : i32
          %swap3A_567 = arith.constant 1 : i32
          %swap3A_568 = arith.index_cast %add3A_246 : i32 to index
          %swap3A_569 = arith.index_cast %swap3A_566 : i32 to index
          %swap3A_570 = arith.index_cast %swap3A_567 : i32 to index
          %swap3A_571 = arith.constant 48 : index
          %swap3A_572 = tpu.vector_load %arg10[%swap3A_568, %swap3A_569, %swap3A_570, %swap3A_571] {strides = array<i32>} : memref<8x2x8x128xf32, #tpu.memory_space<vmem>>, vector<16xf32>,
          tpu.vector_store %arg10[%swap3A_568, %swap3A_569, %swap3A_570, %swap3A_571], %gather3A_496 {strides = array<i32>} : memref<8x2x8x128xf32, #tpu.memory_space<vmem>>, vector<16xf32>,
          %swap3A_573 = arith.constant 0 : i32
          %swap3A_574 = arith.constant 2 : i32
          %swap3A_575 = arith.index_cast %add3A_246 : i32 to index
          %swap3A_576 = arith.index_cast %swap3A_573 : i32 to index
          %swap3A_577 = arith.index_cast %swap3A_574 : i32 to index
          %swap3A_578 = arith.constant 48 : index
          %swap3A_579 = tpu.vector_load %arg10[%swap3A_575, %swap3A_576, %swap3A_577, %swap3A_578] {strides = array<i32>} : memref<8x2x8x128xf32, #tpu.memory_space<vmem>>, vector<16xf32>,
          tpu.vector_store %arg10[%swap3A_575, %swap3A_576, %swap3A_577, %swap3A_578], %gather3A_497 {strides = array<i32>} : memref<8x2x8x128xf32, #tpu.memory_space<vmem>>, vector<16xf32>,
          %swap3A_580 = arith.constant 0 : i32
          %swap3A_581 = arith.constant 3 : i32
          %swap3A_582 = arith.index_cast %add3A_246 : i32 to index
          %swap3A_583 = arith.index_cast %swap3A_580 : i32 to index
          %swap3A_584 = arith.index_cast %swap3A_581 : i32 to index
          %swap3A_585 = arith.constant 48 : index
          %swap3A_586 = tpu.vector_load %arg10[%swap3A_582, %swap3A_583, %swap3A_584, %swap3A_585] {strides = array<i32>} : memref<8x2x8x128xf32, #tpu.memory_space<vmem>>, vector<16xf32>,
          tpu.vector_store %arg10[%swap3A_582, %swap3A_583, %swap3A_584, %swap3A_585], %gather3A_498 {strides = array<i32>} : memref<8x2x8x128xf32, #tpu.memory_space<vmem>>, vector<16xf32>,
          %swap3A_587 = arith.constant 0 : i32
          %swap3A_588 = arith.constant 4 : i32
          %swap3A_589 = arith.index_cast %add3A_246 : i32 to index
          %swap3A_590 = arith.index_cast %swap3A_587 : i32 to index
          %swap3A_591 = arith.index_cast %swap3A_588 : i32 to index
          %swap3A_592 = arith.constant 48 : index
          %swap3A_593 = tpu.vector_load %arg10[%swap3A_589, %swap3A_590, %swap3A_591, %swap3A_592] {strides = array<i32>} : memref<8x2x8x128xf32, #tpu.memory_space<vmem>>, vector<16xf32>,
          tpu.vector_store %arg10[%swap3A_589, %swap3A_590, %swap3A_591, %swap3A_592], %gather3A_499 {strides = array<i32>} : memref<8x2x8x128xf32, #tpu.memory_space<vmem>>, vector<16xf32>,
          %swap3A_594 = arith.constant 0 : i32
          %swap3A_595 = arith.constant 5 : i32
          %swap3A_596 = arith.index_cast %add3A_246 : i32 to index
          %swap3A_597 = arith.index_cast %swap3A_594 : i32 to index
          %swap3A_598 = arith.index_cast %swap3A_595 : i32 to index
          %swap3A_599 = arith.constant 48 : index
          %swap3A_600 = tpu.vector_load %arg10[%swap3A_596, %swap3A_597, %swap3A_598, %swap3A_599] {strides = array<i32>} : memref<8x2x8x128xf32, #tpu.memory_space<vmem>>, vector<16xf32>,
          tpu.vector_store %arg10[%swap3A_596, %swap3A_597, %swap3A_598, %swap3A_599], %gather3A_500 {strides = array<i32>} : memref<8x2x8x128xf32, #tpu.memory_space<vmem>>, vector<16xf32>,
          %swap3A_601 = arith.constant 0 : i32
          %swap3A_602 = arith.constant 6 : i32
          %swap3A_603 = arith.index_cast %add3A_246 : i32 to index
          %swap3A_604 = arith.index_cast %swap3A_601 : i32 to index
          %swap3A_605 = arith.index_cast %swap3A_602 : i32 to index
          %swap3A_606 = arith.constant 48 : index
          %swap3A_607 = tpu.vector_load %arg10[%swap3A_603, %swap3A_604, %swap3A_605, %swap3A_606] {strides = array<i32>} : memref<8x2x8x128xf32, #tpu.memory_space<vmem>>, vector<16xf32>,
          tpu.vector_store %arg10[%swap3A_603, %swap3A_604, %swap3A_605, %swap3A_606], %gather3A_501 {strides = array<i32>} : memref<8x2x8x128xf32, #tpu.memory_space<vmem>>, vector<16xf32>,
          %swap3A_608 = arith.constant 0 : i32
          %swap3A_609 = arith.constant 7 : i32
          %swap3A_610 = arith.index_cast %add3A_246 : i32 to index
          %swap3A_611 = arith.index_cast %swap3A_608 : i32 to index
          %swap3A_612 = arith.index_cast %swap3A_609 : i32 to index
          %swap3A_613 = arith.constant 48 : index
          %swap3A_614 = tpu.vector_load %arg10[%swap3A_610, %swap3A_611, %swap3A_612, %swap3A_613] {strides = array<i32>} : memref<8x2x8x128xf32, #tpu.memory_space<vmem>>, vector<16xf32>,
          tpu.vector_store %arg10[%swap3A_610, %swap3A_611, %swap3A_612, %swap3A_613], %gather3A_502 {strides = array<i32>} : memref<8x2x8x128xf32, #tpu.memory_space<vmem>>, vector<16xf32>,
          %add3A_615 = arith.constant 4160 : i32
          %add3A_616 = arith.addi %add3A_615, %mul3A_248 : i32
          %add3A_617 = vector.broadcast %add3A_616 : i32 to vector<16xi32>
          %add3A_618 = arith.addi %mul3A_224, %add3A_617 : vector<16xi32>
          %add3A_619 = arith.constant 5200 : i32
          %add3A_620 = arith.addi %add3A_619, %mul3A_248 : i32
          %add3A_621 = vector.broadcast %add3A_620 : i32 to vector<16xi32>
          %add3A_622 = arith.addi %mul3A_224, %add3A_621 : vector<16xi32>
          %add3A_623 = arith.constant 0 : i32
          %add3A_624 = vector.broadcast %add3A_623 : i32 to vector<16xi32>
          %add3A_625 = arith.addi %add3A_618, %add3A_624 : vector<16xi32>
          %add3A_626 = arith.constant 1 : i32
          %add3A_627 = vector.broadcast %add3A_626 : i32 to vector<16xi32>
          %add3A_628 = arith.addi %add3A_618, %add3A_627 : vector<16xi32>
          %add3A_629 = arith.constant 2 : i32
          %add3A_630 = vector.broadcast %add3A_629 : i32 to vector<16xi32>
          %add3A_631 = arith.addi %add3A_618, %add3A_630 : vector<16xi32>
          %add3A_632 = arith.constant 3 : i32
          %add3A_633 = vector.broadcast %add3A_632 : i32 to vector<16xi32>
          %add3A_634 = arith.addi %add3A_618, %add3A_633 : vector<16xi32>
          %add3A_635 = arith.constant 4 : i32
          %add3A_636 = vector.broadcast %add3A_635 : i32 to vector<16xi32>
          %add3A_637 = arith.addi %add3A_618, %add3A_636 : vector<16xi32>
          %add3A_638 = arith.constant 5 : i32
          %add3A_639 = vector.broadcast %add3A_638 : i32 to vector<16xi32>
          %add3A_640 = arith.addi %add3A_618, %add3A_639 : vector<16xi32>
          %add3A_641 = arith.constant 6 : i32
          %add3A_642 = vector.broadcast %add3A_641 : i32 to vector<16xi32>
          %add3A_643 = arith.addi %add3A_618, %add3A_642 : vector<16xi32>
          %add3A_644 = arith.constant 7 : i32
          %add3A_645 = vector.broadcast %add3A_644 : i32 to vector<16xi32>
          %add3A_646 = arith.addi %add3A_618, %add3A_645 : vector<16xi32>
          %add3A_647 = arith.constant 0 : i32
          %add3A_648 = vector.broadcast %add3A_647 : i32 to vector<16xi32>
          %add3A_649 = arith.addi %add3A_622, %add3A_648 : vector<16xi32>
          %add3A_650 = arith.constant 1 : i32
          %add3A_651 = vector.broadcast %add3A_650 : i32 to vector<16xi32>
          %add3A_652 = arith.addi %add3A_622, %add3A_651 : vector<16xi32>
          %add3A_653 = arith.constant 2 : i32
          %add3A_654 = vector.broadcast %add3A_653 : i32 to vector<16xi32>
          %add3A_655 = arith.addi %add3A_622, %add3A_654 : vector<16xi32>
          %add3A_656 = arith.constant 3 : i32
          %add3A_657 = vector.broadcast %add3A_656 : i32 to vector<16xi32>
          %add3A_658 = arith.addi %add3A_622, %add3A_657 : vector<16xi32>
          %add3A_659 = arith.constant 4 : i32
          %add3A_660 = vector.broadcast %add3A_659 : i32 to vector<16xi32>
          %add3A_661 = arith.addi %add3A_622, %add3A_660 : vector<16xi32>
          %add3A_662 = arith.constant 5 : i32
          %add3A_663 = vector.broadcast %add3A_662 : i32 to vector<16xi32>
          %add3A_664 = arith.addi %add3A_622, %add3A_663 : vector<16xi32>
          %add3A_665 = arith.constant 6 : i32
          %add3A_666 = vector.broadcast %add3A_665 : i32 to vector<16xi32>
          %add3A_667 = arith.addi %add3A_622, %add3A_666 : vector<16xi32>
          %add3A_668 = arith.constant 7 : i32
          %add3A_669 = vector.broadcast %add3A_668 : i32 to vector<16xi32>
          %add3A_670 = arith.addi %add3A_622, %add3A_669 : vector<16xi32>
          %gather3A_671 = tpu.vector_load_idx %arg12[%add3A_625] : memref<16640xf32, #tpu.memory_space<vmem>>[vector<16xi32>], vector<16xf32>,
          %gather3A_672 = tpu.vector_load_idx %arg12[%add3A_628] : memref<16640xf32, #tpu.memory_space<vmem>>[vector<16xi32>], vector<16xf32>,
          %gather3A_673 = tpu.vector_load_idx %arg12[%add3A_631] : memref<16640xf32, #tpu.memory_space<vmem>>[vector<16xi32>], vector<16xf32>,
          %gather3A_674 = tpu.vector_load_idx %arg12[%add3A_634] : memref<16640xf32, #tpu.memory_space<vmem>>[vector<16xi32>], vector<16xf32>,
          %gather3A_675 = tpu.vector_load_idx %arg12[%add3A_637] : memref<16640xf32, #tpu.memory_space<vmem>>[vector<16xi32>], vector<16xf32>,
          %gather3A_676 = tpu.vector_load_idx %arg12[%add3A_640] : memref<16640xf32, #tpu.memory_space<vmem>>[vector<16xi32>], vector<16xf32>,
          %gather3A_677 = tpu.vector_load_idx %arg12[%add3A_643] : memref<16640xf32, #tpu.memory_space<vmem>>[vector<16xi32>], vector<16xf32>,
          %gather3A_678 = tpu.vector_load_idx %arg12[%add3A_646] : memref<16640xf32, #tpu.memory_space<vmem>>[vector<16xi32>], vector<16xf32>,
          %gather3A_679 = tpu.vector_load_idx %arg12[%add3A_649] : memref<16640xf32, #tpu.memory_space<vmem>>[vector<16xi32>], vector<16xf32>,
          %gather3A_680 = tpu.vector_load_idx %arg12[%add3A_652] : memref<16640xf32, #tpu.memory_space<vmem>>[vector<16xi32>], vector<16xf32>,
          %gather3A_681 = tpu.vector_load_idx %arg12[%add3A_655] : memref<16640xf32, #tpu.memory_space<vmem>>[vector<16xi32>], vector<16xf32>,
          %gather3A_682 = tpu.vector_load_idx %arg12[%add3A_658] : memref<16640xf32, #tpu.memory_space<vmem>>[vector<16xi32>], vector<16xf32>,
          %gather3A_683 = tpu.vector_load_idx %arg12[%add3A_661] : memref<16640xf32, #tpu.memory_space<vmem>>[vector<16xi32>], vector<16xf32>,
          %gather3A_684 = tpu.vector_load_idx %arg12[%add3A_664] : memref<16640xf32, #tpu.memory_space<vmem>>[vector<16xi32>], vector<16xf32>,
          %gather3A_685 = tpu.vector_load_idx %arg12[%add3A_667] : memref<16640xf32, #tpu.memory_space<vmem>>[vector<16xi32>], vector<16xf32>,
          %gather3A_686 = tpu.vector_load_idx %arg12[%add3A_670] : memref<16640xf32, #tpu.memory_space<vmem>>[vector<16xi32>], vector<16xf32>,
          %swap3A_687 = arith.constant 0 : i32
          %swap3A_688 = arith.constant 0 : i32
          %swap3A_689 = arith.index_cast %add3A_246 : i32 to index
          %swap3A_690 = arith.index_cast %swap3A_687 : i32 to index
          %swap3A_691 = arith.index_cast %swap3A_688 : i32 to index
          %swap3A_692 = arith.constant 64 : index
          %swap3A_693 = tpu.vector_load %arg10[%swap3A_689, %swap3A_690, %swap3A_691, %swap3A_692] {strides = array<i32>} : memref<8x2x8x128xf32, #tpu.memory_space<vmem>>, vector<16xf32>,
          tpu.vector_store %arg10[%swap3A_689, %swap3A_690, %swap3A_691, %swap3A_692], %gather3A_671 {strides = array<i32>} : memref<8x2x8x128xf32, #tpu.memory_space<vmem>>, vector<16xf32>,
          %swap3A_694 = arith.constant 0 : i32
          %swap3A_695 = arith.constant 1 : i32
          %swap3A_696 = arith.index_cast %add3A_246 : i32 to index
          %swap3A_697 = arith.index_cast %swap3A_694 : i32 to index
          %swap3A_698 = arith.index_cast %swap3A_695 : i32 to index
          %swap3A_699 = arith.constant 64 : index
          %swap3A_700 = tpu.vector_load %arg10[%swap3A_696, %swap3A_697, %swap3A_698, %swap3A_699] {strides = array<i32>} : memref<8x2x8x128xf32, #tpu.memory_space<vmem>>, vector<16xf32>,
          tpu.vector_store %arg10[%swap3A_696, %swap3A_697, %swap3A_698, %swap3A_699], %gather3A_672 {strides = array<i32>} : memref<8x2x8x128xf32, #tpu.memory_space<vmem>>, vector<16xf32>,
          %swap3A_701 = arith.constant 0 : i32
          %swap3A_702 = arith.constant 2 : i32
          %swap3A_703 = arith.index_cast %add3A_246 : i32 to index
          %swap3A_704 = arith.index_cast %swap3A_701 : i32 to index
          %swap3A_705 = arith.index_cast %swap3A_702 : i32 to index
          %swap3A_706 = arith.constant 64 : index
          %swap3A_707 = tpu.vector_load %arg10[%swap3A_703, %swap3A_704, %swap3A_705, %swap3A_706] {strides = array<i32>} : memref<8x2x8x128xf32, #tpu.memory_space<vmem>>, vector<16xf32>,
          tpu.vector_store %arg10[%swap3A_703, %swap3A_704, %swap3A_705, %swap3A_706], %gather3A_673 {strides = array<i32>} : memref<8x2x8x128xf32, #tpu.memory_space<vmem>>, vector<16xf32>,
          %swap3A_708 = arith.constant 0 : i32
          %swap3A_709 = arith.constant 3 : i32
          %swap3A_710 = arith.index_cast %add3A_246 : i32 to index
          %swap3A_711 = arith.index_cast %swap3A_708 : i32 to index
          %swap3A_712 = arith.index_cast %swap3A_709 : i32 to index
          %swap3A_713 = arith.constant 64 : index
          %swap3A_714 = tpu.vector_load %arg10[%swap3A_710, %swap3A_711, %swap3A_712, %swap3A_713] {strides = array<i32>} : memref<8x2x8x128xf32, #tpu.memory_space<vmem>>, vector<16xf32>,
          tpu.vector_store %arg10[%swap3A_710, %swap3A_711, %swap3A_712, %swap3A_713], %gather3A_674 {strides = array<i32>} : memref<8x2x8x128xf32, #tpu.memory_space<vmem>>, vector<16xf32>,
          %swap3A_715 = arith.constant 0 : i32
          %swap3A_716 = arith.constant 4 : i32
          %swap3A_717 = arith.index_cast %add3A_246 : i32 to index
          %swap3A_718 = arith.index_cast %swap3A_715 : i32 to index
          %swap3A_719 = arith.index_cast %swap3A_716 : i32 to index
          %swap3A_720 = arith.constant 64 : index
          %swap3A_721 = tpu.vector_load %arg10[%swap3A_717, %swap3A_718, %swap3A_719, %swap3A_720] {strides = array<i32>} : memref<8x2x8x128xf32, #tpu.memory_space<vmem>>, vector<16xf32>,
          tpu.vector_store %arg10[%swap3A_717, %swap3A_718, %swap3A_719, %swap3A_720], %gather3A_675 {strides = array<i32>} : memref<8x2x8x128xf32, #tpu.memory_space<vmem>>, vector<16xf32>,
          %swap3A_722 = arith.constant 0 : i32
          %swap3A_723 = arith.constant 5 : i32
          %swap3A_724 = arith.index_cast %add3A_246 : i32 to index
          %swap3A_725 = arith.index_cast %swap3A_722 : i32 to index
          %swap3A_726 = arith.index_cast %swap3A_723 : i32 to index
          %swap3A_727 = arith.constant 64 : index
          %swap3A_728 = tpu.vector_load %arg10[%swap3A_724, %swap3A_725, %swap3A_726, %swap3A_727] {strides = array<i32>} : memref<8x2x8x128xf32, #tpu.memory_space<vmem>>, vector<16xf32>,
          tpu.vector_store %arg10[%swap3A_724, %swap3A_725, %swap3A_726, %swap3A_727], %gather3A_676 {strides = array<i32>} : memref<8x2x8x128xf32, #tpu.memory_space<vmem>>, vector<16xf32>,
          %swap3A_729 = arith.constant 0 : i32
          %swap3A_730 = arith.constant 6 : i32
          %swap3A_731 = arith.index_cast %add3A_246 : i32 to index
          %swap3A_732 = arith.index_cast %swap3A_729 : i32 to index
          %swap3A_733 = arith.index_cast %swap3A_730 : i32 to index
          %swap3A_734 = arith.constant 64 : index
          %swap3A_735 = tpu.vector_load %arg10[%swap3A_731, %swap3A_732, %swap3A_733, %swap3A_734] {strides = array<i32>} : memref<8x2x8x128xf32, #tpu.memory_space<vmem>>, vector<16xf32>,
          tpu.vector_store %arg10[%swap3A_731, %swap3A_732, %swap3A_733, %swap3A_734], %gather3A_677 {strides = array<i32>} : memref<8x2x8x128xf32, #tpu.memory_space<vmem>>, vector<16xf32>,
          %swap3A_736 = arith.constant 0 : i32
          %swap3A_737 = arith.constant 7 : i32
          %swap3A_738 = arith.index_cast %add3A_246 : i32 to index
          %swap3A_739 = arith.index_cast %swap3A_736 : i32 to index
          %swap3A_740 = arith.index_cast %swap3A_737 : i32 to index
          %swap3A_741 = arith.constant 64 : index
          %swap3A_742 = tpu.vector_load %arg10[%swap3A_738, %swap3A_739, %swap3A_740, %swap3A_741] {strides = array<i32>} : memref<8x2x8x128xf32, #tpu.memory_space<vmem>>, vector<16xf32>,
          tpu.vector_store %arg10[%swap3A_738, %swap3A_739, %swap3A_740, %swap3A_741], %gather3A_678 {strides = array<i32>} : memref<8x2x8x128xf32, #tpu.memory_space<vmem>>, vector<16xf32>,
          %swap3A_743 = arith.constant 0 : i32
          %swap3A_744 = arith.constant 0 : i32
          %swap3A_745 = arith.index_cast %add3A_246 : i32 to index
          %swap3A_746 = arith.index_cast %swap3A_743 : i32 to index
          %swap3A_747 = arith.index_cast %swap3A_744 : i32 to index
          %swap3A_748 = arith.constant 80 : index
          %swap3A_749 = tpu.vector_load %arg10[%swap3A_745, %swap3A_746, %swap3A_747, %swap3A_748] {strides = array<i32>} : memref<8x2x8x128xf32, #tpu.memory_space<vmem>>, vector<16xf32>,
          tpu.vector_store %arg10[%swap3A_745, %swap3A_746, %swap3A_747, %swap3A_748], %gather3A_679 {strides = array<i32>} : memref<8x2x8x128xf32, #tpu.memory_space<vmem>>, vector<16xf32>,
          %swap3A_750 = arith.constant 0 : i32
          %swap3A_751 = arith.constant 1 : i32
          %swap3A_752 = arith.index_cast %add3A_246 : i32 to index
          %swap3A_753 = arith.index_cast %swap3A_750 : i32 to index
          %swap3A_754 = arith.index_cast %swap3A_751 : i32 to index
          %swap3A_755 = arith.constant 80 : index
          %swap3A_756 = tpu.vector_load %arg10[%swap3A_752, %swap3A_753, %swap3A_754, %swap3A_755] {strides = array<i32>} : memref<8x2x8x128xf32, #tpu.memory_space<vmem>>, vector<16xf32>,
          tpu.vector_store %arg10[%swap3A_752, %swap3A_753, %swap3A_754, %swap3A_755], %gather3A_680 {strides = array<i32>} : memref<8x2x8x128xf32, #tpu.memory_space<vmem>>, vector<16xf32>,
          %swap3A_757 = arith.constant 0 : i32
          %swap3A_758 = arith.constant 2 : i32
          %swap3A_759 = arith.index_cast %add3A_246 : i32 to index
          %swap3A_760 = arith.index_cast %swap3A_757 : i32 to index
          %swap3A_761 = arith.index_cast %swap3A_758 : i32 to index
          %swap3A_762 = arith.constant 80 : index
          %swap3A_763 = tpu.vector_load %arg10[%swap3A_759, %swap3A_760, %swap3A_761, %swap3A_762] {strides = array<i32>} : memref<8x2x8x128xf32, #tpu.memory_space<vmem>>, vector<16xf32>,
          tpu.vector_store %arg10[%swap3A_759, %swap3A_760, %swap3A_761, %swap3A_762], %gather3A_681 {strides = array<i32>} : memref<8x2x8x128xf32, #tpu.memory_space<vmem>>, vector<16xf32>,
          %swap3A_764 = arith.constant 0 : i32
          %swap3A_765 = arith.constant 3 : i32
          %swap3A_766 = arith.index_cast %add3A_246 : i32 to index
          %swap3A_767 = arith.index_cast %swap3A_764 : i32 to index
          %swap3A_768 = arith.index_cast %swap3A_765 : i32 to index
          %swap3A_769 = arith.constant 80 : index
          %swap3A_770 = tpu.vector_load %arg10[%swap3A_766, %swap3A_767, %swap3A_768, %swap3A_769] {strides = array<i32>} : memref<8x2x8x128xf32, #tpu.memory_space<vmem>>, vector<16xf32>,
          tpu.vector_store %arg10[%swap3A_766, %swap3A_767, %swap3A_768, %swap3A_769], %gather3A_682 {strides = array<i32>} : memref<8x2x8x128xf32, #tpu.memory_space<vmem>>, vector<16xf32>,
          %swap3A_771 = arith.constant 0 : i32
          %swap3A_772 = arith.constant 4 : i32
          %swap3A_773 = arith.index_cast %add3A_246 : i32 to index
          %swap3A_774 = arith.index_cast %swap3A_771 : i32 to index
          %swap3A_775 = arith.index_cast %swap3A_772 : i32 to index
          %swap3A_776 = arith.constant 80 : index
          %swap3A_777 = tpu.vector_load %arg10[%swap3A_773, %swap3A_774, %swap3A_775, %swap3A_776] {strides = array<i32>} : memref<8x2x8x128xf32, #tpu.memory_space<vmem>>, vector<16xf32>,
          tpu.vector_store %arg10[%swap3A_773, %swap3A_774, %swap3A_775, %swap3A_776], %gather3A_683 {strides = array<i32>} : memref<8x2x8x128xf32, #tpu.memory_space<vmem>>, vector<16xf32>,
          %swap3A_778 = arith.constant 0 : i32
          %swap3A_779 = arith.constant 5 : i32
          %swap3A_780 = arith.index_cast %add3A_246 : i32 to index
          %swap3A_781 = arith.index_cast %swap3A_778 : i32 to index
          %swap3A_782 = arith.index_cast %swap3A_779 : i32 to index
          %swap3A_783 = arith.constant 80 : index
          %swap3A_784 = tpu.vector_load %arg10[%swap3A_780, %swap3A_781, %swap3A_782, %swap3A_783] {strides = array<i32>} : memref<8x2x8x128xf32, #tpu.memory_space<vmem>>, vector<16xf32>,
          tpu.vector_store %arg10[%swap3A_780, %swap3A_781, %swap3A_782, %swap3A_783], %gather3A_684 {strides = array<i32>} : memref<8x2x8x128xf32, #tpu.memory_space<vmem>>, vector<16xf32>,
          %swap3A_785 = arith.constant 0 : i32
          %swap3A_786 = arith.constant 6 : i32
          %swap3A_787 = arith.index_cast %add3A_246 : i32 to index
          %swap3A_788 = arith.index_cast %swap3A_785 : i32 to index
          %swap3A_789 = arith.index_cast %swap3A_786 : i32 to index
          %swap3A_790 = arith.constant 80 : index
          %swap3A_791 = tpu.vector_load %arg10[%swap3A_787, %swap3A_788, %swap3A_789, %swap3A_790] {strides = array<i32>} : memref<8x2x8x128xf32, #tpu.memory_space<vmem>>, vector<16xf32>,
          tpu.vector_store %arg10[%swap3A_787, %swap3A_788, %swap3A_789, %swap3A_790], %gather3A_685 {strides = array<i32>} : memref<8x2x8x128xf32, #tpu.memory_space<vmem>>, vector<16xf32>,
          %swap3A_792 = arith.constant 0 : i32
          %swap3A_793 = arith.constant 7 : i32
          %swap3A_794 = arith.index_cast %add3A_246 : i32 to index
          %swap3A_795 = arith.index_cast %swap3A_792 : i32 to index
          %swap3A_796 = arith.index_cast %swap3A_793 : i32 to index
          %swap3A_797 = arith.constant 80 : index
          %swap3A_798 = tpu.vector_load %arg10[%swap3A_794, %swap3A_795, %swap3A_796, %swap3A_797] {strides = array<i32>} : memref<8x2x8x128xf32, #tpu.memory_space<vmem>>, vector<16xf32>,
          tpu.vector_store %arg10[%swap3A_794, %swap3A_795, %swap3A_796, %swap3A_797], %gather3A_686 {strides = array<i32>} : memref<8x2x8x128xf32, #tpu.memory_space<vmem>>, vector<16xf32>,
          %add3A_799 = arith.constant 6240 : i32
          %add3A_800 = arith.addi %add3A_799, %mul3A_248 : i32
          %add3A_801 = vector.broadcast %add3A_800 : i32 to vector<16xi32>
          %add3A_802 = arith.addi %mul3A_224, %add3A_801 : vector<16xi32>
          %add3A_803 = arith.constant 7280 : i32
          %add3A_804 = arith.addi %add3A_803, %mul3A_248 : i32
          %add3A_805 = vector.broadcast %add3A_804 : i32 to vector<16xi32>
          %add3A_806 = arith.addi %mul3A_224, %add3A_805 : vector<16xi32>
          %add3A_807 = arith.constant 0 : i32
          %add3A_808 = vector.broadcast %add3A_807 : i32 to vector<16xi32>
          %add3A_809 = arith.addi %add3A_802, %add3A_808 : vector<16xi32>
          %add3A_810 = arith.constant 1 : i32
          %add3A_811 = vector.broadcast %add3A_810 : i32 to vector<16xi32>
          %add3A_812 = arith.addi %add3A_802, %add3A_811 : vector<16xi32>
          %add3A_813 = arith.constant 2 : i32
          %add3A_814 = vector.broadcast %add3A_813 : i32 to vector<16xi32>
          %add3A_815 = arith.addi %add3A_802, %add3A_814 : vector<16xi32>
          %add3A_816 = arith.constant 3 : i32
          %add3A_817 = vector.broadcast %add3A_816 : i32 to vector<16xi32>
          %add3A_818 = arith.addi %add3A_802, %add3A_817 : vector<16xi32>
          %add3A_819 = arith.constant 4 : i32
          %add3A_820 = vector.broadcast %add3A_819 : i32 to vector<16xi32>
          %add3A_821 = arith.addi %add3A_802, %add3A_820 : vector<16xi32>
          %add3A_822 = arith.constant 5 : i32
          %add3A_823 = vector.broadcast %add3A_822 : i32 to vector<16xi32>
          %add3A_824 = arith.addi %add3A_802, %add3A_823 : vector<16xi32>
          %add3A_825 = arith.constant 6 : i32
          %add3A_826 = vector.broadcast %add3A_825 : i32 to vector<16xi32>
          %add3A_827 = arith.addi %add3A_802, %add3A_826 : vector<16xi32>
          %add3A_828 = arith.constant 7 : i32
          %add3A_829 = vector.broadcast %add3A_828 : i32 to vector<16xi32>
          %add3A_830 = arith.addi %add3A_802, %add3A_829 : vector<16xi32>
          %add3A_831 = arith.constant 0 : i32
          %add3A_832 = vector.broadcast %add3A_831 : i32 to vector<16xi32>
          %add3A_833 = arith.addi %add3A_806, %add3A_832 : vector<16xi32>
          %add3A_834 = arith.constant 1 : i32
          %add3A_835 = vector.broadcast %add3A_834 : i32 to vector<16xi32>
          %add3A_836 = arith.addi %add3A_806, %add3A_835 : vector<16xi32>
          %add3A_837 = arith.constant 2 : i32
          %add3A_838 = vector.broadcast %add3A_837 : i32 to vector<16xi32>
          %add3A_839 = arith.addi %add3A_806, %add3A_838 : vector<16xi32>
          %add3A_840 = arith.constant 3 : i32
          %add3A_841 = vector.broadcast %add3A_840 : i32 to vector<16xi32>
          %add3A_842 = arith.addi %add3A_806, %add3A_841 : vector<16xi32>
          %add3A_843 = arith.constant 4 : i32
          %add3A_844 = vector.broadcast %add3A_843 : i32 to vector<16xi32>
          %add3A_845 = arith.addi %add3A_806, %add3A_844 : vector<16xi32>
          %add3A_846 = arith.constant 5 : i32
          %add3A_847 = vector.broadcast %add3A_846 : i32 to vector<16xi32>
          %add3A_848 = arith.addi %add3A_806, %add3A_847 : vector<16xi32>
          %add3A_849 = arith.constant 6 : i32
          %add3A_850 = vector.broadcast %add3A_849 : i32 to vector<16xi32>
          %add3A_851 = arith.addi %add3A_806, %add3A_850 : vector<16xi32>
          %add3A_852 = arith.constant 7 : i32
          %add3A_853 = vector.broadcast %add3A_852 : i32 to vector<16xi32>
          %add3A_854 = arith.addi %add3A_806, %add3A_853 : vector<16xi32>
          %gather3A_855 = tpu.vector_load_idx %arg12[%add3A_809] : memref<16640xf32, #tpu.memory_space<vmem>>[vector<16xi32>], vector<16xf32>,
          %gather3A_856 = tpu.vector_load_idx %arg12[%add3A_812] : memref<16640xf32, #tpu.memory_space<vmem>>[vector<16xi32>], vector<16xf32>,
          %gather3A_857 = tpu.vector_load_idx %arg12[%add3A_815] : memref<16640xf32, #tpu.memory_space<vmem>>[vector<16xi32>], vector<16xf32>,
          %gather3A_858 = tpu.vector_load_idx %arg12[%add3A_818] : memref<16640xf32, #tpu.memory_space<vmem>>[vector<16xi32>], vector<16xf32>,
          %gather3A_859 = tpu.vector_load_idx %arg12[%add3A_821] : memref<16640xf32, #tpu.memory_space<vmem>>[vector<16xi32>], vector<16xf32>,
          %gather3A_860 = tpu.vector_load_idx %arg12[%add3A_824] : memref<16640xf32, #tpu.memory_space<vmem>>[vector<16xi32>], vector<16xf32>,
          %gather3A_861 = tpu.vector_load_idx %arg12[%add3A_827] : memref<16640xf32, #tpu.memory_space<vmem>>[vector<16xi32>], vector<16xf32>,
          %gather3A_862 = tpu.vector_load_idx %arg12[%add3A_830] : memref<16640xf32, #tpu.memory_space<vmem>>[vector<16xi32>], vector<16xf32>,
          %gather3A_863 = tpu.vector_load_idx %arg12[%add3A_833] : memref<16640xf32, #tpu.memory_space<vmem>>[vector<16xi32>], vector<16xf32>,
          %gather3A_864 = tpu.vector_load_idx %arg12[%add3A_836] : memref<16640xf32, #tpu.memory_space<vmem>>[vector<16xi32>], vector<16xf32>,
          %gather3A_865 = tpu.vector_load_idx %arg12[%add3A_839] : memref<16640xf32, #tpu.memory_space<vmem>>[vector<16xi32>], vector<16xf32>,
          %gather3A_866 = tpu.vector_load_idx %arg12[%add3A_842] : memref<16640xf32, #tpu.memory_space<vmem>>[vector<16xi32>], vector<16xf32>,
          %gather3A_867 = tpu.vector_load_idx %arg12[%add3A_845] : memref<16640xf32, #tpu.memory_space<vmem>>[vector<16xi32>], vector<16xf32>,
          %gather3A_868 = tpu.vector_load_idx %arg12[%add3A_848] : memref<16640xf32, #tpu.memory_space<vmem>>[vector<16xi32>], vector<16xf32>,
          %gather3A_869 = tpu.vector_load_idx %arg12[%add3A_851] : memref<16640xf32, #tpu.memory_space<vmem>>[vector<16xi32>], vector<16xf32>,
          %gather3A_870 = tpu.vector_load_idx %arg12[%add3A_854] : memref<16640xf32, #tpu.memory_space<vmem>>[vector<16xi32>], vector<16xf32>,
          %swap3A_871 = arith.constant 0 : i32
          %swap3A_872 = arith.constant 0 : i32
          %swap3A_873 = arith.index_cast %add3A_246 : i32 to index
          %swap3A_874 = arith.index_cast %swap3A_871 : i32 to index
          %swap3A_875 = arith.index_cast %swap3A_872 : i32 to index
          %swap3A_876 = arith.constant 96 : index
          %swap3A_877 = tpu.vector_load %arg10[%swap3A_873, %swap3A_874, %swap3A_875, %swap3A_876] {strides = array<i32>} : memref<8x2x8x128xf32, #tpu.memory_space<vmem>>, vector<16xf32>,
          tpu.vector_store %arg10[%swap3A_873, %swap3A_874, %swap3A_875, %swap3A_876], %gather3A_855 {strides = array<i32>} : memref<8x2x8x128xf32, #tpu.memory_space<vmem>>, vector<16xf32>,
          %swap3A_878 = arith.constant 0 : i32
          %swap3A_879 = arith.constant 1 : i32
          %swap3A_880 = arith.index_cast %add3A_246 : i32 to index
          %swap3A_881 = arith.index_cast %swap3A_878 : i32 to index
          %swap3A_882 = arith.index_cast %swap3A_879 : i32 to index
          %swap3A_883 = arith.constant 96 : index
          %swap3A_884 = tpu.vector_load %arg10[%swap3A_880, %swap3A_881, %swap3A_882, %swap3A_883] {strides = array<i32>} : memref<8x2x8x128xf32, #tpu.memory_space<vmem>>, vector<16xf32>,
          tpu.vector_store %arg10[%swap3A_880, %swap3A_881, %swap3A_882, %swap3A_883], %gather3A_856 {strides = array<i32>} : memref<8x2x8x128xf32, #tpu.memory_space<vmem>>, vector<16xf32>,
          %swap3A_885 = arith.constant 0 : i32
          %swap3A_886 = arith.constant 2 : i32
          %swap3A_887 = arith.index_cast %add3A_246 : i32 to index
          %swap3A_888 = arith.index_cast %swap3A_885 : i32 to index
          %swap3A_889 = arith.index_cast %swap3A_886 : i32 to index
          %swap3A_890 = arith.constant 96 : index
          %swap3A_891 = tpu.vector_load %arg10[%swap3A_887, %swap3A_888, %swap3A_889, %swap3A_890] {strides = array<i32>} : memref<8x2x8x128xf32, #tpu.memory_space<vmem>>, vector<16xf32>,
          tpu.vector_store %arg10[%swap3A_887, %swap3A_888, %swap3A_889, %swap3A_890], %gather3A_857 {strides = array<i32>} : memref<8x2x8x128xf32, #tpu.memory_space<vmem>>, vector<16xf32>,
          %swap3A_892 = arith.constant 0 : i32
          %swap3A_893 = arith.constant 3 : i32
          %swap3A_894 = arith.index_cast %add3A_246 : i32 to index
          %swap3A_895 = arith.index_cast %swap3A_892 : i32 to index
          %swap3A_896 = arith.index_cast %swap3A_893 : i32 to index
          %swap3A_897 = arith.constant 96 : index
          %swap3A_898 = tpu.vector_load %arg10[%swap3A_894, %swap3A_895, %swap3A_896, %swap3A_897] {strides = array<i32>} : memref<8x2x8x128xf32, #tpu.memory_space<vmem>>, vector<16xf32>,
          tpu.vector_store %arg10[%swap3A_894, %swap3A_895, %swap3A_896, %swap3A_897], %gather3A_858 {strides = array<i32>} : memref<8x2x8x128xf32, #tpu.memory_space<vmem>>, vector<16xf32>,
          %swap3A_899 = arith.constant 0 : i32
          %swap3A_900 = arith.constant 4 : i32
          %swap3A_901 = arith.index_cast %add3A_246 : i32 to index
          %swap3A_902 = arith.index_cast %swap3A_899 : i32 to index
          %swap3A_903 = arith.index_cast %swap3A_900 : i32 to index
          %swap3A_904 = arith.constant 96 : index
          %swap3A_905 = tpu.vector_load %arg10[%swap3A_901, %swap3A_902, %swap3A_903, %swap3A_904] {strides = array<i32>} : memref<8x2x8x128xf32, #tpu.memory_space<vmem>>, vector<16xf32>,
          tpu.vector_store %arg10[%swap3A_901, %swap3A_902, %swap3A_903, %swap3A_904], %gather3A_859 {strides = array<i32>} : memref<8x2x8x128xf32, #tpu.memory_space<vmem>>, vector<16xf32>,
          %swap3A_906 = arith.constant 0 : i32
          %swap3A_907 = arith.constant 5 : i32
          %swap3A_908 = arith.index_cast %add3A_246 : i32 to index
          %swap3A_909 = arith.index_cast %swap3A_906 : i32 to index
          %swap3A_910 = arith.index_cast %swap3A_907 : i32 to index
          %swap3A_911 = arith.constant 96 : index
          %swap3A_912 = tpu.vector_load %arg10[%swap3A_908, %swap3A_909, %swap3A_910, %swap3A_911] {strides = array<i32>} : memref<8x2x8x128xf32, #tpu.memory_space<vmem>>, vector<16xf32>,
          tpu.vector_store %arg10[%swap3A_908, %swap3A_909, %swap3A_910, %swap3A_911], %gather3A_860 {strides = array<i32>} : memref<8x2x8x128xf32, #tpu.memory_space<vmem>>, vector<16xf32>,
          %swap3A_913 = arith.constant 0 : i32
          %swap3A_914 = arith.constant 6 : i32
          %swap3A_915 = arith.index_cast %add3A_246 : i32 to index
          %swap3A_916 = arith.index_cast %swap3A_913 : i32 to index
          %swap3A_917 = arith.index_cast %swap3A_914 : i32 to index
          %swap3A_918 = arith.constant 96 : index
          %swap3A_919 = tpu.vector_load %arg10[%swap3A_915, %swap3A_916, %swap3A_917, %swap3A_918] {strides = array<i32>} : memref<8x2x8x128xf32, #tpu.memory_space<vmem>>, vector<16xf32>,
          tpu.vector_store %arg10[%swap3A_915, %swap3A_916, %swap3A_917, %swap3A_918], %gather3A_861 {strides = array<i32>} : memref<8x2x8x128xf32, #tpu.memory_space<vmem>>, vector<16xf32>,
          %swap3A_920 = arith.constant 0 : i32
          %swap3A_921 = arith.constant 7 : i32
          %swap3A_922 = arith.index_cast %add3A_246 : i32 to index
          %swap3A_923 = arith.index_cast %swap3A_920 : i32 to index
          %swap3A_924 = arith.index_cast %swap3A_921 : i32 to index
          %swap3A_925 = arith.constant 96 : index
          %swap3A_926 = tpu.vector_load %arg10[%swap3A_922, %swap3A_923, %swap3A_924, %swap3A_925] {strides = array<i32>} : memref<8x2x8x128xf32, #tpu.memory_space<vmem>>, vector<16xf32>,
          tpu.vector_store %arg10[%swap3A_922, %swap3A_923, %swap3A_924, %swap3A_925], %gather3A_862 {strides = array<i32>} : memref<8x2x8x128xf32, #tpu.memory_space<vmem>>, vector<16xf32>,
          %swap3A_927 = arith.constant 0 : i32
          %swap3A_928 = arith.constant 0 : i32
          %swap3A_929 = arith.index_cast %add3A_246 : i32 to index
          %swap3A_930 = arith.index_cast %swap3A_927 : i32 to index
          %swap3A_931 = arith.index_cast %swap3A_928 : i32 to index
          %swap3A_932 = arith.constant 112 : index
          %swap3A_933 = tpu.vector_load %arg10[%swap3A_929, %swap3A_930, %swap3A_931, %swap3A_932] {strides = array<i32>} : memref<8x2x8x128xf32, #tpu.memory_space<vmem>>, vector<16xf32>,
          tpu.vector_store %arg10[%swap3A_929, %swap3A_930, %swap3A_931, %swap3A_932], %gather3A_863 {strides = array<i32>} : memref<8x2x8x128xf32, #tpu.memory_space<vmem>>, vector<16xf32>,
          %swap3A_934 = arith.constant 0 : i32
          %swap3A_935 = arith.constant 1 : i32
          %swap3A_936 = arith.index_cast %add3A_246 : i32 to index
          %swap3A_937 = arith.index_cast %swap3A_934 : i32 to index
          %swap3A_938 = arith.index_cast %swap3A_935 : i32 to index
          %swap3A_939 = arith.constant 112 : index
          %swap3A_940 = tpu.vector_load %arg10[%swap3A_936, %swap3A_937, %swap3A_938, %swap3A_939] {strides = array<i32>} : memref<8x2x8x128xf32, #tpu.memory_space<vmem>>, vector<16xf32>,
          tpu.vector_store %arg10[%swap3A_936, %swap3A_937, %swap3A_938, %swap3A_939], %gather3A_864 {strides = array<i32>} : memref<8x2x8x128xf32, #tpu.memory_space<vmem>>, vector<16xf32>,
          %swap3A_941 = arith.constant 0 : i32
          %swap3A_942 = arith.constant 2 : i32
          %swap3A_943 = arith.index_cast %add3A_246 : i32 to index
          %swap3A_944 = arith.index_cast %swap3A_941 : i32 to index
          %swap3A_945 = arith.index_cast %swap3A_942 : i32 to index
          %swap3A_946 = arith.constant 112 : index
          %swap3A_947 = tpu.vector_load %arg10[%swap3A_943, %swap3A_944, %swap3A_945, %swap3A_946] {strides = array<i32>} : memref<8x2x8x128xf32, #tpu.memory_space<vmem>>, vector<16xf32>,
          tpu.vector_store %arg10[%swap3A_943, %swap3A_944, %swap3A_945, %swap3A_946], %gather3A_865 {strides = array<i32>} : memref<8x2x8x128xf32, #tpu.memory_space<vmem>>, vector<16xf32>,
          %swap3A_948 = arith.constant 0 : i32
          %swap3A_949 = arith.constant 3 : i32
          %swap3A_950 = arith.index_cast %add3A_246 : i32 to index
          %swap3A_951 = arith.index_cast %swap3A_948 : i32 to index
          %swap3A_952 = arith.index_cast %swap3A_949 : i32 to index
          %swap3A_953 = arith.constant 112 : index
          %swap3A_954 = tpu.vector_load %arg10[%swap3A_950, %swap3A_951, %swap3A_952, %swap3A_953] {strides = array<i32>} : memref<8x2x8x128xf32, #tpu.memory_space<vmem>>, vector<16xf32>,
          tpu.vector_store %arg10[%swap3A_950, %swap3A_951, %swap3A_952, %swap3A_953], %gather3A_866 {strides = array<i32>} : memref<8x2x8x128xf32, #tpu.memory_space<vmem>>, vector<16xf32>,
          %swap3A_955 = arith.constant 0 : i32
          %swap3A_956 = arith.constant 4 : i32
          %swap3A_957 = arith.index_cast %add3A_246 : i32 to index
          %swap3A_958 = arith.index_cast %swap3A_955 : i32 to index
          %swap3A_959 = arith.index_cast %swap3A_956 : i32 to index
          %swap3A_960 = arith.constant 112 : index
          %swap3A_961 = tpu.vector_load %arg10[%swap3A_957, %swap3A_958, %swap3A_959, %swap3A_960] {strides = array<i32>} : memref<8x2x8x128xf32, #tpu.memory_space<vmem>>, vector<16xf32>,
          tpu.vector_store %arg10[%swap3A_957, %swap3A_958, %swap3A_959, %swap3A_960], %gather3A_867 {strides = array<i32>} : memref<8x2x8x128xf32, #tpu.memory_space<vmem>>, vector<16xf32>,
          %swap3A_962 = arith.constant 0 : i32
          %swap3A_963 = arith.constant 5 : i32
          %swap3A_964 = arith.index_cast %add3A_246 : i32 to index
          %swap3A_965 = arith.index_cast %swap3A_962 : i32 to index
          %swap3A_966 = arith.index_cast %swap3A_963 : i32 to index
          %swap3A_967 = arith.constant 112 : index
          %swap3A_968 = tpu.vector_load %arg10[%swap3A_964, %swap3A_965, %swap3A_966, %swap3A_967] {strides = array<i32>} : memref<8x2x8x128xf32, #tpu.memory_space<vmem>>, vector<16xf32>,
          tpu.vector_store %arg10[%swap3A_964, %swap3A_965, %swap3A_966, %swap3A_967], %gather3A_868 {strides = array<i32>} : memref<8x2x8x128xf32, #tpu.memory_space<vmem>>, vector<16xf32>,
          %swap3A_969 = arith.constant 0 : i32
          %swap3A_970 = arith.constant 6 : i32
          %swap3A_971 = arith.index_cast %add3A_246 : i32 to index
          %swap3A_972 = arith.index_cast %swap3A_969 : i32 to index
          %swap3A_973 = arith.index_cast %swap3A_970 : i32 to index
          %swap3A_974 = arith.constant 112 : index
          %swap3A_975 = tpu.vector_load %arg10[%swap3A_971, %swap3A_972, %swap3A_973, %swap3A_974] {strides = array<i32>} : memref<8x2x8x128xf32, #tpu.memory_space<vmem>>, vector<16xf32>,
          tpu.vector_store %arg10[%swap3A_971, %swap3A_972, %swap3A_973, %swap3A_974], %gather3A_869 {strides = array<i32>} : memref<8x2x8x128xf32, #tpu.memory_space<vmem>>, vector<16xf32>,
          %swap3A_976 = arith.constant 0 : i32
          %swap3A_977 = arith.constant 7 : i32
          %swap3A_978 = arith.index_cast %add3A_246 : i32 to index
          %swap3A_979 = arith.index_cast %swap3A_976 : i32 to index
          %swap3A_980 = arith.index_cast %swap3A_977 : i32 to index
          %swap3A_981 = arith.constant 112 : index
          %swap3A_982 = tpu.vector_load %arg10[%swap3A_978, %swap3A_979, %swap3A_980, %swap3A_981] {strides = array<i32>} : memref<8x2x8x128xf32, #tpu.memory_space<vmem>>, vector<16xf32>,
          tpu.vector_store %arg10[%swap3A_978, %swap3A_979, %swap3A_980, %swap3A_981], %gather3A_870 {strides = array<i32>} : memref<8x2x8x128xf32, #tpu.memory_space<vmem>>, vector<16xf32>,
          %add3A_983 = arith.constant 8320 : i32
          %add3A_984 = arith.addi %add3A_983, %mul3A_248 : i32
          %add3A_985 = vector.broadcast %add3A_984 : i32 to vector<16xi32>
          %add3A_986 = arith.addi %mul3A_224, %add3A_985 : vector<16xi32>
          %add3A_987 = arith.constant 9360 : i32
          %add3A_988 = arith.addi %add3A_987, %mul3A_248 : i32
          %add3A_989 = vector.broadcast %add3A_988 : i32 to vector<16xi32>
          %add3A_990 = arith.addi %mul3A_224, %add3A_989 : vector<16xi32>
          %add3A_991 = arith.constant 0 : i32
          %add3A_992 = vector.broadcast %add3A_991 : i32 to vector<16xi32>
          %add3A_993 = arith.addi %add3A_986, %add3A_992 : vector<16xi32>
          %add3A_994 = arith.constant 1 : i32
          %add3A_995 = vector.broadcast %add3A_994 : i32 to vector<16xi32>
          %add3A_996 = arith.addi %add3A_986, %add3A_995 : vector<16xi32>
          %add3A_997 = arith.constant 2 : i32
          %add3A_998 = vector.broadcast %add3A_997 : i32 to vector<16xi32>
          %add3A_999 = arith.addi %add3A_986, %add3A_998 : vector<16xi32>
          %add3A_1000 = arith.constant 3 : i32
          %add3A_1001 = vector.broadcast %add3A_1000 : i32 to vector<16xi32>
          %add3A_1002 = arith.addi %add3A_986, %add3A_1001 : vector<16xi32>
          %add3A_1003 = arith.constant 4 : i32
          %add3A_1004 = vector.broadcast %add3A_1003 : i32 to vector<16xi32>
          %add3A_1005 = arith.addi %add3A_986, %add3A_1004 : vector<16xi32>
          %add3A_1006 = arith.constant 5 : i32
          %add3A_1007 = vector.broadcast %add3A_1006 : i32 to vector<16xi32>
          %add3A_1008 = arith.addi %add3A_986, %add3A_1007 : vector<16xi32>
          %add3A_1009 = arith.constant 6 : i32
          %add3A_1010 = vector.broadcast %add3A_1009 : i32 to vector<16xi32>
          %add3A_1011 = arith.addi %add3A_986, %add3A_1010 : vector<16xi32>
          %add3A_1012 = arith.constant 7 : i32
          %add3A_1013 = vector.broadcast %add3A_1012 : i32 to vector<16xi32>
          %add3A_1014 = arith.addi %add3A_986, %add3A_1013 : vector<16xi32>
          %add3A_1015 = arith.constant 0 : i32
          %add3A_1016 = vector.broadcast %add3A_1015 : i32 to vector<16xi32>
          %add3A_1017 = arith.addi %add3A_990, %add3A_1016 : vector<16xi32>
          %add3A_1018 = arith.constant 1 : i32
          %add3A_1019 = vector.broadcast %add3A_1018 : i32 to vector<16xi32>
          %add3A_1020 = arith.addi %add3A_990, %add3A_1019 : vector<16xi32>
          %add3A_1021 = arith.constant 2 : i32
          %add3A_1022 = vector.broadcast %add3A_1021 : i32 to vector<16xi32>
          %add3A_1023 = arith.addi %add3A_990, %add3A_1022 : vector<16xi32>
          %add3A_1024 = arith.constant 3 : i32
          %add3A_1025 = vector.broadcast %add3A_1024 : i32 to vector<16xi32>
          %add3A_1026 = arith.addi %add3A_990, %add3A_1025 : vector<16xi32>
          %add3A_1027 = arith.constant 4 : i32
          %add3A_1028 = vector.broadcast %add3A_1027 : i32 to vector<16xi32>
          %add3A_1029 = arith.addi %add3A_990, %add3A_1028 : vector<16xi32>
          %add3A_1030 = arith.constant 5 : i32
          %add3A_1031 = vector.broadcast %add3A_1030 : i32 to vector<16xi32>
          %add3A_1032 = arith.addi %add3A_990, %add3A_1031 : vector<16xi32>
          %add3A_1033 = arith.constant 6 : i32
          %add3A_1034 = vector.broadcast %add3A_1033 : i32 to vector<16xi32>
          %add3A_1035 = arith.addi %add3A_990, %add3A_1034 : vector<16xi32>
          %add3A_1036 = arith.constant 7 : i32
          %add3A_1037 = vector.broadcast %add3A_1036 : i32 to vector<16xi32>
          %add3A_1038 = arith.addi %add3A_990, %add3A_1037 : vector<16xi32>
          %gather3A_1039 = tpu.vector_load_idx %arg12[%add3A_993] : memref<16640xf32, #tpu.memory_space<vmem>>[vector<16xi32>], vector<16xf32>,
          %gather3A_1040 = tpu.vector_load_idx %arg12[%add3A_996] : memref<16640xf32, #tpu.memory_space<vmem>>[vector<16xi32>], vector<16xf32>,
          %gather3A_1041 = tpu.vector_load_idx %arg12[%add3A_999] : memref<16640xf32, #tpu.memory_space<vmem>>[vector<16xi32>], vector<16xf32>,
          %gather3A_1042 = tpu.vector_load_idx %arg12[%add3A_1002] : memref<16640xf32, #tpu.memory_space<vmem>>[vector<16xi32>], vector<16xf32>,
          %gather3A_1043 = tpu.vector_load_idx %arg12[%add3A_1005] : memref<16640xf32, #tpu.memory_space<vmem>>[vector<16xi32>], vector<16xf32>,
          %gather3A_1044 = tpu.vector_load_idx %arg12[%add3A_1008] : memref<16640xf32, #tpu.memory_space<vmem>>[vector<16xi32>], vector<16xf32>,
          %gather3A_1045 = tpu.vector_load_idx %arg12[%add3A_1011] : memref<16640xf32, #tpu.memory_space<vmem>>[vector<16xi32>], vector<16xf32>,
          %gather3A_1046 = tpu.vector_load_idx %arg12[%add3A_1014] : memref<16640xf32, #tpu.memory_space<vmem>>[vector<16xi32>], vector<16xf32>,
          %gather3A_1047 = tpu.vector_load_idx %arg12[%add3A_1017] : memref<16640xf32, #tpu.memory_space<vmem>>[vector<16xi32>], vector<16xf32>,
          %gather3A_1048 = tpu.vector_load_idx %arg12[%add3A_1020] : memref<16640xf32, #tpu.memory_space<vmem>>[vector<16xi32>], vector<16xf32>,
          %gather3A_1049 = tpu.vector_load_idx %arg12[%add3A_1023] : memref<16640xf32, #tpu.memory_space<vmem>>[vector<16xi32>], vector<16xf32>,
          %gather3A_1050 = tpu.vector_load_idx %arg12[%add3A_1026] : memref<16640xf32, #tpu.memory_space<vmem>>[vector<16xi32>], vector<16xf32>,
          %gather3A_1051 = tpu.vector_load_idx %arg12[%add3A_1029] : memref<16640xf32, #tpu.memory_space<vmem>>[vector<16xi32>], vector<16xf32>,
          %gather3A_1052 = tpu.vector_load_idx %arg12[%add3A_1032] : memref<16640xf32, #tpu.memory_space<vmem>>[vector<16xi32>], vector<16xf32>,
          %gather3A_1053 = tpu.vector_load_idx %arg12[%add3A_1035] : memref<16640xf32, #tpu.memory_space<vmem>>[vector<16xi32>], vector<16xf32>,
          %gather3A_1054 = tpu.vector_load_idx %arg12[%add3A_1038] : memref<16640xf32, #tpu.memory_space<vmem>>[vector<16xi32>], vector<16xf32>,
          %swap3A_1055 = arith.constant 1 : i32
          %swap3A_1056 = arith.constant 0 : i32
          %swap3A_1057 = arith.index_cast %add3A_246 : i32 to index
          %swap3A_1058 = arith.index_cast %swap3A_1055 : i32 to index
          %swap3A_1059 = arith.index_cast %swap3A_1056 : i32 to index
          %swap3A_1060 = arith.constant 0 : index
          %swap3A_1061 = tpu.vector_load %arg10[%swap3A_1057, %swap3A_1058, %swap3A_1059, %swap3A_1060] {strides = array<i32>} : memref<8x2x8x128xf32, #tpu.memory_space<vmem>>, vector<16xf32>,
          tpu.vector_store %arg10[%swap3A_1057, %swap3A_1058, %swap3A_1059, %swap3A_1060], %gather3A_1039 {strides = array<i32>} : memref<8x2x8x128xf32, #tpu.memory_space<vmem>>, vector<16xf32>,
          %swap3A_1062 = arith.constant 1 : i32
          %swap3A_1063 = arith.constant 1 : i32
          %swap3A_1064 = arith.index_cast %add3A_246 : i32 to index
          %swap3A_1065 = arith.index_cast %swap3A_1062 : i32 to index
          %swap3A_1066 = arith.index_cast %swap3A_1063 : i32 to index
          %swap3A_1067 = arith.constant 0 : index
          %swap3A_1068 = tpu.vector_load %arg10[%swap3A_1064, %swap3A_1065, %swap3A_1066, %swap3A_1067] {strides = array<i32>} : memref<8x2x8x128xf32, #tpu.memory_space<vmem>>, vector<16xf32>,
          tpu.vector_store %arg10[%swap3A_1064, %swap3A_1065, %swap3A_1066, %swap3A_1067], %gather3A_1040 {strides = array<i32>} : memref<8x2x8x128xf32, #tpu.memory_space<vmem>>, vector<16xf32>,
          %swap3A_1069 = arith.constant 1 : i32
          %swap3A_1070 = arith.constant 2 : i32
          %swap3A_1071 = arith.index_cast %add3A_246 : i32 to index
          %swap3A_1072 = arith.index_cast %swap3A_1069 : i32 to index
          %swap3A_1073 = arith.index_cast %swap3A_1070 : i32 to index
          %swap3A_1074 = arith.constant 0 : index
          %swap3A_1075 = tpu.vector_load %arg10[%swap3A_1071, %swap3A_1072, %swap3A_1073, %swap3A_1074] {strides = array<i32>} : memref<8x2x8x128xf32, #tpu.memory_space<vmem>>, vector<16xf32>,
          tpu.vector_store %arg10[%swap3A_1071, %swap3A_1072, %swap3A_1073, %swap3A_1074], %gather3A_1041 {strides = array<i32>} : memref<8x2x8x128xf32, #tpu.memory_space<vmem>>, vector<16xf32>,
          %swap3A_1076 = arith.constant 1 : i32
          %swap3A_1077 = arith.constant 3 : i32
          %swap3A_1078 = arith.index_cast %add3A_246 : i32 to index
          %swap3A_1079 = arith.index_cast %swap3A_1076 : i32 to index
          %swap3A_1080 = arith.index_cast %swap3A_1077 : i32 to index
          %swap3A_1081 = arith.constant 0 : index
          %swap3A_1082 = tpu.vector_load %arg10[%swap3A_1078, %swap3A_1079, %swap3A_1080, %swap3A_1081] {strides = array<i32>} : memref<8x2x8x128xf32, #tpu.memory_space<vmem>>, vector<16xf32>,
          tpu.vector_store %arg10[%swap3A_1078, %swap3A_1079, %swap3A_1080, %swap3A_1081], %gather3A_1042 {strides = array<i32>} : memref<8x2x8x128xf32, #tpu.memory_space<vmem>>, vector<16xf32>,
          %swap3A_1083 = arith.constant 1 : i32
          %swap3A_1084 = arith.constant 4 : i32
          %swap3A_1085 = arith.index_cast %add3A_246 : i32 to index
          %swap3A_1086 = arith.index_cast %swap3A_1083 : i32 to index
          %swap3A_1087 = arith.index_cast %swap3A_1084 : i32 to index
          %swap3A_1088 = arith.constant 0 : index
          %swap3A_1089 = tpu.vector_load %arg10[%swap3A_1085, %swap3A_1086, %swap3A_1087, %swap3A_1088] {strides = array<i32>} : memref<8x2x8x128xf32, #tpu.memory_space<vmem>>, vector<16xf32>,
          tpu.vector_store %arg10[%swap3A_1085, %swap3A_1086, %swap3A_1087, %swap3A_1088], %gather3A_1043 {strides = array<i32>} : memref<8x2x8x128xf32, #tpu.memory_space<vmem>>, vector<16xf32>,
          %swap3A_1090 = arith.constant 1 : i32
          %swap3A_1091 = arith.constant 5 : i32
          %swap3A_1092 = arith.index_cast %add3A_246 : i32 to index
          %swap3A_1093 = arith.index_cast %swap3A_1090 : i32 to index
          %swap3A_1094 = arith.index_cast %swap3A_1091 : i32 to index
          %swap3A_1095 = arith.constant 0 : index
          %swap3A_1096 = tpu.vector_load %arg10[%swap3A_1092, %swap3A_1093, %swap3A_1094, %swap3A_1095] {strides = array<i32>} : memref<8x2x8x128xf32, #tpu.memory_space<vmem>>, vector<16xf32>,
          tpu.vector_store %arg10[%swap3A_1092, %swap3A_1093, %swap3A_1094, %swap3A_1095], %gather3A_1044 {strides = array<i32>} : memref<8x2x8x128xf32, #tpu.memory_space<vmem>>, vector<16xf32>,
          %swap3A_1097 = arith.constant 1 : i32
          %swap3A_1098 = arith.constant 6 : i32
          %swap3A_1099 = arith.index_cast %add3A_246 : i32 to index
          %swap3A_1100 = arith.index_cast %swap3A_1097 : i32 to index
          %swap3A_1101 = arith.index_cast %swap3A_1098 : i32 to index
          %swap3A_1102 = arith.constant 0 : index
          %swap3A_1103 = tpu.vector_load %arg10[%swap3A_1099, %swap3A_1100, %swap3A_1101, %swap3A_1102] {strides = array<i32>} : memref<8x2x8x128xf32, #tpu.memory_space<vmem>>, vector<16xf32>,
          tpu.vector_store %arg10[%swap3A_1099, %swap3A_1100, %swap3A_1101, %swap3A_1102], %gather3A_1045 {strides = array<i32>} : memref<8x2x8x128xf32, #tpu.memory_space<vmem>>, vector<16xf32>,
          %swap3A_1104 = arith.constant 1 : i32
          %swap3A_1105 = arith.constant 7 : i32
          %swap3A_1106 = arith.index_cast %add3A_246 : i32 to index
          %swap3A_1107 = arith.index_cast %swap3A_1104 : i32 to index
          %swap3A_1108 = arith.index_cast %swap3A_1105 : i32 to index
          %swap3A_1109 = arith.constant 0 : index
          %swap3A_1110 = tpu.vector_load %arg10[%swap3A_1106, %swap3A_1107, %swap3A_1108, %swap3A_1109] {strides = array<i32>} : memref<8x2x8x128xf32, #tpu.memory_space<vmem>>, vector<16xf32>,
          tpu.vector_store %arg10[%swap3A_1106, %swap3A_1107, %swap3A_1108, %swap3A_1109], %gather3A_1046 {strides = array<i32>} : memref<8x2x8x128xf32, #tpu.memory_space<vmem>>, vector<16xf32>,
          %swap3A_1111 = arith.constant 1 : i32
          %swap3A_1112 = arith.constant 0 : i32
          %swap3A_1113 = arith.index_cast %add3A_246 : i32 to index
          %swap3A_1114 = arith.index_cast %swap3A_1111 : i32 to index
          %swap3A_1115 = arith.index_cast %swap3A_1112 : i32 to index
          %swap3A_1116 = arith.constant 16 : index
          %swap3A_1117 = tpu.vector_load %arg10[%swap3A_1113, %swap3A_1114, %swap3A_1115, %swap3A_1116] {strides = array<i32>} : memref<8x2x8x128xf32, #tpu.memory_space<vmem>>, vector<16xf32>,
          tpu.vector_store %arg10[%swap3A_1113, %swap3A_1114, %swap3A_1115, %swap3A_1116], %gather3A_1047 {strides = array<i32>} : memref<8x2x8x128xf32, #tpu.memory_space<vmem>>, vector<16xf32>,
          %swap3A_1118 = arith.constant 1 : i32
          %swap3A_1119 = arith.constant 1 : i32
          %swap3A_1120 = arith.index_cast %add3A_246 : i32 to index
          %swap3A_1121 = arith.index_cast %swap3A_1118 : i32 to index
          %swap3A_1122 = arith.index_cast %swap3A_1119 : i32 to index
          %swap3A_1123 = arith.constant 16 : index
          %swap3A_1124 = tpu.vector_load %arg10[%swap3A_1120, %swap3A_1121, %swap3A_1122, %swap3A_1123] {strides = array<i32>} : memref<8x2x8x128xf32, #tpu.memory_space<vmem>>, vector<16xf32>,
          tpu.vector_store %arg10[%swap3A_1120, %swap3A_1121, %swap3A_1122, %swap3A_1123], %gather3A_1048 {strides = array<i32>} : memref<8x2x8x128xf32, #tpu.memory_space<vmem>>, vector<16xf32>,
          %swap3A_1125 = arith.constant 1 : i32
          %swap3A_1126 = arith.constant 2 : i32
          %swap3A_1127 = arith.index_cast %add3A_246 : i32 to index
          %swap3A_1128 = arith.index_cast %swap3A_1125 : i32 to index
          %swap3A_1129 = arith.index_cast %swap3A_1126 : i32 to index
          %swap3A_1130 = arith.constant 16 : index
          %swap3A_1131 = tpu.vector_load %arg10[%swap3A_1127, %swap3A_1128, %swap3A_1129, %swap3A_1130] {strides = array<i32>} : memref<8x2x8x128xf32, #tpu.memory_space<vmem>>, vector<16xf32>,
          tpu.vector_store %arg10[%swap3A_1127, %swap3A_1128, %swap3A_1129, %swap3A_1130], %gather3A_1049 {strides = array<i32>} : memref<8x2x8x128xf32, #tpu.memory_space<vmem>>, vector<16xf32>,
          %swap3A_1132 = arith.constant 1 : i32
          %swap3A_1133 = arith.constant 3 : i32
          %swap3A_1134 = arith.index_cast %add3A_246 : i32 to index
          %swap3A_1135 = arith.index_cast %swap3A_1132 : i32 to index
          %swap3A_1136 = arith.index_cast %swap3A_1133 : i32 to index
          %swap3A_1137 = arith.constant 16 : index
          %swap3A_1138 = tpu.vector_load %arg10[%swap3A_1134, %swap3A_1135, %swap3A_1136, %swap3A_1137] {strides = array<i32>} : memref<8x2x8x128xf32, #tpu.memory_space<vmem>>, vector<16xf32>,
          tpu.vector_store %arg10[%swap3A_1134, %swap3A_1135, %swap3A_1136, %swap3A_1137], %gather3A_1050 {strides = array<i32>} : memref<8x2x8x128xf32, #tpu.memory_space<vmem>>, vector<16xf32>,
          %swap3A_1139 = arith.constant 1 : i32
          %swap3A_1140 = arith.constant 4 : i32
          %swap3A_1141 = arith.index_cast %add3A_246 : i32 to index
          %swap3A_1142 = arith.index_cast %swap3A_1139 : i32 to index
          %swap3A_1143 = arith.index_cast %swap3A_1140 : i32 to index
          %swap3A_1144 = arith.constant 16 : index
          %swap3A_1145 = tpu.vector_load %arg10[%swap3A_1141, %swap3A_1142, %swap3A_1143, %swap3A_1144] {strides = array<i32>} : memref<8x2x8x128xf32, #tpu.memory_space<vmem>>, vector<16xf32>,
          tpu.vector_store %arg10[%swap3A_1141, %swap3A_1142, %swap3A_1143, %swap3A_1144], %gather3A_1051 {strides = array<i32>} : memref<8x2x8x128xf32, #tpu.memory_space<vmem>>, vector<16xf32>,
          %swap3A_1146 = arith.constant 1 : i32
          %swap3A_1147 = arith.constant 5 : i32
          %swap3A_1148 = arith.index_cast %add3A_246 : i32 to index
          %swap3A_1149 = arith.index_cast %swap3A_1146 : i32 to index
          %swap3A_1150 = arith.index_cast %swap3A_1147 : i32 to index
          %swap3A_1151 = arith.constant 16 : index
          %swap3A_1152 = tpu.vector_load %arg10[%swap3A_1148, %swap3A_1149, %swap3A_1150, %swap3A_1151] {strides = array<i32>} : memref<8x2x8x128xf32, #tpu.memory_space<vmem>>, vector<16xf32>,
          tpu.vector_store %arg10[%swap3A_1148, %swap3A_1149, %swap3A_1150, %swap3A_1151], %gather3A_1052 {strides = array<i32>} : memref<8x2x8x128xf32, #tpu.memory_space<vmem>>, vector<16xf32>,
          %swap3A_1153 = arith.constant 1 : i32
          %swap3A_1154 = arith.constant 6 : i32
          %swap3A_1155 = arith.index_cast %add3A_246 : i32 to index
          %swap3A_1156 = arith.index_cast %swap3A_1153 : i32 to index
          %swap3A_1157 = arith.index_cast %swap3A_1154 : i32 to index
          %swap3A_1158 = arith.constant 16 : index
          %swap3A_1159 = tpu.vector_load %arg10[%swap3A_1155, %swap3A_1156, %swap3A_1157, %swap3A_1158] {strides = array<i32>} : memref<8x2x8x128xf32, #tpu.memory_space<vmem>>, vector<16xf32>,
          tpu.vector_store %arg10[%swap3A_1155, %swap3A_1156, %swap3A_1157, %swap3A_1158], %gather3A_1053 {strides = array<i32>} : memref<8x2x8x128xf32, #tpu.memory_space<vmem>>, vector<16xf32>,
          %swap3A_1160 = arith.constant 1 : i32
          %swap3A_1161 = arith.constant 7 : i32
          %swap3A_1162 = arith.index_cast %add3A_246 : i32 to index
          %swap3A_1163 = arith.index_cast %swap3A_1160 : i32 to index
          %swap3A_1164 = arith.index_cast %swap3A_1161 : i32 to index
          %swap3A_1165 = arith.constant 16 : index
          %swap3A_1166 = tpu.vector_load %arg10[%swap3A_1162, %swap3A_1163, %swap3A_1164, %swap3A_1165] {strides = array<i32>} : memref<8x2x8x128xf32, #tpu.memory_space<vmem>>, vector<16xf32>,
          tpu.vector_store %arg10[%swap3A_1162, %swap3A_1163, %swap3A_1164, %swap3A_1165], %gather3A_1054 {strides = array<i32>} : memref<8x2x8x128xf32, #tpu.memory_space<vmem>>, vector<16xf32>,
          %add3A_1167 = arith.constant 10400 : i32
          %add3A_1168 = arith.addi %add3A_1167, %mul3A_248 : i32
          %add3A_1169 = vector.broadcast %add3A_1168 : i32 to vector<16xi32>
          %add3A_1170 = arith.addi %mul3A_224, %add3A_1169 : vector<16xi32>
          %add3A_1171 = arith.constant 11440 : i32
          %add3A_1172 = arith.addi %add3A_1171, %mul3A_248 : i32
          %add3A_1173 = vector.broadcast %add3A_1172 : i32 to vector<16xi32>
          %add3A_1174 = arith.addi %mul3A_224, %add3A_1173 : vector<16xi32>
          %add3A_1175 = arith.constant 0 : i32
          %add3A_1176 = vector.broadcast %add3A_1175 : i32 to vector<16xi32>
          %add3A_1177 = arith.addi %add3A_1170, %add3A_1176 : vector<16xi32>
          %add3A_1178 = arith.constant 1 : i32
          %add3A_1179 = vector.broadcast %add3A_1178 : i32 to vector<16xi32>
          %add3A_1180 = arith.addi %add3A_1170, %add3A_1179 : vector<16xi32>
          %add3A_1181 = arith.constant 2 : i32
          %add3A_1182 = vector.broadcast %add3A_1181 : i32 to vector<16xi32>
          %add3A_1183 = arith.addi %add3A_1170, %add3A_1182 : vector<16xi32>
          %add3A_1184 = arith.constant 3 : i32
          %add3A_1185 = vector.broadcast %add3A_1184 : i32 to vector<16xi32>
          %add3A_1186 = arith.addi %add3A_1170, %add3A_1185 : vector<16xi32>
          %add3A_1187 = arith.constant 4 : i32
          %add3A_1188 = vector.broadcast %add3A_1187 : i32 to vector<16xi32>
          %add3A_1189 = arith.addi %add3A_1170, %add3A_1188 : vector<16xi32>
          %add3A_1190 = arith.constant 5 : i32
          %add3A_1191 = vector.broadcast %add3A_1190 : i32 to vector<16xi32>
          %add3A_1192 = arith.addi %add3A_1170, %add3A_1191 : vector<16xi32>
          %add3A_1193 = arith.constant 6 : i32
          %add3A_1194 = vector.broadcast %add3A_1193 : i32 to vector<16xi32>
          %add3A_1195 = arith.addi %add3A_1170, %add3A_1194 : vector<16xi32>
          %add3A_1196 = arith.constant 7 : i32
          %add3A_1197 = vector.broadcast %add3A_1196 : i32 to vector<16xi32>
          %add3A_1198 = arith.addi %add3A_1170, %add3A_1197 : vector<16xi32>
          %add3A_1199 = arith.constant 0 : i32
          %add3A_1200 = vector.broadcast %add3A_1199 : i32 to vector<16xi32>
          %add3A_1201 = arith.addi %add3A_1174, %add3A_1200 : vector<16xi32>
          %add3A_1202 = arith.constant 1 : i32
          %add3A_1203 = vector.broadcast %add3A_1202 : i32 to vector<16xi32>
          %add3A_1204 = arith.addi %add3A_1174, %add3A_1203 : vector<16xi32>
          %add3A_1205 = arith.constant 2 : i32
          %add3A_1206 = vector.broadcast %add3A_1205 : i32 to vector<16xi32>
          %add3A_1207 = arith.addi %add3A_1174, %add3A_1206 : vector<16xi32>
          %add3A_1208 = arith.constant 3 : i32
          %add3A_1209 = vector.broadcast %add3A_1208 : i32 to vector<16xi32>
          %add3A_1210 = arith.addi %add3A_1174, %add3A_1209 : vector<16xi32>
          %add3A_1211 = arith.constant 4 : i32
          %add3A_1212 = vector.broadcast %add3A_1211 : i32 to vector<16xi32>
          %add3A_1213 = arith.addi %add3A_1174, %add3A_1212 : vector<16xi32>
          %add3A_1214 = arith.constant 5 : i32
          %add3A_1215 = vector.broadcast %add3A_1214 : i32 to vector<16xi32>
          %add3A_1216 = arith.addi %add3A_1174, %add3A_1215 : vector<16xi32>
          %add3A_1217 = arith.constant 6 : i32
          %add3A_1218 = vector.broadcast %add3A_1217 : i32 to vector<16xi32>
          %add3A_1219 = arith.addi %add3A_1174, %add3A_1218 : vector<16xi32>
          %add3A_1220 = arith.constant 7 : i32
          %add3A_1221 = vector.broadcast %add3A_1220 : i32 to vector<16xi32>
          %add3A_1222 = arith.addi %add3A_1174, %add3A_1221 : vector<16xi32>
          %gather3A_1223 = tpu.vector_load_idx %arg12[%add3A_1177] : memref<16640xf32, #tpu.memory_space<vmem>>[vector<16xi32>], vector<16xf32>,
          %gather3A_1224 = tpu.vector_load_idx %arg12[%add3A_1180] : memref<16640xf32, #tpu.memory_space<vmem>>[vector<16xi32>], vector<16xf32>,
          %gather3A_1225 = tpu.vector_load_idx %arg12[%add3A_1183] : memref<16640xf32, #tpu.memory_space<vmem>>[vector<16xi32>], vector<16xf32>,
          %gather3A_1226 = tpu.vector_load_idx %arg12[%add3A_1186] : memref<16640xf32, #tpu.memory_space<vmem>>[vector<16xi32>], vector<16xf32>,
          %gather3A_1227 = tpu.vector_load_idx %arg12[%add3A_1189] : memref<16640xf32, #tpu.memory_space<vmem>>[vector<16xi32>], vector<16xf32>,
          %gather3A_1228 = tpu.vector_load_idx %arg12[%add3A_1192] : memref<16640xf32, #tpu.memory_space<vmem>>[vector<16xi32>], vector<16xf32>,
          %gather3A_1229 = tpu.vector_load_idx %arg12[%add3A_1195] : memref<16640xf32, #tpu.memory_space<vmem>>[vector<16xi32>], vector<16xf32>,
          %gather3A_1230 = tpu.vector_load_idx %arg12[%add3A_1198] : memref<16640xf32, #tpu.memory_space<vmem>>[vector<16xi32>], vector<16xf32>,
          %gather3A_1231 = tpu.vector_load_idx %arg12[%add3A_1201] : memref<16640xf32, #tpu.memory_space<vmem>>[vector<16xi32>], vector<16xf32>,
          %gather3A_1232 = tpu.vector_load_idx %arg12[%add3A_1204] : memref<16640xf32, #tpu.memory_space<vmem>>[vector<16xi32>], vector<16xf32>,
          %gather3A_1233 = tpu.vector_load_idx %arg12[%add3A_1207] : memref<16640xf32, #tpu.memory_space<vmem>>[vector<16xi32>], vector<16xf32>,
          %gather3A_1234 = tpu.vector_load_idx %arg12[%add3A_1210] : memref<16640xf32, #tpu.memory_space<vmem>>[vector<16xi32>], vector<16xf32>,
          %gather3A_1235 = tpu.vector_load_idx %arg12[%add3A_1213] : memref<16640xf32, #tpu.memory_space<vmem>>[vector<16xi32>], vector<16xf32>,
          %gather3A_1236 = tpu.vector_load_idx %arg12[%add3A_1216] : memref<16640xf32, #tpu.memory_space<vmem>>[vector<16xi32>], vector<16xf32>,
          %gather3A_1237 = tpu.vector_load_idx %arg12[%add3A_1219] : memref<16640xf32, #tpu.memory_space<vmem>>[vector<16xi32>], vector<16xf32>,
          %gather3A_1238 = tpu.vector_load_idx %arg12[%add3A_1222] : memref<16640xf32, #tpu.memory_space<vmem>>[vector<16xi32>], vector<16xf32>,
          %swap3A_1239 = arith.constant 1 : i32
          %swap3A_1240 = arith.constant 0 : i32
          %swap3A_1241 = arith.index_cast %add3A_246 : i32 to index
          %swap3A_1242 = arith.index_cast %swap3A_1239 : i32 to index
          %swap3A_1243 = arith.index_cast %swap3A_1240 : i32 to index
          %swap3A_1244 = arith.constant 32 : index
          %swap3A_1245 = tpu.vector_load %arg10[%swap3A_1241, %swap3A_1242, %swap3A_1243, %swap3A_1244] {strides = array<i32>} : memref<8x2x8x128xf32, #tpu.memory_space<vmem>>, vector<16xf32>,
          tpu.vector_store %arg10[%swap3A_1241, %swap3A_1242, %swap3A_1243, %swap3A_1244], %gather3A_1223 {strides = array<i32>} : memref<8x2x8x128xf32, #tpu.memory_space<vmem>>, vector<16xf32>,
          %swap3A_1246 = arith.constant 1 : i32
          %swap3A_1247 = arith.constant 1 : i32
          %swap3A_1248 = arith.index_cast %add3A_246 : i32 to index
          %swap3A_1249 = arith.index_cast %swap3A_1246 : i32 to index
          %swap3A_1250 = arith.index_cast %swap3A_1247 : i32 to index
          %swap3A_1251 = arith.constant 32 : index
          %swap3A_1252 = tpu.vector_load %arg10[%swap3A_1248, %swap3A_1249, %swap3A_1250, %swap3A_1251] {strides = array<i32>} : memref<8x2x8x128xf32, #tpu.memory_space<vmem>>, vector<16xf32>,
          tpu.vector_store %arg10[%swap3A_1248, %swap3A_1249, %swap3A_1250, %swap3A_1251], %gather3A_1224 {strides = array<i32>} : memref<8x2x8x128xf32, #tpu.memory_space<vmem>>, vector<16xf32>,
          %swap3A_1253 = arith.constant 1 : i32
          %swap3A_1254 = arith.constant 2 : i32
          %swap3A_1255 = arith.index_cast %add3A_246 : i32 to index
          %swap3A_1256 = arith.index_cast %swap3A_1253 : i32 to index
          %swap3A_1257 = arith.index_cast %swap3A_1254 : i32 to index
          %swap3A_1258 = arith.constant 32 : index
          %swap3A_1259 = tpu.vector_load %arg10[%swap3A_1255, %swap3A_1256, %swap3A_1257, %swap3A_1258] {strides = array<i32>} : memref<8x2x8x128xf32, #tpu.memory_space<vmem>>, vector<16xf32>,
          tpu.vector_store %arg10[%swap3A_1255, %swap3A_1256, %swap3A_1257, %swap3A_1258], %gather3A_1225 {strides = array<i32>} : memref<8x2x8x128xf32, #tpu.memory_space<vmem>>, vector<16xf32>,
          %swap3A_1260 = arith.constant 1 : i32
          %swap3A_1261 = arith.constant 3 : i32
          %swap3A_1262 = arith.index_cast %add3A_246 : i32 to index
          %swap3A_1263 = arith.index_cast %swap3A_1260 : i32 to index
          %swap3A_1264 = arith.index_cast %swap3A_1261 : i32 to index
          %swap3A_1265 = arith.constant 32 : index
          %swap3A_1266 = tpu.vector_load %arg10[%swap3A_1262, %swap3A_1263, %swap3A_1264, %swap3A_1265] {strides = array<i32>} : memref<8x2x8x128xf32, #tpu.memory_space<vmem>>, vector<16xf32>,
          tpu.vector_store %arg10[%swap3A_1262, %swap3A_1263, %swap3A_1264, %swap3A_1265], %gather3A_1226 {strides = array<i32>} : memref<8x2x8x128xf32, #tpu.memory_space<vmem>>, vector<16xf32>,
          %swap3A_1267 = arith.constant 1 : i32
          %swap3A_1268 = arith.constant 4 : i32
          %swap3A_1269 = arith.index_cast %add3A_246 : i32 to index
          %swap3A_1270 = arith.index_cast %swap3A_1267 : i32 to index
          %swap3A_1271 = arith.index_cast %swap3A_1268 : i32 to index
          %swap3A_1272 = arith.constant 32 : index
          %swap3A_1273 = tpu.vector_load %arg10[%swap3A_1269, %swap3A_1270, %swap3A_1271, %swap3A_1272] {strides = array<i32>} : memref<8x2x8x128xf32, #tpu.memory_space<vmem>>, vector<16xf32>,
          tpu.vector_store %arg10[%swap3A_1269, %swap3A_1270, %swap3A_1271, %swap3A_1272], %gather3A_1227 {strides = array<i32>} : memref<8x2x8x128xf32, #tpu.memory_space<vmem>>, vector<16xf32>,
          %swap3A_1274 = arith.constant 1 : i32
          %swap3A_1275 = arith.constant 5 : i32
          %swap3A_1276 = arith.index_cast %add3A_246 : i32 to index
          %swap3A_1277 = arith.index_cast %swap3A_1274 : i32 to index
          %swap3A_1278 = arith.index_cast %swap3A_1275 : i32 to index
          %swap3A_1279 = arith.constant 32 : index
          %swap3A_1280 = tpu.vector_load %arg10[%swap3A_1276, %swap3A_1277, %swap3A_1278, %swap3A_1279] {strides = array<i32>} : memref<8x2x8x128xf32, #tpu.memory_space<vmem>>, vector<16xf32>,
          tpu.vector_store %arg10[%swap3A_1276, %swap3A_1277, %swap3A_1278, %swap3A_1279], %gather3A_1228 {strides = array<i32>} : memref<8x2x8x128xf32, #tpu.memory_space<vmem>>, vector<16xf32>,
          %swap3A_1281 = arith.constant 1 : i32
          %swap3A_1282 = arith.constant 6 : i32
          %swap3A_1283 = arith.index_cast %add3A_246 : i32 to index
          %swap3A_1284 = arith.index_cast %swap3A_1281 : i32 to index
          %swap3A_1285 = arith.index_cast %swap3A_1282 : i32 to index
          %swap3A_1286 = arith.constant 32 : index
          %swap3A_1287 = tpu.vector_load %arg10[%swap3A_1283, %swap3A_1284, %swap3A_1285, %swap3A_1286] {strides = array<i32>} : memref<8x2x8x128xf32, #tpu.memory_space<vmem>>, vector<16xf32>,
          tpu.vector_store %arg10[%swap3A_1283, %swap3A_1284, %swap3A_1285, %swap3A_1286], %gather3A_1229 {strides = array<i32>} : memref<8x2x8x128xf32, #tpu.memory_space<vmem>>, vector<16xf32>,
          %swap3A_1288 = arith.constant 1 : i32
          %swap3A_1289 = arith.constant 7 : i32
          %swap3A_1290 = arith.index_cast %add3A_246 : i32 to index
          %swap3A_1291 = arith.index_cast %swap3A_1288 : i32 to index
          %swap3A_1292 = arith.index_cast %swap3A_1289 : i32 to index
          %swap3A_1293 = arith.constant 32 : index
          %swap3A_1294 = tpu.vector_load %arg10[%swap3A_1290, %swap3A_1291, %swap3A_1292, %swap3A_1293] {strides = array<i32>} : memref<8x2x8x128xf32, #tpu.memory_space<vmem>>, vector<16xf32>,
          tpu.vector_store %arg10[%swap3A_1290, %swap3A_1291, %swap3A_1292, %swap3A_1293], %gather3A_1230 {strides = array<i32>} : memref<8x2x8x128xf32, #tpu.memory_space<vmem>>, vector<16xf32>,
          %swap3A_1295 = arith.constant 1 : i32
          %swap3A_1296 = arith.constant 0 : i32
          %swap3A_1297 = arith.index_cast %add3A_246 : i32 to index
          %swap3A_1298 = arith.index_cast %swap3A_1295 : i32 to index
          %swap3A_1299 = arith.index_cast %swap3A_1296 : i32 to index
          %swap3A_1300 = arith.constant 48 : index
          %swap3A_1301 = tpu.vector_load %arg10[%swap3A_1297, %swap3A_1298, %swap3A_1299, %swap3A_1300] {strides = array<i32>} : memref<8x2x8x128xf32, #tpu.memory_space<vmem>>, vector<16xf32>,
          tpu.vector_store %arg10[%swap3A_1297, %swap3A_1298, %swap3A_1299, %swap3A_1300], %gather3A_1231 {strides = array<i32>} : memref<8x2x8x128xf32, #tpu.memory_space<vmem>>, vector<16xf32>,
          %swap3A_1302 = arith.constant 1 : i32
          %swap3A_1303 = arith.constant 1 : i32
          %swap3A_1304 = arith.index_cast %add3A_246 : i32 to index
          %swap3A_1305 = arith.index_cast %swap3A_1302 : i32 to index
          %swap3A_1306 = arith.index_cast %swap3A_1303 : i32 to index
          %swap3A_1307 = arith.constant 48 : index
          %swap3A_1308 = tpu.vector_load %arg10[%swap3A_1304, %swap3A_1305, %swap3A_1306, %swap3A_1307] {strides = array<i32>} : memref<8x2x8x128xf32, #tpu.memory_space<vmem>>, vector<16xf32>,
          tpu.vector_store %arg10[%swap3A_1304, %swap3A_1305, %swap3A_1306, %swap3A_1307], %gather3A_1232 {strides = array<i32>} : memref<8x2x8x128xf32, #tpu.memory_space<vmem>>, vector<16xf32>,
          %swap3A_1309 = arith.constant 1 : i32
          %swap3A_1310 = arith.constant 2 : i32
          %swap3A_1311 = arith.index_cast %add3A_246 : i32 to index
          %swap3A_1312 = arith.index_cast %swap3A_1309 : i32 to index
          %swap3A_1313 = arith.index_cast %swap3A_1310 : i32 to index
          %swap3A_1314 = arith.constant 48 : index
          %swap3A_1315 = tpu.vector_load %arg10[%swap3A_1311, %swap3A_1312, %swap3A_1313, %swap3A_1314] {strides = array<i32>} : memref<8x2x8x128xf32, #tpu.memory_space<vmem>>, vector<16xf32>,
          tpu.vector_store %arg10[%swap3A_1311, %swap3A_1312, %swap3A_1313, %swap3A_1314], %gather3A_1233 {strides = array<i32>} : memref<8x2x8x128xf32, #tpu.memory_space<vmem>>, vector<16xf32>,
          %swap3A_1316 = arith.constant 1 : i32
          %swap3A_1317 = arith.constant 3 : i32
          %swap3A_1318 = arith.index_cast %add3A_246 : i32 to index
          %swap3A_1319 = arith.index_cast %swap3A_1316 : i32 to index
          %swap3A_1320 = arith.index_cast %swap3A_1317 : i32 to index
          %swap3A_1321 = arith.constant 48 : index
          %swap3A_1322 = tpu.vector_load %arg10[%swap3A_1318, %swap3A_1319, %swap3A_1320, %swap3A_1321] {strides = array<i32>} : memref<8x2x8x128xf32, #tpu.memory_space<vmem>>, vector<16xf32>,
          tpu.vector_store %arg10[%swap3A_1318, %swap3A_1319, %swap3A_1320, %swap3A_1321], %gather3A_1234 {strides = array<i32>} : memref<8x2x8x128xf32, #tpu.memory_space<vmem>>, vector<16xf32>,
          %swap3A_1323 = arith.constant 1 : i32
          %swap3A_1324 = arith.constant 4 : i32
          %swap3A_1325 = arith.index_cast %add3A_246 : i32 to index
          %swap3A_1326 = arith.index_cast %swap3A_1323 : i32 to index
          %swap3A_1327 = arith.index_cast %swap3A_1324 : i32 to index
          %swap3A_1328 = arith.constant 48 : index
          %swap3A_1329 = tpu.vector_load %arg10[%swap3A_1325, %swap3A_1326, %swap3A_1327, %swap3A_1328] {strides = array<i32>} : memref<8x2x8x128xf32, #tpu.memory_space<vmem>>, vector<16xf32>,
          tpu.vector_store %arg10[%swap3A_1325, %swap3A_1326, %swap3A_1327, %swap3A_1328], %gather3A_1235 {strides = array<i32>} : memref<8x2x8x128xf32, #tpu.memory_space<vmem>>, vector<16xf32>,
          %swap3A_1330 = arith.constant 1 : i32
          %swap3A_1331 = arith.constant 5 : i32
          %swap3A_1332 = arith.index_cast %add3A_246 : i32 to index
          %swap3A_1333 = arith.index_cast %swap3A_1330 : i32 to index
          %swap3A_1334 = arith.index_cast %swap3A_1331 : i32 to index
          %swap3A_1335 = arith.constant 48 : index
          %swap3A_1336 = tpu.vector_load %arg10[%swap3A_1332, %swap3A_1333, %swap3A_1334, %swap3A_1335] {strides = array<i32>} : memref<8x2x8x128xf32, #tpu.memory_space<vmem>>, vector<16xf32>,
          tpu.vector_store %arg10[%swap3A_1332, %swap3A_1333, %swap3A_1334, %swap3A_1335], %gather3A_1236 {strides = array<i32>} : memref<8x2x8x128xf32, #tpu.memory_space<vmem>>, vector<16xf32>,
          %swap3A_1337 = arith.constant 1 : i32
          %swap3A_1338 = arith.constant 6 : i32
          %swap3A_1339 = arith.index_cast %add3A_246 : i32 to index
          %swap3A_1340 = arith.index_cast %swap3A_1337 : i32 to index
          %swap3A_1341 = arith.index_cast %swap3A_1338 : i32 to index
          %swap3A_1342 = arith.constant 48 : index
          %swap3A_1343 = tpu.vector_load %arg10[%swap3A_1339, %swap3A_1340, %swap3A_1341, %swap3A_1342] {strides = array<i32>} : memref<8x2x8x128xf32, #tpu.memory_space<vmem>>, vector<16xf32>,
          tpu.vector_store %arg10[%swap3A_1339, %swap3A_1340, %swap3A_1341, %swap3A_1342], %gather3A_1237 {strides = array<i32>} : memref<8x2x8x128xf32, #tpu.memory_space<vmem>>, vector<16xf32>,
          %swap3A_1344 = arith.constant 1 : i32
          %swap3A_1345 = arith.constant 7 : i32
          %swap3A_1346 = arith.index_cast %add3A_246 : i32 to index
          %swap3A_1347 = arith.index_cast %swap3A_1344 : i32 to index
          %swap3A_1348 = arith.index_cast %swap3A_1345 : i32 to index
          %swap3A_1349 = arith.constant 48 : index
          %swap3A_1350 = tpu.vector_load %arg10[%swap3A_1346, %swap3A_1347, %swap3A_1348, %swap3A_1349] {strides = array<i32>} : memref<8x2x8x128xf32, #tpu.memory_space<vmem>>, vector<16xf32>,
          tpu.vector_store %arg10[%swap3A_1346, %swap3A_1347, %swap3A_1348, %swap3A_1349], %gather3A_1238 {strides = array<i32>} : memref<8x2x8x128xf32, #tpu.memory_space<vmem>>, vector<16xf32>,
          %add3A_1351 = arith.constant 12480 : i32
          %add3A_1352 = arith.addi %add3A_1351, %mul3A_248 : i32
          %add3A_1353 = vector.broadcast %add3A_1352 : i32 to vector<16xi32>
          %add3A_1354 = arith.addi %mul3A_224, %add3A_1353 : vector<16xi32>
          %add3A_1355 = arith.constant 13520 : i32
          %add3A_1356 = arith.addi %add3A_1355, %mul3A_248 : i32
          %add3A_1357 = vector.broadcast %add3A_1356 : i32 to vector<16xi32>
          %add3A_1358 = arith.addi %mul3A_224, %add3A_1357 : vector<16xi32>
          %add3A_1359 = arith.constant 0 : i32
          %add3A_1360 = vector.broadcast %add3A_1359 : i32 to vector<16xi32>
          %add3A_1361 = arith.addi %add3A_1354, %add3A_1360 : vector<16xi32>
          %add3A_1362 = arith.constant 1 : i32
          %add3A_1363 = vector.broadcast %add3A_1362 : i32 to vector<16xi32>
          %add3A_1364 = arith.addi %add3A_1354, %add3A_1363 : vector<16xi32>
          %add3A_1365 = arith.constant 2 : i32
          %add3A_1366 = vector.broadcast %add3A_1365 : i32 to vector<16xi32>
          %add3A_1367 = arith.addi %add3A_1354, %add3A_1366 : vector<16xi32>
          %add3A_1368 = arith.constant 3 : i32
          %add3A_1369 = vector.broadcast %add3A_1368 : i32 to vector<16xi32>
          %add3A_1370 = arith.addi %add3A_1354, %add3A_1369 : vector<16xi32>
          %add3A_1371 = arith.constant 4 : i32
          %add3A_1372 = vector.broadcast %add3A_1371 : i32 to vector<16xi32>
          %add3A_1373 = arith.addi %add3A_1354, %add3A_1372 : vector<16xi32>
          %add3A_1374 = arith.constant 5 : i32
          %add3A_1375 = vector.broadcast %add3A_1374 : i32 to vector<16xi32>
          %add3A_1376 = arith.addi %add3A_1354, %add3A_1375 : vector<16xi32>
          %add3A_1377 = arith.constant 6 : i32
          %add3A_1378 = vector.broadcast %add3A_1377 : i32 to vector<16xi32>
          %add3A_1379 = arith.addi %add3A_1354, %add3A_1378 : vector<16xi32>
          %add3A_1380 = arith.constant 7 : i32
          %add3A_1381 = vector.broadcast %add3A_1380 : i32 to vector<16xi32>
          %add3A_1382 = arith.addi %add3A_1354, %add3A_1381 : vector<16xi32>
          %add3A_1383 = arith.constant 0 : i32
          %add3A_1384 = vector.broadcast %add3A_1383 : i32 to vector<16xi32>
          %add3A_1385 = arith.addi %add3A_1358, %add3A_1384 : vector<16xi32>
          %add3A_1386 = arith.constant 1 : i32
          %add3A_1387 = vector.broadcast %add3A_1386 : i32 to vector<16xi32>
          %add3A_1388 = arith.addi %add3A_1358, %add3A_1387 : vector<16xi32>
          %add3A_1389 = arith.constant 2 : i32
          %add3A_1390 = vector.broadcast %add3A_1389 : i32 to vector<16xi32>
          %add3A_1391 = arith.addi %add3A_1358, %add3A_1390 : vector<16xi32>
          %add3A_1392 = arith.constant 3 : i32
          %add3A_1393 = vector.broadcast %add3A_1392 : i32 to vector<16xi32>
          %add3A_1394 = arith.addi %add3A_1358, %add3A_1393 : vector<16xi32>
          %add3A_1395 = arith.constant 4 : i32
          %add3A_1396 = vector.broadcast %add3A_1395 : i32 to vector<16xi32>
          %add3A_1397 = arith.addi %add3A_1358, %add3A_1396 : vector<16xi32>
          %add3A_1398 = arith.constant 5 : i32
          %add3A_1399 = vector.broadcast %add3A_1398 : i32 to vector<16xi32>
          %add3A_1400 = arith.addi %add3A_1358, %add3A_1399 : vector<16xi32>
          %add3A_1401 = arith.constant 6 : i32
          %add3A_1402 = vector.broadcast %add3A_1401 : i32 to vector<16xi32>
          %add3A_1403 = arith.addi %add3A_1358, %add3A_1402 : vector<16xi32>
          %add3A_1404 = arith.constant 7 : i32
          %add3A_1405 = vector.broadcast %add3A_1404 : i32 to vector<16xi32>
          %add3A_1406 = arith.addi %add3A_1358, %add3A_1405 : vector<16xi32>
          %gather3A_1407 = tpu.vector_load_idx %arg12[%add3A_1361] : memref<16640xf32, #tpu.memory_space<vmem>>[vector<16xi32>], vector<16xf32>,
          %gather3A_1408 = tpu.vector_load_idx %arg12[%add3A_1364] : memref<16640xf32, #tpu.memory_space<vmem>>[vector<16xi32>], vector<16xf32>,
          %gather3A_1409 = tpu.vector_load_idx %arg12[%add3A_1367] : memref<16640xf32, #tpu.memory_space<vmem>>[vector<16xi32>], vector<16xf32>,
          %gather3A_1410 = tpu.vector_load_idx %arg12[%add3A_1370] : memref<16640xf32, #tpu.memory_space<vmem>>[vector<16xi32>], vector<16xf32>,
          %gather3A_1411 = tpu.vector_load_idx %arg12[%add3A_1373] : memref<16640xf32, #tpu.memory_space<vmem>>[vector<16xi32>], vector<16xf32>,
          %gather3A_1412 = tpu.vector_load_idx %arg12[%add3A_1376] : memref<16640xf32, #tpu.memory_space<vmem>>[vector<16xi32>], vector<16xf32>,
          %gather3A_1413 = tpu.vector_load_idx %arg12[%add3A_1379] : memref<16640xf32, #tpu.memory_space<vmem>>[vector<16xi32>], vector<16xf32>,
          %gather3A_1414 = tpu.vector_load_idx %arg12[%add3A_1382] : memref<16640xf32, #tpu.memory_space<vmem>>[vector<16xi32>], vector<16xf32>,
          %gather3A_1415 = tpu.vector_load_idx %arg12[%add3A_1385] : memref<16640xf32, #tpu.memory_space<vmem>>[vector<16xi32>], vector<16xf32>,
          %gather3A_1416 = tpu.vector_load_idx %arg12[%add3A_1388] : memref<16640xf32, #tpu.memory_space<vmem>>[vector<16xi32>], vector<16xf32>,
          %gather3A_1417 = tpu.vector_load_idx %arg12[%add3A_1391] : memref<16640xf32, #tpu.memory_space<vmem>>[vector<16xi32>], vector<16xf32>,
          %gather3A_1418 = tpu.vector_load_idx %arg12[%add3A_1394] : memref<16640xf32, #tpu.memory_space<vmem>>[vector<16xi32>], vector<16xf32>,
          %gather3A_1419 = tpu.vector_load_idx %arg12[%add3A_1397] : memref<16640xf32, #tpu.memory_space<vmem>>[vector<16xi32>], vector<16xf32>,
          %gather3A_1420 = tpu.vector_load_idx %arg12[%add3A_1400] : memref<16640xf32, #tpu.memory_space<vmem>>[vector<16xi32>], vector<16xf32>,
          %gather3A_1421 = tpu.vector_load_idx %arg12[%add3A_1403] : memref<16640xf32, #tpu.memory_space<vmem>>[vector<16xi32>], vector<16xf32>,
          %gather3A_1422 = tpu.vector_load_idx %arg12[%add3A_1406] : memref<16640xf32, #tpu.memory_space<vmem>>[vector<16xi32>], vector<16xf32>,
          %swap3A_1423 = arith.constant 1 : i32
          %swap3A_1424 = arith.constant 0 : i32
          %swap3A_1425 = arith.index_cast %add3A_246 : i32 to index
          %swap3A_1426 = arith.index_cast %swap3A_1423 : i32 to index
          %swap3A_1427 = arith.index_cast %swap3A_1424 : i32 to index
          %swap3A_1428 = arith.constant 64 : index
          %swap3A_1429 = tpu.vector_load %arg10[%swap3A_1425, %swap3A_1426, %swap3A_1427, %swap3A_1428] {strides = array<i32>} : memref<8x2x8x128xf32, #tpu.memory_space<vmem>>, vector<16xf32>,
          tpu.vector_store %arg10[%swap3A_1425, %swap3A_1426, %swap3A_1427, %swap3A_1428], %gather3A_1407 {strides = array<i32>} : memref<8x2x8x128xf32, #tpu.memory_space<vmem>>, vector<16xf32>,
          %swap3A_1430 = arith.constant 1 : i32
          %swap3A_1431 = arith.constant 1 : i32
          %swap3A_1432 = arith.index_cast %add3A_246 : i32 to index
          %swap3A_1433 = arith.index_cast %swap3A_1430 : i32 to index
          %swap3A_1434 = arith.index_cast %swap3A_1431 : i32 to index
          %swap3A_1435 = arith.constant 64 : index
          %swap3A_1436 = tpu.vector_load %arg10[%swap3A_1432, %swap3A_1433, %swap3A_1434, %swap3A_1435] {strides = array<i32>} : memref<8x2x8x128xf32, #tpu.memory_space<vmem>>, vector<16xf32>,
          tpu.vector_store %arg10[%swap3A_1432, %swap3A_1433, %swap3A_1434, %swap3A_1435], %gather3A_1408 {strides = array<i32>} : memref<8x2x8x128xf32, #tpu.memory_space<vmem>>, vector<16xf32>,
          %swap3A_1437 = arith.constant 1 : i32
          %swap3A_1438 = arith.constant 2 : i32
          %swap3A_1439 = arith.index_cast %add3A_246 : i32 to index
          %swap3A_1440 = arith.index_cast %swap3A_1437 : i32 to index
          %swap3A_1441 = arith.index_cast %swap3A_1438 : i32 to index
          %swap3A_1442 = arith.constant 64 : index
          %swap3A_1443 = tpu.vector_load %arg10[%swap3A_1439, %swap3A_1440, %swap3A_1441, %swap3A_1442] {strides = array<i32>} : memref<8x2x8x128xf32, #tpu.memory_space<vmem>>, vector<16xf32>,
          tpu.vector_store %arg10[%swap3A_1439, %swap3A_1440, %swap3A_1441, %swap3A_1442], %gather3A_1409 {strides = array<i32>} : memref<8x2x8x128xf32, #tpu.memory_space<vmem>>, vector<16xf32>,
          %swap3A_1444 = arith.constant 1 : i32
          %swap3A_1445 = arith.constant 3 : i32
          %swap3A_1446 = arith.index_cast %add3A_246 : i32 to index
          %swap3A_1447 = arith.index_cast %swap3A_1444 : i32 to index
          %swap3A_1448 = arith.index_cast %swap3A_1445 : i32 to index
          %swap3A_1449 = arith.constant 64 : index
          %swap3A_1450 = tpu.vector_load %arg10[%swap3A_1446, %swap3A_1447, %swap3A_1448, %swap3A_1449] {strides = array<i32>} : memref<8x2x8x128xf32, #tpu.memory_space<vmem>>, vector<16xf32>,
          tpu.vector_store %arg10[%swap3A_1446, %swap3A_1447, %swap3A_1448, %swap3A_1449], %gather3A_1410 {strides = array<i32>} : memref<8x2x8x128xf32, #tpu.memory_space<vmem>>, vector<16xf32>,
          %swap3A_1451 = arith.constant 1 : i32
          %swap3A_1452 = arith.constant 4 : i32
          %swap3A_1453 = arith.index_cast %add3A_246 : i32 to index
          %swap3A_1454 = arith.index_cast %swap3A_1451 : i32 to index
          %swap3A_1455 = arith.index_cast %swap3A_1452 : i32 to index
          %swap3A_1456 = arith.constant 64 : index
          %swap3A_1457 = tpu.vector_load %arg10[%swap3A_1453, %swap3A_1454, %swap3A_1455, %swap3A_1456] {strides = array<i32>} : memref<8x2x8x128xf32, #tpu.memory_space<vmem>>, vector<16xf32>,
          tpu.vector_store %arg10[%swap3A_1453, %swap3A_1454, %swap3A_1455, %swap3A_1456], %gather3A_1411 {strides = array<i32>} : memref<8x2x8x128xf32, #tpu.memory_space<vmem>>, vector<16xf32>,
          %swap3A_1458 = arith.constant 1 : i32
          %swap3A_1459 = arith.constant 5 : i32
          %swap3A_1460 = arith.index_cast %add3A_246 : i32 to index
          %swap3A_1461 = arith.index_cast %swap3A_1458 : i32 to index
          %swap3A_1462 = arith.index_cast %swap3A_1459 : i32 to index
          %swap3A_1463 = arith.constant 64 : index
          %swap3A_1464 = tpu.vector_load %arg10[%swap3A_1460, %swap3A_1461, %swap3A_1462, %swap3A_1463] {strides = array<i32>} : memref<8x2x8x128xf32, #tpu.memory_space<vmem>>, vector<16xf32>,
          tpu.vector_store %arg10[%swap3A_1460, %swap3A_1461, %swap3A_1462, %swap3A_1463], %gather3A_1412 {strides = array<i32>} : memref<8x2x8x128xf32, #tpu.memory_space<vmem>>, vector<16xf32>,
          %swap3A_1465 = arith.constant 1 : i32
          %swap3A_1466 = arith.constant 6 : i32
          %swap3A_1467 = arith.index_cast %add3A_246 : i32 to index
          %swap3A_1468 = arith.index_cast %swap3A_1465 : i32 to index
          %swap3A_1469 = arith.index_cast %swap3A_1466 : i32 to index
          %swap3A_1470 = arith.constant 64 : index
          %swap3A_1471 = tpu.vector_load %arg10[%swap3A_1467, %swap3A_1468, %swap3A_1469, %swap3A_1470] {strides = array<i32>} : memref<8x2x8x128xf32, #tpu.memory_space<vmem>>, vector<16xf32>,
          tpu.vector_store %arg10[%swap3A_1467, %swap3A_1468, %swap3A_1469, %swap3A_1470], %gather3A_1413 {strides = array<i32>} : memref<8x2x8x128xf32, #tpu.memory_space<vmem>>, vector<16xf32>,
          %swap3A_1472 = arith.constant 1 : i32
          %swap3A_1473 = arith.constant 7 : i32
          %swap3A_1474 = arith.index_cast %add3A_246 : i32 to index
          %swap3A_1475 = arith.index_cast %swap3A_1472 : i32 to index
          %swap3A_1476 = arith.index_cast %swap3A_1473 : i32 to index
          %swap3A_1477 = arith.constant 64 : index
          %swap3A_1478 = tpu.vector_load %arg10[%swap3A_1474, %swap3A_1475, %swap3A_1476, %swap3A_1477] {strides = array<i32>} : memref<8x2x8x128xf32, #tpu.memory_space<vmem>>, vector<16xf32>,
          tpu.vector_store %arg10[%swap3A_1474, %swap3A_1475, %swap3A_1476, %swap3A_1477], %gather3A_1414 {strides = array<i32>} : memref<8x2x8x128xf32, #tpu.memory_space<vmem>>, vector<16xf32>,
          %swap3A_1479 = arith.constant 1 : i32
          %swap3A_1480 = arith.constant 0 : i32
          %swap3A_1481 = arith.index_cast %add3A_246 : i32 to index
          %swap3A_1482 = arith.index_cast %swap3A_1479 : i32 to index
          %swap3A_1483 = arith.index_cast %swap3A_1480 : i32 to index
          %swap3A_1484 = arith.constant 80 : index
          %swap3A_1485 = tpu.vector_load %arg10[%swap3A_1481, %swap3A_1482, %swap3A_1483, %swap3A_1484] {strides = array<i32>} : memref<8x2x8x128xf32, #tpu.memory_space<vmem>>, vector<16xf32>,
          tpu.vector_store %arg10[%swap3A_1481, %swap3A_1482, %swap3A_1483, %swap3A_1484], %gather3A_1415 {strides = array<i32>} : memref<8x2x8x128xf32, #tpu.memory_space<vmem>>, vector<16xf32>,
          %swap3A_1486 = arith.constant 1 : i32
          %swap3A_1487 = arith.constant 1 : i32
          %swap3A_1488 = arith.index_cast %add3A_246 : i32 to index
          %swap3A_1489 = arith.index_cast %swap3A_1486 : i32 to index
          %swap3A_1490 = arith.index_cast %swap3A_1487 : i32 to index
          %swap3A_1491 = arith.constant 80 : index
          %swap3A_1492 = tpu.vector_load %arg10[%swap3A_1488, %swap3A_1489, %swap3A_1490, %swap3A_1491] {strides = array<i32>} : memref<8x2x8x128xf32, #tpu.memory_space<vmem>>, vector<16xf32>,
          tpu.vector_store %arg10[%swap3A_1488, %swap3A_1489, %swap3A_1490, %swap3A_1491], %gather3A_1416 {strides = array<i32>} : memref<8x2x8x128xf32, #tpu.memory_space<vmem>>, vector<16xf32>,
          %swap3A_1493 = arith.constant 1 : i32
          %swap3A_1494 = arith.constant 2 : i32
          %swap3A_1495 = arith.index_cast %add3A_246 : i32 to index
          %swap3A_1496 = arith.index_cast %swap3A_1493 : i32 to index
          %swap3A_1497 = arith.index_cast %swap3A_1494 : i32 to index
          %swap3A_1498 = arith.constant 80 : index
          %swap3A_1499 = tpu.vector_load %arg10[%swap3A_1495, %swap3A_1496, %swap3A_1497, %swap3A_1498] {strides = array<i32>} : memref<8x2x8x128xf32, #tpu.memory_space<vmem>>, vector<16xf32>,
          tpu.vector_store %arg10[%swap3A_1495, %swap3A_1496, %swap3A_1497, %swap3A_1498], %gather3A_1417 {strides = array<i32>} : memref<8x2x8x128xf32, #tpu.memory_space<vmem>>, vector<16xf32>,
          %swap3A_1500 = arith.constant 1 : i32
          %swap3A_1501 = arith.constant 3 : i32
          %swap3A_1502 = arith.index_cast %add3A_246 : i32 to index
          %swap3A_1503 = arith.index_cast %swap3A_1500 : i32 to index
          %swap3A_1504 = arith.index_cast %swap3A_1501 : i32 to index
          %swap3A_1505 = arith.constant 80 : index
          %swap3A_1506 = tpu.vector_load %arg10[%swap3A_1502, %swap3A_1503, %swap3A_1504, %swap3A_1505] {strides = array<i32>} : memref<8x2x8x128xf32, #tpu.memory_space<vmem>>, vector<16xf32>,
          tpu.vector_store %arg10[%swap3A_1502, %swap3A_1503, %swap3A_1504, %swap3A_1505], %gather3A_1418 {strides = array<i32>} : memref<8x2x8x128xf32, #tpu.memory_space<vmem>>, vector<16xf32>,
          %swap3A_1507 = arith.constant 1 : i32
          %swap3A_1508 = arith.constant 4 : i32
          %swap3A_1509 = arith.index_cast %add3A_246 : i32 to index
          %swap3A_1510 = arith.index_cast %swap3A_1507 : i32 to index
          %swap3A_1511 = arith.index_cast %swap3A_1508 : i32 to index
          %swap3A_1512 = arith.constant 80 : index
          %swap3A_1513 = tpu.vector_load %arg10[%swap3A_1509, %swap3A_1510, %swap3A_1511, %swap3A_1512] {strides = array<i32>} : memref<8x2x8x128xf32, #tpu.memory_space<vmem>>, vector<16xf32>,
          tpu.vector_store %arg10[%swap3A_1509, %swap3A_1510, %swap3A_1511, %swap3A_1512], %gather3A_1419 {strides = array<i32>} : memref<8x2x8x128xf32, #tpu.memory_space<vmem>>, vector<16xf32>,
          %swap3A_1514 = arith.constant 1 : i32
          %swap3A_1515 = arith.constant 5 : i32
          %swap3A_1516 = arith.index_cast %add3A_246 : i32 to index
          %swap3A_1517 = arith.index_cast %swap3A_1514 : i32 to index
          %swap3A_1518 = arith.index_cast %swap3A_1515 : i32 to index
          %swap3A_1519 = arith.constant 80 : index
          %swap3A_1520 = tpu.vector_load %arg10[%swap3A_1516, %swap3A_1517, %swap3A_1518, %swap3A_1519] {strides = array<i32>} : memref<8x2x8x128xf32, #tpu.memory_space<vmem>>, vector<16xf32>,
          tpu.vector_store %arg10[%swap3A_1516, %swap3A_1517, %swap3A_1518, %swap3A_1519], %gather3A_1420 {strides = array<i32>} : memref<8x2x8x128xf32, #tpu.memory_space<vmem>>, vector<16xf32>,
          %swap3A_1521 = arith.constant 1 : i32
          %swap3A_1522 = arith.constant 6 : i32
          %swap3A_1523 = arith.index_cast %add3A_246 : i32 to index
          %swap3A_1524 = arith.index_cast %swap3A_1521 : i32 to index
          %swap3A_1525 = arith.index_cast %swap3A_1522 : i32 to index
          %swap3A_1526 = arith.constant 80 : index
          %swap3A_1527 = tpu.vector_load %arg10[%swap3A_1523, %swap3A_1524, %swap3A_1525, %swap3A_1526] {strides = array<i32>} : memref<8x2x8x128xf32, #tpu.memory_space<vmem>>, vector<16xf32>,
          tpu.vector_store %arg10[%swap3A_1523, %swap3A_1524, %swap3A_1525, %swap3A_1526], %gather3A_1421 {strides = array<i32>} : memref<8x2x8x128xf32, #tpu.memory_space<vmem>>, vector<16xf32>,
          %swap3A_1528 = arith.constant 1 : i32
          %swap3A_1529 = arith.constant 7 : i32
          %swap3A_1530 = arith.index_cast %add3A_246 : i32 to index
          %swap3A_1531 = arith.index_cast %swap3A_1528 : i32 to index
          %swap3A_1532 = arith.index_cast %swap3A_1529 : i32 to index
          %swap3A_1533 = arith.constant 80 : index
          %swap3A_1534 = tpu.vector_load %arg10[%swap3A_1530, %swap3A_1531, %swap3A_1532, %swap3A_1533] {strides = array<i32>} : memref<8x2x8x128xf32, #tpu.memory_space<vmem>>, vector<16xf32>,
          tpu.vector_store %arg10[%swap3A_1530, %swap3A_1531, %swap3A_1532, %swap3A_1533], %gather3A_1422 {strides = array<i32>} : memref<8x2x8x128xf32, #tpu.memory_space<vmem>>, vector<16xf32>,
          %add3A_1535 = arith.constant 14560 : i32
          %add3A_1536 = arith.addi %add3A_1535, %mul3A_248 : i32
          %add3A_1537 = vector.broadcast %add3A_1536 : i32 to vector<16xi32>
          %add3A_1538 = arith.addi %mul3A_224, %add3A_1537 : vector<16xi32>
          %add3A_1539 = arith.constant 15600 : i32
          %add3A_1540 = arith.addi %add3A_1539, %mul3A_248 : i32
          %add3A_1541 = vector.broadcast %add3A_1540 : i32 to vector<16xi32>
          %add3A_1542 = arith.addi %mul3A_224, %add3A_1541 : vector<16xi32>
          %add3A_1543 = arith.constant 0 : i32
          %add3A_1544 = vector.broadcast %add3A_1543 : i32 to vector<16xi32>
          %add3A_1545 = arith.addi %add3A_1538, %add3A_1544 : vector<16xi32>
          %add3A_1546 = arith.constant 1 : i32
          %add3A_1547 = vector.broadcast %add3A_1546 : i32 to vector<16xi32>
          %add3A_1548 = arith.addi %add3A_1538, %add3A_1547 : vector<16xi32>
          %add3A_1549 = arith.constant 2 : i32
          %add3A_1550 = vector.broadcast %add3A_1549 : i32 to vector<16xi32>
          %add3A_1551 = arith.addi %add3A_1538, %add3A_1550 : vector<16xi32>
          %add3A_1552 = arith.constant 3 : i32
          %add3A_1553 = vector.broadcast %add3A_1552 : i32 to vector<16xi32>
          %add3A_1554 = arith.addi %add3A_1538, %add3A_1553 : vector<16xi32>
          %add3A_1555 = arith.constant 4 : i32
          %add3A_1556 = vector.broadcast %add3A_1555 : i32 to vector<16xi32>
          %add3A_1557 = arith.addi %add3A_1538, %add3A_1556 : vector<16xi32>
          %add3A_1558 = arith.constant 5 : i32
          %add3A_1559 = vector.broadcast %add3A_1558 : i32 to vector<16xi32>
          %add3A_1560 = arith.addi %add3A_1538, %add3A_1559 : vector<16xi32>
          %add3A_1561 = arith.constant 6 : i32
          %add3A_1562 = vector.broadcast %add3A_1561 : i32 to vector<16xi32>
          %add3A_1563 = arith.addi %add3A_1538, %add3A_1562 : vector<16xi32>
          %add3A_1564 = arith.constant 7 : i32
          %add3A_1565 = vector.broadcast %add3A_1564 : i32 to vector<16xi32>
          %add3A_1566 = arith.addi %add3A_1538, %add3A_1565 : vector<16xi32>
          %add3A_1567 = arith.constant 0 : i32
          %add3A_1568 = vector.broadcast %add3A_1567 : i32 to vector<16xi32>
          %add3A_1569 = arith.addi %add3A_1542, %add3A_1568 : vector<16xi32>
          %add3A_1570 = arith.constant 1 : i32
          %add3A_1571 = vector.broadcast %add3A_1570 : i32 to vector<16xi32>
          %add3A_1572 = arith.addi %add3A_1542, %add3A_1571 : vector<16xi32>
          %add3A_1573 = arith.constant 2 : i32
          %add3A_1574 = vector.broadcast %add3A_1573 : i32 to vector<16xi32>
          %add3A_1575 = arith.addi %add3A_1542, %add3A_1574 : vector<16xi32>
          %add3A_1576 = arith.constant 3 : i32
          %add3A_1577 = vector.broadcast %add3A_1576 : i32 to vector<16xi32>
          %add3A_1578 = arith.addi %add3A_1542, %add3A_1577 : vector<16xi32>
          %add3A_1579 = arith.constant 4 : i32
          %add3A_1580 = vector.broadcast %add3A_1579 : i32 to vector<16xi32>
          %add3A_1581 = arith.addi %add3A_1542, %add3A_1580 : vector<16xi32>
          %add3A_1582 = arith.constant 5 : i32
          %add3A_1583 = vector.broadcast %add3A_1582 : i32 to vector<16xi32>
          %add3A_1584 = arith.addi %add3A_1542, %add3A_1583 : vector<16xi32>
          %add3A_1585 = arith.constant 6 : i32
          %add3A_1586 = vector.broadcast %add3A_1585 : i32 to vector<16xi32>
          %add3A_1587 = arith.addi %add3A_1542, %add3A_1586 : vector<16xi32>
          %add3A_1588 = arith.constant 7 : i32
          %add3A_1589 = vector.broadcast %add3A_1588 : i32 to vector<16xi32>
          %add3A_1590 = arith.addi %add3A_1542, %add3A_1589 : vector<16xi32>
          %gather3A_1591 = tpu.vector_load_idx %arg12[%add3A_1545] : memref<16640xf32, #tpu.memory_space<vmem>>[vector<16xi32>], vector<16xf32>,
          %gather3A_1592 = tpu.vector_load_idx %arg12[%add3A_1548] : memref<16640xf32, #tpu.memory_space<vmem>>[vector<16xi32>], vector<16xf32>,
          %gather3A_1593 = tpu.vector_load_idx %arg12[%add3A_1551] : memref<16640xf32, #tpu.memory_space<vmem>>[vector<16xi32>], vector<16xf32>,
          %gather3A_1594 = tpu.vector_load_idx %arg12[%add3A_1554] : memref<16640xf32, #tpu.memory_space<vmem>>[vector<16xi32>], vector<16xf32>,
          %gather3A_1595 = tpu.vector_load_idx %arg12[%add3A_1557] : memref<16640xf32, #tpu.memory_space<vmem>>[vector<16xi32>], vector<16xf32>,
          %gather3A_1596 = tpu.vector_load_idx %arg12[%add3A_1560] : memref<16640xf32, #tpu.memory_space<vmem>>[vector<16xi32>], vector<16xf32>,
          %gather3A_1597 = tpu.vector_load_idx %arg12[%add3A_1563] : memref<16640xf32, #tpu.memory_space<vmem>>[vector<16xi32>], vector<16xf32>,
          %gather3A_1598 = tpu.vector_load_idx %arg12[%add3A_1566] : memref<16640xf32, #tpu.memory_space<vmem>>[vector<16xi32>], vector<16xf32>,
          %gather3A_1599 = tpu.vector_load_idx %arg12[%add3A_1569] : memref<16640xf32, #tpu.memory_space<vmem>>[vector<16xi32>], vector<16xf32>,
          %gather3A_1600 = tpu.vector_load_idx %arg12[%add3A_1572] : memref<16640xf32, #tpu.memory_space<vmem>>[vector<16xi32>], vector<16xf32>,
          %gather3A_1601 = tpu.vector_load_idx %arg12[%add3A_1575] : memref<16640xf32, #tpu.memory_space<vmem>>[vector<16xi32>], vector<16xf32>,
          %gather3A_1602 = tpu.vector_load_idx %arg12[%add3A_1578] : memref<16640xf32, #tpu.memory_space<vmem>>[vector<16xi32>], vector<16xf32>,
          %gather3A_1603 = tpu.vector_load_idx %arg12[%add3A_1581] : memref<16640xf32, #tpu.memory_space<vmem>>[vector<16xi32>], vector<16xf32>,
          %gather3A_1604 = tpu.vector_load_idx %arg12[%add3A_1584] : memref<16640xf32, #tpu.memory_space<vmem>>[vector<16xi32>], vector<16xf32>,
          %gather3A_1605 = tpu.vector_load_idx %arg12[%add3A_1587] : memref<16640xf32, #tpu.memory_space<vmem>>[vector<16xi32>], vector<16xf32>,
          %gather3A_1606 = tpu.vector_load_idx %arg12[%add3A_1590] : memref<16640xf32, #tpu.memory_space<vmem>>[vector<16xi32>], vector<16xf32>,
          %swap3A_1607 = arith.constant 1 : i32
          %swap3A_1608 = arith.constant 0 : i32
          %swap3A_1609 = arith.index_cast %add3A_246 : i32 to index
          %swap3A_1610 = arith.index_cast %swap3A_1607 : i32 to index
          %swap3A_1611 = arith.index_cast %swap3A_1608 : i32 to index
          %swap3A_1612 = arith.constant 96 : index
          %swap3A_1613 = tpu.vector_load %arg10[%swap3A_1609, %swap3A_1610, %swap3A_1611, %swap3A_1612] {strides = array<i32>} : memref<8x2x8x128xf32, #tpu.memory_space<vmem>>, vector<16xf32>,
          tpu.vector_store %arg10[%swap3A_1609, %swap3A_1610, %swap3A_1611, %swap3A_1612], %gather3A_1591 {strides = array<i32>} : memref<8x2x8x128xf32, #tpu.memory_space<vmem>>, vector<16xf32>,
          %swap3A_1614 = arith.constant 1 : i32
          %swap3A_1615 = arith.constant 1 : i32
          %swap3A_1616 = arith.index_cast %add3A_246 : i32 to index
          %swap3A_1617 = arith.index_cast %swap3A_1614 : i32 to index
          %swap3A_1618 = arith.index_cast %swap3A_1615 : i32 to index
          %swap3A_1619 = arith.constant 96 : index
          %swap3A_1620 = tpu.vector_load %arg10[%swap3A_1616, %swap3A_1617, %swap3A_1618, %swap3A_1619] {strides = array<i32>} : memref<8x2x8x128xf32, #tpu.memory_space<vmem>>, vector<16xf32>,
          tpu.vector_store %arg10[%swap3A_1616, %swap3A_1617, %swap3A_1618, %swap3A_1619], %gather3A_1592 {strides = array<i32>} : memref<8x2x8x128xf32, #tpu.memory_space<vmem>>, vector<16xf32>,
          %swap3A_1621 = arith.constant 1 : i32
          %swap3A_1622 = arith.constant 2 : i32
          %swap3A_1623 = arith.index_cast %add3A_246 : i32 to index
          %swap3A_1624 = arith.index_cast %swap3A_1621 : i32 to index
          %swap3A_1625 = arith.index_cast %swap3A_1622 : i32 to index
          %swap3A_1626 = arith.constant 96 : index
          %swap3A_1627 = tpu.vector_load %arg10[%swap3A_1623, %swap3A_1624, %swap3A_1625, %swap3A_1626] {strides = array<i32>} : memref<8x2x8x128xf32, #tpu.memory_space<vmem>>, vector<16xf32>,
          tpu.vector_store %arg10[%swap3A_1623, %swap3A_1624, %swap3A_1625, %swap3A_1626], %gather3A_1593 {strides = array<i32>} : memref<8x2x8x128xf32, #tpu.memory_space<vmem>>, vector<16xf32>,
          %swap3A_1628 = arith.constant 1 : i32
          %swap3A_1629 = arith.constant 3 : i32
          %swap3A_1630 = arith.index_cast %add3A_246 : i32 to index
          %swap3A_1631 = arith.index_cast %swap3A_1628 : i32 to index
          %swap3A_1632 = arith.index_cast %swap3A_1629 : i32 to index
          %swap3A_1633 = arith.constant 96 : index
          %swap3A_1634 = tpu.vector_load %arg10[%swap3A_1630, %swap3A_1631, %swap3A_1632, %swap3A_1633] {strides = array<i32>} : memref<8x2x8x128xf32, #tpu.memory_space<vmem>>, vector<16xf32>,
          tpu.vector_store %arg10[%swap3A_1630, %swap3A_1631, %swap3A_1632, %swap3A_1633], %gather3A_1594 {strides = array<i32>} : memref<8x2x8x128xf32, #tpu.memory_space<vmem>>, vector<16xf32>,
          %swap3A_1635 = arith.constant 1 : i32
          %swap3A_1636 = arith.constant 4 : i32
          %swap3A_1637 = arith.index_cast %add3A_246 : i32 to index
          %swap3A_1638 = arith.index_cast %swap3A_1635 : i32 to index
          %swap3A_1639 = arith.index_cast %swap3A_1636 : i32 to index
          %swap3A_1640 = arith.constant 96 : index
          %swap3A_1641 = tpu.vector_load %arg10[%swap3A_1637, %swap3A_1638, %swap3A_1639, %swap3A_1640] {strides = array<i32>} : memref<8x2x8x128xf32, #tpu.memory_space<vmem>>, vector<16xf32>,
          tpu.vector_store %arg10[%swap3A_1637, %swap3A_1638, %swap3A_1639, %swap3A_1640], %gather3A_1595 {strides = array<i32>} : memref<8x2x8x128xf32, #tpu.memory_space<vmem>>, vector<16xf32>,
          %swap3A_1642 = arith.constant 1 : i32
          %swap3A_1643 = arith.constant 5 : i32
          %swap3A_1644 = arith.index_cast %add3A_246 : i32 to index
          %swap3A_1645 = arith.index_cast %swap3A_1642 : i32 to index
          %swap3A_1646 = arith.index_cast %swap3A_1643 : i32 to index
          %swap3A_1647 = arith.constant 96 : index
          %swap3A_1648 = tpu.vector_load %arg10[%swap3A_1644, %swap3A_1645, %swap3A_1646, %swap3A_1647] {strides = array<i32>} : memref<8x2x8x128xf32, #tpu.memory_space<vmem>>, vector<16xf32>,
          tpu.vector_store %arg10[%swap3A_1644, %swap3A_1645, %swap3A_1646, %swap3A_1647], %gather3A_1596 {strides = array<i32>} : memref<8x2x8x128xf32, #tpu.memory_space<vmem>>, vector<16xf32>,
          %swap3A_1649 = arith.constant 1 : i32
          %swap3A_1650 = arith.constant 6 : i32
          %swap3A_1651 = arith.index_cast %add3A_246 : i32 to index
          %swap3A_1652 = arith.index_cast %swap3A_1649 : i32 to index
          %swap3A_1653 = arith.index_cast %swap3A_1650 : i32 to index
          %swap3A_1654 = arith.constant 96 : index
          %swap3A_1655 = tpu.vector_load %arg10[%swap3A_1651, %swap3A_1652, %swap3A_1653, %swap3A_1654] {strides = array<i32>} : memref<8x2x8x128xf32, #tpu.memory_space<vmem>>, vector<16xf32>,
          tpu.vector_store %arg10[%swap3A_1651, %swap3A_1652, %swap3A_1653, %swap3A_1654], %gather3A_1597 {strides = array<i32>} : memref<8x2x8x128xf32, #tpu.memory_space<vmem>>, vector<16xf32>,
          %swap3A_1656 = arith.constant 1 : i32
          %swap3A_1657 = arith.constant 7 : i32
          %swap3A_1658 = arith.index_cast %add3A_246 : i32 to index
          %swap3A_1659 = arith.index_cast %swap3A_1656 : i32 to index
          %swap3A_1660 = arith.index_cast %swap3A_1657 : i32 to index
          %swap3A_1661 = arith.constant 96 : index
          %swap3A_1662 = tpu.vector_load %arg10[%swap3A_1658, %swap3A_1659, %swap3A_1660, %swap3A_1661] {strides = array<i32>} : memref<8x2x8x128xf32, #tpu.memory_space<vmem>>, vector<16xf32>,
          tpu.vector_store %arg10[%swap3A_1658, %swap3A_1659, %swap3A_1660, %swap3A_1661], %gather3A_1598 {strides = array<i32>} : memref<8x2x8x128xf32, #tpu.memory_space<vmem>>, vector<16xf32>,
          %swap3A_1663 = arith.constant 1 : i32
          %swap3A_1664 = arith.constant 0 : i32
          %swap3A_1665 = arith.index_cast %add3A_246 : i32 to index
          %swap3A_1666 = arith.index_cast %swap3A_1663 : i32 to index
          %swap3A_1667 = arith.index_cast %swap3A_1664 : i32 to index
          %swap3A_1668 = arith.constant 112 : index
          %swap3A_1669 = tpu.vector_load %arg10[%swap3A_1665, %swap3A_1666, %swap3A_1667, %swap3A_1668] {strides = array<i32>} : memref<8x2x8x128xf32, #tpu.memory_space<vmem>>, vector<16xf32>,
          tpu.vector_store %arg10[%swap3A_1665, %swap3A_1666, %swap3A_1667, %swap3A_1668], %gather3A_1599 {strides = array<i32>} : memref<8x2x8x128xf32, #tpu.memory_space<vmem>>, vector<16xf32>,
          %swap3A_1670 = arith.constant 1 : i32
          %swap3A_1671 = arith.constant 1 : i32
          %swap3A_1672 = arith.index_cast %add3A_246 : i32 to index
          %swap3A_1673 = arith.index_cast %swap3A_1670 : i32 to index
          %swap3A_1674 = arith.index_cast %swap3A_1671 : i32 to index
          %swap3A_1675 = arith.constant 112 : index
          %swap3A_1676 = tpu.vector_load %arg10[%swap3A_1672, %swap3A_1673, %swap3A_1674, %swap3A_1675] {strides = array<i32>} : memref<8x2x8x128xf32, #tpu.memory_space<vmem>>, vector<16xf32>,
          tpu.vector_store %arg10[%swap3A_1672, %swap3A_1673, %swap3A_1674, %swap3A_1675], %gather3A_1600 {strides = array<i32>} : memref<8x2x8x128xf32, #tpu.memory_space<vmem>>, vector<16xf32>,
          %swap3A_1677 = arith.constant 1 : i32
          %swap3A_1678 = arith.constant 2 : i32
          %swap3A_1679 = arith.index_cast %add3A_246 : i32 to index
          %swap3A_1680 = arith.index_cast %swap3A_1677 : i32 to index
          %swap3A_1681 = arith.index_cast %swap3A_1678 : i32 to index
          %swap3A_1682 = arith.constant 112 : index
          %swap3A_1683 = tpu.vector_load %arg10[%swap3A_1679, %swap3A_1680, %swap3A_1681, %swap3A_1682] {strides = array<i32>} : memref<8x2x8x128xf32, #tpu.memory_space<vmem>>, vector<16xf32>,
          tpu.vector_store %arg10[%swap3A_1679, %swap3A_1680, %swap3A_1681, %swap3A_1682], %gather3A_1601 {strides = array<i32>} : memref<8x2x8x128xf32, #tpu.memory_space<vmem>>, vector<16xf32>,
          %swap3A_1684 = arith.constant 1 : i32
          %swap3A_1685 = arith.constant 3 : i32
          %swap3A_1686 = arith.index_cast %add3A_246 : i32 to index
          %swap3A_1687 = arith.index_cast %swap3A_1684 : i32 to index
          %swap3A_1688 = arith.index_cast %swap3A_1685 : i32 to index
          %swap3A_1689 = arith.constant 112 : index
          %swap3A_1690 = tpu.vector_load %arg10[%swap3A_1686, %swap3A_1687, %swap3A_1688, %swap3A_1689] {strides = array<i32>} : memref<8x2x8x128xf32, #tpu.memory_space<vmem>>, vector<16xf32>,
          tpu.vector_store %arg10[%swap3A_1686, %swap3A_1687, %swap3A_1688, %swap3A_1689], %gather3A_1602 {strides = array<i32>} : memref<8x2x8x128xf32, #tpu.memory_space<vmem>>, vector<16xf32>,
          %swap3A_1691 = arith.constant 1 : i32
          %swap3A_1692 = arith.constant 4 : i32
          %swap3A_1693 = arith.index_cast %add3A_246 : i32 to index
          %swap3A_1694 = arith.index_cast %swap3A_1691 : i32 to index
          %swap3A_1695 = arith.index_cast %swap3A_1692 : i32 to index
          %swap3A_1696 = arith.constant 112 : index
          %swap3A_1697 = tpu.vector_load %arg10[%swap3A_1693, %swap3A_1694, %swap3A_1695, %swap3A_1696] {strides = array<i32>} : memref<8x2x8x128xf32, #tpu.memory_space<vmem>>, vector<16xf32>,
          tpu.vector_store %arg10[%swap3A_1693, %swap3A_1694, %swap3A_1695, %swap3A_1696], %gather3A_1603 {strides = array<i32>} : memref<8x2x8x128xf32, #tpu.memory_space<vmem>>, vector<16xf32>,
          %swap3A_1698 = arith.constant 1 : i32
          %swap3A_1699 = arith.constant 5 : i32
          %swap3A_1700 = arith.index_cast %add3A_246 : i32 to index
          %swap3A_1701 = arith.index_cast %swap3A_1698 : i32 to index
          %swap3A_1702 = arith.index_cast %swap3A_1699 : i32 to index
          %swap3A_1703 = arith.constant 112 : index
          %swap3A_1704 = tpu.vector_load %arg10[%swap3A_1700, %swap3A_1701, %swap3A_1702, %swap3A_1703] {strides = array<i32>} : memref<8x2x8x128xf32, #tpu.memory_space<vmem>>, vector<16xf32>,
          tpu.vector_store %arg10[%swap3A_1700, %swap3A_1701, %swap3A_1702, %swap3A_1703], %gather3A_1604 {strides = array<i32>} : memref<8x2x8x128xf32, #tpu.memory_space<vmem>>, vector<16xf32>,
          %swap3A_1705 = arith.constant 1 : i32
          %swap3A_1706 = arith.constant 6 : i32
          %swap3A_1707 = arith.index_cast %add3A_246 : i32 to index
          %swap3A_1708 = arith.index_cast %swap3A_1705 : i32 to index
          %swap3A_1709 = arith.index_cast %swap3A_1706 : i32 to index
          %swap3A_1710 = arith.constant 112 : index
          %swap3A_1711 = tpu.vector_load %arg10[%swap3A_1707, %swap3A_1708, %swap3A_1709, %swap3A_1710] {strides = array<i32>} : memref<8x2x8x128xf32, #tpu.memory_space<vmem>>, vector<16xf32>,
          tpu.vector_store %arg10[%swap3A_1707, %swap3A_1708, %swap3A_1709, %swap3A_1710], %gather3A_1605 {strides = array<i32>} : memref<8x2x8x128xf32, #tpu.memory_space<vmem>>, vector<16xf32>,
          %swap3A_1712 = arith.constant 1 : i32
          %swap3A_1713 = arith.constant 7 : i32
          %swap3A_1714 = arith.index_cast %add3A_246 : i32 to index
          %swap3A_1715 = arith.index_cast %swap3A_1712 : i32 to index
          %swap3A_1716 = arith.index_cast %swap3A_1713 : i32 to index
          %swap3A_1717 = arith.constant 112 : index
          %swap3A_1718 = tpu.vector_load %arg10[%swap3A_1714, %swap3A_1715, %swap3A_1716, %swap3A_1717] {strides = array<i32>} : memref<8x2x8x128xf32, #tpu.memory_space<vmem>>, vector<16xf32>,
          tpu.vector_store %arg10[%swap3A_1714, %swap3A_1715, %swap3A_1716, %swap3A_1717], %gather3A_1606 {strides = array<i32>} : memref<8x2x8x128xf32, #tpu.memory_space<vmem>>, vector<16xf32>,
        }
        %scan3A_229 = arith.constant 8 : i32
        %mul3A_230 = arith.constant 2 : i32
        %mul3A_231 = arith.muli %mul3A_230, %select_n3A_9 : i32
        %dma_start3A_232 = arith.constant 0 : i32
        %dma_start3A_233 = arith.constant 0 : i32
        %dma_start3A_234 = arith.constant 0 : i32
        %dma_start3A_235 = tpu.memref_slice %arg5[%add3A_160, %dma_start3A_232, %mul3A_231, %dma_start3A_233, %dma_start3A_234] : memref<200x8x32x8x128xf32, #tpu.memory_space<hbm>> -> memref<1x8x2x8x128xf32, #tpu.memory_space<hbm>>
        %dma_start3A_236 = tpu.memref_squeeze %dma_start3A_235 : memref<1x8x2x8x128xf32, #tpu.memory_space<hbm>> -> memref<8x2x8x128xf32, #tpu.memory_space<hbm>>
        %dma_start3A_237 = arith.constant 0 : i32
        %dma_start3A_238 = arith.constant 0 : i32
        %dma_start3A_239 = arith.constant 0 : i32
        %dma_start3A_240 = tpu.memref_slice %arg5[%add3A_160, %dma_start3A_237, %mul3A_231, %dma_start3A_238, %dma_start3A_239] : memref<200x8x32x8x128xf32, #tpu.memory_space<hbm>> -> memref<1x8x2x8x128xf32, #tpu.memory_space<hbm>>
        %dma_start3A_241 = tpu.memref_squeeze %dma_start3A_240 : memref<1x8x2x8x128xf32, #tpu.memory_space<hbm>> -> memref<8x2x8x128xf32, #tpu.memory_space<hbm>>
        tpu.enqueue_dma source(%arg10 : memref<8x2x8x128xf32, #tpu.memory_space<vmem>>) target(%dma_start3A_241 : memref<8x2x8x128xf32, #tpu.memory_space<hbm>>) target_semaphore(%arg16 : memref<!tpu.dma_semaphore, #tpu.memory_space<semaphore_mem>>)
      } else {
      }
      %eq3A_155 = arith.constant 1 : i32
      %eq3A_156 = arith.cmpi eq, %rem3A_144, %eq3A_155 : i32
      %convert_element_type3A_157 = arith.extui %eq3A_156 : i1 to i32
      %cond3A_158 = arith.constant 0 : i32
      %cond3A_159 = arith.cmpi ne, %convert_element_type3A_157, %cond3A_158 : i32
      scf.if %cond3A_159 {
        %add3A_160 = arith.addi %mul3A_32, %add3A_142 : i32
        %dma_wait3A_161 = arith.constant 0 : i32
        %dma_wait3A_162 = arith.constant 0 : i32
        %dma_wait3A_163 = arith.constant 0 : i32
        %dma_wait3A_164 = arith.constant 0 : i32
        %dma_wait3A_165 = tpu.memref_slice %arg9[%dma_wait3A_162, %dma_wait3A_163, %dma_wait3A_164] : memref<2x128x64xf32, #tpu.memory_space<vmem>> -> memref<1x128x64xf32, #tpu.memory_space<vmem>>
        %dma_wait3A_166 = tpu.memref_squeeze %dma_wait3A_165 : memref<1x128x64xf32, #tpu.memory_space<vmem>> -> memref<128x64xf32, #tpu.memory_space<vmem>>
        %dma_wait3A_167 = arith.constant 0 : i32
        %dma_wait3A_168 = tpu.memref_slice %arg7[%dma_wait3A_161, %dma_wait3A_167] : memref<2x128xi32, #tpu.memory_space<vmem>> -> memref<1x128xi32, #tpu.memory_space<vmem>>
        %dma_wait3A_169 = tpu.memref_squeeze %dma_wait3A_168 : memref<1x128xi32, #tpu.memory_space<vmem>> -> memref<128xi32, #tpu.memory_space<vmem>>
        %dma_wait3A_170 = arith.constant 0 : i32
        %dma_wait3A_171 = arith.constant 0 : i32
        %dma_wait3A_172 = tpu.memref_slice %arg4[%dma_wait3A_170, %dma_wait3A_171] : memref<1000000x64xf32, #tpu.memory_space<hbm>> -> memref<1000000x64xf32, #tpu.memory_space<hbm>>
        tpu.wait_indirect_dma semaphore(%arg15 : memref<!tpu.dma_semaphore, #tpu.memory_space<semaphore_mem>>) src(%dma_wait3A_172 : memref<1000000x64xf32, #tpu.memory_space<hbm>>) dst(%dma_wait3A_166 : memref<128x64xf32, #tpu.memory_space<vmem>>)
        %dma_wait3A_173 = arith.constant 1 : i32
        %dma_wait3A_174 = arith.constant 1 : i32
        %dma_wait3A_175 = arith.constant 0 : i32
        %dma_wait3A_176 = arith.constant 0 : i32
        %dma_wait3A_177 = tpu.memref_slice %arg9[%dma_wait3A_174, %dma_wait3A_175, %dma_wait3A_176] : memref<2x128x64xf32, #tpu.memory_space<vmem>> -> memref<1x128x64xf32, #tpu.memory_space<vmem>>
        %dma_wait3A_178 = tpu.memref_squeeze %dma_wait3A_177 : memref<1x128x64xf32, #tpu.memory_space<vmem>> -> memref<128x64xf32, #tpu.memory_space<vmem>>
        %dma_wait3A_179 = arith.constant 0 : i32
        %dma_wait3A_180 = tpu.memref_slice %arg7[%dma_wait3A_173, %dma_wait3A_179] : memref<2x128xi32, #tpu.memory_space<vmem>> -> memref<1x128xi32, #tpu.memory_space<vmem>>
        %dma_wait3A_181 = tpu.memref_squeeze %dma_wait3A_180 : memref<1x128xi32, #tpu.memory_space<vmem>> -> memref<128xi32, #tpu.memory_space<vmem>>
        %dma_wait3A_182 = arith.constant 0 : i32
        %dma_wait3A_183 = arith.constant 0 : i32
        %dma_wait3A_184 = tpu.memref_slice %arg4[%dma_wait3A_182, %dma_wait3A_183] : memref<1000000x64xf32, #tpu.memory_space<hbm>> -> memref<1000000x64xf32, #tpu.memory_space<hbm>>
        tpu.wait_indirect_dma semaphore(%arg15 : memref<!tpu.dma_semaphore, #tpu.memory_space<semaphore_mem>>) src(%dma_wait3A_184 : memref<1000000x64xf32, #tpu.memory_space<hbm>>) dst(%dma_wait3A_178 : memref<128x64xf32, #tpu.memory_space<vmem>>)
        %iota3A = tpu.iota {dimensions = array<i32: 0>} : vector<16xi32>
        %get3A = arith.index_cast %add3A_160 : i32 to index
        %get3A_185 = arith.constant 0 : index
        %get3A_186 = tpu.vector_load %arg13[%get3A, %get3A_185] {strides = array<i32>} : memref<200x64xf32, #tpu.memory_space<vmem>>, vector<16xf32>,
        %get3A_187 = arith.index_cast %add3A_160 : i32 to index
        %get3A_188 = arith.constant 16 : index
        %get3A_189 = tpu.vector_load %arg13[%get3A_187, %get3A_188] {strides = array<i32>} : memref<200x64xf32, #tpu.memory_space<vmem>>, vector<16xf32>,
        %get3A_190 = arith.index_cast %add3A_160 : i32 to index
        %get3A_191 = arith.constant 32 : index
        %get3A_192 = tpu.vector_load %arg13[%get3A_190, %get3A_191] {strides = array<i32>} : memref<200x64xf32, #tpu.memory_space<vmem>>, vector<16xf32>,
        %get3A_193 = arith.index_cast %add3A_160 : i32 to index
        %get3A_194 = arith.constant 48 : index
        %get3A_195 = tpu.vector_load %arg13[%get3A_193, %get3A_194] {strides = array<i32>} : memref<200x64xf32, #tpu.memory_space<vmem>>, vector<16xf32>,
        %add3A_196 = arith.constant 0 : i32
        %add3A_197 = vector.broadcast %add3A_196 : i32 to vector<16xi32>
        %add3A_198 = arith.addi %iota3A, %add3A_197 : vector<16xi32>
        %add3A_199 = arith.constant 16 : i32
        %add3A_200 = vector.broadcast %add3A_199 : i32 to vector<16xi32>
        %add3A_201 = arith.addi %iota3A, %add3A_200 : vector<16xi32>
        %add3A_202 = arith.constant 32 : i32
        %add3A_203 = vector.broadcast %add3A_202 : i32 to vector<16xi32>
        %add3A_204 = arith.addi %iota3A, %add3A_203 : vector<16xi32>
        %add3A_205 = arith.constant 48 : i32
        %add3A_206 = vector.broadcast %add3A_205 : i32 to vector<16xi32>
        %add3A_207 = arith.addi %iota3A, %add3A_206 : vector<16xi32>
        %scan3A_208 = arith.constant 0 : i32
        %scan3A_209 = arith.constant 32 : i32
        %scan3A_210 = arith.addi %scan3A_208, %scan3A_209 : i32
        %scan3A_211 = arith.constant 1 : i32
        scf.for %scan3A_242 = %scan3A_208 to %scan3A_210 step %scan3A_211  : i32 {
          %mul3A_243 = arith.constant 4 : i32
          %mul3A_244 = arith.muli %scan3A_242, %mul3A_243 : i32
          %add3A_245 = arith.constant 0 : i32
          %add3A_246 = arith.addi %add3A_245, %mul3A_244 : i32
          %add3A_247 = arith.constant 0 : i32
          %add3A_248 = arith.addi %add3A_247, %add3A_246 : i32
          %add3A_249 = arith.constant 0 : i32
          %add3A_250 = arith.addi %add3A_248, %add3A_249 : i32
          %mul3A_251 = arith.constant 65 : i32
          %mul3A_252 = arith.muli %add3A_250, %mul3A_251 : i32
          %broadcast_in_dim3A = vector.broadcast %mul3A_252 : i32 to vector<16xi32>
          %add3A_253 = arith.constant 0 : i32
          %add3A_254 = arith.addi %add3A_253, %add3A_246 : i32
          %add3A_255 = arith.constant 1 : i32
          %add3A_256 = arith.addi %add3A_254, %add3A_255 : i32
          %mul3A_257 = arith.constant 65 : i32
          %mul3A_258 = arith.muli %add3A_256, %mul3A_257 : i32
          %broadcast_in_dim3A_259 = vector.broadcast %mul3A_258 : i32 to vector<16xi32>
          %add3A_260 = arith.constant 0 : i32
          %add3A_261 = arith.addi %add3A_260, %add3A_246 : i32
          %add3A_262 = arith.constant 2 : i32
          %add3A_263 = arith.addi %add3A_261, %add3A_262 : i32
          %mul3A_264 = arith.constant 65 : i32
          %mul3A_265 = arith.muli %add3A_263, %mul3A_264 : i32
          %broadcast_in_dim3A_266 = vector.broadcast %mul3A_265 : i32 to vector<16xi32>
          %add3A_267 = arith.constant 0 : i32
          %add3A_268 = arith.addi %add3A_267, %add3A_246 : i32
          %add3A_269 = arith.constant 3 : i32
          %add3A_270 = arith.addi %add3A_268, %add3A_269 : i32
          %mul3A_271 = arith.constant 65 : i32
          %mul3A_272 = arith.muli %add3A_270, %mul3A_271 : i32
          %broadcast_in_dim3A_273 = vector.broadcast %mul3A_272 : i32 to vector<16xi32>
          %add3A_274 = arith.addi %broadcast_in_dim3A, %add3A_198 : vector<16xi32>
          %add3A_275 = arith.addi %broadcast_in_dim3A, %add3A_201 : vector<16xi32>
          %add3A_276 = arith.addi %broadcast_in_dim3A, %add3A_204 : vector<16xi32>
          %add3A_277 = arith.addi %broadcast_in_dim3A, %add3A_207 : vector<16xi32>
          %add3A_278 = arith.addi %broadcast_in_dim3A_259, %add3A_198 : vector<16xi32>
          %add3A_279 = arith.addi %broadcast_in_dim3A_259, %add3A_201 : vector<16xi32>
          %add3A_280 = arith.addi %broadcast_in_dim3A_259, %add3A_204 : vector<16xi32>
          %add3A_281 = arith.addi %broadcast_in_dim3A_259, %add3A_207 : vector<16xi32>
          %add3A_282 = arith.addi %broadcast_in_dim3A_266, %add3A_198 : vector<16xi32>
          %add3A_283 = arith.addi %broadcast_in_dim3A_266, %add3A_201 : vector<16xi32>
          %add3A_284 = arith.addi %broadcast_in_dim3A_266, %add3A_204 : vector<16xi32>
          %add3A_285 = arith.addi %broadcast_in_dim3A_266, %add3A_207 : vector<16xi32>
          %add3A_286 = arith.addi %broadcast_in_dim3A_273, %add3A_198 : vector<16xi32>
          %add3A_287 = arith.addi %broadcast_in_dim3A_273, %add3A_201 : vector<16xi32>
          %add3A_288 = arith.addi %broadcast_in_dim3A_273, %add3A_204 : vector<16xi32>
          %add3A_289 = arith.addi %broadcast_in_dim3A_273, %add3A_207 : vector<16xi32>
          %add3A_290 = arith.constant 0 : i32
          %add3A_291 = arith.addi %add3A_246, %add3A_290 : i32
          %get3A_292 = arith.constant 0 : i32
          %get3A_293 = arith.index_cast %get3A_292 : i32 to index
          %get3A_294 = arith.index_cast %add3A_291 : i32 to index
          %get3A_295 = arith.constant 0 : index
          %get3A_296 = tpu.vector_load %arg9[%get3A_293, %get3A_294, %get3A_295] {strides = array<i32>} : memref<2x128x64xf32, #tpu.memory_space<vmem>>, vector<16xf32>,
          %add3A_297 = arith.constant 0 : i32
          %add3A_298 = arith.addi %add3A_246, %add3A_297 : i32
          %get3A_299 = arith.constant 0 : i32
          %get3A_300 = arith.index_cast %get3A_299 : i32 to index
          %get3A_301 = arith.index_cast %add3A_298 : i32 to index
          %get3A_302 = arith.constant 16 : index
          %get3A_303 = tpu.vector_load %arg9[%get3A_300, %get3A_301, %get3A_302] {strides = array<i32>} : memref<2x128x64xf32, #tpu.memory_space<vmem>>, vector<16xf32>,
          %add3A_304 = arith.constant 0 : i32
          %add3A_305 = arith.addi %add3A_246, %add3A_304 : i32
          %get3A_306 = arith.constant 0 : i32
          %get3A_307 = arith.index_cast %get3A_306 : i32 to index
          %get3A_308 = arith.index_cast %add3A_305 : i32 to index
          %get3A_309 = arith.constant 32 : index
          %get3A_310 = tpu.vector_load %arg9[%get3A_307, %get3A_308, %get3A_309] {strides = array<i32>} : memref<2x128x64xf32, #tpu.memory_space<vmem>>, vector<16xf32>,
          %add3A_311 = arith.constant 0 : i32
          %add3A_312 = arith.addi %add3A_246, %add3A_311 : i32
          %get3A_313 = arith.constant 0 : i32
          %get3A_314 = arith.index_cast %get3A_313 : i32 to index
          %get3A_315 = arith.index_cast %add3A_312 : i32 to index
          %get3A_316 = arith.constant 48 : index
          %get3A_317 = tpu.vector_load %arg9[%get3A_314, %get3A_315, %get3A_316] {strides = array<i32>} : memref<2x128x64xf32, #tpu.memory_space<vmem>>, vector<16xf32>,
          %add3A_318 = arith.constant 1 : i32
          %add3A_319 = arith.addi %add3A_246, %add3A_318 : i32
          %get3A_320 = arith.constant 0 : i32
          %get3A_321 = arith.index_cast %get3A_320 : i32 to index
          %get3A_322 = arith.index_cast %add3A_319 : i32 to index
          %get3A_323 = arith.constant 0 : index
          %get3A_324 = tpu.vector_load %arg9[%get3A_321, %get3A_322, %get3A_323] {strides = array<i32>} : memref<2x128x64xf32, #tpu.memory_space<vmem>>, vector<16xf32>,
          %add3A_325 = arith.constant 1 : i32
          %add3A_326 = arith.addi %add3A_246, %add3A_325 : i32
          %get3A_327 = arith.constant 0 : i32
          %get3A_328 = arith.index_cast %get3A_327 : i32 to index
          %get3A_329 = arith.index_cast %add3A_326 : i32 to index
          %get3A_330 = arith.constant 16 : index
          %get3A_331 = tpu.vector_load %arg9[%get3A_328, %get3A_329, %get3A_330] {strides = array<i32>} : memref<2x128x64xf32, #tpu.memory_space<vmem>>, vector<16xf32>,
          %add3A_332 = arith.constant 1 : i32
          %add3A_333 = arith.addi %add3A_246, %add3A_332 : i32
          %get3A_334 = arith.constant 0 : i32
          %get3A_335 = arith.index_cast %get3A_334 : i32 to index
          %get3A_336 = arith.index_cast %add3A_333 : i32 to index
          %get3A_337 = arith.constant 32 : index
          %get3A_338 = tpu.vector_load %arg9[%get3A_335, %get3A_336, %get3A_337] {strides = array<i32>} : memref<2x128x64xf32, #tpu.memory_space<vmem>>, vector<16xf32>,
          %add3A_339 = arith.constant 1 : i32
          %add3A_340 = arith.addi %add3A_246, %add3A_339 : i32
          %get3A_341 = arith.constant 0 : i32
          %get3A_342 = arith.index_cast %get3A_341 : i32 to index
          %get3A_343 = arith.index_cast %add3A_340 : i32 to index
          %get3A_344 = arith.constant 48 : index
          %get3A_345 = tpu.vector_load %arg9[%get3A_342, %get3A_343, %get3A_344] {strides = array<i32>} : memref<2x128x64xf32, #tpu.memory_space<vmem>>, vector<16xf32>,
          %add3A_346 = arith.constant 2 : i32
          %add3A_347 = arith.addi %add3A_246, %add3A_346 : i32
          %get3A_348 = arith.constant 0 : i32
          %get3A_349 = arith.index_cast %get3A_348 : i32 to index
          %get3A_350 = arith.index_cast %add3A_347 : i32 to index
          %get3A_351 = arith.constant 0 : index
          %get3A_352 = tpu.vector_load %arg9[%get3A_349, %get3A_350, %get3A_351] {strides = array<i32>} : memref<2x128x64xf32, #tpu.memory_space<vmem>>, vector<16xf32>,
          %add3A_353 = arith.constant 2 : i32
          %add3A_354 = arith.addi %add3A_246, %add3A_353 : i32
          %get3A_355 = arith.constant 0 : i32
          %get3A_356 = arith.index_cast %get3A_355 : i32 to index
          %get3A_357 = arith.index_cast %add3A_354 : i32 to index
          %get3A_358 = arith.constant 16 : index
          %get3A_359 = tpu.vector_load %arg9[%get3A_356, %get3A_357, %get3A_358] {strides = array<i32>} : memref<2x128x64xf32, #tpu.memory_space<vmem>>, vector<16xf32>,
          %add3A_360 = arith.constant 2 : i32
          %add3A_361 = arith.addi %add3A_246, %add3A_360 : i32
          %get3A_362 = arith.constant 0 : i32
          %get3A_363 = arith.index_cast %get3A_362 : i32 to index
          %get3A_364 = arith.index_cast %add3A_361 : i32 to index
          %get3A_365 = arith.constant 32 : index
          %get3A_366 = tpu.vector_load %arg9[%get3A_363, %get3A_364, %get3A_365] {strides = array<i32>} : memref<2x128x64xf32, #tpu.memory_space<vmem>>, vector<16xf32>,
          %add3A_367 = arith.constant 2 : i32
          %add3A_368 = arith.addi %add3A_246, %add3A_367 : i32
          %get3A_369 = arith.constant 0 : i32
          %get3A_370 = arith.index_cast %get3A_369 : i32 to index
          %get3A_371 = arith.index_cast %add3A_368 : i32 to index
          %get3A_372 = arith.constant 48 : index
          %get3A_373 = tpu.vector_load %arg9[%get3A_370, %get3A_371, %get3A_372] {strides = array<i32>} : memref<2x128x64xf32, #tpu.memory_space<vmem>>, vector<16xf32>,
          %add3A_374 = arith.constant 3 : i32
          %add3A_375 = arith.addi %add3A_246, %add3A_374 : i32
          %get3A_376 = arith.constant 0 : i32
          %get3A_377 = arith.index_cast %get3A_376 : i32 to index
          %get3A_378 = arith.index_cast %add3A_375 : i32 to index
          %get3A_379 = arith.constant 0 : index
          %get3A_380 = tpu.vector_load %arg9[%get3A_377, %get3A_378, %get3A_379] {strides = array<i32>} : memref<2x128x64xf32, #tpu.memory_space<vmem>>, vector<16xf32>,
          %add3A_381 = arith.constant 3 : i32
          %add3A_382 = arith.addi %add3A_246, %add3A_381 : i32
          %get3A_383 = arith.constant 0 : i32
          %get3A_384 = arith.index_cast %get3A_383 : i32 to index
          %get3A_385 = arith.index_cast %add3A_382 : i32 to index
          %get3A_386 = arith.constant 16 : index
          %get3A_387 = tpu.vector_load %arg9[%get3A_384, %get3A_385, %get3A_386] {strides = array<i32>} : memref<2x128x64xf32, #tpu.memory_space<vmem>>, vector<16xf32>,
          %add3A_388 = arith.constant 3 : i32
          %add3A_389 = arith.addi %add3A_246, %add3A_388 : i32
          %get3A_390 = arith.constant 0 : i32
          %get3A_391 = arith.index_cast %get3A_390 : i32 to index
          %get3A_392 = arith.index_cast %add3A_389 : i32 to index
          %get3A_393 = arith.constant 32 : index
          %get3A_394 = tpu.vector_load %arg9[%get3A_391, %get3A_392, %get3A_393] {strides = array<i32>} : memref<2x128x64xf32, #tpu.memory_space<vmem>>, vector<16xf32>,
          %add3A_395 = arith.constant 3 : i32
          %add3A_396 = arith.addi %add3A_246, %add3A_395 : i32
          %get3A_397 = arith.constant 0 : i32
          %get3A_398 = arith.index_cast %get3A_397 : i32 to index
          %get3A_399 = arith.index_cast %add3A_396 : i32 to index
          %get3A_400 = arith.constant 48 : index
          %get3A_401 = tpu.vector_load %arg9[%get3A_398, %get3A_399, %get3A_400] {strides = array<i32>} : memref<2x128x64xf32, #tpu.memory_space<vmem>>, vector<16xf32>,
          %add3A_402 = arith.addf %get3A_296, %get3A_186 : vector<16xf32>
          %add3A_403 = arith.addf %get3A_303, %get3A_189 : vector<16xf32>
          %add3A_404 = arith.addf %get3A_310, %get3A_192 : vector<16xf32>
          %add3A_405 = arith.addf %get3A_317, %get3A_195 : vector<16xf32>
          %add3A_406 = arith.addf %get3A_324, %get3A_186 : vector<16xf32>
          %add3A_407 = arith.addf %get3A_331, %get3A_189 : vector<16xf32>
          %add3A_408 = arith.addf %get3A_338, %get3A_192 : vector<16xf32>
          %add3A_409 = arith.addf %get3A_345, %get3A_195 : vector<16xf32>
          %add3A_410 = arith.addf %get3A_352, %get3A_186 : vector<16xf32>
          %add3A_411 = arith.addf %get3A_359, %get3A_189 : vector<16xf32>
          %add3A_412 = arith.addf %get3A_366, %get3A_192 : vector<16xf32>
          %add3A_413 = arith.addf %get3A_373, %get3A_195 : vector<16xf32>
          %add3A_414 = arith.addf %get3A_380, %get3A_186 : vector<16xf32>
          %add3A_415 = arith.addf %get3A_387, %get3A_189 : vector<16xf32>
          %add3A_416 = arith.addf %get3A_394, %get3A_192 : vector<16xf32>
          %add3A_417 = arith.addf %get3A_401, %get3A_195 : vector<16xf32>
          tpu.vector_store_idx %arg12[%add3A_274], %add3A_402 : memref<16640xf32, #tpu.memory_space<vmem>>[vector<16xi32>], vector<16xf32>,
          tpu.vector_store_idx %arg12[%add3A_275], %add3A_403 : memref<16640xf32, #tpu.memory_space<vmem>>[vector<16xi32>], vector<16xf32>,
          tpu.vector_store_idx %arg12[%add3A_276], %add3A_404 : memref<16640xf32, #tpu.memory_space<vmem>>[vector<16xi32>], vector<16xf32>,
          tpu.vector_store_idx %arg12[%add3A_277], %add3A_405 : memref<16640xf32, #tpu.memory_space<vmem>>[vector<16xi32>], vector<16xf32>,
          tpu.vector_store_idx %arg12[%add3A_278], %add3A_406 : memref<16640xf32, #tpu.memory_space<vmem>>[vector<16xi32>], vector<16xf32>,
          tpu.vector_store_idx %arg12[%add3A_279], %add3A_407 : memref<16640xf32, #tpu.memory_space<vmem>>[vector<16xi32>], vector<16xf32>,
          tpu.vector_store_idx %arg12[%add3A_280], %add3A_408 : memref<16640xf32, #tpu.memory_space<vmem>>[vector<16xi32>], vector<16xf32>,
          tpu.vector_store_idx %arg12[%add3A_281], %add3A_409 : memref<16640xf32, #tpu.memory_space<vmem>>[vector<16xi32>], vector<16xf32>,
          tpu.vector_store_idx %arg12[%add3A_282], %add3A_410 : memref<16640xf32, #tpu.memory_space<vmem>>[vector<16xi32>], vector<16xf32>,
          tpu.vector_store_idx %arg12[%add3A_283], %add3A_411 : memref<16640xf32, #tpu.memory_space<vmem>>[vector<16xi32>], vector<16xf32>,
          tpu.vector_store_idx %arg12[%add3A_284], %add3A_412 : memref<16640xf32, #tpu.memory_space<vmem>>[vector<16xi32>], vector<16xf32>,
          tpu.vector_store_idx %arg12[%add3A_285], %add3A_413 : memref<16640xf32, #tpu.memory_space<vmem>>[vector<16xi32>], vector<16xf32>,
          tpu.vector_store_idx %arg12[%add3A_286], %add3A_414 : memref<16640xf32, #tpu.memory_space<vmem>>[vector<16xi32>], vector<16xf32>,
          tpu.vector_store_idx %arg12[%add3A_287], %add3A_415 : memref<16640xf32, #tpu.memory_space<vmem>>[vector<16xi32>], vector<16xf32>,
          tpu.vector_store_idx %arg12[%add3A_288], %add3A_416 : memref<16640xf32, #tpu.memory_space<vmem>>[vector<16xi32>], vector<16xf32>,
          tpu.vector_store_idx %arg12[%add3A_289], %add3A_417 : memref<16640xf32, #tpu.memory_space<vmem>>[vector<16xi32>], vector<16xf32>,
        }
        %scan3A_212 = arith.constant 32 : i32
        %scan3A_213 = arith.constant 0 : i32
        %scan3A_214 = arith.constant 32 : i32
        %scan3A_215 = arith.addi %scan3A_213, %scan3A_214 : i32
        %scan3A_216 = arith.constant 1 : i32
        scf.for %scan3A_242 = %scan3A_213 to %scan3A_215 step %scan3A_216  : i32 {
          %mul3A_243 = arith.constant 4 : i32
          %mul3A_244 = arith.muli %scan3A_242, %mul3A_243 : i32
          %add3A_245 = arith.constant 0 : i32
          %add3A_246 = arith.addi %add3A_245, %mul3A_244 : i32
          %add3A_247 = arith.constant 128 : i32
          %add3A_248 = arith.addi %add3A_247, %add3A_246 : i32
          %add3A_249 = arith.constant 0 : i32
          %add3A_250 = arith.addi %add3A_248, %add3A_249 : i32
          %mul3A_251 = arith.constant 65 : i32
          %mul3A_252 = arith.muli %add3A_250, %mul3A_251 : i32
          %broadcast_in_dim3A = vector.broadcast %mul3A_252 : i32 to vector<16xi32>
          %add3A_253 = arith.constant 128 : i32
          %add3A_254 = arith.addi %add3A_253, %add3A_246 : i32
          %add3A_255 = arith.constant 1 : i32
          %add3A_256 = arith.addi %add3A_254, %add3A_255 : i32
          %mul3A_257 = arith.constant 65 : i32
          %mul3A_258 = arith.muli %add3A_256, %mul3A_257 : i32
          %broadcast_in_dim3A_259 = vector.broadcast %mul3A_258 : i32 to vector<16xi32>
          %add3A_260 = arith.constant 128 : i32
          %add3A_261 = arith.addi %add3A_260, %add3A_246 : i32
          %add3A_262 = arith.constant 2 : i32
          %add3A_263 = arith.addi %add3A_261, %add3A_262 : i32
          %mul3A_264 = arith.constant 65 : i32
          %mul3A_265 = arith.muli %add3A_263, %mul3A_264 : i32
          %broadcast_in_dim3A_266 = vector.broadcast %mul3A_265 : i32 to vector<16xi32>
          %add3A_267 = arith.constant 128 : i32
          %add3A_268 = arith.addi %add3A_267, %add3A_246 : i32
          %add3A_269 = arith.constant 3 : i32
          %add3A_270 = arith.addi %add3A_268, %add3A_269 : i32
          %mul3A_271 = arith.constant 65 : i32
          %mul3A_272 = arith.muli %add3A_270, %mul3A_271 : i32
          %broadcast_in_dim3A_273 = vector.broadcast %mul3A_272 : i32 to vector<16xi32>
          %add3A_274 = arith.addi %broadcast_in_dim3A, %add3A_198 : vector<16xi32>
          %add3A_275 = arith.addi %broadcast_in_dim3A, %add3A_201 : vector<16xi32>
          %add3A_276 = arith.addi %broadcast_in_dim3A, %add3A_204 : vector<16xi32>
          %add3A_277 = arith.addi %broadcast_in_dim3A, %add3A_207 : vector<16xi32>
          %add3A_278 = arith.addi %broadcast_in_dim3A_259, %add3A_198 : vector<16xi32>
          %add3A_279 = arith.addi %broadcast_in_dim3A_259, %add3A_201 : vector<16xi32>
          %add3A_280 = arith.addi %broadcast_in_dim3A_259, %add3A_204 : vector<16xi32>
          %add3A_281 = arith.addi %broadcast_in_dim3A_259, %add3A_207 : vector<16xi32>
          %add3A_282 = arith.addi %broadcast_in_dim3A_266, %add3A_198 : vector<16xi32>
          %add3A_283 = arith.addi %broadcast_in_dim3A_266, %add3A_201 : vector<16xi32>
          %add3A_284 = arith.addi %broadcast_in_dim3A_266, %add3A_204 : vector<16xi32>
          %add3A_285 = arith.addi %broadcast_in_dim3A_266, %add3A_207 : vector<16xi32>
          %add3A_286 = arith.addi %broadcast_in_dim3A_273, %add3A_198 : vector<16xi32>
          %add3A_287 = arith.addi %broadcast_in_dim3A_273, %add3A_201 : vector<16xi32>
          %add3A_288 = arith.addi %broadcast_in_dim3A_273, %add3A_204 : vector<16xi32>
          %add3A_289 = arith.addi %broadcast_in_dim3A_273, %add3A_207 : vector<16xi32>
          %add3A_290 = arith.constant 0 : i32
          %add3A_291 = arith.addi %add3A_246, %add3A_290 : i32
          %get3A_292 = arith.constant 1 : i32
          %get3A_293 = arith.index_cast %get3A_292 : i32 to index
          %get3A_294 = arith.index_cast %add3A_291 : i32 to index
          %get3A_295 = arith.constant 0 : index
          %get3A_296 = tpu.vector_load %arg9[%get3A_293, %get3A_294, %get3A_295] {strides = array<i32>} : memref<2x128x64xf32, #tpu.memory_space<vmem>>, vector<16xf32>,
          %add3A_297 = arith.constant 0 : i32
          %add3A_298 = arith.addi %add3A_246, %add3A_297 : i32
          %get3A_299 = arith.constant 1 : i32
          %get3A_300 = arith.index_cast %get3A_299 : i32 to index
          %get3A_301 = arith.index_cast %add3A_298 : i32 to index
          %get3A_302 = arith.constant 16 : index
          %get3A_303 = tpu.vector_load %arg9[%get3A_300, %get3A_301, %get3A_302] {strides = array<i32>} : memref<2x128x64xf32, #tpu.memory_space<vmem>>, vector<16xf32>,
          %add3A_304 = arith.constant 0 : i32
          %add3A_305 = arith.addi %add3A_246, %add3A_304 : i32
          %get3A_306 = arith.constant 1 : i32
          %get3A_307 = arith.index_cast %get3A_306 : i32 to index
          %get3A_308 = arith.index_cast %add3A_305 : i32 to index
          %get3A_309 = arith.constant 32 : index
          %get3A_310 = tpu.vector_load %arg9[%get3A_307, %get3A_308, %get3A_309] {strides = array<i32>} : memref<2x128x64xf32, #tpu.memory_space<vmem>>, vector<16xf32>,
          %add3A_311 = arith.constant 0 : i32
          %add3A_312 = arith.addi %add3A_246, %add3A_311 : i32
          %get3A_313 = arith.constant 1 : i32
          %get3A_314 = arith.index_cast %get3A_313 : i32 to index
          %get3A_315 = arith.index_cast %add3A_312 : i32 to index
          %get3A_316 = arith.constant 48 : index
          %get3A_317 = tpu.vector_load %arg9[%get3A_314, %get3A_315, %get3A_316] {strides = array<i32>} : memref<2x128x64xf32, #tpu.memory_space<vmem>>, vector<16xf32>,
          %add3A_318 = arith.constant 1 : i32
          %add3A_319 = arith.addi %add3A_246, %add3A_318 : i32
          %get3A_320 = arith.constant 1 : i32
          %get3A_321 = arith.index_cast %get3A_320 : i32 to index
          %get3A_322 = arith.index_cast %add3A_319 : i32 to index
          %get3A_323 = arith.constant 0 : index
          %get3A_324 = tpu.vector_load %arg9[%get3A_321, %get3A_322, %get3A_323] {strides = array<i32>} : memref<2x128x64xf32, #tpu.memory_space<vmem>>, vector<16xf32>,
          %add3A_325 = arith.constant 1 : i32
          %add3A_326 = arith.addi %add3A_246, %add3A_325 : i32
          %get3A_327 = arith.constant 1 : i32
          %get3A_328 = arith.index_cast %get3A_327 : i32 to index
          %get3A_329 = arith.index_cast %add3A_326 : i32 to index
          %get3A_330 = arith.constant 16 : index
          %get3A_331 = tpu.vector_load %arg9[%get3A_328, %get3A_329, %get3A_330] {strides = array<i32>} : memref<2x128x64xf32, #tpu.memory_space<vmem>>, vector<16xf32>,
          %add3A_332 = arith.constant 1 : i32
          %add3A_333 = arith.addi %add3A_246, %add3A_332 : i32
          %get3A_334 = arith.constant 1 : i32
          %get3A_335 = arith.index_cast %get3A_334 : i32 to index
          %get3A_336 = arith.index_cast %add3A_333 : i32 to index
          %get3A_337 = arith.constant 32 : index
          %get3A_338 = tpu.vector_load %arg9[%get3A_335, %get3A_336, %get3A_337] {strides = array<i32>} : memref<2x128x64xf32, #tpu.memory_space<vmem>>, vector<16xf32>,
          %add3A_339 = arith.constant 1 : i32
          %add3A_340 = arith.addi %add3A_246, %add3A_339 : i32
          %get3A_341 = arith.constant 1 : i32
          %get3A_342 = arith.index_cast %get3A_341 : i32 to index
          %get3A_343 = arith.index_cast %add3A_340 : i32 to index
          %get3A_344 = arith.constant 48 : index
          %get3A_345 = tpu.vector_load %arg9[%get3A_342, %get3A_343, %get3A_344] {strides = array<i32>} : memref<2x128x64xf32, #tpu.memory_space<vmem>>, vector<16xf32>,
          %add3A_346 = arith.constant 2 : i32
          %add3A_347 = arith.addi %add3A_246, %add3A_346 : i32
          %get3A_348 = arith.constant 1 : i32
          %get3A_349 = arith.index_cast %get3A_348 : i32 to index
          %get3A_350 = arith.index_cast %add3A_347 : i32 to index
          %get3A_351 = arith.constant 0 : index
          %get3A_352 = tpu.vector_load %arg9[%get3A_349, %get3A_350, %get3A_351] {strides = array<i32>} : memref<2x128x64xf32, #tpu.memory_space<vmem>>, vector<16xf32>,
          %add3A_353 = arith.constant 2 : i32
          %add3A_354 = arith.addi %add3A_246, %add3A_353 : i32
          %get3A_355 = arith.constant 1 : i32
          %get3A_356 = arith.index_cast %get3A_355 : i32 to index
          %get3A_357 = arith.index_cast %add3A_354 : i32 to index
          %get3A_358 = arith.constant 16 : index
          %get3A_359 = tpu.vector_load %arg9[%get3A_356, %get3A_357, %get3A_358] {strides = array<i32>} : memref<2x128x64xf32, #tpu.memory_space<vmem>>, vector<16xf32>,
          %add3A_360 = arith.constant 2 : i32
          %add3A_361 = arith.addi %add3A_246, %add3A_360 : i32
          %get3A_362 = arith.constant 1 : i32
          %get3A_363 = arith.index_cast %get3A_362 : i32 to index
          %get3A_364 = arith.index_cast %add3A_361 : i32 to index
          %get3A_365 = arith.constant 32 : index
          %get3A_366 = tpu.vector_load %arg9[%get3A_363, %get3A_364, %get3A_365] {strides = array<i32>} : memref<2x128x64xf32, #tpu.memory_space<vmem>>, vector<16xf32>,
          %add3A_367 = arith.constant 2 : i32
          %add3A_368 = arith.addi %add3A_246, %add3A_367 : i32
          %get3A_369 = arith.constant 1 : i32
          %get3A_370 = arith.index_cast %get3A_369 : i32 to index
          %get3A_371 = arith.index_cast %add3A_368 : i32 to index
          %get3A_372 = arith.constant 48 : index
          %get3A_373 = tpu.vector_load %arg9[%get3A_370, %get3A_371, %get3A_372] {strides = array<i32>} : memref<2x128x64xf32, #tpu.memory_space<vmem>>, vector<16xf32>,
          %add3A_374 = arith.constant 3 : i32
          %add3A_375 = arith.addi %add3A_246, %add3A_374 : i32
          %get3A_376 = arith.constant 1 : i32
          %get3A_377 = arith.index_cast %get3A_376 : i32 to index
          %get3A_378 = arith.index_cast %add3A_375 : i32 to index
          %get3A_379 = arith.constant 0 : index
          %get3A_380 = tpu.vector_load %arg9[%get3A_377, %get3A_378, %get3A_379] {strides = array<i32>} : memref<2x128x64xf32, #tpu.memory_space<vmem>>, vector<16xf32>,
          %add3A_381 = arith.constant 3 : i32
          %add3A_382 = arith.addi %add3A_246, %add3A_381 : i32
          %get3A_383 = arith.constant 1 : i32
          %get3A_384 = arith.index_cast %get3A_383 : i32 to index
          %get3A_385 = arith.index_cast %add3A_382 : i32 to index
          %get3A_386 = arith.constant 16 : index
          %get3A_387 = tpu.vector_load %arg9[%get3A_384, %get3A_385, %get3A_386] {strides = array<i32>} : memref<2x128x64xf32, #tpu.memory_space<vmem>>, vector<16xf32>,
          %add3A_388 = arith.constant 3 : i32
          %add3A_389 = arith.addi %add3A_246, %add3A_388 : i32
          %get3A_390 = arith.constant 1 : i32
          %get3A_391 = arith.index_cast %get3A_390 : i32 to index
          %get3A_392 = arith.index_cast %add3A_389 : i32 to index
          %get3A_393 = arith.constant 32 : index
          %get3A_394 = tpu.vector_load %arg9[%get3A_391, %get3A_392, %get3A_393] {strides = array<i32>} : memref<2x128x64xf32, #tpu.memory_space<vmem>>, vector<16xf32>,
          %add3A_395 = arith.constant 3 : i32
          %add3A_396 = arith.addi %add3A_246, %add3A_395 : i32
          %get3A_397 = arith.constant 1 : i32
          %get3A_398 = arith.index_cast %get3A_397 : i32 to index
          %get3A_399 = arith.index_cast %add3A_396 : i32 to index
          %get3A_400 = arith.constant 48 : index
          %get3A_401 = tpu.vector_load %arg9[%get3A_398, %get3A_399, %get3A_400] {strides = array<i32>} : memref<2x128x64xf32, #tpu.memory_space<vmem>>, vector<16xf32>,
          %add3A_402 = arith.addf %get3A_296, %get3A_186 : vector<16xf32>
          %add3A_403 = arith.addf %get3A_303, %get3A_189 : vector<16xf32>
          %add3A_404 = arith.addf %get3A_310, %get3A_192 : vector<16xf32>
          %add3A_405 = arith.addf %get3A_317, %get3A_195 : vector<16xf32>
          %add3A_406 = arith.addf %get3A_324, %get3A_186 : vector<16xf32>
          %add3A_407 = arith.addf %get3A_331, %get3A_189 : vector<16xf32>
          %add3A_408 = arith.addf %get3A_338, %get3A_192 : vector<16xf32>
          %add3A_409 = arith.addf %get3A_345, %get3A_195 : vector<16xf32>
          %add3A_410 = arith.addf %get3A_352, %get3A_186 : vector<16xf32>
          %add3A_411 = arith.addf %get3A_359, %get3A_189 : vector<16xf32>
          %add3A_412 = arith.addf %get3A_366, %get3A_192 : vector<16xf32>
          %add3A_413 = arith.addf %get3A_373, %get3A_195 : vector<16xf32>
          %add3A_414 = arith.addf %get3A_380, %get3A_186 : vector<16xf32>
          %add3A_415 = arith.addf %get3A_387, %get3A_189 : vector<16xf32>
          %add3A_416 = arith.addf %get3A_394, %get3A_192 : vector<16xf32>
          %add3A_417 = arith.addf %get3A_401, %get3A_195 : vector<16xf32>
          tpu.vector_store_idx %arg12[%add3A_274], %add3A_402 : memref<16640xf32, #tpu.memory_space<vmem>>[vector<16xi32>], vector<16xf32>,
          tpu.vector_store_idx %arg12[%add3A_275], %add3A_403 : memref<16640xf32, #tpu.memory_space<vmem>>[vector<16xi32>], vector<16xf32>,
          tpu.vector_store_idx %arg12[%add3A_276], %add3A_404 : memref<16640xf32, #tpu.memory_space<vmem>>[vector<16xi32>], vector<16xf32>,
          tpu.vector_store_idx %arg12[%add3A_277], %add3A_405 : memref<16640xf32, #tpu.memory_space<vmem>>[vector<16xi32>], vector<16xf32>,
          tpu.vector_store_idx %arg12[%add3A_278], %add3A_406 : memref<16640xf32, #tpu.memory_space<vmem>>[vector<16xi32>], vector<16xf32>,
          tpu.vector_store_idx %arg12[%add3A_279], %add3A_407 : memref<16640xf32, #tpu.memory_space<vmem>>[vector<16xi32>], vector<16xf32>,
          tpu.vector_store_idx %arg12[%add3A_280], %add3A_408 : memref<16640xf32, #tpu.memory_space<vmem>>[vector<16xi32>], vector<16xf32>,
          tpu.vector_store_idx %arg12[%add3A_281], %add3A_409 : memref<16640xf32, #tpu.memory_space<vmem>>[vector<16xi32>], vector<16xf32>,
          tpu.vector_store_idx %arg12[%add3A_282], %add3A_410 : memref<16640xf32, #tpu.memory_space<vmem>>[vector<16xi32>], vector<16xf32>,
          tpu.vector_store_idx %arg12[%add3A_283], %add3A_411 : memref<16640xf32, #tpu.memory_space<vmem>>[vector<16xi32>], vector<16xf32>,
          tpu.vector_store_idx %arg12[%add3A_284], %add3A_412 : memref<16640xf32, #tpu.memory_space<vmem>>[vector<16xi32>], vector<16xf32>,
          tpu.vector_store_idx %arg12[%add3A_285], %add3A_413 : memref<16640xf32, #tpu.memory_space<vmem>>[vector<16xi32>], vector<16xf32>,
          tpu.vector_store_idx %arg12[%add3A_286], %add3A_414 : memref<16640xf32, #tpu.memory_space<vmem>>[vector<16xi32>], vector<16xf32>,
          tpu.vector_store_idx %arg12[%add3A_287], %add3A_415 : memref<16640xf32, #tpu.memory_space<vmem>>[vector<16xi32>], vector<16xf32>,
          tpu.vector_store_idx %arg12[%add3A_288], %add3A_416 : memref<16640xf32, #tpu.memory_space<vmem>>[vector<16xi32>], vector<16xf32>,
          tpu.vector_store_idx %arg12[%add3A_289], %add3A_417 : memref<16640xf32, #tpu.memory_space<vmem>>[vector<16xi32>], vector<16xf32>,
        }
        %scan3A_217 = arith.constant 32 : i32
        %ge3A = arith.constant 2 : i32
        %ge3A_218 = arith.cmpi sge, %add3A_142, %ge3A : i32
        %convert_element_type3A_219 = arith.extui %ge3A_218 : i1 to i32
        %cond3A_220 = arith.constant 0 : i32
        %cond3A_221 = arith.cmpi ne, %convert_element_type3A_219, %cond3A_220 : i32
        scf.if %cond3A_221 {
          %add3A_242 = arith.addi %mul3A_32, %add3A_142 : i32
          %sub3A_243 = arith.constant 2 : i32
          %sub3A_244 = arith.subi %add3A_242, %sub3A_243 : i32
          %mul3A_245 = arith.constant 2 : i32
          %mul3A_246 = arith.muli %mul3A_245, %select_n3A_9 : i32
          %dma_wait3A_247 = arith.constant 0 : i32
          %dma_wait3A_248 = arith.constant 0 : i32
          %dma_wait3A_249 = arith.constant 0 : i32
          %dma_wait3A_250 = tpu.memref_slice %arg5[%sub3A_244, %dma_wait3A_247, %mul3A_246, %dma_wait3A_248, %dma_wait3A_249] : memref<200x8x32x8x128xf32, #tpu.memory_space<hbm>> -> memref<1x8x2x8x128xf32, #tpu.memory_space<hbm>>
          %dma_wait3A_251 = tpu.memref_squeeze %dma_wait3A_250 : memref<1x8x2x8x128xf32, #tpu.memory_space<hbm>> -> memref<8x2x8x128xf32, #tpu.memory_space<hbm>>
          %dma_wait3A_252 = arith.constant 0 : i32
          %dma_wait3A_253 = arith.constant 0 : i32
          %dma_wait3A_254 = arith.constant 0 : i32
          %dma_wait3A_255 = tpu.memref_slice %arg5[%sub3A_244, %dma_wait3A_252, %mul3A_246, %dma_wait3A_253, %dma_wait3A_254] : memref<200x8x32x8x128xf32, #tpu.memory_space<hbm>> -> memref<1x8x2x8x128xf32, #tpu.memory_space<hbm>>
          %dma_wait3A_256 = tpu.memref_squeeze %dma_wait3A_255 : memref<1x8x2x8x128xf32, #tpu.memory_space<hbm>> -> memref<8x2x8x128xf32, #tpu.memory_space<hbm>>
          tpu.wait_dma2 semaphore(%arg17 : memref<!tpu.dma_semaphore, #tpu.memory_space<semaphore_mem>>) src(%arg11 : memref<8x2x8x128xf32, #tpu.memory_space<vmem>>) dst(%dma_wait3A_256 : memref<8x2x8x128xf32, #tpu.memory_space<hbm>>)
        } else {
        }
        %mul3A_222 = arith.constant 65 : i32
        %mul3A_223 = vector.broadcast %mul3A_222 : i32 to vector<16xi32>
        %mul3A_224 = arith.muli %iota3A, %mul3A_223 : vector<16xi32>
        %scan3A_225 = arith.constant 0 : i32
        %scan3A_226 = arith.constant 8 : i32
        %scan3A_227 = arith.addi %scan3A_225, %scan3A_226 : i32
        %scan3A_228 = arith.constant 1 : i32
        scf.for %scan3A_242 = %scan3A_225 to %scan3A_227 step %scan3A_228  : i32 {
          %mul3A_243 = arith.constant 1 : i32
          %mul3A_244 = arith.muli %scan3A_242, %mul3A_243 : i32
          %add3A_245 = arith.constant 0 : i32
          %add3A_246 = arith.addi %add3A_245, %mul3A_244 : i32
          %mul3A_247 = arith.constant 8 : i32
          %mul3A_248 = arith.muli %add3A_246, %mul3A_247 : i32
          %add3A_249 = arith.constant 0 : i32
          %add3A_250 = arith.addi %add3A_249, %mul3A_248 : i32
          %add3A_251 = vector.broadcast %add3A_250 : i32 to vector<16xi32>
          %add3A_252 = arith.addi %mul3A_224, %add3A_251 : vector<16xi32>
          %add3A_253 = arith.constant 1040 : i32
          %add3A_254 = arith.addi %add3A_253, %mul3A_248 : i32
          %add3A_255 = vector.broadcast %add3A_254 : i32 to vector<16xi32>
          %add3A_256 = arith.addi %mul3A_224, %add3A_255 : vector<16xi32>
          %add3A_257 = arith.constant 0 : i32
          %add3A_258 = vector.broadcast %add3A_257 : i32 to vector<16xi32>
          %add3A_259 = arith.addi %add3A_252, %add3A_258 : vector<16xi32>
          %add3A_260 = arith.constant 1 : i32
          %add3A_261 = vector.broadcast %add3A_260 : i32 to vector<16xi32>
          %add3A_262 = arith.addi %add3A_252, %add3A_261 : vector<16xi32>
          %add3A_263 = arith.constant 2 : i32
          %add3A_264 = vector.broadcast %add3A_263 : i32 to vector<16xi32>
          %add3A_265 = arith.addi %add3A_252, %add3A_264 : vector<16xi32>
          %add3A_266 = arith.constant 3 : i32
          %add3A_267 = vector.broadcast %add3A_266 : i32 to vector<16xi32>
          %add3A_268 = arith.addi %add3A_252, %add3A_267 : vector<16xi32>
          %add3A_269 = arith.constant 4 : i32
          %add3A_270 = vector.broadcast %add3A_269 : i32 to vector<16xi32>
          %add3A_271 = arith.addi %add3A_252, %add3A_270 : vector<16xi32>
          %add3A_272 = arith.constant 5 : i32
          %add3A_273 = vector.broadcast %add3A_272 : i32 to vector<16xi32>
          %add3A_274 = arith.addi %add3A_252, %add3A_273 : vector<16xi32>
          %add3A_275 = arith.constant 6 : i32
          %add3A_276 = vector.broadcast %add3A_275 : i32 to vector<16xi32>
          %add3A_277 = arith.addi %add3A_252, %add3A_276 : vector<16xi32>
          %add3A_278 = arith.constant 7 : i32
          %add3A_279 = vector.broadcast %add3A_278 : i32 to vector<16xi32>
          %add3A_280 = arith.addi %add3A_252, %add3A_279 : vector<16xi32>
          %add3A_281 = arith.constant 0 : i32
          %add3A_282 = vector.broadcast %add3A_281 : i32 to vector<16xi32>
          %add3A_283 = arith.addi %add3A_256, %add3A_282 : vector<16xi32>
          %add3A_284 = arith.constant 1 : i32
          %add3A_285 = vector.broadcast %add3A_284 : i32 to vector<16xi32>
          %add3A_286 = arith.addi %add3A_256, %add3A_285 : vector<16xi32>
          %add3A_287 = arith.constant 2 : i32
          %add3A_288 = vector.broadcast %add3A_287 : i32 to vector<16xi32>
          %add3A_289 = arith.addi %add3A_256, %add3A_288 : vector<16xi32>
          %add3A_290 = arith.constant 3 : i32
          %add3A_291 = vector.broadcast %add3A_290 : i32 to vector<16xi32>
          %add3A_292 = arith.addi %add3A_256, %add3A_291 : vector<16xi32>
          %add3A_293 = arith.constant 4 : i32
          %add3A_294 = vector.broadcast %add3A_293 : i32 to vector<16xi32>
          %add3A_295 = arith.addi %add3A_256, %add3A_294 : vector<16xi32>
          %add3A_296 = arith.constant 5 : i32
          %add3A_297 = vector.broadcast %add3A_296 : i32 to vector<16xi32>
          %add3A_298 = arith.addi %add3A_256, %add3A_297 : vector<16xi32>
          %add3A_299 = arith.constant 6 : i32
          %add3A_300 = vector.broadcast %add3A_299 : i32 to vector<16xi32>
          %add3A_301 = arith.addi %add3A_256, %add3A_300 : vector<16xi32>
          %add3A_302 = arith.constant 7 : i32
          %add3A_303 = vector.broadcast %add3A_302 : i32 to vector<16xi32>
          %add3A_304 = arith.addi %add3A_256, %add3A_303 : vector<16xi32>
          %gather3A = tpu.vector_load_idx %arg12[%add3A_259] : memref<16640xf32, #tpu.memory_space<vmem>>[vector<16xi32>], vector<16xf32>,
          %gather3A_305 = tpu.vector_load_idx %arg12[%add3A_262] : memref<16640xf32, #tpu.memory_space<vmem>>[vector<16xi32>], vector<16xf32>,
          %gather3A_306 = tpu.vector_load_idx %arg12[%add3A_265] : memref<16640xf32, #tpu.memory_space<vmem>>[vector<16xi32>], vector<16xf32>,
          %gather3A_307 = tpu.vector_load_idx %arg12[%add3A_268] : memref<16640xf32, #tpu.memory_space<vmem>>[vector<16xi32>], vector<16xf32>,
          %gather3A_308 = tpu.vector_load_idx %arg12[%add3A_271] : memref<16640xf32, #tpu.memory_space<vmem>>[vector<16xi32>], vector<16xf32>,
          %gather3A_309 = tpu.vector_load_idx %arg12[%add3A_274] : memref<16640xf32, #tpu.memory_space<vmem>>[vector<16xi32>], vector<16xf32>,
          %gather3A_310 = tpu.vector_load_idx %arg12[%add3A_277] : memref<16640xf32, #tpu.memory_space<vmem>>[vector<16xi32>], vector<16xf32>,
          %gather3A_311 = tpu.vector_load_idx %arg12[%add3A_280] : memref<16640xf32, #tpu.memory_space<vmem>>[vector<16xi32>], vector<16xf32>,
          %gather3A_312 = tpu.vector_load_idx %arg12[%add3A_283] : memref<16640xf32, #tpu.memory_space<vmem>>[vector<16xi32>], vector<16xf32>,
          %gather3A_313 = tpu.vector_load_idx %arg12[%add3A_286] : memref<16640xf32, #tpu.memory_space<vmem>>[vector<16xi32>], vector<16xf32>,
          %gather3A_314 = tpu.vector_load_idx %arg12[%add3A_289] : memref<16640xf32, #tpu.memory_space<vmem>>[vector<16xi32>], vector<16xf32>,
          %gather3A_315 = tpu.vector_load_idx %arg12[%add3A_292] : memref<16640xf32, #tpu.memory_space<vmem>>[vector<16xi32>], vector<16xf32>,
          %gather3A_316 = tpu.vector_load_idx %arg12[%add3A_295] : memref<16640xf32, #tpu.memory_space<vmem>>[vector<16xi32>], vector<16xf32>,
          %gather3A_317 = tpu.vector_load_idx %arg12[%add3A_298] : memref<16640xf32, #tpu.memory_space<vmem>>[vector<16xi32>], vector<16xf32>,
          %gather3A_318 = tpu.vector_load_idx %arg12[%add3A_301] : memref<16640xf32, #tpu.memory_space<vmem>>[vector<16xi32>], vector<16xf32>,
          %gather3A_319 = tpu.vector_load_idx %arg12[%add3A_304] : memref<16640xf32, #tpu.memory_space<vmem>>[vector<16xi32>], vector<16xf32>,
          %swap3A = arith.constant 0 : i32
          %swap3A_320 = arith.constant 0 : i32
          %swap3A_321 = arith.index_cast %add3A_246 : i32 to index
          %swap3A_322 = arith.index_cast %swap3A : i32 to index
          %swap3A_323 = arith.index_cast %swap3A_320 : i32 to index
          %swap3A_324 = arith.constant 0 : index
          %swap3A_325 = tpu.vector_load %arg11[%swap3A_321, %swap3A_322, %swap3A_323, %swap3A_324] {strides = array<i32>} : memref<8x2x8x128xf32, #tpu.memory_space<vmem>>, vector<16xf32>,
          tpu.vector_store %arg11[%swap3A_321, %swap3A_322, %swap3A_323, %swap3A_324], %gather3A {strides = array<i32>} : memref<8x2x8x128xf32, #tpu.memory_space<vmem>>, vector<16xf32>,
          %swap3A_326 = arith.constant 0 : i32
          %swap3A_327 = arith.constant 1 : i32
          %swap3A_328 = arith.index_cast %add3A_246 : i32 to index
          %swap3A_329 = arith.index_cast %swap3A_326 : i32 to index
          %swap3A_330 = arith.index_cast %swap3A_327 : i32 to index
          %swap3A_331 = arith.constant 0 : index
          %swap3A_332 = tpu.vector_load %arg11[%swap3A_328, %swap3A_329, %swap3A_330, %swap3A_331] {strides = array<i32>} : memref<8x2x8x128xf32, #tpu.memory_space<vmem>>, vector<16xf32>,
          tpu.vector_store %arg11[%swap3A_328, %swap3A_329, %swap3A_330, %swap3A_331], %gather3A_305 {strides = array<i32>} : memref<8x2x8x128xf32, #tpu.memory_space<vmem>>, vector<16xf32>,
          %swap3A_333 = arith.constant 0 : i32
          %swap3A_334 = arith.constant 2 : i32
          %swap3A_335 = arith.index_cast %add3A_246 : i32 to index
          %swap3A_336 = arith.index_cast %swap3A_333 : i32 to index
          %swap3A_337 = arith.index_cast %swap3A_334 : i32 to index
          %swap3A_338 = arith.constant 0 : index
          %swap3A_339 = tpu.vector_load %arg11[%swap3A_335, %swap3A_336, %swap3A_337, %swap3A_338] {strides = array<i32>} : memref<8x2x8x128xf32, #tpu.memory_space<vmem>>, vector<16xf32>,
          tpu.vector_store %arg11[%swap3A_335, %swap3A_336, %swap3A_337, %swap3A_338], %gather3A_306 {strides = array<i32>} : memref<8x2x8x128xf32, #tpu.memory_space<vmem>>, vector<16xf32>,
          %swap3A_340 = arith.constant 0 : i32
          %swap3A_341 = arith.constant 3 : i32
          %swap3A_342 = arith.index_cast %add3A_246 : i32 to index
          %swap3A_343 = arith.index_cast %swap3A_340 : i32 to index
          %swap3A_344 = arith.index_cast %swap3A_341 : i32 to index
          %swap3A_345 = arith.constant 0 : index
          %swap3A_346 = tpu.vector_load %arg11[%swap3A_342, %swap3A_343, %swap3A_344, %swap3A_345] {strides = array<i32>} : memref<8x2x8x128xf32, #tpu.memory_space<vmem>>, vector<16xf32>,
          tpu.vector_store %arg11[%swap3A_342, %swap3A_343, %swap3A_344, %swap3A_345], %gather3A_307 {strides = array<i32>} : memref<8x2x8x128xf32, #tpu.memory_space<vmem>>, vector<16xf32>,
          %swap3A_347 = arith.constant 0 : i32
          %swap3A_348 = arith.constant 4 : i32
          %swap3A_349 = arith.index_cast %add3A_246 : i32 to index
          %swap3A_350 = arith.index_cast %swap3A_347 : i32 to index
          %swap3A_351 = arith.index_cast %swap3A_348 : i32 to index
          %swap3A_352 = arith.constant 0 : index
          %swap3A_353 = tpu.vector_load %arg11[%swap3A_349, %swap3A_350, %swap3A_351, %swap3A_352] {strides = array<i32>} : memref<8x2x8x128xf32, #tpu.memory_space<vmem>>, vector<16xf32>,
          tpu.vector_store %arg11[%swap3A_349, %swap3A_350, %swap3A_351, %swap3A_352], %gather3A_308 {strides = array<i32>} : memref<8x2x8x128xf32, #tpu.memory_space<vmem>>, vector<16xf32>,
          %swap3A_354 = arith.constant 0 : i32
          %swap3A_355 = arith.constant 5 : i32
          %swap3A_356 = arith.index_cast %add3A_246 : i32 to index
          %swap3A_357 = arith.index_cast %swap3A_354 : i32 to index
          %swap3A_358 = arith.index_cast %swap3A_355 : i32 to index
          %swap3A_359 = arith.constant 0 : index
          %swap3A_360 = tpu.vector_load %arg11[%swap3A_356, %swap3A_357, %swap3A_358, %swap3A_359] {strides = array<i32>} : memref<8x2x8x128xf32, #tpu.memory_space<vmem>>, vector<16xf32>,
          tpu.vector_store %arg11[%swap3A_356, %swap3A_357, %swap3A_358, %swap3A_359], %gather3A_309 {strides = array<i32>} : memref<8x2x8x128xf32, #tpu.memory_space<vmem>>, vector<16xf32>,
          %swap3A_361 = arith.constant 0 : i32
          %swap3A_362 = arith.constant 6 : i32
          %swap3A_363 = arith.index_cast %add3A_246 : i32 to index
          %swap3A_364 = arith.index_cast %swap3A_361 : i32 to index
          %swap3A_365 = arith.index_cast %swap3A_362 : i32 to index
          %swap3A_366 = arith.constant 0 : index
          %swap3A_367 = tpu.vector_load %arg11[%swap3A_363, %swap3A_364, %swap3A_365, %swap3A_366] {strides = array<i32>} : memref<8x2x8x128xf32, #tpu.memory_space<vmem>>, vector<16xf32>,
          tpu.vector_store %arg11[%swap3A_363, %swap3A_364, %swap3A_365, %swap3A_366], %gather3A_310 {strides = array<i32>} : memref<8x2x8x128xf32, #tpu.memory_space<vmem>>, vector<16xf32>,
          %swap3A_368 = arith.constant 0 : i32
          %swap3A_369 = arith.constant 7 : i32
          %swap3A_370 = arith.index_cast %add3A_246 : i32 to index
          %swap3A_371 = arith.index_cast %swap3A_368 : i32 to index
          %swap3A_372 = arith.index_cast %swap3A_369 : i32 to index
          %swap3A_373 = arith.constant 0 : index
          %swap3A_374 = tpu.vector_load %arg11[%swap3A_370, %swap3A_371, %swap3A_372, %swap3A_373] {strides = array<i32>} : memref<8x2x8x128xf32, #tpu.memory_space<vmem>>, vector<16xf32>,
          tpu.vector_store %arg11[%swap3A_370, %swap3A_371, %swap3A_372, %swap3A_373], %gather3A_311 {strides = array<i32>} : memref<8x2x8x128xf32, #tpu.memory_space<vmem>>, vector<16xf32>,
          %swap3A_375 = arith.constant 0 : i32
          %swap3A_376 = arith.constant 0 : i32
          %swap3A_377 = arith.index_cast %add3A_246 : i32 to index
          %swap3A_378 = arith.index_cast %swap3A_375 : i32 to index
          %swap3A_379 = arith.index_cast %swap3A_376 : i32 to index
          %swap3A_380 = arith.constant 16 : index
          %swap3A_381 = tpu.vector_load %arg11[%swap3A_377, %swap3A_378, %swap3A_379, %swap3A_380] {strides = array<i32>} : memref<8x2x8x128xf32, #tpu.memory_space<vmem>>, vector<16xf32>,
          tpu.vector_store %arg11[%swap3A_377, %swap3A_378, %swap3A_379, %swap3A_380], %gather3A_312 {strides = array<i32>} : memref<8x2x8x128xf32, #tpu.memory_space<vmem>>, vector<16xf32>,
          %swap3A_382 = arith.constant 0 : i32
          %swap3A_383 = arith.constant 1 : i32
          %swap3A_384 = arith.index_cast %add3A_246 : i32 to index
          %swap3A_385 = arith.index_cast %swap3A_382 : i32 to index
          %swap3A_386 = arith.index_cast %swap3A_383 : i32 to index
          %swap3A_387 = arith.constant 16 : index
          %swap3A_388 = tpu.vector_load %arg11[%swap3A_384, %swap3A_385, %swap3A_386, %swap3A_387] {strides = array<i32>} : memref<8x2x8x128xf32, #tpu.memory_space<vmem>>, vector<16xf32>,
          tpu.vector_store %arg11[%swap3A_384, %swap3A_385, %swap3A_386, %swap3A_387], %gather3A_313 {strides = array<i32>} : memref<8x2x8x128xf32, #tpu.memory_space<vmem>>, vector<16xf32>,
          %swap3A_389 = arith.constant 0 : i32
          %swap3A_390 = arith.constant 2 : i32
          %swap3A_391 = arith.index_cast %add3A_246 : i32 to index
          %swap3A_392 = arith.index_cast %swap3A_389 : i32 to index
          %swap3A_393 = arith.index_cast %swap3A_390 : i32 to index
          %swap3A_394 = arith.constant 16 : index
          %swap3A_395 = tpu.vector_load %arg11[%swap3A_391, %swap3A_392, %swap3A_393, %swap3A_394] {strides = array<i32>} : memref<8x2x8x128xf32, #tpu.memory_space<vmem>>, vector<16xf32>,
          tpu.vector_store %arg11[%swap3A_391, %swap3A_392, %swap3A_393, %swap3A_394], %gather3A_314 {strides = array<i32>} : memref<8x2x8x128xf32, #tpu.memory_space<vmem>>, vector<16xf32>,
          %swap3A_396 = arith.constant 0 : i32
          %swap3A_397 = arith.constant 3 : i32
          %swap3A_398 = arith.index_cast %add3A_246 : i32 to index
          %swap3A_399 = arith.index_cast %swap3A_396 : i32 to index
          %swap3A_400 = arith.index_cast %swap3A_397 : i32 to index
          %swap3A_401 = arith.constant 16 : index
          %swap3A_402 = tpu.vector_load %arg11[%swap3A_398, %swap3A_399, %swap3A_400, %swap3A_401] {strides = array<i32>} : memref<8x2x8x128xf32, #tpu.memory_space<vmem>>, vector<16xf32>,
          tpu.vector_store %arg11[%swap3A_398, %swap3A_399, %swap3A_400, %swap3A_401], %gather3A_315 {strides = array<i32>} : memref<8x2x8x128xf32, #tpu.memory_space<vmem>>, vector<16xf32>,
          %swap3A_403 = arith.constant 0 : i32
          %swap3A_404 = arith.constant 4 : i32
          %swap3A_405 = arith.index_cast %add3A_246 : i32 to index
          %swap3A_406 = arith.index_cast %swap3A_403 : i32 to index
          %swap3A_407 = arith.index_cast %swap3A_404 : i32 to index
          %swap3A_408 = arith.constant 16 : index
          %swap3A_409 = tpu.vector_load %arg11[%swap3A_405, %swap3A_406, %swap3A_407, %swap3A_408] {strides = array<i32>} : memref<8x2x8x128xf32, #tpu.memory_space<vmem>>, vector<16xf32>,
          tpu.vector_store %arg11[%swap3A_405, %swap3A_406, %swap3A_407, %swap3A_408], %gather3A_316 {strides = array<i32>} : memref<8x2x8x128xf32, #tpu.memory_space<vmem>>, vector<16xf32>,
          %swap3A_410 = arith.constant 0 : i32
          %swap3A_411 = arith.constant 5 : i32
          %swap3A_412 = arith.index_cast %add3A_246 : i32 to index
          %swap3A_413 = arith.index_cast %swap3A_410 : i32 to index
          %swap3A_414 = arith.index_cast %swap3A_411 : i32 to index
          %swap3A_415 = arith.constant 16 : index
          %swap3A_416 = tpu.vector_load %arg11[%swap3A_412, %swap3A_413, %swap3A_414, %swap3A_415] {strides = array<i32>} : memref<8x2x8x128xf32, #tpu.memory_space<vmem>>, vector<16xf32>,
          tpu.vector_store %arg11[%swap3A_412, %swap3A_413, %swap3A_414, %swap3A_415], %gather3A_317 {strides = array<i32>} : memref<8x2x8x128xf32, #tpu.memory_space<vmem>>, vector<16xf32>,
          %swap3A_417 = arith.constant 0 : i32
          %swap3A_418 = arith.constant 6 : i32
          %swap3A_419 = arith.index_cast %add3A_246 : i32 to index
          %swap3A_420 = arith.index_cast %swap3A_417 : i32 to index
          %swap3A_421 = arith.index_cast %swap3A_418 : i32 to index
          %swap3A_422 = arith.constant 16 : index
          %swap3A_423 = tpu.vector_load %arg11[%swap3A_419, %swap3A_420, %swap3A_421, %swap3A_422] {strides = array<i32>} : memref<8x2x8x128xf32, #tpu.memory_space<vmem>>, vector<16xf32>,
          tpu.vector_store %arg11[%swap3A_419, %swap3A_420, %swap3A_421, %swap3A_422], %gather3A_318 {strides = array<i32>} : memref<8x2x8x128xf32, #tpu.memory_space<vmem>>, vector<16xf32>,
          %swap3A_424 = arith.constant 0 : i32
          %swap3A_425 = arith.constant 7 : i32
          %swap3A_426 = arith.index_cast %add3A_246 : i32 to index
          %swap3A_427 = arith.index_cast %swap3A_424 : i32 to index
          %swap3A_428 = arith.index_cast %swap3A_425 : i32 to index
          %swap3A_429 = arith.constant 16 : index
          %swap3A_430 = tpu.vector_load %arg11[%swap3A_426, %swap3A_427, %swap3A_428, %swap3A_429] {strides = array<i32>} : memref<8x2x8x128xf32, #tpu.memory_space<vmem>>, vector<16xf32>,
          tpu.vector_store %arg11[%swap3A_426, %swap3A_427, %swap3A_428, %swap3A_429], %gather3A_319 {strides = array<i32>} : memref<8x2x8x128xf32, #tpu.memory_space<vmem>>, vector<16xf32>,
          %add3A_431 = arith.constant 2080 : i32
          %add3A_432 = arith.addi %add3A_431, %mul3A_248 : i32
          %add3A_433 = vector.broadcast %add3A_432 : i32 to vector<16xi32>
          %add3A_434 = arith.addi %mul3A_224, %add3A_433 : vector<16xi32>
          %add3A_435 = arith.constant 3120 : i32
          %add3A_436 = arith.addi %add3A_435, %mul3A_248 : i32
          %add3A_437 = vector.broadcast %add3A_436 : i32 to vector<16xi32>
          %add3A_438 = arith.addi %mul3A_224, %add3A_437 : vector<16xi32>
          %add3A_439 = arith.constant 0 : i32
          %add3A_440 = vector.broadcast %add3A_439 : i32 to vector<16xi32>
          %add3A_441 = arith.addi %add3A_434, %add3A_440 : vector<16xi32>
          %add3A_442 = arith.constant 1 : i32
          %add3A_443 = vector.broadcast %add3A_442 : i32 to vector<16xi32>
          %add3A_444 = arith.addi %add3A_434, %add3A_443 : vector<16xi32>
          %add3A_445 = arith.constant 2 : i32
          %add3A_446 = vector.broadcast %add3A_445 : i32 to vector<16xi32>
          %add3A_447 = arith.addi %add3A_434, %add3A_446 : vector<16xi32>
          %add3A_448 = arith.constant 3 : i32
          %add3A_449 = vector.broadcast %add3A_448 : i32 to vector<16xi32>
          %add3A_450 = arith.addi %add3A_434, %add3A_449 : vector<16xi32>
          %add3A_451 = arith.constant 4 : i32
          %add3A_452 = vector.broadcast %add3A_451 : i32 to vector<16xi32>
          %add3A_453 = arith.addi %add3A_434, %add3A_452 : vector<16xi32>
          %add3A_454 = arith.constant 5 : i32
          %add3A_455 = vector.broadcast %add3A_454 : i32 to vector<16xi32>
          %add3A_456 = arith.addi %add3A_434, %add3A_455 : vector<16xi32>
          %add3A_457 = arith.constant 6 : i32
          %add3A_458 = vector.broadcast %add3A_457 : i32 to vector<16xi32>
          %add3A_459 = arith.addi %add3A_434, %add3A_458 : vector<16xi32>
          %add3A_460 = arith.constant 7 : i32
          %add3A_461 = vector.broadcast %add3A_460 : i32 to vector<16xi32>
          %add3A_462 = arith.addi %add3A_434, %add3A_461 : vector<16xi32>
          %add3A_463 = arith.constant 0 : i32
          %add3A_464 = vector.broadcast %add3A_463 : i32 to vector<16xi32>
          %add3A_465 = arith.addi %add3A_438, %add3A_464 : vector<16xi32>
          %add3A_466 = arith.constant 1 : i32
          %add3A_467 = vector.broadcast %add3A_466 : i32 to vector<16xi32>
          %add3A_468 = arith.addi %add3A_438, %add3A_467 : vector<16xi32>
          %add3A_469 = arith.constant 2 : i32
          %add3A_470 = vector.broadcast %add3A_469 : i32 to vector<16xi32>
          %add3A_471 = arith.addi %add3A_438, %add3A_470 : vector<16xi32>
          %add3A_472 = arith.constant 3 : i32
          %add3A_473 = vector.broadcast %add3A_472 : i32 to vector<16xi32>
          %add3A_474 = arith.addi %add3A_438, %add3A_473 : vector<16xi32>
          %add3A_475 = arith.constant 4 : i32
          %add3A_476 = vector.broadcast %add3A_475 : i32 to vector<16xi32>
          %add3A_477 = arith.addi %add3A_438, %add3A_476 : vector<16xi32>
          %add3A_478 = arith.constant 5 : i32
          %add3A_479 = vector.broadcast %add3A_478 : i32 to vector<16xi32>
          %add3A_480 = arith.addi %add3A_438, %add3A_479 : vector<16xi32>
          %add3A_481 = arith.constant 6 : i32
          %add3A_482 = vector.broadcast %add3A_481 : i32 to vector<16xi32>
          %add3A_483 = arith.addi %add3A_438, %add3A_482 : vector<16xi32>
          %add3A_484 = arith.constant 7 : i32
          %add3A_485 = vector.broadcast %add3A_484 : i32 to vector<16xi32>
          %add3A_486 = arith.addi %add3A_438, %add3A_485 : vector<16xi32>
          %gather3A_487 = tpu.vector_load_idx %arg12[%add3A_441] : memref<16640xf32, #tpu.memory_space<vmem>>[vector<16xi32>], vector<16xf32>,
          %gather3A_488 = tpu.vector_load_idx %arg12[%add3A_444] : memref<16640xf32, #tpu.memory_space<vmem>>[vector<16xi32>], vector<16xf32>,
          %gather3A_489 = tpu.vector_load_idx %arg12[%add3A_447] : memref<16640xf32, #tpu.memory_space<vmem>>[vector<16xi32>], vector<16xf32>,
          %gather3A_490 = tpu.vector_load_idx %arg12[%add3A_450] : memref<16640xf32, #tpu.memory_space<vmem>>[vector<16xi32>], vector<16xf32>,
          %gather3A_491 = tpu.vector_load_idx %arg12[%add3A_453] : memref<16640xf32, #tpu.memory_space<vmem>>[vector<16xi32>], vector<16xf32>,
          %gather3A_492 = tpu.vector_load_idx %arg12[%add3A_456] : memref<16640xf32, #tpu.memory_space<vmem>>[vector<16xi32>], vector<16xf32>,
          %gather3A_493 = tpu.vector_load_idx %arg12[%add3A_459] : memref<16640xf32, #tpu.memory_space<vmem>>[vector<16xi32>], vector<16xf32>,
          %gather3A_494 = tpu.vector_load_idx %arg12[%add3A_462] : memref<16640xf32, #tpu.memory_space<vmem>>[vector<16xi32>], vector<16xf32>,
          %gather3A_495 = tpu.vector_load_idx %arg12[%add3A_465] : memref<16640xf32, #tpu.memory_space<vmem>>[vector<16xi32>], vector<16xf32>,
          %gather3A_496 = tpu.vector_load_idx %arg12[%add3A_468] : memref<16640xf32, #tpu.memory_space<vmem>>[vector<16xi32>], vector<16xf32>,
          %gather3A_497 = tpu.vector_load_idx %arg12[%add3A_471] : memref<16640xf32, #tpu.memory_space<vmem>>[vector<16xi32>], vector<16xf32>,
          %gather3A_498 = tpu.vector_load_idx %arg12[%add3A_474] : memref<16640xf32, #tpu.memory_space<vmem>>[vector<16xi32>], vector<16xf32>,
          %gather3A_499 = tpu.vector_load_idx %arg12[%add3A_477] : memref<16640xf32, #tpu.memory_space<vmem>>[vector<16xi32>], vector<16xf32>,
          %gather3A_500 = tpu.vector_load_idx %arg12[%add3A_480] : memref<16640xf32, #tpu.memory_space<vmem>>[vector<16xi32>], vector<16xf32>,
          %gather3A_501 = tpu.vector_load_idx %arg12[%add3A_483] : memref<16640xf32, #tpu.memory_space<vmem>>[vector<16xi32>], vector<16xf32>,
          %gather3A_502 = tpu.vector_load_idx %arg12[%add3A_486] : memref<16640xf32, #tpu.memory_space<vmem>>[vector<16xi32>], vector<16xf32>,
          %swap3A_503 = arith.constant 0 : i32
          %swap3A_504 = arith.constant 0 : i32
          %swap3A_505 = arith.index_cast %add3A_246 : i32 to index
          %swap3A_506 = arith.index_cast %swap3A_503 : i32 to index
          %swap3A_507 = arith.index_cast %swap3A_504 : i32 to index
          %swap3A_508 = arith.constant 32 : index
          %swap3A_509 = tpu.vector_load %arg11[%swap3A_505, %swap3A_506, %swap3A_507, %swap3A_508] {strides = array<i32>} : memref<8x2x8x128xf32, #tpu.memory_space<vmem>>, vector<16xf32>,
          tpu.vector_store %arg11[%swap3A_505, %swap3A_506, %swap3A_507, %swap3A_508], %gather3A_487 {strides = array<i32>} : memref<8x2x8x128xf32, #tpu.memory_space<vmem>>, vector<16xf32>,
          %swap3A_510 = arith.constant 0 : i32
          %swap3A_511 = arith.constant 1 : i32
          %swap3A_512 = arith.index_cast %add3A_246 : i32 to index
          %swap3A_513 = arith.index_cast %swap3A_510 : i32 to index
          %swap3A_514 = arith.index_cast %swap3A_511 : i32 to index
          %swap3A_515 = arith.constant 32 : index
          %swap3A_516 = tpu.vector_load %arg11[%swap3A_512, %swap3A_513, %swap3A_514, %swap3A_515] {strides = array<i32>} : memref<8x2x8x128xf32, #tpu.memory_space<vmem>>, vector<16xf32>,
          tpu.vector_store %arg11[%swap3A_512, %swap3A_513, %swap3A_514, %swap3A_515], %gather3A_488 {strides = array<i32>} : memref<8x2x8x128xf32, #tpu.memory_space<vmem>>, vector<16xf32>,
          %swap3A_517 = arith.constant 0 : i32
          %swap3A_518 = arith.constant 2 : i32
          %swap3A_519 = arith.index_cast %add3A_246 : i32 to index
          %swap3A_520 = arith.index_cast %swap3A_517 : i32 to index
          %swap3A_521 = arith.index_cast %swap3A_518 : i32 to index
          %swap3A_522 = arith.constant 32 : index
          %swap3A_523 = tpu.vector_load %arg11[%swap3A_519, %swap3A_520, %swap3A_521, %swap3A_522] {strides = array<i32>} : memref<8x2x8x128xf32, #tpu.memory_space<vmem>>, vector<16xf32>,
          tpu.vector_store %arg11[%swap3A_519, %swap3A_520, %swap3A_521, %swap3A_522], %gather3A_489 {strides = array<i32>} : memref<8x2x8x128xf32, #tpu.memory_space<vmem>>, vector<16xf32>,
          %swap3A_524 = arith.constant 0 : i32
          %swap3A_525 = arith.constant 3 : i32
          %swap3A_526 = arith.index_cast %add3A_246 : i32 to index
          %swap3A_527 = arith.index_cast %swap3A_524 : i32 to index
          %swap3A_528 = arith.index_cast %swap3A_525 : i32 to index
          %swap3A_529 = arith.constant 32 : index
          %swap3A_530 = tpu.vector_load %arg11[%swap3A_526, %swap3A_527, %swap3A_528, %swap3A_529] {strides = array<i32>} : memref<8x2x8x128xf32, #tpu.memory_space<vmem>>, vector<16xf32>,
          tpu.vector_store %arg11[%swap3A_526, %swap3A_527, %swap3A_528, %swap3A_529], %gather3A_490 {strides = array<i32>} : memref<8x2x8x128xf32, #tpu.memory_space<vmem>>, vector<16xf32>,
          %swap3A_531 = arith.constant 0 : i32
          %swap3A_532 = arith.constant 4 : i32
          %swap3A_533 = arith.index_cast %add3A_246 : i32 to index
          %swap3A_534 = arith.index_cast %swap3A_531 : i32 to index
          %swap3A_535 = arith.index_cast %swap3A_532 : i32 to index
          %swap3A_536 = arith.constant 32 : index
          %swap3A_537 = tpu.vector_load %arg11[%swap3A_533, %swap3A_534, %swap3A_535, %swap3A_536] {strides = array<i32>} : memref<8x2x8x128xf32, #tpu.memory_space<vmem>>, vector<16xf32>,
          tpu.vector_store %arg11[%swap3A_533, %swap3A_534, %swap3A_535, %swap3A_536], %gather3A_491 {strides = array<i32>} : memref<8x2x8x128xf32, #tpu.memory_space<vmem>>, vector<16xf32>,
          %swap3A_538 = arith.constant 0 : i32
          %swap3A_539 = arith.constant 5 : i32
          %swap3A_540 = arith.index_cast %add3A_246 : i32 to index
          %swap3A_541 = arith.index_cast %swap3A_538 : i32 to index
          %swap3A_542 = arith.index_cast %swap3A_539 : i32 to index
          %swap3A_543 = arith.constant 32 : index
          %swap3A_544 = tpu.vector_load %arg11[%swap3A_540, %swap3A_541, %swap3A_542, %swap3A_543] {strides = array<i32>} : memref<8x2x8x128xf32, #tpu.memory_space<vmem>>, vector<16xf32>,
          tpu.vector_store %arg11[%swap3A_540, %swap3A_541, %swap3A_542, %swap3A_543], %gather3A_492 {strides = array<i32>} : memref<8x2x8x128xf32, #tpu.memory_space<vmem>>, vector<16xf32>,
          %swap3A_545 = arith.constant 0 : i32
          %swap3A_546 = arith.constant 6 : i32
          %swap3A_547 = arith.index_cast %add3A_246 : i32 to index
          %swap3A_548 = arith.index_cast %swap3A_545 : i32 to index
          %swap3A_549 = arith.index_cast %swap3A_546 : i32 to index
          %swap3A_550 = arith.constant 32 : index
          %swap3A_551 = tpu.vector_load %arg11[%swap3A_547, %swap3A_548, %swap3A_549, %swap3A_550] {strides = array<i32>} : memref<8x2x8x128xf32, #tpu.memory_space<vmem>>, vector<16xf32>,
          tpu.vector_store %arg11[%swap3A_547, %swap3A_548, %swap3A_549, %swap3A_550], %gather3A_493 {strides = array<i32>} : memref<8x2x8x128xf32, #tpu.memory_space<vmem>>, vector<16xf32>,
          %swap3A_552 = arith.constant 0 : i32
          %swap3A_553 = arith.constant 7 : i32
          %swap3A_554 = arith.index_cast %add3A_246 : i32 to index
          %swap3A_555 = arith.index_cast %swap3A_552 : i32 to index
          %swap3A_556 = arith.index_cast %swap3A_553 : i32 to index
          %swap3A_557 = arith.constant 32 : index
          %swap3A_558 = tpu.vector_load %arg11[%swap3A_554, %swap3A_555, %swap3A_556, %swap3A_557] {strides = array<i32>} : memref<8x2x8x128xf32, #tpu.memory_space<vmem>>, vector<16xf32>,
          tpu.vector_store %arg11[%swap3A_554, %swap3A_555, %swap3A_556, %swap3A_557], %gather3A_494 {strides = array<i32>} : memref<8x2x8x128xf32, #tpu.memory_space<vmem>>, vector<16xf32>,
          %swap3A_559 = arith.constant 0 : i32
          %swap3A_560 = arith.constant 0 : i32
          %swap3A_561 = arith.index_cast %add3A_246 : i32 to index
          %swap3A_562 = arith.index_cast %swap3A_559 : i32 to index
          %swap3A_563 = arith.index_cast %swap3A_560 : i32 to index
          %swap3A_564 = arith.constant 48 : index
          %swap3A_565 = tpu.vector_load %arg11[%swap3A_561, %swap3A_562, %swap3A_563, %swap3A_564] {strides = array<i32>} : memref<8x2x8x128xf32, #tpu.memory_space<vmem>>, vector<16xf32>,
          tpu.vector_store %arg11[%swap3A_561, %swap3A_562, %swap3A_563, %swap3A_564], %gather3A_495 {strides = array<i32>} : memref<8x2x8x128xf32, #tpu.memory_space<vmem>>, vector<16xf32>,
          %swap3A_566 = arith.constant 0 : i32
          %swap3A_567 = arith.constant 1 : i32
          %swap3A_568 = arith.index_cast %add3A_246 : i32 to index
          %swap3A_569 = arith.index_cast %swap3A_566 : i32 to index
          %swap3A_570 = arith.index_cast %swap3A_567 : i32 to index
          %swap3A_571 = arith.constant 48 : index
          %swap3A_572 = tpu.vector_load %arg11[%swap3A_568, %swap3A_569, %swap3A_570, %swap3A_571] {strides = array<i32>} : memref<8x2x8x128xf32, #tpu.memory_space<vmem>>, vector<16xf32>,
          tpu.vector_store %arg11[%swap3A_568, %swap3A_569, %swap3A_570, %swap3A_571], %gather3A_496 {strides = array<i32>} : memref<8x2x8x128xf32, #tpu.memory_space<vmem>>, vector<16xf32>,
          %swap3A_573 = arith.constant 0 : i32
          %swap3A_574 = arith.constant 2 : i32
          %swap3A_575 = arith.index_cast %add3A_246 : i32 to index
          %swap3A_576 = arith.index_cast %swap3A_573 : i32 to index
          %swap3A_577 = arith.index_cast %swap3A_574 : i32 to index
          %swap3A_578 = arith.constant 48 : index
          %swap3A_579 = tpu.vector_load %arg11[%swap3A_575, %swap3A_576, %swap3A_577, %swap3A_578] {strides = array<i32>} : memref<8x2x8x128xf32, #tpu.memory_space<vmem>>, vector<16xf32>,
          tpu.vector_store %arg11[%swap3A_575, %swap3A_576, %swap3A_577, %swap3A_578], %gather3A_497 {strides = array<i32>} : memref<8x2x8x128xf32, #tpu.memory_space<vmem>>, vector<16xf32>,
          %swap3A_580 = arith.constant 0 : i32
          %swap3A_581 = arith.constant 3 : i32
          %swap3A_582 = arith.index_cast %add3A_246 : i32 to index
          %swap3A_583 = arith.index_cast %swap3A_580 : i32 to index
          %swap3A_584 = arith.index_cast %swap3A_581 : i32 to index
          %swap3A_585 = arith.constant 48 : index
          %swap3A_586 = tpu.vector_load %arg11[%swap3A_582, %swap3A_583, %swap3A_584, %swap3A_585] {strides = array<i32>} : memref<8x2x8x128xf32, #tpu.memory_space<vmem>>, vector<16xf32>,
          tpu.vector_store %arg11[%swap3A_582, %swap3A_583, %swap3A_584, %swap3A_585], %gather3A_498 {strides = array<i32>} : memref<8x2x8x128xf32, #tpu.memory_space<vmem>>, vector<16xf32>,
          %swap3A_587 = arith.constant 0 : i32
          %swap3A_588 = arith.constant 4 : i32
          %swap3A_589 = arith.index_cast %add3A_246 : i32 to index
          %swap3A_590 = arith.index_cast %swap3A_587 : i32 to index
          %swap3A_591 = arith.index_cast %swap3A_588 : i32 to index
          %swap3A_592 = arith.constant 48 : index
          %swap3A_593 = tpu.vector_load %arg11[%swap3A_589, %swap3A_590, %swap3A_591, %swap3A_592] {strides = array<i32>} : memref<8x2x8x128xf32, #tpu.memory_space<vmem>>, vector<16xf32>,
          tpu.vector_store %arg11[%swap3A_589, %swap3A_590, %swap3A_591, %swap3A_592], %gather3A_499 {strides = array<i32>} : memref<8x2x8x128xf32, #tpu.memory_space<vmem>>, vector<16xf32>,
          %swap3A_594 = arith.constant 0 : i32
          %swap3A_595 = arith.constant 5 : i32
          %swap3A_596 = arith.index_cast %add3A_246 : i32 to index
          %swap3A_597 = arith.index_cast %swap3A_594 : i32 to index
          %swap3A_598 = arith.index_cast %swap3A_595 : i32 to index
          %swap3A_599 = arith.constant 48 : index
          %swap3A_600 = tpu.vector_load %arg11[%swap3A_596, %swap3A_597, %swap3A_598, %swap3A_599] {strides = array<i32>} : memref<8x2x8x128xf32, #tpu.memory_space<vmem>>, vector<16xf32>,
          tpu.vector_store %arg11[%swap3A_596, %swap3A_597, %swap3A_598, %swap3A_599], %gather3A_500 {strides = array<i32>} : memref<8x2x8x128xf32, #tpu.memory_space<vmem>>, vector<16xf32>,
          %swap3A_601 = arith.constant 0 : i32
          %swap3A_602 = arith.constant 6 : i32
          %swap3A_603 = arith.index_cast %add3A_246 : i32 to index
          %swap3A_604 = arith.index_cast %swap3A_601 : i32 to index
          %swap3A_605 = arith.index_cast %swap3A_602 : i32 to index
          %swap3A_606 = arith.constant 48 : index
          %swap3A_607 = tpu.vector_load %arg11[%swap3A_603, %swap3A_604, %swap3A_605, %swap3A_606] {strides = array<i32>} : memref<8x2x8x128xf32, #tpu.memory_space<vmem>>, vector<16xf32>,
          tpu.vector_store %arg11[%swap3A_603, %swap3A_604, %swap3A_605, %swap3A_606], %gather3A_501 {strides = array<i32>} : memref<8x2x8x128xf32, #tpu.memory_space<vmem>>, vector<16xf32>,
          %swap3A_608 = arith.constant 0 : i32
          %swap3A_609 = arith.constant 7 : i32
          %swap3A_610 = arith.index_cast %add3A_246 : i32 to index
          %swap3A_611 = arith.index_cast %swap3A_608 : i32 to index
          %swap3A_612 = arith.index_cast %swap3A_609 : i32 to index
          %swap3A_613 = arith.constant 48 : index
          %swap3A_614 = tpu.vector_load %arg11[%swap3A_610, %swap3A_611, %swap3A_612, %swap3A_613] {strides = array<i32>} : memref<8x2x8x128xf32, #tpu.memory_space<vmem>>, vector<16xf32>,
          tpu.vector_store %arg11[%swap3A_610, %swap3A_611, %swap3A_612, %swap3A_613], %gather3A_502 {strides = array<i32>} : memref<8x2x8x128xf32, #tpu.memory_space<vmem>>, vector<16xf32>,
          %add3A_615 = arith.constant 4160 : i32
          %add3A_616 = arith.addi %add3A_615, %mul3A_248 : i32
          %add3A_617 = vector.broadcast %add3A_616 : i32 to vector<16xi32>
          %add3A_618 = arith.addi %mul3A_224, %add3A_617 : vector<16xi32>
          %add3A_619 = arith.constant 5200 : i32
          %add3A_620 = arith.addi %add3A_619, %mul3A_248 : i32
          %add3A_621 = vector.broadcast %add3A_620 : i32 to vector<16xi32>
          %add3A_622 = arith.addi %mul3A_224, %add3A_621 : vector<16xi32>
          %add3A_623 = arith.constant 0 : i32
          %add3A_624 = vector.broadcast %add3A_623 : i32 to vector<16xi32>
          %add3A_625 = arith.addi %add3A_618, %add3A_624 : vector<16xi32>
          %add3A_626 = arith.constant 1 : i32
          %add3A_627 = vector.broadcast %add3A_626 : i32 to vector<16xi32>
          %add3A_628 = arith.addi %add3A_618, %add3A_627 : vector<16xi32>
          %add3A_629 = arith.constant 2 : i32
          %add3A_630 = vector.broadcast %add3A_629 : i32 to vector<16xi32>
          %add3A_631 = arith.addi %add3A_618, %add3A_630 : vector<16xi32>
          %add3A_632 = arith.constant 3 : i32
          %add3A_633 = vector.broadcast %add3A_632 : i32 to vector<16xi32>
          %add3A_634 = arith.addi %add3A_618, %add3A_633 : vector<16xi32>
          %add3A_635 = arith.constant 4 : i32
          %add3A_636 = vector.broadcast %add3A_635 : i32 to vector<16xi32>
          %add3A_637 = arith.addi %add3A_618, %add3A_636 : vector<16xi32>
          %add3A_638 = arith.constant 5 : i32
          %add3A_639 = vector.broadcast %add3A_638 : i32 to vector<16xi32>
          %add3A_640 = arith.addi %add3A_618, %add3A_639 : vector<16xi32>
          %add3A_641 = arith.constant 6 : i32
          %add3A_642 = vector.broadcast %add3A_641 : i32 to vector<16xi32>
          %add3A_643 = arith.addi %add3A_618, %add3A_642 : vector<16xi32>
          %add3A_644 = arith.constant 7 : i32
          %add3A_645 = vector.broadcast %add3A_644 : i32 to vector<16xi32>
          %add3A_646 = arith.addi %add3A_618, %add3A_645 : vector<16xi32>
          %add3A_647 = arith.constant 0 : i32
          %add3A_648 = vector.broadcast %add3A_647 : i32 to vector<16xi32>
          %add3A_649 = arith.addi %add3A_622, %add3A_648 : vector<16xi32>
          %add3A_650 = arith.constant 1 : i32
          %add3A_651 = vector.broadcast %add3A_650 : i32 to vector<16xi32>
          %add3A_652 = arith.addi %add3A_622, %add3A_651 : vector<16xi32>
          %add3A_653 = arith.constant 2 : i32
          %add3A_654 = vector.broadcast %add3A_653 : i32 to vector<16xi32>
          %add3A_655 = arith.addi %add3A_622, %add3A_654 : vector<16xi32>
          %add3A_656 = arith.constant 3 : i32
          %add3A_657 = vector.broadcast %add3A_656 : i32 to vector<16xi32>
          %add3A_658 = arith.addi %add3A_622, %add3A_657 : vector<16xi32>
          %add3A_659 = arith.constant 4 : i32
          %add3A_660 = vector.broadcast %add3A_659 : i32 to vector<16xi32>
          %add3A_661 = arith.addi %add3A_622, %add3A_660 : vector<16xi32>
          %add3A_662 = arith.constant 5 : i32
          %add3A_663 = vector.broadcast %add3A_662 : i32 to vector<16xi32>
          %add3A_664 = arith.addi %add3A_622, %add3A_663 : vector<16xi32>
          %add3A_665 = arith.constant 6 : i32
          %add3A_666 = vector.broadcast %add3A_665 : i32 to vector<16xi32>
          %add3A_667 = arith.addi %add3A_622, %add3A_666 : vector<16xi32>
          %add3A_668 = arith.constant 7 : i32
          %add3A_669 = vector.broadcast %add3A_668 : i32 to vector<16xi32>
          %add3A_670 = arith.addi %add3A_622, %add3A_669 : vector<16xi32>
          %gather3A_671 = tpu.vector_load_idx %arg12[%add3A_625] : memref<16640xf32, #tpu.memory_space<vmem>>[vector<16xi32>], vector<16xf32>,
          %gather3A_672 = tpu.vector_load_idx %arg12[%add3A_628] : memref<16640xf32, #tpu.memory_space<vmem>>[vector<16xi32>], vector<16xf32>,
          %gather3A_673 = tpu.vector_load_idx %arg12[%add3A_631] : memref<16640xf32, #tpu.memory_space<vmem>>[vector<16xi32>], vector<16xf32>,
          %gather3A_674 = tpu.vector_load_idx %arg12[%add3A_634] : memref<16640xf32, #tpu.memory_space<vmem>>[vector<16xi32>], vector<16xf32>,
          %gather3A_675 = tpu.vector_load_idx %arg12[%add3A_637] : memref<16640xf32, #tpu.memory_space<vmem>>[vector<16xi32>], vector<16xf32>,
          %gather3A_676 = tpu.vector_load_idx %arg12[%add3A_640] : memref<16640xf32, #tpu.memory_space<vmem>>[vector<16xi32>], vector<16xf32>,
          %gather3A_677 = tpu.vector_load_idx %arg12[%add3A_643] : memref<16640xf32, #tpu.memory_space<vmem>>[vector<16xi32>], vector<16xf32>,
          %gather3A_678 = tpu.vector_load_idx %arg12[%add3A_646] : memref<16640xf32, #tpu.memory_space<vmem>>[vector<16xi32>], vector<16xf32>,
          %gather3A_679 = tpu.vector_load_idx %arg12[%add3A_649] : memref<16640xf32, #tpu.memory_space<vmem>>[vector<16xi32>], vector<16xf32>,
          %gather3A_680 = tpu.vector_load_idx %arg12[%add3A_652] : memref<16640xf32, #tpu.memory_space<vmem>>[vector<16xi32>], vector<16xf32>,
          %gather3A_681 = tpu.vector_load_idx %arg12[%add3A_655] : memref<16640xf32, #tpu.memory_space<vmem>>[vector<16xi32>], vector<16xf32>,
          %gather3A_682 = tpu.vector_load_idx %arg12[%add3A_658] : memref<16640xf32, #tpu.memory_space<vmem>>[vector<16xi32>], vector<16xf32>,
          %gather3A_683 = tpu.vector_load_idx %arg12[%add3A_661] : memref<16640xf32, #tpu.memory_space<vmem>>[vector<16xi32>], vector<16xf32>,
          %gather3A_684 = tpu.vector_load_idx %arg12[%add3A_664] : memref<16640xf32, #tpu.memory_space<vmem>>[vector<16xi32>], vector<16xf32>,
          %gather3A_685 = tpu.vector_load_idx %arg12[%add3A_667] : memref<16640xf32, #tpu.memory_space<vmem>>[vector<16xi32>], vector<16xf32>,
          %gather3A_686 = tpu.vector_load_idx %arg12[%add3A_670] : memref<16640xf32, #tpu.memory_space<vmem>>[vector<16xi32>], vector<16xf32>,
          %swap3A_687 = arith.constant 0 : i32
          %swap3A_688 = arith.constant 0 : i32
          %swap3A_689 = arith.index_cast %add3A_246 : i32 to index
          %swap3A_690 = arith.index_cast %swap3A_687 : i32 to index
          %swap3A_691 = arith.index_cast %swap3A_688 : i32 to index
          %swap3A_692 = arith.constant 64 : index
          %swap3A_693 = tpu.vector_load %arg11[%swap3A_689, %swap3A_690, %swap3A_691, %swap3A_692] {strides = array<i32>} : memref<8x2x8x128xf32, #tpu.memory_space<vmem>>, vector<16xf32>,
          tpu.vector_store %arg11[%swap3A_689, %swap3A_690, %swap3A_691, %swap3A_692], %gather3A_671 {strides = array<i32>} : memref<8x2x8x128xf32, #tpu.memory_space<vmem>>, vector<16xf32>,
          %swap3A_694 = arith.constant 0 : i32
          %swap3A_695 = arith.constant 1 : i32
          %swap3A_696 = arith.index_cast %add3A_246 : i32 to index
          %swap3A_697 = arith.index_cast %swap3A_694 : i32 to index
          %swap3A_698 = arith.index_cast %swap3A_695 : i32 to index
          %swap3A_699 = arith.constant 64 : index
          %swap3A_700 = tpu.vector_load %arg11[%swap3A_696, %swap3A_697, %swap3A_698, %swap3A_699] {strides = array<i32>} : memref<8x2x8x128xf32, #tpu.memory_space<vmem>>, vector<16xf32>,
          tpu.vector_store %arg11[%swap3A_696, %swap3A_697, %swap3A_698, %swap3A_699], %gather3A_672 {strides = array<i32>} : memref<8x2x8x128xf32, #tpu.memory_space<vmem>>, vector<16xf32>,
          %swap3A_701 = arith.constant 0 : i32
          %swap3A_702 = arith.constant 2 : i32
          %swap3A_703 = arith.index_cast %add3A_246 : i32 to index
          %swap3A_704 = arith.index_cast %swap3A_701 : i32 to index
          %swap3A_705 = arith.index_cast %swap3A_702 : i32 to index
          %swap3A_706 = arith.constant 64 : index
          %swap3A_707 = tpu.vector_load %arg11[%swap3A_703, %swap3A_704, %swap3A_705, %swap3A_706] {strides = array<i32>} : memref<8x2x8x128xf32, #tpu.memory_space<vmem>>, vector<16xf32>,
          tpu.vector_store %arg11[%swap3A_703, %swap3A_704, %swap3A_705, %swap3A_706], %gather3A_673 {strides = array<i32>} : memref<8x2x8x128xf32, #tpu.memory_space<vmem>>, vector<16xf32>,
          %swap3A_708 = arith.constant 0 : i32
          %swap3A_709 = arith.constant 3 : i32
          %swap3A_710 = arith.index_cast %add3A_246 : i32 to index
          %swap3A_711 = arith.index_cast %swap3A_708 : i32 to index
          %swap3A_712 = arith.index_cast %swap3A_709 : i32 to index
          %swap3A_713 = arith.constant 64 : index
          %swap3A_714 = tpu.vector_load %arg11[%swap3A_710, %swap3A_711, %swap3A_712, %swap3A_713] {strides = array<i32>} : memref<8x2x8x128xf32, #tpu.memory_space<vmem>>, vector<16xf32>,
          tpu.vector_store %arg11[%swap3A_710, %swap3A_711, %swap3A_712, %swap3A_713], %gather3A_674 {strides = array<i32>} : memref<8x2x8x128xf32, #tpu.memory_space<vmem>>, vector<16xf32>,
          %swap3A_715 = arith.constant 0 : i32
          %swap3A_716 = arith.constant 4 : i32
          %swap3A_717 = arith.index_cast %add3A_246 : i32 to index
          %swap3A_718 = arith.index_cast %swap3A_715 : i32 to index
          %swap3A_719 = arith.index_cast %swap3A_716 : i32 to index
          %swap3A_720 = arith.constant 64 : index
          %swap3A_721 = tpu.vector_load %arg11[%swap3A_717, %swap3A_718, %swap3A_719, %swap3A_720] {strides = array<i32>} : memref<8x2x8x128xf32, #tpu.memory_space<vmem>>, vector<16xf32>,
          tpu.vector_store %arg11[%swap3A_717, %swap3A_718, %swap3A_719, %swap3A_720], %gather3A_675 {strides = array<i32>} : memref<8x2x8x128xf32, #tpu.memory_space<vmem>>, vector<16xf32>,
          %swap3A_722 = arith.constant 0 : i32
          %swap3A_723 = arith.constant 5 : i32
          %swap3A_724 = arith.index_cast %add3A_246 : i32 to index
          %swap3A_725 = arith.index_cast %swap3A_722 : i32 to index
          %swap3A_726 = arith.index_cast %swap3A_723 : i32 to index
          %swap3A_727 = arith.constant 64 : index
          %swap3A_728 = tpu.vector_load %arg11[%swap3A_724, %swap3A_725, %swap3A_726, %swap3A_727] {strides = array<i32>} : memref<8x2x8x128xf32, #tpu.memory_space<vmem>>, vector<16xf32>,
          tpu.vector_store %arg11[%swap3A_724, %swap3A_725, %swap3A_726, %swap3A_727], %gather3A_676 {strides = array<i32>} : memref<8x2x8x128xf32, #tpu.memory_space<vmem>>, vector<16xf32>,
          %swap3A_729 = arith.constant 0 : i32
          %swap3A_730 = arith.constant 6 : i32
          %swap3A_731 = arith.index_cast %add3A_246 : i32 to index
          %swap3A_732 = arith.index_cast %swap3A_729 : i32 to index
          %swap3A_733 = arith.index_cast %swap3A_730 : i32 to index
          %swap3A_734 = arith.constant 64 : index
          %swap3A_735 = tpu.vector_load %arg11[%swap3A_731, %swap3A_732, %swap3A_733, %swap3A_734] {strides = array<i32>} : memref<8x2x8x128xf32, #tpu.memory_space<vmem>>, vector<16xf32>,
          tpu.vector_store %arg11[%swap3A_731, %swap3A_732, %swap3A_733, %swap3A_734], %gather3A_677 {strides = array<i32>} : memref<8x2x8x128xf32, #tpu.memory_space<vmem>>, vector<16xf32>,
          %swap3A_736 = arith.constant 0 : i32
          %swap3A_737 = arith.constant 7 : i32
          %swap3A_738 = arith.index_cast %add3A_246 : i32 to index
          %swap3A_739 = arith.index_cast %swap3A_736 : i32 to index
          %swap3A_740 = arith.index_cast %swap3A_737 : i32 to index
          %swap3A_741 = arith.constant 64 : index
          %swap3A_742 = tpu.vector_load %arg11[%swap3A_738, %swap3A_739, %swap3A_740, %swap3A_741] {strides = array<i32>} : memref<8x2x8x128xf32, #tpu.memory_space<vmem>>, vector<16xf32>,
          tpu.vector_store %arg11[%swap3A_738, %swap3A_739, %swap3A_740, %swap3A_741], %gather3A_678 {strides = array<i32>} : memref<8x2x8x128xf32, #tpu.memory_space<vmem>>, vector<16xf32>,
          %swap3A_743 = arith.constant 0 : i32
          %swap3A_744 = arith.constant 0 : i32
          %swap3A_745 = arith.index_cast %add3A_246 : i32 to index
          %swap3A_746 = arith.index_cast %swap3A_743 : i32 to index
          %swap3A_747 = arith.index_cast %swap3A_744 : i32 to index
          %swap3A_748 = arith.constant 80 : index
          %swap3A_749 = tpu.vector_load %arg11[%swap3A_745, %swap3A_746, %swap3A_747, %swap3A_748] {strides = array<i32>} : memref<8x2x8x128xf32, #tpu.memory_space<vmem>>, vector<16xf32>,
          tpu.vector_store %arg11[%swap3A_745, %swap3A_746, %swap3A_747, %swap3A_748], %gather3A_679 {strides = array<i32>} : memref<8x2x8x128xf32, #tpu.memory_space<vmem>>, vector<16xf32>,
          %swap3A_750 = arith.constant 0 : i32
          %swap3A_751 = arith.constant 1 : i32
          %swap3A_752 = arith.index_cast %add3A_246 : i32 to index
          %swap3A_753 = arith.index_cast %swap3A_750 : i32 to index
          %swap3A_754 = arith.index_cast %swap3A_751 : i32 to index
          %swap3A_755 = arith.constant 80 : index
          %swap3A_756 = tpu.vector_load %arg11[%swap3A_752, %swap3A_753, %swap3A_754, %swap3A_755] {strides = array<i32>} : memref<8x2x8x128xf32, #tpu.memory_space<vmem>>, vector<16xf32>,
          tpu.vector_store %arg11[%swap3A_752, %swap3A_753, %swap3A_754, %swap3A_755], %gather3A_680 {strides = array<i32>} : memref<8x2x8x128xf32, #tpu.memory_space<vmem>>, vector<16xf32>,
          %swap3A_757 = arith.constant 0 : i32
          %swap3A_758 = arith.constant 2 : i32
          %swap3A_759 = arith.index_cast %add3A_246 : i32 to index
          %swap3A_760 = arith.index_cast %swap3A_757 : i32 to index
          %swap3A_761 = arith.index_cast %swap3A_758 : i32 to index
          %swap3A_762 = arith.constant 80 : index
          %swap3A_763 = tpu.vector_load %arg11[%swap3A_759, %swap3A_760, %swap3A_761, %swap3A_762] {strides = array<i32>} : memref<8x2x8x128xf32, #tpu.memory_space<vmem>>, vector<16xf32>,
          tpu.vector_store %arg11[%swap3A_759, %swap3A_760, %swap3A_761, %swap3A_762], %gather3A_681 {strides = array<i32>} : memref<8x2x8x128xf32, #tpu.memory_space<vmem>>, vector<16xf32>,
          %swap3A_764 = arith.constant 0 : i32
          %swap3A_765 = arith.constant 3 : i32
          %swap3A_766 = arith.index_cast %add3A_246 : i32 to index
          %swap3A_767 = arith.index_cast %swap3A_764 : i32 to index
          %swap3A_768 = arith.index_cast %swap3A_765 : i32 to index
          %swap3A_769 = arith.constant 80 : index
          %swap3A_770 = tpu.vector_load %arg11[%swap3A_766, %swap3A_767, %swap3A_768, %swap3A_769] {strides = array<i32>} : memref<8x2x8x128xf32, #tpu.memory_space<vmem>>, vector<16xf32>,
          tpu.vector_store %arg11[%swap3A_766, %swap3A_767, %swap3A_768, %swap3A_769], %gather3A_682 {strides = array<i32>} : memref<8x2x8x128xf32, #tpu.memory_space<vmem>>, vector<16xf32>,
          %swap3A_771 = arith.constant 0 : i32
          %swap3A_772 = arith.constant 4 : i32
          %swap3A_773 = arith.index_cast %add3A_246 : i32 to index
          %swap3A_774 = arith.index_cast %swap3A_771 : i32 to index
          %swap3A_775 = arith.index_cast %swap3A_772 : i32 to index
          %swap3A_776 = arith.constant 80 : index
          %swap3A_777 = tpu.vector_load %arg11[%swap3A_773, %swap3A_774, %swap3A_775, %swap3A_776] {strides = array<i32>} : memref<8x2x8x128xf32, #tpu.memory_space<vmem>>, vector<16xf32>,
          tpu.vector_store %arg11[%swap3A_773, %swap3A_774, %swap3A_775, %swap3A_776], %gather3A_683 {strides = array<i32>} : memref<8x2x8x128xf32, #tpu.memory_space<vmem>>, vector<16xf32>,
          %swap3A_778 = arith.constant 0 : i32
          %swap3A_779 = arith.constant 5 : i32
          %swap3A_780 = arith.index_cast %add3A_246 : i32 to index
          %swap3A_781 = arith.index_cast %swap3A_778 : i32 to index
          %swap3A_782 = arith.index_cast %swap3A_779 : i32 to index
          %swap3A_783 = arith.constant 80 : index
          %swap3A_784 = tpu.vector_load %arg11[%swap3A_780, %swap3A_781, %swap3A_782, %swap3A_783] {strides = array<i32>} : memref<8x2x8x128xf32, #tpu.memory_space<vmem>>, vector<16xf32>,
          tpu.vector_store %arg11[%swap3A_780, %swap3A_781, %swap3A_782, %swap3A_783], %gather3A_684 {strides = array<i32>} : memref<8x2x8x128xf32, #tpu.memory_space<vmem>>, vector<16xf32>,
          %swap3A_785 = arith.constant 0 : i32
          %swap3A_786 = arith.constant 6 : i32
          %swap3A_787 = arith.index_cast %add3A_246 : i32 to index
          %swap3A_788 = arith.index_cast %swap3A_785 : i32 to index
          %swap3A_789 = arith.index_cast %swap3A_786 : i32 to index
          %swap3A_790 = arith.constant 80 : index
          %swap3A_791 = tpu.vector_load %arg11[%swap3A_787, %swap3A_788, %swap3A_789, %swap3A_790] {strides = array<i32>} : memref<8x2x8x128xf32, #tpu.memory_space<vmem>>, vector<16xf32>,
          tpu.vector_store %arg11[%swap3A_787, %swap3A_788, %swap3A_789, %swap3A_790], %gather3A_685 {strides = array<i32>} : memref<8x2x8x128xf32, #tpu.memory_space<vmem>>, vector<16xf32>,
          %swap3A_792 = arith.constant 0 : i32
          %swap3A_793 = arith.constant 7 : i32
          %swap3A_794 = arith.index_cast %add3A_246 : i32 to index
          %swap3A_795 = arith.index_cast %swap3A_792 : i32 to index
          %swap3A_796 = arith.index_cast %swap3A_793 : i32 to index
          %swap3A_797 = arith.constant 80 : index
          %swap3A_798 = tpu.vector_load %arg11[%swap3A_794, %swap3A_795, %swap3A_796, %swap3A_797] {strides = array<i32>} : memref<8x2x8x128xf32, #tpu.memory_space<vmem>>, vector<16xf32>,
          tpu.vector_store %arg11[%swap3A_794, %swap3A_795, %swap3A_796, %swap3A_797], %gather3A_686 {strides = array<i32>} : memref<8x2x8x128xf32, #tpu.memory_space<vmem>>, vector<16xf32>,
          %add3A_799 = arith.constant 6240 : i32
          %add3A_800 = arith.addi %add3A_799, %mul3A_248 : i32
          %add3A_801 = vector.broadcast %add3A_800 : i32 to vector<16xi32>
          %add3A_802 = arith.addi %mul3A_224, %add3A_801 : vector<16xi32>
          %add3A_803 = arith.constant 7280 : i32
          %add3A_804 = arith.addi %add3A_803, %mul3A_248 : i32
          %add3A_805 = vector.broadcast %add3A_804 : i32 to vector<16xi32>
          %add3A_806 = arith.addi %mul3A_224, %add3A_805 : vector<16xi32>
          %add3A_807 = arith.constant 0 : i32
          %add3A_808 = vector.broadcast %add3A_807 : i32 to vector<16xi32>
          %add3A_809 = arith.addi %add3A_802, %add3A_808 : vector<16xi32>
          %add3A_810 = arith.constant 1 : i32
          %add3A_811 = vector.broadcast %add3A_810 : i32 to vector<16xi32>
          %add3A_812 = arith.addi %add3A_802, %add3A_811 : vector<16xi32>
          %add3A_813 = arith.constant 2 : i32
          %add3A_814 = vector.broadcast %add3A_813 : i32 to vector<16xi32>
          %add3A_815 = arith.addi %add3A_802, %add3A_814 : vector<16xi32>
          %add3A_816 = arith.constant 3 : i32
          %add3A_817 = vector.broadcast %add3A_816 : i32 to vector<16xi32>
          %add3A_818 = arith.addi %add3A_802, %add3A_817 : vector<16xi32>
          %add3A_819 = arith.constant 4 : i32
          %add3A_820 = vector.broadcast %add3A_819 : i32 to vector<16xi32>
          %add3A_821 = arith.addi %add3A_802, %add3A_820 : vector<16xi32>
          %add3A_822 = arith.constant 5 : i32
          %add3A_823 = vector.broadcast %add3A_822 : i32 to vector<16xi32>
          %add3A_824 = arith.addi %add3A_802, %add3A_823 : vector<16xi32>
          %add3A_825 = arith.constant 6 : i32
          %add3A_826 = vector.broadcast %add3A_825 : i32 to vector<16xi32>
          %add3A_827 = arith.addi %add3A_802, %add3A_826 : vector<16xi32>
          %add3A_828 = arith.constant 7 : i32
          %add3A_829 = vector.broadcast %add3A_828 : i32 to vector<16xi32>
          %add3A_830 = arith.addi %add3A_802, %add3A_829 : vector<16xi32>
          %add3A_831 = arith.constant 0 : i32
          %add3A_832 = vector.broadcast %add3A_831 : i32 to vector<16xi32>
          %add3A_833 = arith.addi %add3A_806, %add3A_832 : vector<16xi32>
          %add3A_834 = arith.constant 1 : i32
          %add3A_835 = vector.broadcast %add3A_834 : i32 to vector<16xi32>
          %add3A_836 = arith.addi %add3A_806, %add3A_835 : vector<16xi32>
          %add3A_837 = arith.constant 2 : i32
          %add3A_838 = vector.broadcast %add3A_837 : i32 to vector<16xi32>
          %add3A_839 = arith.addi %add3A_806, %add3A_838 : vector<16xi32>
          %add3A_840 = arith.constant 3 : i32
          %add3A_841 = vector.broadcast %add3A_840 : i32 to vector<16xi32>
          %add3A_842 = arith.addi %add3A_806, %add3A_841 : vector<16xi32>
          %add3A_843 = arith.constant 4 : i32
          %add3A_844 = vector.broadcast %add3A_843 : i32 to vector<16xi32>
          %add3A_845 = arith.addi %add3A_806, %add3A_844 : vector<16xi32>
          %add3A_846 = arith.constant 5 : i32
          %add3A_847 = vector.broadcast %add3A_846 : i32 to vector<16xi32>
          %add3A_848 = arith.addi %add3A_806, %add3A_847 : vector<16xi32>
          %add3A_849 = arith.constant 6 : i32
          %add3A_850 = vector.broadcast %add3A_849 : i32 to vector<16xi32>
          %add3A_851 = arith.addi %add3A_806, %add3A_850 : vector<16xi32>
          %add3A_852 = arith.constant 7 : i32
          %add3A_853 = vector.broadcast %add3A_852 : i32 to vector<16xi32>
          %add3A_854 = arith.addi %add3A_806, %add3A_853 : vector<16xi32>
          %gather3A_855 = tpu.vector_load_idx %arg12[%add3A_809] : memref<16640xf32, #tpu.memory_space<vmem>>[vector<16xi32>], vector<16xf32>,
          %gather3A_856 = tpu.vector_load_idx %arg12[%add3A_812] : memref<16640xf32, #tpu.memory_space<vmem>>[vector<16xi32>], vector<16xf32>,
          %gather3A_857 = tpu.vector_load_idx %arg12[%add3A_815] : memref<16640xf32, #tpu.memory_space<vmem>>[vector<16xi32>], vector<16xf32>,
          %gather3A_858 = tpu.vector_load_idx %arg12[%add3A_818] : memref<16640xf32, #tpu.memory_space<vmem>>[vector<16xi32>], vector<16xf32>,
          %gather3A_859 = tpu.vector_load_idx %arg12[%add3A_821] : memref<16640xf32, #tpu.memory_space<vmem>>[vector<16xi32>], vector<16xf32>,
          %gather3A_860 = tpu.vector_load_idx %arg12[%add3A_824] : memref<16640xf32, #tpu.memory_space<vmem>>[vector<16xi32>], vector<16xf32>,
          %gather3A_861 = tpu.vector_load_idx %arg12[%add3A_827] : memref<16640xf32, #tpu.memory_space<vmem>>[vector<16xi32>], vector<16xf32>,
          %gather3A_862 = tpu.vector_load_idx %arg12[%add3A_830] : memref<16640xf32, #tpu.memory_space<vmem>>[vector<16xi32>], vector<16xf32>,
          %gather3A_863 = tpu.vector_load_idx %arg12[%add3A_833] : memref<16640xf32, #tpu.memory_space<vmem>>[vector<16xi32>], vector<16xf32>,
          %gather3A_864 = tpu.vector_load_idx %arg12[%add3A_836] : memref<16640xf32, #tpu.memory_space<vmem>>[vector<16xi32>], vector<16xf32>,
          %gather3A_865 = tpu.vector_load_idx %arg12[%add3A_839] : memref<16640xf32, #tpu.memory_space<vmem>>[vector<16xi32>], vector<16xf32>,
          %gather3A_866 = tpu.vector_load_idx %arg12[%add3A_842] : memref<16640xf32, #tpu.memory_space<vmem>>[vector<16xi32>], vector<16xf32>,
          %gather3A_867 = tpu.vector_load_idx %arg12[%add3A_845] : memref<16640xf32, #tpu.memory_space<vmem>>[vector<16xi32>], vector<16xf32>,
          %gather3A_868 = tpu.vector_load_idx %arg12[%add3A_848] : memref<16640xf32, #tpu.memory_space<vmem>>[vector<16xi32>], vector<16xf32>,
          %gather3A_869 = tpu.vector_load_idx %arg12[%add3A_851] : memref<16640xf32, #tpu.memory_space<vmem>>[vector<16xi32>], vector<16xf32>,
          %gather3A_870 = tpu.vector_load_idx %arg12[%add3A_854] : memref<16640xf32, #tpu.memory_space<vmem>>[vector<16xi32>], vector<16xf32>,
          %swap3A_871 = arith.constant 0 : i32
          %swap3A_872 = arith.constant 0 : i32
          %swap3A_873 = arith.index_cast %add3A_246 : i32 to index
          %swap3A_874 = arith.index_cast %swap3A_871 : i32 to index
          %swap3A_875 = arith.index_cast %swap3A_872 : i32 to index
          %swap3A_876 = arith.constant 96 : index
          %swap3A_877 = tpu.vector_load %arg11[%swap3A_873, %swap3A_874, %swap3A_875, %swap3A_876] {strides = array<i32>} : memref<8x2x8x128xf32, #tpu.memory_space<vmem>>, vector<16xf32>,
          tpu.vector_store %arg11[%swap3A_873, %swap3A_874, %swap3A_875, %swap3A_876], %gather3A_855 {strides = array<i32>} : memref<8x2x8x128xf32, #tpu.memory_space<vmem>>, vector<16xf32>,
          %swap3A_878 = arith.constant 0 : i32
          %swap3A_879 = arith.constant 1 : i32
          %swap3A_880 = arith.index_cast %add3A_246 : i32 to index
          %swap3A_881 = arith.index_cast %swap3A_878 : i32 to index
          %swap3A_882 = arith.index_cast %swap3A_879 : i32 to index
          %swap3A_883 = arith.constant 96 : index
          %swap3A_884 = tpu.vector_load %arg11[%swap3A_880, %swap3A_881, %swap3A_882, %swap3A_883] {strides = array<i32>} : memref<8x2x8x128xf32, #tpu.memory_space<vmem>>, vector<16xf32>,
          tpu.vector_store %arg11[%swap3A_880, %swap3A_881, %swap3A_882, %swap3A_883], %gather3A_856 {strides = array<i32>} : memref<8x2x8x128xf32, #tpu.memory_space<vmem>>, vector<16xf32>,
          %swap3A_885 = arith.constant 0 : i32
          %swap3A_886 = arith.constant 2 : i32
          %swap3A_887 = arith.index_cast %add3A_246 : i32 to index
          %swap3A_888 = arith.index_cast %swap3A_885 : i32 to index
          %swap3A_889 = arith.index_cast %swap3A_886 : i32 to index
          %swap3A_890 = arith.constant 96 : index
          %swap3A_891 = tpu.vector_load %arg11[%swap3A_887, %swap3A_888, %swap3A_889, %swap3A_890] {strides = array<i32>} : memref<8x2x8x128xf32, #tpu.memory_space<vmem>>, vector<16xf32>,
          tpu.vector_store %arg11[%swap3A_887, %swap3A_888, %swap3A_889, %swap3A_890], %gather3A_857 {strides = array<i32>} : memref<8x2x8x128xf32, #tpu.memory_space<vmem>>, vector<16xf32>,
          %swap3A_892 = arith.constant 0 : i32
          %swap3A_893 = arith.constant 3 : i32
          %swap3A_894 = arith.index_cast %add3A_246 : i32 to index
          %swap3A_895 = arith.index_cast %swap3A_892 : i32 to index
          %swap3A_896 = arith.index_cast %swap3A_893 : i32 to index
          %swap3A_897 = arith.constant 96 : index
          %swap3A_898 = tpu.vector_load %arg11[%swap3A_894, %swap3A_895, %swap3A_896, %swap3A_897] {strides = array<i32>} : memref<8x2x8x128xf32, #tpu.memory_space<vmem>>, vector<16xf32>,
          tpu.vector_store %arg11[%swap3A_894, %swap3A_895, %swap3A_896, %swap3A_897], %gather3A_858 {strides = array<i32>} : memref<8x2x8x128xf32, #tpu.memory_space<vmem>>, vector<16xf32>,
          %swap3A_899 = arith.constant 0 : i32
          %swap3A_900 = arith.constant 4 : i32
          %swap3A_901 = arith.index_cast %add3A_246 : i32 to index
          %swap3A_902 = arith.index_cast %swap3A_899 : i32 to index
          %swap3A_903 = arith.index_cast %swap3A_900 : i32 to index
          %swap3A_904 = arith.constant 96 : index
          %swap3A_905 = tpu.vector_load %arg11[%swap3A_901, %swap3A_902, %swap3A_903, %swap3A_904] {strides = array<i32>} : memref<8x2x8x128xf32, #tpu.memory_space<vmem>>, vector<16xf32>,
          tpu.vector_store %arg11[%swap3A_901, %swap3A_902, %swap3A_903, %swap3A_904], %gather3A_859 {strides = array<i32>} : memref<8x2x8x128xf32, #tpu.memory_space<vmem>>, vector<16xf32>,
          %swap3A_906 = arith.constant 0 : i32
          %swap3A_907 = arith.constant 5 : i32
          %swap3A_908 = arith.index_cast %add3A_246 : i32 to index
          %swap3A_909 = arith.index_cast %swap3A_906 : i32 to index
          %swap3A_910 = arith.index_cast %swap3A_907 : i32 to index
          %swap3A_911 = arith.constant 96 : index
          %swap3A_912 = tpu.vector_load %arg11[%swap3A_908, %swap3A_909, %swap3A_910, %swap3A_911] {strides = array<i32>} : memref<8x2x8x128xf32, #tpu.memory_space<vmem>>, vector<16xf32>,
          tpu.vector_store %arg11[%swap3A_908, %swap3A_909, %swap3A_910, %swap3A_911], %gather3A_860 {strides = array<i32>} : memref<8x2x8x128xf32, #tpu.memory_space<vmem>>, vector<16xf32>,
          %swap3A_913 = arith.constant 0 : i32
          %swap3A_914 = arith.constant 6 : i32
          %swap3A_915 = arith.index_cast %add3A_246 : i32 to index
          %swap3A_916 = arith.index_cast %swap3A_913 : i32 to index
          %swap3A_917 = arith.index_cast %swap3A_914 : i32 to index
          %swap3A_918 = arith.constant 96 : index
          %swap3A_919 = tpu.vector_load %arg11[%swap3A_915, %swap3A_916, %swap3A_917, %swap3A_918] {strides = array<i32>} : memref<8x2x8x128xf32, #tpu.memory_space<vmem>>, vector<16xf32>,
          tpu.vector_store %arg11[%swap3A_915, %swap3A_916, %swap3A_917, %swap3A_918], %gather3A_861 {strides = array<i32>} : memref<8x2x8x128xf32, #tpu.memory_space<vmem>>, vector<16xf32>,
          %swap3A_920 = arith.constant 0 : i32
          %swap3A_921 = arith.constant 7 : i32
          %swap3A_922 = arith.index_cast %add3A_246 : i32 to index
          %swap3A_923 = arith.index_cast %swap3A_920 : i32 to index
          %swap3A_924 = arith.index_cast %swap3A_921 : i32 to index
          %swap3A_925 = arith.constant 96 : index
          %swap3A_926 = tpu.vector_load %arg11[%swap3A_922, %swap3A_923, %swap3A_924, %swap3A_925] {strides = array<i32>} : memref<8x2x8x128xf32, #tpu.memory_space<vmem>>, vector<16xf32>,
          tpu.vector_store %arg11[%swap3A_922, %swap3A_923, %swap3A_924, %swap3A_925], %gather3A_862 {strides = array<i32>} : memref<8x2x8x128xf32, #tpu.memory_space<vmem>>, vector<16xf32>,
          %swap3A_927 = arith.constant 0 : i32
          %swap3A_928 = arith.constant 0 : i32
          %swap3A_929 = arith.index_cast %add3A_246 : i32 to index
          %swap3A_930 = arith.index_cast %swap3A_927 : i32 to index
          %swap3A_931 = arith.index_cast %swap3A_928 : i32 to index
          %swap3A_932 = arith.constant 112 : index
          %swap3A_933 = tpu.vector_load %arg11[%swap3A_929, %swap3A_930, %swap3A_931, %swap3A_932] {strides = array<i32>} : memref<8x2x8x128xf32, #tpu.memory_space<vmem>>, vector<16xf32>,
          tpu.vector_store %arg11[%swap3A_929, %swap3A_930, %swap3A_931, %swap3A_932], %gather3A_863 {strides = array<i32>} : memref<8x2x8x128xf32, #tpu.memory_space<vmem>>, vector<16xf32>,
          %swap3A_934 = arith.constant 0 : i32
          %swap3A_935 = arith.constant 1 : i32
          %swap3A_936 = arith.index_cast %add3A_246 : i32 to index
          %swap3A_937 = arith.index_cast %swap3A_934 : i32 to index
          %swap3A_938 = arith.index_cast %swap3A_935 : i32 to index
          %swap3A_939 = arith.constant 112 : index
          %swap3A_940 = tpu.vector_load %arg11[%swap3A_936, %swap3A_937, %swap3A_938, %swap3A_939] {strides = array<i32>} : memref<8x2x8x128xf32, #tpu.memory_space<vmem>>, vector<16xf32>,
          tpu.vector_store %arg11[%swap3A_936, %swap3A_937, %swap3A_938, %swap3A_939], %gather3A_864 {strides = array<i32>} : memref<8x2x8x128xf32, #tpu.memory_space<vmem>>, vector<16xf32>,
          %swap3A_941 = arith.constant 0 : i32
          %swap3A_942 = arith.constant 2 : i32
          %swap3A_943 = arith.index_cast %add3A_246 : i32 to index
          %swap3A_944 = arith.index_cast %swap3A_941 : i32 to index
          %swap3A_945 = arith.index_cast %swap3A_942 : i32 to index
          %swap3A_946 = arith.constant 112 : index
          %swap3A_947 = tpu.vector_load %arg11[%swap3A_943, %swap3A_944, %swap3A_945, %swap3A_946] {strides = array<i32>} : memref<8x2x8x128xf32, #tpu.memory_space<vmem>>, vector<16xf32>,
          tpu.vector_store %arg11[%swap3A_943, %swap3A_944, %swap3A_945, %swap3A_946], %gather3A_865 {strides = array<i32>} : memref<8x2x8x128xf32, #tpu.memory_space<vmem>>, vector<16xf32>,
          %swap3A_948 = arith.constant 0 : i32
          %swap3A_949 = arith.constant 3 : i32
          %swap3A_950 = arith.index_cast %add3A_246 : i32 to index
          %swap3A_951 = arith.index_cast %swap3A_948 : i32 to index
          %swap3A_952 = arith.index_cast %swap3A_949 : i32 to index
          %swap3A_953 = arith.constant 112 : index
          %swap3A_954 = tpu.vector_load %arg11[%swap3A_950, %swap3A_951, %swap3A_952, %swap3A_953] {strides = array<i32>} : memref<8x2x8x128xf32, #tpu.memory_space<vmem>>, vector<16xf32>,
          tpu.vector_store %arg11[%swap3A_950, %swap3A_951, %swap3A_952, %swap3A_953], %gather3A_866 {strides = array<i32>} : memref<8x2x8x128xf32, #tpu.memory_space<vmem>>, vector<16xf32>,
          %swap3A_955 = arith.constant 0 : i32
          %swap3A_956 = arith.constant 4 : i32
          %swap3A_957 = arith.index_cast %add3A_246 : i32 to index
          %swap3A_958 = arith.index_cast %swap3A_955 : i32 to index
          %swap3A_959 = arith.index_cast %swap3A_956 : i32 to index
          %swap3A_960 = arith.constant 112 : index
          %swap3A_961 = tpu.vector_load %arg11[%swap3A_957, %swap3A_958, %swap3A_959, %swap3A_960] {strides = array<i32>} : memref<8x2x8x128xf32, #tpu.memory_space<vmem>>, vector<16xf32>,
          tpu.vector_store %arg11[%swap3A_957, %swap3A_958, %swap3A_959, %swap3A_960], %gather3A_867 {strides = array<i32>} : memref<8x2x8x128xf32, #tpu.memory_space<vmem>>, vector<16xf32>,
          %swap3A_962 = arith.constant 0 : i32
          %swap3A_963 = arith.constant 5 : i32
          %swap3A_964 = arith.index_cast %add3A_246 : i32 to index
          %swap3A_965 = arith.index_cast %swap3A_962 : i32 to index
          %swap3A_966 = arith.index_cast %swap3A_963 : i32 to index
          %swap3A_967 = arith.constant 112 : index
          %swap3A_968 = tpu.vector_load %arg11[%swap3A_964, %swap3A_965, %swap3A_966, %swap3A_967] {strides = array<i32>} : memref<8x2x8x128xf32, #tpu.memory_space<vmem>>, vector<16xf32>,
          tpu.vector_store %arg11[%swap3A_964, %swap3A_965, %swap3A_966, %swap3A_967], %gather3A_868 {strides = array<i32>} : memref<8x2x8x128xf32, #tpu.memory_space<vmem>>, vector<16xf32>,
          %swap3A_969 = arith.constant 0 : i32
          %swap3A_970 = arith.constant 6 : i32
          %swap3A_971 = arith.index_cast %add3A_246 : i32 to index
          %swap3A_972 = arith.index_cast %swap3A_969 : i32 to index
          %swap3A_973 = arith.index_cast %swap3A_970 : i32 to index
          %swap3A_974 = arith.constant 112 : index
          %swap3A_975 = tpu.vector_load %arg11[%swap3A_971, %swap3A_972, %swap3A_973, %swap3A_974] {strides = array<i32>} : memref<8x2x8x128xf32, #tpu.memory_space<vmem>>, vector<16xf32>,
          tpu.vector_store %arg11[%swap3A_971, %swap3A_972, %swap3A_973, %swap3A_974], %gather3A_869 {strides = array<i32>} : memref<8x2x8x128xf32, #tpu.memory_space<vmem>>, vector<16xf32>,
          %swap3A_976 = arith.constant 0 : i32
          %swap3A_977 = arith.constant 7 : i32
          %swap3A_978 = arith.index_cast %add3A_246 : i32 to index
          %swap3A_979 = arith.index_cast %swap3A_976 : i32 to index
          %swap3A_980 = arith.index_cast %swap3A_977 : i32 to index
          %swap3A_981 = arith.constant 112 : index
          %swap3A_982 = tpu.vector_load %arg11[%swap3A_978, %swap3A_979, %swap3A_980, %swap3A_981] {strides = array<i32>} : memref<8x2x8x128xf32, #tpu.memory_space<vmem>>, vector<16xf32>,
          tpu.vector_store %arg11[%swap3A_978, %swap3A_979, %swap3A_980, %swap3A_981], %gather3A_870 {strides = array<i32>} : memref<8x2x8x128xf32, #tpu.memory_space<vmem>>, vector<16xf32>,
          %add3A_983 = arith.constant 8320 : i32
          %add3A_984 = arith.addi %add3A_983, %mul3A_248 : i32
          %add3A_985 = vector.broadcast %add3A_984 : i32 to vector<16xi32>
          %add3A_986 = arith.addi %mul3A_224, %add3A_985 : vector<16xi32>
          %add3A_987 = arith.constant 9360 : i32
          %add3A_988 = arith.addi %add3A_987, %mul3A_248 : i32
          %add3A_989 = vector.broadcast %add3A_988 : i32 to vector<16xi32>
          %add3A_990 = arith.addi %mul3A_224, %add3A_989 : vector<16xi32>
          %add3A_991 = arith.constant 0 : i32
          %add3A_992 = vector.broadcast %add3A_991 : i32 to vector<16xi32>
          %add3A_993 = arith.addi %add3A_986, %add3A_992 : vector<16xi32>
          %add3A_994 = arith.constant 1 : i32
          %add3A_995 = vector.broadcast %add3A_994 : i32 to vector<16xi32>
          %add3A_996 = arith.addi %add3A_986, %add3A_995 : vector<16xi32>
          %add3A_997 = arith.constant 2 : i32
          %add3A_998 = vector.broadcast %add3A_997 : i32 to vector<16xi32>
          %add3A_999 = arith.addi %add3A_986, %add3A_998 : vector<16xi32>
          %add3A_1000 = arith.constant 3 : i32
          %add3A_1001 = vector.broadcast %add3A_1000 : i32 to vector<16xi32>
          %add3A_1002 = arith.addi %add3A_986, %add3A_1001 : vector<16xi32>
          %add3A_1003 = arith.constant 4 : i32
          %add3A_1004 = vector.broadcast %add3A_1003 : i32 to vector<16xi32>
          %add3A_1005 = arith.addi %add3A_986, %add3A_1004 : vector<16xi32>
          %add3A_1006 = arith.constant 5 : i32
          %add3A_1007 = vector.broadcast %add3A_1006 : i32 to vector<16xi32>
          %add3A_1008 = arith.addi %add3A_986, %add3A_1007 : vector<16xi32>
          %add3A_1009 = arith.constant 6 : i32
          %add3A_1010 = vector.broadcast %add3A_1009 : i32 to vector<16xi32>
          %add3A_1011 = arith.addi %add3A_986, %add3A_1010 : vector<16xi32>
          %add3A_1012 = arith.constant 7 : i32
          %add3A_1013 = vector.broadcast %add3A_1012 : i32 to vector<16xi32>
          %add3A_1014 = arith.addi %add3A_986, %add3A_1013 : vector<16xi32>
          %add3A_1015 = arith.constant 0 : i32
          %add3A_1016 = vector.broadcast %add3A_1015 : i32 to vector<16xi32>
          %add3A_1017 = arith.addi %add3A_990, %add3A_1016 : vector<16xi32>
          %add3A_1018 = arith.constant 1 : i32
          %add3A_1019 = vector.broadcast %add3A_1018 : i32 to vector<16xi32>
          %add3A_1020 = arith.addi %add3A_990, %add3A_1019 : vector<16xi32>
          %add3A_1021 = arith.constant 2 : i32
          %add3A_1022 = vector.broadcast %add3A_1021 : i32 to vector<16xi32>
          %add3A_1023 = arith.addi %add3A_990, %add3A_1022 : vector<16xi32>
          %add3A_1024 = arith.constant 3 : i32
          %add3A_1025 = vector.broadcast %add3A_1024 : i32 to vector<16xi32>
          %add3A_1026 = arith.addi %add3A_990, %add3A_1025 : vector<16xi32>
          %add3A_1027 = arith.constant 4 : i32
          %add3A_1028 = vector.broadcast %add3A_1027 : i32 to vector<16xi32>
          %add3A_1029 = arith.addi %add3A_990, %add3A_1028 : vector<16xi32>
          %add3A_1030 = arith.constant 5 : i32
          %add3A_1031 = vector.broadcast %add3A_1030 : i32 to vector<16xi32>
          %add3A_1032 = arith.addi %add3A_990, %add3A_1031 : vector<16xi32>
          %add3A_1033 = arith.constant 6 : i32
          %add3A_1034 = vector.broadcast %add3A_1033 : i32 to vector<16xi32>
          %add3A_1035 = arith.addi %add3A_990, %add3A_1034 : vector<16xi32>
          %add3A_1036 = arith.constant 7 : i32
          %add3A_1037 = vector.broadcast %add3A_1036 : i32 to vector<16xi32>
          %add3A_1038 = arith.addi %add3A_990, %add3A_1037 : vector<16xi32>
          %gather3A_1039 = tpu.vector_load_idx %arg12[%add3A_993] : memref<16640xf32, #tpu.memory_space<vmem>>[vector<16xi32>], vector<16xf32>,
          %gather3A_1040 = tpu.vector_load_idx %arg12[%add3A_996] : memref<16640xf32, #tpu.memory_space<vmem>>[vector<16xi32>], vector<16xf32>,
          %gather3A_1041 = tpu.vector_load_idx %arg12[%add3A_999] : memref<16640xf32, #tpu.memory_space<vmem>>[vector<16xi32>], vector<16xf32>,
          %gather3A_1042 = tpu.vector_load_idx %arg12[%add3A_1002] : memref<16640xf32, #tpu.memory_space<vmem>>[vector<16xi32>], vector<16xf32>,
          %gather3A_1043 = tpu.vector_load_idx %arg12[%add3A_1005] : memref<16640xf32, #tpu.memory_space<vmem>>[vector<16xi32>], vector<16xf32>,
          %gather3A_1044 = tpu.vector_load_idx %arg12[%add3A_1008] : memref<16640xf32, #tpu.memory_space<vmem>>[vector<16xi32>], vector<16xf32>,
          %gather3A_1045 = tpu.vector_load_idx %arg12[%add3A_1011] : memref<16640xf32, #tpu.memory_space<vmem>>[vector<16xi32>], vector<16xf32>,
          %gather3A_1046 = tpu.vector_load_idx %arg12[%add3A_1014] : memref<16640xf32, #tpu.memory_space<vmem>>[vector<16xi32>], vector<16xf32>,
          %gather3A_1047 = tpu.vector_load_idx %arg12[%add3A_1017] : memref<16640xf32, #tpu.memory_space<vmem>>[vector<16xi32>], vector<16xf32>,
          %gather3A_1048 = tpu.vector_load_idx %arg12[%add3A_1020] : memref<16640xf32, #tpu.memory_space<vmem>>[vector<16xi32>], vector<16xf32>,
          %gather3A_1049 = tpu.vector_load_idx %arg12[%add3A_1023] : memref<16640xf32, #tpu.memory_space<vmem>>[vector<16xi32>], vector<16xf32>,
          %gather3A_1050 = tpu.vector_load_idx %arg12[%add3A_1026] : memref<16640xf32, #tpu.memory_space<vmem>>[vector<16xi32>], vector<16xf32>,
          %gather3A_1051 = tpu.vector_load_idx %arg12[%add3A_1029] : memref<16640xf32, #tpu.memory_space<vmem>>[vector<16xi32>], vector<16xf32>,
          %gather3A_1052 = tpu.vector_load_idx %arg12[%add3A_1032] : memref<16640xf32, #tpu.memory_space<vmem>>[vector<16xi32>], vector<16xf32>,
          %gather3A_1053 = tpu.vector_load_idx %arg12[%add3A_1035] : memref<16640xf32, #tpu.memory_space<vmem>>[vector<16xi32>], vector<16xf32>,
          %gather3A_1054 = tpu.vector_load_idx %arg12[%add3A_1038] : memref<16640xf32, #tpu.memory_space<vmem>>[vector<16xi32>], vector<16xf32>,
          %swap3A_1055 = arith.constant 1 : i32
          %swap3A_1056 = arith.constant 0 : i32
          %swap3A_1057 = arith.index_cast %add3A_246 : i32 to index
          %swap3A_1058 = arith.index_cast %swap3A_1055 : i32 to index
          %swap3A_1059 = arith.index_cast %swap3A_1056 : i32 to index
          %swap3A_1060 = arith.constant 0 : index
          %swap3A_1061 = tpu.vector_load %arg11[%swap3A_1057, %swap3A_1058, %swap3A_1059, %swap3A_1060] {strides = array<i32>} : memref<8x2x8x128xf32, #tpu.memory_space<vmem>>, vector<16xf32>,
          tpu.vector_store %arg11[%swap3A_1057, %swap3A_1058, %swap3A_1059, %swap3A_1060], %gather3A_1039 {strides = array<i32>} : memref<8x2x8x128xf32, #tpu.memory_space<vmem>>, vector<16xf32>,
          %swap3A_1062 = arith.constant 1 : i32
          %swap3A_1063 = arith.constant 1 : i32
          %swap3A_1064 = arith.index_cast %add3A_246 : i32 to index
          %swap3A_1065 = arith.index_cast %swap3A_1062 : i32 to index
          %swap3A_1066 = arith.index_cast %swap3A_1063 : i32 to index
          %swap3A_1067 = arith.constant 0 : index
          %swap3A_1068 = tpu.vector_load %arg11[%swap3A_1064, %swap3A_1065, %swap3A_1066, %swap3A_1067] {strides = array<i32>} : memref<8x2x8x128xf32, #tpu.memory_space<vmem>>, vector<16xf32>,
          tpu.vector_store %arg11[%swap3A_1064, %swap3A_1065, %swap3A_1066, %swap3A_1067], %gather3A_1040 {strides = array<i32>} : memref<8x2x8x128xf32, #tpu.memory_space<vmem>>, vector<16xf32>,
          %swap3A_1069 = arith.constant 1 : i32
          %swap3A_1070 = arith.constant 2 : i32
          %swap3A_1071 = arith.index_cast %add3A_246 : i32 to index
          %swap3A_1072 = arith.index_cast %swap3A_1069 : i32 to index
          %swap3A_1073 = arith.index_cast %swap3A_1070 : i32 to index
          %swap3A_1074 = arith.constant 0 : index
          %swap3A_1075 = tpu.vector_load %arg11[%swap3A_1071, %swap3A_1072, %swap3A_1073, %swap3A_1074] {strides = array<i32>} : memref<8x2x8x128xf32, #tpu.memory_space<vmem>>, vector<16xf32>,
          tpu.vector_store %arg11[%swap3A_1071, %swap3A_1072, %swap3A_1073, %swap3A_1074], %gather3A_1041 {strides = array<i32>} : memref<8x2x8x128xf32, #tpu.memory_space<vmem>>, vector<16xf32>,
          %swap3A_1076 = arith.constant 1 : i32
          %swap3A_1077 = arith.constant 3 : i32
          %swap3A_1078 = arith.index_cast %add3A_246 : i32 to index
          %swap3A_1079 = arith.index_cast %swap3A_1076 : i32 to index
          %swap3A_1080 = arith.index_cast %swap3A_1077 : i32 to index
          %swap3A_1081 = arith.constant 0 : index
          %swap3A_1082 = tpu.vector_load %arg11[%swap3A_1078, %swap3A_1079, %swap3A_1080, %swap3A_1081] {strides = array<i32>} : memref<8x2x8x128xf32, #tpu.memory_space<vmem>>, vector<16xf32>,
          tpu.vector_store %arg11[%swap3A_1078, %swap3A_1079, %swap3A_1080, %swap3A_1081], %gather3A_1042 {strides = array<i32>} : memref<8x2x8x128xf32, #tpu.memory_space<vmem>>, vector<16xf32>,
          %swap3A_1083 = arith.constant 1 : i32
          %swap3A_1084 = arith.constant 4 : i32
          %swap3A_1085 = arith.index_cast %add3A_246 : i32 to index
          %swap3A_1086 = arith.index_cast %swap3A_1083 : i32 to index
          %swap3A_1087 = arith.index_cast %swap3A_1084 : i32 to index
          %swap3A_1088 = arith.constant 0 : index
          %swap3A_1089 = tpu.vector_load %arg11[%swap3A_1085, %swap3A_1086, %swap3A_1087, %swap3A_1088] {strides = array<i32>} : memref<8x2x8x128xf32, #tpu.memory_space<vmem>>, vector<16xf32>,
          tpu.vector_store %arg11[%swap3A_1085, %swap3A_1086, %swap3A_1087, %swap3A_1088], %gather3A_1043 {strides = array<i32>} : memref<8x2x8x128xf32, #tpu.memory_space<vmem>>, vector<16xf32>,
          %swap3A_1090 = arith.constant 1 : i32
          %swap3A_1091 = arith.constant 5 : i32
          %swap3A_1092 = arith.index_cast %add3A_246 : i32 to index
          %swap3A_1093 = arith.index_cast %swap3A_1090 : i32 to index
          %swap3A_1094 = arith.index_cast %swap3A_1091 : i32 to index
          %swap3A_1095 = arith.constant 0 : index
          %swap3A_1096 = tpu.vector_load %arg11[%swap3A_1092, %swap3A_1093, %swap3A_1094, %swap3A_1095] {strides = array<i32>} : memref<8x2x8x128xf32, #tpu.memory_space<vmem>>, vector<16xf32>,
          tpu.vector_store %arg11[%swap3A_1092, %swap3A_1093, %swap3A_1094, %swap3A_1095], %gather3A_1044 {strides = array<i32>} : memref<8x2x8x128xf32, #tpu.memory_space<vmem>>, vector<16xf32>,
          %swap3A_1097 = arith.constant 1 : i32
          %swap3A_1098 = arith.constant 6 : i32
          %swap3A_1099 = arith.index_cast %add3A_246 : i32 to index
          %swap3A_1100 = arith.index_cast %swap3A_1097 : i32 to index
          %swap3A_1101 = arith.index_cast %swap3A_1098 : i32 to index
          %swap3A_1102 = arith.constant 0 : index
          %swap3A_1103 = tpu.vector_load %arg11[%swap3A_1099, %swap3A_1100, %swap3A_1101, %swap3A_1102] {strides = array<i32>} : memref<8x2x8x128xf32, #tpu.memory_space<vmem>>, vector<16xf32>,
          tpu.vector_store %arg11[%swap3A_1099, %swap3A_1100, %swap3A_1101, %swap3A_1102], %gather3A_1045 {strides = array<i32>} : memref<8x2x8x128xf32, #tpu.memory_space<vmem>>, vector<16xf32>,
          %swap3A_1104 = arith.constant 1 : i32
          %swap3A_1105 = arith.constant 7 : i32
          %swap3A_1106 = arith.index_cast %add3A_246 : i32 to index
          %swap3A_1107 = arith.index_cast %swap3A_1104 : i32 to index
          %swap3A_1108 = arith.index_cast %swap3A_1105 : i32 to index
          %swap3A_1109 = arith.constant 0 : index
          %swap3A_1110 = tpu.vector_load %arg11[%swap3A_1106, %swap3A_1107, %swap3A_1108, %swap3A_1109] {strides = array<i32>} : memref<8x2x8x128xf32, #tpu.memory_space<vmem>>, vector<16xf32>,
          tpu.vector_store %arg11[%swap3A_1106, %swap3A_1107, %swap3A_1108, %swap3A_1109], %gather3A_1046 {strides = array<i32>} : memref<8x2x8x128xf32, #tpu.memory_space<vmem>>, vector<16xf32>,
          %swap3A_1111 = arith.constant 1 : i32
          %swap3A_1112 = arith.constant 0 : i32
          %swap3A_1113 = arith.index_cast %add3A_246 : i32 to index
          %swap3A_1114 = arith.index_cast %swap3A_1111 : i32 to index
          %swap3A_1115 = arith.index_cast %swap3A_1112 : i32 to index
          %swap3A_1116 = arith.constant 16 : index
          %swap3A_1117 = tpu.vector_load %arg11[%swap3A_1113, %swap3A_1114, %swap3A_1115, %swap3A_1116] {strides = array<i32>} : memref<8x2x8x128xf32, #tpu.memory_space<vmem>>, vector<16xf32>,
          tpu.vector_store %arg11[%swap3A_1113, %swap3A_1114, %swap3A_1115, %swap3A_1116], %gather3A_1047 {strides = array<i32>} : memref<8x2x8x128xf32, #tpu.memory_space<vmem>>, vector<16xf32>,
          %swap3A_1118 = arith.constant 1 : i32
          %swap3A_1119 = arith.constant 1 : i32
          %swap3A_1120 = arith.index_cast %add3A_246 : i32 to index
          %swap3A_1121 = arith.index_cast %swap3A_1118 : i32 to index
          %swap3A_1122 = arith.index_cast %swap3A_1119 : i32 to index
          %swap3A_1123 = arith.constant 16 : index
          %swap3A_1124 = tpu.vector_load %arg11[%swap3A_1120, %swap3A_1121, %swap3A_1122, %swap3A_1123] {strides = array<i32>} : memref<8x2x8x128xf32, #tpu.memory_space<vmem>>, vector<16xf32>,
          tpu.vector_store %arg11[%swap3A_1120, %swap3A_1121, %swap3A_1122, %swap3A_1123], %gather3A_1048 {strides = array<i32>} : memref<8x2x8x128xf32, #tpu.memory_space<vmem>>, vector<16xf32>,
          %swap3A_1125 = arith.constant 1 : i32
          %swap3A_1126 = arith.constant 2 : i32
          %swap3A_1127 = arith.index_cast %add3A_246 : i32 to index
          %swap3A_1128 = arith.index_cast %swap3A_1125 : i32 to index
          %swap3A_1129 = arith.index_cast %swap3A_1126 : i32 to index
          %swap3A_1130 = arith.constant 16 : index
          %swap3A_1131 = tpu.vector_load %arg11[%swap3A_1127, %swap3A_1128, %swap3A_1129, %swap3A_1130] {strides = array<i32>} : memref<8x2x8x128xf32, #tpu.memory_space<vmem>>, vector<16xf32>,
          tpu.vector_store %arg11[%swap3A_1127, %swap3A_1128, %swap3A_1129, %swap3A_1130], %gather3A_1049 {strides = array<i32>} : memref<8x2x8x128xf32, #tpu.memory_space<vmem>>, vector<16xf32>,
          %swap3A_1132 = arith.constant 1 : i32
          %swap3A_1133 = arith.constant 3 : i32
          %swap3A_1134 = arith.index_cast %add3A_246 : i32 to index
          %swap3A_1135 = arith.index_cast %swap3A_1132 : i32 to index
          %swap3A_1136 = arith.index_cast %swap3A_1133 : i32 to index
          %swap3A_1137 = arith.constant 16 : index
          %swap3A_1138 = tpu.vector_load %arg11[%swap3A_1134, %swap3A_1135, %swap3A_1136, %swap3A_1137] {strides = array<i32>} : memref<8x2x8x128xf32, #tpu.memory_space<vmem>>, vector<16xf32>,
          tpu.vector_store %arg11[%swap3A_1134, %swap3A_1135, %swap3A_1136, %swap3A_1137], %gather3A_1050 {strides = array<i32>} : memref<8x2x8x128xf32, #tpu.memory_space<vmem>>, vector<16xf32>,
          %swap3A_1139 = arith.constant 1 : i32
          %swap3A_1140 = arith.constant 4 : i32
          %swap3A_1141 = arith.index_cast %add3A_246 : i32 to index
          %swap3A_1142 = arith.index_cast %swap3A_1139 : i32 to index
          %swap3A_1143 = arith.index_cast %swap3A_1140 : i32 to index
          %swap3A_1144 = arith.constant 16 : index
          %swap3A_1145 = tpu.vector_load %arg11[%swap3A_1141, %swap3A_1142, %swap3A_1143, %swap3A_1144] {strides = array<i32>} : memref<8x2x8x128xf32, #tpu.memory_space<vmem>>, vector<16xf32>,
          tpu.vector_store %arg11[%swap3A_1141, %swap3A_1142, %swap3A_1143, %swap3A_1144], %gather3A_1051 {strides = array<i32>} : memref<8x2x8x128xf32, #tpu.memory_space<vmem>>, vector<16xf32>,
          %swap3A_1146 = arith.constant 1 : i32
          %swap3A_1147 = arith.constant 5 : i32
          %swap3A_1148 = arith.index_cast %add3A_246 : i32 to index
          %swap3A_1149 = arith.index_cast %swap3A_1146 : i32 to index
          %swap3A_1150 = arith.index_cast %swap3A_1147 : i32 to index
          %swap3A_1151 = arith.constant 16 : index
          %swap3A_1152 = tpu.vector_load %arg11[%swap3A_1148, %swap3A_1149, %swap3A_1150, %swap3A_1151] {strides = array<i32>} : memref<8x2x8x128xf32, #tpu.memory_space<vmem>>, vector<16xf32>,
          tpu.vector_store %arg11[%swap3A_1148, %swap3A_1149, %swap3A_1150, %swap3A_1151], %gather3A_1052 {strides = array<i32>} : memref<8x2x8x128xf32, #tpu.memory_space<vmem>>, vector<16xf32>,
          %swap3A_1153 = arith.constant 1 : i32
          %swap3A_1154 = arith.constant 6 : i32
          %swap3A_1155 = arith.index_cast %add3A_246 : i32 to index
          %swap3A_1156 = arith.index_cast %swap3A_1153 : i32 to index
          %swap3A_1157 = arith.index_cast %swap3A_1154 : i32 to index
          %swap3A_1158 = arith.constant 16 : index
          %swap3A_1159 = tpu.vector_load %arg11[%swap3A_1155, %swap3A_1156, %swap3A_1157, %swap3A_1158] {strides = array<i32>} : memref<8x2x8x128xf32, #tpu.memory_space<vmem>>, vector<16xf32>,
          tpu.vector_store %arg11[%swap3A_1155, %swap3A_1156, %swap3A_1157, %swap3A_1158], %gather3A_1053 {strides = array<i32>} : memref<8x2x8x128xf32, #tpu.memory_space<vmem>>, vector<16xf32>,
          %swap3A_1160 = arith.constant 1 : i32
          %swap3A_1161 = arith.constant 7 : i32
          %swap3A_1162 = arith.index_cast %add3A_246 : i32 to index
          %swap3A_1163 = arith.index_cast %swap3A_1160 : i32 to index
          %swap3A_1164 = arith.index_cast %swap3A_1161 : i32 to index
          %swap3A_1165 = arith.constant 16 : index
          %swap3A_1166 = tpu.vector_load %arg11[%swap3A_1162, %swap3A_1163, %swap3A_1164, %swap3A_1165] {strides = array<i32>} : memref<8x2x8x128xf32, #tpu.memory_space<vmem>>, vector<16xf32>,
          tpu.vector_store %arg11[%swap3A_1162, %swap3A_1163, %swap3A_1164, %swap3A_1165], %gather3A_1054 {strides = array<i32>} : memref<8x2x8x128xf32, #tpu.memory_space<vmem>>, vector<16xf32>,
          %add3A_1167 = arith.constant 10400 : i32
          %add3A_1168 = arith.addi %add3A_1167, %mul3A_248 : i32
          %add3A_1169 = vector.broadcast %add3A_1168 : i32 to vector<16xi32>
          %add3A_1170 = arith.addi %mul3A_224, %add3A_1169 : vector<16xi32>
          %add3A_1171 = arith.constant 11440 : i32
          %add3A_1172 = arith.addi %add3A_1171, %mul3A_248 : i32
          %add3A_1173 = vector.broadcast %add3A_1172 : i32 to vector<16xi32>
          %add3A_1174 = arith.addi %mul3A_224, %add3A_1173 : vector<16xi32>
          %add3A_1175 = arith.constant 0 : i32
          %add3A_1176 = vector.broadcast %add3A_1175 : i32 to vector<16xi32>
          %add3A_1177 = arith.addi %add3A_1170, %add3A_1176 : vector<16xi32>
          %add3A_1178 = arith.constant 1 : i32
          %add3A_1179 = vector.broadcast %add3A_1178 : i32 to vector<16xi32>
          %add3A_1180 = arith.addi %add3A_1170, %add3A_1179 : vector<16xi32>
          %add3A_1181 = arith.constant 2 : i32
          %add3A_1182 = vector.broadcast %add3A_1181 : i32 to vector<16xi32>
          %add3A_1183 = arith.addi %add3A_1170, %add3A_1182 : vector<16xi32>
          %add3A_1184 = arith.constant 3 : i32
          %add3A_1185 = vector.broadcast %add3A_1184 : i32 to vector<16xi32>
          %add3A_1186 = arith.addi %add3A_1170, %add3A_1185 : vector<16xi32>
          %add3A_1187 = arith.constant 4 : i32
          %add3A_1188 = vector.broadcast %add3A_1187 : i32 to vector<16xi32>
          %add3A_1189 = arith.addi %add3A_1170, %add3A_1188 : vector<16xi32>
          %add3A_1190 = arith.constant 5 : i32
          %add3A_1191 = vector.broadcast %add3A_1190 : i32 to vector<16xi32>
          %add3A_1192 = arith.addi %add3A_1170, %add3A_1191 : vector<16xi32>
          %add3A_1193 = arith.constant 6 : i32
          %add3A_1194 = vector.broadcast %add3A_1193 : i32 to vector<16xi32>
          %add3A_1195 = arith.addi %add3A_1170, %add3A_1194 : vector<16xi32>
          %add3A_1196 = arith.constant 7 : i32
          %add3A_1197 = vector.broadcast %add3A_1196 : i32 to vector<16xi32>
          %add3A_1198 = arith.addi %add3A_1170, %add3A_1197 : vector<16xi32>
          %add3A_1199 = arith.constant 0 : i32
          %add3A_1200 = vector.broadcast %add3A_1199 : i32 to vector<16xi32>
          %add3A_1201 = arith.addi %add3A_1174, %add3A_1200 : vector<16xi32>
          %add3A_1202 = arith.constant 1 : i32
          %add3A_1203 = vector.broadcast %add3A_1202 : i32 to vector<16xi32>
          %add3A_1204 = arith.addi %add3A_1174, %add3A_1203 : vector<16xi32>
          %add3A_1205 = arith.constant 2 : i32
          %add3A_1206 = vector.broadcast %add3A_1205 : i32 to vector<16xi32>
          %add3A_1207 = arith.addi %add3A_1174, %add3A_1206 : vector<16xi32>
          %add3A_1208 = arith.constant 3 : i32
          %add3A_1209 = vector.broadcast %add3A_1208 : i32 to vector<16xi32>
          %add3A_1210 = arith.addi %add3A_1174, %add3A_1209 : vector<16xi32>
          %add3A_1211 = arith.constant 4 : i32
          %add3A_1212 = vector.broadcast %add3A_1211 : i32 to vector<16xi32>
          %add3A_1213 = arith.addi %add3A_1174, %add3A_1212 : vector<16xi32>
          %add3A_1214 = arith.constant 5 : i32
          %add3A_1215 = vector.broadcast %add3A_1214 : i32 to vector<16xi32>
          %add3A_1216 = arith.addi %add3A_1174, %add3A_1215 : vector<16xi32>
          %add3A_1217 = arith.constant 6 : i32
          %add3A_1218 = vector.broadcast %add3A_1217 : i32 to vector<16xi32>
          %add3A_1219 = arith.addi %add3A_1174, %add3A_1218 : vector<16xi32>
          %add3A_1220 = arith.constant 7 : i32
          %add3A_1221 = vector.broadcast %add3A_1220 : i32 to vector<16xi32>
          %add3A_1222 = arith.addi %add3A_1174, %add3A_1221 : vector<16xi32>
          %gather3A_1223 = tpu.vector_load_idx %arg12[%add3A_1177] : memref<16640xf32, #tpu.memory_space<vmem>>[vector<16xi32>], vector<16xf32>,
          %gather3A_1224 = tpu.vector_load_idx %arg12[%add3A_1180] : memref<16640xf32, #tpu.memory_space<vmem>>[vector<16xi32>], vector<16xf32>,
          %gather3A_1225 = tpu.vector_load_idx %arg12[%add3A_1183] : memref<16640xf32, #tpu.memory_space<vmem>>[vector<16xi32>], vector<16xf32>,
          %gather3A_1226 = tpu.vector_load_idx %arg12[%add3A_1186] : memref<16640xf32, #tpu.memory_space<vmem>>[vector<16xi32>], vector<16xf32>,
          %gather3A_1227 = tpu.vector_load_idx %arg12[%add3A_1189] : memref<16640xf32, #tpu.memory_space<vmem>>[vector<16xi32>], vector<16xf32>,
          %gather3A_1228 = tpu.vector_load_idx %arg12[%add3A_1192] : memref<16640xf32, #tpu.memory_space<vmem>>[vector<16xi32>], vector<16xf32>,
          %gather3A_1229 = tpu.vector_load_idx %arg12[%add3A_1195] : memref<16640xf32, #tpu.memory_space<vmem>>[vector<16xi32>], vector<16xf32>,
          %gather3A_1230 = tpu.vector_load_idx %arg12[%add3A_1198] : memref<16640xf32, #tpu.memory_space<vmem>>[vector<16xi32>], vector<16xf32>,
          %gather3A_1231 = tpu.vector_load_idx %arg12[%add3A_1201] : memref<16640xf32, #tpu.memory_space<vmem>>[vector<16xi32>], vector<16xf32>,
          %gather3A_1232 = tpu.vector_load_idx %arg12[%add3A_1204] : memref<16640xf32, #tpu.memory_space<vmem>>[vector<16xi32>], vector<16xf32>,
          %gather3A_1233 = tpu.vector_load_idx %arg12[%add3A_1207] : memref<16640xf32, #tpu.memory_space<vmem>>[vector<16xi32>], vector<16xf32>,
          %gather3A_1234 = tpu.vector_load_idx %arg12[%add3A_1210] : memref<16640xf32, #tpu.memory_space<vmem>>[vector<16xi32>], vector<16xf32>,
          %gather3A_1235 = tpu.vector_load_idx %arg12[%add3A_1213] : memref<16640xf32, #tpu.memory_space<vmem>>[vector<16xi32>], vector<16xf32>,
          %gather3A_1236 = tpu.vector_load_idx %arg12[%add3A_1216] : memref<16640xf32, #tpu.memory_space<vmem>>[vector<16xi32>], vector<16xf32>,
          %gather3A_1237 = tpu.vector_load_idx %arg12[%add3A_1219] : memref<16640xf32, #tpu.memory_space<vmem>>[vector<16xi32>], vector<16xf32>,
          %gather3A_1238 = tpu.vector_load_idx %arg12[%add3A_1222] : memref<16640xf32, #tpu.memory_space<vmem>>[vector<16xi32>], vector<16xf32>,
          %swap3A_1239 = arith.constant 1 : i32
          %swap3A_1240 = arith.constant 0 : i32
          %swap3A_1241 = arith.index_cast %add3A_246 : i32 to index
          %swap3A_1242 = arith.index_cast %swap3A_1239 : i32 to index
          %swap3A_1243 = arith.index_cast %swap3A_1240 : i32 to index
          %swap3A_1244 = arith.constant 32 : index
          %swap3A_1245 = tpu.vector_load %arg11[%swap3A_1241, %swap3A_1242, %swap3A_1243, %swap3A_1244] {strides = array<i32>} : memref<8x2x8x128xf32, #tpu.memory_space<vmem>>, vector<16xf32>,
          tpu.vector_store %arg11[%swap3A_1241, %swap3A_1242, %swap3A_1243, %swap3A_1244], %gather3A_1223 {strides = array<i32>} : memref<8x2x8x128xf32, #tpu.memory_space<vmem>>, vector<16xf32>,
          %swap3A_1246 = arith.constant 1 : i32
          %swap3A_1247 = arith.constant 1 : i32
          %swap3A_1248 = arith.index_cast %add3A_246 : i32 to index
          %swap3A_1249 = arith.index_cast %swap3A_1246 : i32 to index
          %swap3A_1250 = arith.index_cast %swap3A_1247 : i32 to index
          %swap3A_1251 = arith.constant 32 : index
          %swap3A_1252 = tpu.vector_load %arg11[%swap3A_1248, %swap3A_1249, %swap3A_1250, %swap3A_1251] {strides = array<i32>} : memref<8x2x8x128xf32, #tpu.memory_space<vmem>>, vector<16xf32>,
          tpu.vector_store %arg11[%swap3A_1248, %swap3A_1249, %swap3A_1250, %swap3A_1251], %gather3A_1224 {strides = array<i32>} : memref<8x2x8x128xf32, #tpu.memory_space<vmem>>, vector<16xf32>,
          %swap3A_1253 = arith.constant 1 : i32
          %swap3A_1254 = arith.constant 2 : i32
          %swap3A_1255 = arith.index_cast %add3A_246 : i32 to index
          %swap3A_1256 = arith.index_cast %swap3A_1253 : i32 to index
          %swap3A_1257 = arith.index_cast %swap3A_1254 : i32 to index
          %swap3A_1258 = arith.constant 32 : index
          %swap3A_1259 = tpu.vector_load %arg11[%swap3A_1255, %swap3A_1256, %swap3A_1257, %swap3A_1258] {strides = array<i32>} : memref<8x2x8x128xf32, #tpu.memory_space<vmem>>, vector<16xf32>,
          tpu.vector_store %arg11[%swap3A_1255, %swap3A_1256, %swap3A_1257, %swap3A_1258], %gather3A_1225 {strides = array<i32>} : memref<8x2x8x128xf32, #tpu.memory_space<vmem>>, vector<16xf32>,
          %swap3A_1260 = arith.constant 1 : i32
          %swap3A_1261 = arith.constant 3 : i32
          %swap3A_1262 = arith.index_cast %add3A_246 : i32 to index
          %swap3A_1263 = arith.index_cast %swap3A_1260 : i32 to index
          %swap3A_1264 = arith.index_cast %swap3A_1261 : i32 to index
          %swap3A_1265 = arith.constant 32 : index
          %swap3A_1266 = tpu.vector_load %arg11[%swap3A_1262, %swap3A_1263, %swap3A_1264, %swap3A_1265] {strides = array<i32>} : memref<8x2x8x128xf32, #tpu.memory_space<vmem>>, vector<16xf32>,
          tpu.vector_store %arg11[%swap3A_1262, %swap3A_1263, %swap3A_1264, %swap3A_1265], %gather3A_1226 {strides = array<i32>} : memref<8x2x8x128xf32, #tpu.memory_space<vmem>>, vector<16xf32>,
          %swap3A_1267 = arith.constant 1 : i32
          %swap3A_1268 = arith.constant 4 : i32
          %swap3A_1269 = arith.index_cast %add3A_246 : i32 to index
          %swap3A_1270 = arith.index_cast %swap3A_1267 : i32 to index
          %swap3A_1271 = arith.index_cast %swap3A_1268 : i32 to index
          %swap3A_1272 = arith.constant 32 : index
          %swap3A_1273 = tpu.vector_load %arg11[%swap3A_1269, %swap3A_1270, %swap3A_1271, %swap3A_1272] {strides = array<i32>} : memref<8x2x8x128xf32, #tpu.memory_space<vmem>>, vector<16xf32>,
          tpu.vector_store %arg11[%swap3A_1269, %swap3A_1270, %swap3A_1271, %swap3A_1272], %gather3A_1227 {strides = array<i32>} : memref<8x2x8x128xf32, #tpu.memory_space<vmem>>, vector<16xf32>,
          %swap3A_1274 = arith.constant 1 : i32
          %swap3A_1275 = arith.constant 5 : i32
          %swap3A_1276 = arith.index_cast %add3A_246 : i32 to index
          %swap3A_1277 = arith.index_cast %swap3A_1274 : i32 to index
          %swap3A_1278 = arith.index_cast %swap3A_1275 : i32 to index
          %swap3A_1279 = arith.constant 32 : index
          %swap3A_1280 = tpu.vector_load %arg11[%swap3A_1276, %swap3A_1277, %swap3A_1278, %swap3A_1279] {strides = array<i32>} : memref<8x2x8x128xf32, #tpu.memory_space<vmem>>, vector<16xf32>,
          tpu.vector_store %arg11[%swap3A_1276, %swap3A_1277, %swap3A_1278, %swap3A_1279], %gather3A_1228 {strides = array<i32>} : memref<8x2x8x128xf32, #tpu.memory_space<vmem>>, vector<16xf32>,
          %swap3A_1281 = arith.constant 1 : i32
          %swap3A_1282 = arith.constant 6 : i32
          %swap3A_1283 = arith.index_cast %add3A_246 : i32 to index
          %swap3A_1284 = arith.index_cast %swap3A_1281 : i32 to index
          %swap3A_1285 = arith.index_cast %swap3A_1282 : i32 to index
          %swap3A_1286 = arith.constant 32 : index
          %swap3A_1287 = tpu.vector_load %arg11[%swap3A_1283, %swap3A_1284, %swap3A_1285, %swap3A_1286] {strides = array<i32>} : memref<8x2x8x128xf32, #tpu.memory_space<vmem>>, vector<16xf32>,
          tpu.vector_store %arg11[%swap3A_1283, %swap3A_1284, %swap3A_1285, %swap3A_1286], %gather3A_1229 {strides = array<i32>} : memref<8x2x8x128xf32, #tpu.memory_space<vmem>>, vector<16xf32>,
          %swap3A_1288 = arith.constant 1 : i32
          %swap3A_1289 = arith.constant 7 : i32
          %swap3A_1290 = arith.index_cast %add3A_246 : i32 to index
          %swap3A_1291 = arith.index_cast %swap3A_1288 : i32 to index
          %swap3A_1292 = arith.index_cast %swap3A_1289 : i32 to index
          %swap3A_1293 = arith.constant 32 : index
          %swap3A_1294 = tpu.vector_load %arg11[%swap3A_1290, %swap3A_1291, %swap3A_1292, %swap3A_1293] {strides = array<i32>} : memref<8x2x8x128xf32, #tpu.memory_space<vmem>>, vector<16xf32>,
          tpu.vector_store %arg11[%swap3A_1290, %swap3A_1291, %swap3A_1292, %swap3A_1293], %gather3A_1230 {strides = array<i32>} : memref<8x2x8x128xf32, #tpu.memory_space<vmem>>, vector<16xf32>,
          %swap3A_1295 = arith.constant 1 : i32
          %swap3A_1296 = arith.constant 0 : i32
          %swap3A_1297 = arith.index_cast %add3A_246 : i32 to index
          %swap3A_1298 = arith.index_cast %swap3A_1295 : i32 to index
          %swap3A_1299 = arith.index_cast %swap3A_1296 : i32 to index
          %swap3A_1300 = arith.constant 48 : index
          %swap3A_1301 = tpu.vector_load %arg11[%swap3A_1297, %swap3A_1298, %swap3A_1299, %swap3A_1300] {strides = array<i32>} : memref<8x2x8x128xf32, #tpu.memory_space<vmem>>, vector<16xf32>,
          tpu.vector_store %arg11[%swap3A_1297, %swap3A_1298, %swap3A_1299, %swap3A_1300], %gather3A_1231 {strides = array<i32>} : memref<8x2x8x128xf32, #tpu.memory_space<vmem>>, vector<16xf32>,
          %swap3A_1302 = arith.constant 1 : i32
          %swap3A_1303 = arith.constant 1 : i32
          %swap3A_1304 = arith.index_cast %add3A_246 : i32 to index
          %swap3A_1305 = arith.index_cast %swap3A_1302 : i32 to index
          %swap3A_1306 = arith.index_cast %swap3A_1303 : i32 to index
          %swap3A_1307 = arith.constant 48 : index
          %swap3A_1308 = tpu.vector_load %arg11[%swap3A_1304, %swap3A_1305, %swap3A_1306, %swap3A_1307] {strides = array<i32>} : memref<8x2x8x128xf32, #tpu.memory_space<vmem>>, vector<16xf32>,
          tpu.vector_store %arg11[%swap3A_1304, %swap3A_1305, %swap3A_1306, %swap3A_1307], %gather3A_1232 {strides = array<i32>} : memref<8x2x8x128xf32, #tpu.memory_space<vmem>>, vector<16xf32>,
          %swap3A_1309 = arith.constant 1 : i32
          %swap3A_1310 = arith.constant 2 : i32
          %swap3A_1311 = arith.index_cast %add3A_246 : i32 to index
          %swap3A_1312 = arith.index_cast %swap3A_1309 : i32 to index
          %swap3A_1313 = arith.index_cast %swap3A_1310 : i32 to index
          %swap3A_1314 = arith.constant 48 : index
          %swap3A_1315 = tpu.vector_load %arg11[%swap3A_1311, %swap3A_1312, %swap3A_1313, %swap3A_1314] {strides = array<i32>} : memref<8x2x8x128xf32, #tpu.memory_space<vmem>>, vector<16xf32>,
          tpu.vector_store %arg11[%swap3A_1311, %swap3A_1312, %swap3A_1313, %swap3A_1314], %gather3A_1233 {strides = array<i32>} : memref<8x2x8x128xf32, #tpu.memory_space<vmem>>, vector<16xf32>,
          %swap3A_1316 = arith.constant 1 : i32
          %swap3A_1317 = arith.constant 3 : i32
          %swap3A_1318 = arith.index_cast %add3A_246 : i32 to index
          %swap3A_1319 = arith.index_cast %swap3A_1316 : i32 to index
          %swap3A_1320 = arith.index_cast %swap3A_1317 : i32 to index
          %swap3A_1321 = arith.constant 48 : index
          %swap3A_1322 = tpu.vector_load %arg11[%swap3A_1318, %swap3A_1319, %swap3A_1320, %swap3A_1321] {strides = array<i32>} : memref<8x2x8x128xf32, #tpu.memory_space<vmem>>, vector<16xf32>,
          tpu.vector_store %arg11[%swap3A_1318, %swap3A_1319, %swap3A_1320, %swap3A_1321], %gather3A_1234 {strides = array<i32>} : memref<8x2x8x128xf32, #tpu.memory_space<vmem>>, vector<16xf32>,
          %swap3A_1323 = arith.constant 1 : i32
          %swap3A_1324 = arith.constant 4 : i32
          %swap3A_1325 = arith.index_cast %add3A_246 : i32 to index
          %swap3A_1326 = arith.index_cast %swap3A_1323 : i32 to index
          %swap3A_1327 = arith.index_cast %swap3A_1324 : i32 to index
          %swap3A_1328 = arith.constant 48 : index
          %swap3A_1329 = tpu.vector_load %arg11[%swap3A_1325, %swap3A_1326, %swap3A_1327, %swap3A_1328] {strides = array<i32>} : memref<8x2x8x128xf32, #tpu.memory_space<vmem>>, vector<16xf32>,
          tpu.vector_store %arg11[%swap3A_1325, %swap3A_1326, %swap3A_1327, %swap3A_1328], %gather3A_1235 {strides = array<i32>} : memref<8x2x8x128xf32, #tpu.memory_space<vmem>>, vector<16xf32>,
          %swap3A_1330 = arith.constant 1 : i32
          %swap3A_1331 = arith.constant 5 : i32
          %swap3A_1332 = arith.index_cast %add3A_246 : i32 to index
          %swap3A_1333 = arith.index_cast %swap3A_1330 : i32 to index
          %swap3A_1334 = arith.index_cast %swap3A_1331 : i32 to index
          %swap3A_1335 = arith.constant 48 : index
          %swap3A_1336 = tpu.vector_load %arg11[%swap3A_1332, %swap3A_1333, %swap3A_1334, %swap3A_1335] {strides = array<i32>} : memref<8x2x8x128xf32, #tpu.memory_space<vmem>>, vector<16xf32>,
          tpu.vector_store %arg11[%swap3A_1332, %swap3A_1333, %swap3A_1334, %swap3A_1335], %gather3A_1236 {strides = array<i32>} : memref<8x2x8x128xf32, #tpu.memory_space<vmem>>, vector<16xf32>,
          %swap3A_1337 = arith.constant 1 : i32
          %swap3A_1338 = arith.constant 6 : i32
          %swap3A_1339 = arith.index_cast %add3A_246 : i32 to index
          %swap3A_1340 = arith.index_cast %swap3A_1337 : i32 to index
          %swap3A_1341 = arith.index_cast %swap3A_1338 : i32 to index
          %swap3A_1342 = arith.constant 48 : index
          %swap3A_1343 = tpu.vector_load %arg11[%swap3A_1339, %swap3A_1340, %swap3A_1341, %swap3A_1342] {strides = array<i32>} : memref<8x2x8x128xf32, #tpu.memory_space<vmem>>, vector<16xf32>,
          tpu.vector_store %arg11[%swap3A_1339, %swap3A_1340, %swap3A_1341, %swap3A_1342], %gather3A_1237 {strides = array<i32>} : memref<8x2x8x128xf32, #tpu.memory_space<vmem>>, vector<16xf32>,
          %swap3A_1344 = arith.constant 1 : i32
          %swap3A_1345 = arith.constant 7 : i32
          %swap3A_1346 = arith.index_cast %add3A_246 : i32 to index
          %swap3A_1347 = arith.index_cast %swap3A_1344 : i32 to index
          %swap3A_1348 = arith.index_cast %swap3A_1345 : i32 to index
          %swap3A_1349 = arith.constant 48 : index
          %swap3A_1350 = tpu.vector_load %arg11[%swap3A_1346, %swap3A_1347, %swap3A_1348, %swap3A_1349] {strides = array<i32>} : memref<8x2x8x128xf32, #tpu.memory_space<vmem>>, vector<16xf32>,
          tpu.vector_store %arg11[%swap3A_1346, %swap3A_1347, %swap3A_1348, %swap3A_1349], %gather3A_1238 {strides = array<i32>} : memref<8x2x8x128xf32, #tpu.memory_space<vmem>>, vector<16xf32>,
          %add3A_1351 = arith.constant 12480 : i32
          %add3A_1352 = arith.addi %add3A_1351, %mul3A_248 : i32
          %add3A_1353 = vector.broadcast %add3A_1352 : i32 to vector<16xi32>
          %add3A_1354 = arith.addi %mul3A_224, %add3A_1353 : vector<16xi32>
          %add3A_1355 = arith.constant 13520 : i32
          %add3A_1356 = arith.addi %add3A_1355, %mul3A_248 : i32
          %add3A_1357 = vector.broadcast %add3A_1356 : i32 to vector<16xi32>
          %add3A_1358 = arith.addi %mul3A_224, %add3A_1357 : vector<16xi32>
          %add3A_1359 = arith.constant 0 : i32
          %add3A_1360 = vector.broadcast %add3A_1359 : i32 to vector<16xi32>
          %add3A_1361 = arith.addi %add3A_1354, %add3A_1360 : vector<16xi32>
          %add3A_1362 = arith.constant 1 : i32
          %add3A_1363 = vector.broadcast %add3A_1362 : i32 to vector<16xi32>
          %add3A_1364 = arith.addi %add3A_1354, %add3A_1363 : vector<16xi32>
          %add3A_1365 = arith.constant 2 : i32
          %add3A_1366 = vector.broadcast %add3A_1365 : i32 to vector<16xi32>
          %add3A_1367 = arith.addi %add3A_1354, %add3A_1366 : vector<16xi32>
          %add3A_1368 = arith.constant 3 : i32
          %add3A_1369 = vector.broadcast %add3A_1368 : i32 to vector<16xi32>
          %add3A_1370 = arith.addi %add3A_1354, %add3A_1369 : vector<16xi32>
          %add3A_1371 = arith.constant 4 : i32
          %add3A_1372 = vector.broadcast %add3A_1371 : i32 to vector<16xi32>
          %add3A_1373 = arith.addi %add3A_1354, %add3A_1372 : vector<16xi32>
          %add3A_1374 = arith.constant 5 : i32
          %add3A_1375 = vector.broadcast %add3A_1374 : i32 to vector<16xi32>
          %add3A_1376 = arith.addi %add3A_1354, %add3A_1375 : vector<16xi32>
          %add3A_1377 = arith.constant 6 : i32
          %add3A_1378 = vector.broadcast %add3A_1377 : i32 to vector<16xi32>
          %add3A_1379 = arith.addi %add3A_1354, %add3A_1378 : vector<16xi32>
          %add3A_1380 = arith.constant 7 : i32
          %add3A_1381 = vector.broadcast %add3A_1380 : i32 to vector<16xi32>
          %add3A_1382 = arith.addi %add3A_1354, %add3A_1381 : vector<16xi32>
          %add3A_1383 = arith.constant 0 : i32
          %add3A_1384 = vector.broadcast %add3A_1383 : i32 to vector<16xi32>
          %add3A_1385 = arith.addi %add3A_1358, %add3A_1384 : vector<16xi32>
          %add3A_1386 = arith.constant 1 : i32
          %add3A_1387 = vector.broadcast %add3A_1386 : i32 to vector<16xi32>
          %add3A_1388 = arith.addi %add3A_1358, %add3A_1387 : vector<16xi32>
          %add3A_1389 = arith.constant 2 : i32
          %add3A_1390 = vector.broadcast %add3A_1389 : i32 to vector<16xi32>
          %add3A_1391 = arith.addi %add3A_1358, %add3A_1390 : vector<16xi32>
          %add3A_1392 = arith.constant 3 : i32
          %add3A_1393 = vector.broadcast %add3A_1392 : i32 to vector<16xi32>
          %add3A_1394 = arith.addi %add3A_1358, %add3A_1393 : vector<16xi32>
          %add3A_1395 = arith.constant 4 : i32
          %add3A_1396 = vector.broadcast %add3A_1395 : i32 to vector<16xi32>
          %add3A_1397 = arith.addi %add3A_1358, %add3A_1396 : vector<16xi32>
          %add3A_1398 = arith.constant 5 : i32
          %add3A_1399 = vector.broadcast %add3A_1398 : i32 to vector<16xi32>
          %add3A_1400 = arith.addi %add3A_1358, %add3A_1399 : vector<16xi32>
          %add3A_1401 = arith.constant 6 : i32
          %add3A_1402 = vector.broadcast %add3A_1401 : i32 to vector<16xi32>
          %add3A_1403 = arith.addi %add3A_1358, %add3A_1402 : vector<16xi32>
          %add3A_1404 = arith.constant 7 : i32
          %add3A_1405 = vector.broadcast %add3A_1404 : i32 to vector<16xi32>
          %add3A_1406 = arith.addi %add3A_1358, %add3A_1405 : vector<16xi32>
          %gather3A_1407 = tpu.vector_load_idx %arg12[%add3A_1361] : memref<16640xf32, #tpu.memory_space<vmem>>[vector<16xi32>], vector<16xf32>,
          %gather3A_1408 = tpu.vector_load_idx %arg12[%add3A_1364] : memref<16640xf32, #tpu.memory_space<vmem>>[vector<16xi32>], vector<16xf32>,
          %gather3A_1409 = tpu.vector_load_idx %arg12[%add3A_1367] : memref<16640xf32, #tpu.memory_space<vmem>>[vector<16xi32>], vector<16xf32>,
          %gather3A_1410 = tpu.vector_load_idx %arg12[%add3A_1370] : memref<16640xf32, #tpu.memory_space<vmem>>[vector<16xi32>], vector<16xf32>,
          %gather3A_1411 = tpu.vector_load_idx %arg12[%add3A_1373] : memref<16640xf32, #tpu.memory_space<vmem>>[vector<16xi32>], vector<16xf32>,
          %gather3A_1412 = tpu.vector_load_idx %arg12[%add3A_1376] : memref<16640xf32, #tpu.memory_space<vmem>>[vector<16xi32>], vector<16xf32>,
          %gather3A_1413 = tpu.vector_load_idx %arg12[%add3A_1379] : memref<16640xf32, #tpu.memory_space<vmem>>[vector<16xi32>], vector<16xf32>,
          %gather3A_1414 = tpu.vector_load_idx %arg12[%add3A_1382] : memref<16640xf32, #tpu.memory_space<vmem>>[vector<16xi32>], vector<16xf32>,
          %gather3A_1415 = tpu.vector_load_idx %arg12[%add3A_1385] : memref<16640xf32, #tpu.memory_space<vmem>>[vector<16xi32>], vector<16xf32>,
          %gather3A_1416 = tpu.vector_load_idx %arg12[%add3A_1388] : memref<16640xf32, #tpu.memory_space<vmem>>[vector<16xi32>], vector<16xf32>,
          %gather3A_1417 = tpu.vector_load_idx %arg12[%add3A_1391] : memref<16640xf32, #tpu.memory_space<vmem>>[vector<16xi32>], vector<16xf32>,
          %gather3A_1418 = tpu.vector_load_idx %arg12[%add3A_1394] : memref<16640xf32, #tpu.memory_space<vmem>>[vector<16xi32>], vector<16xf32>,
          %gather3A_1419 = tpu.vector_load_idx %arg12[%add3A_1397] : memref<16640xf32, #tpu.memory_space<vmem>>[vector<16xi32>], vector<16xf32>,
          %gather3A_1420 = tpu.vector_load_idx %arg12[%add3A_1400] : memref<16640xf32, #tpu.memory_space<vmem>>[vector<16xi32>], vector<16xf32>,
          %gather3A_1421 = tpu.vector_load_idx %arg12[%add3A_1403] : memref<16640xf32, #tpu.memory_space<vmem>>[vector<16xi32>], vector<16xf32>,
          %gather3A_1422 = tpu.vector_load_idx %arg12[%add3A_1406] : memref<16640xf32, #tpu.memory_space<vmem>>[vector<16xi32>], vector<16xf32>,
          %swap3A_1423 = arith.constant 1 : i32
          %swap3A_1424 = arith.constant 0 : i32
          %swap3A_1425 = arith.index_cast %add3A_246 : i32 to index
          %swap3A_1426 = arith.index_cast %swap3A_1423 : i32 to index
          %swap3A_1427 = arith.index_cast %swap3A_1424 : i32 to index
          %swap3A_1428 = arith.constant 64 : index
          %swap3A_1429 = tpu.vector_load %arg11[%swap3A_1425, %swap3A_1426, %swap3A_1427, %swap3A_1428] {strides = array<i32>} : memref<8x2x8x128xf32, #tpu.memory_space<vmem>>, vector<16xf32>,
          tpu.vector_store %arg11[%swap3A_1425, %swap3A_1426, %swap3A_1427, %swap3A_1428], %gather3A_1407 {strides = array<i32>} : memref<8x2x8x128xf32, #tpu.memory_space<vmem>>, vector<16xf32>,
          %swap3A_1430 = arith.constant 1 : i32
          %swap3A_1431 = arith.constant 1 : i32
          %swap3A_1432 = arith.index_cast %add3A_246 : i32 to index
          %swap3A_1433 = arith.index_cast %swap3A_1430 : i32 to index
          %swap3A_1434 = arith.index_cast %swap3A_1431 : i32 to index
          %swap3A_1435 = arith.constant 64 : index
          %swap3A_1436 = tpu.vector_load %arg11[%swap3A_1432, %swap3A_1433, %swap3A_1434, %swap3A_1435] {strides = array<i32>} : memref<8x2x8x128xf32, #tpu.memory_space<vmem>>, vector<16xf32>,
          tpu.vector_store %arg11[%swap3A_1432, %swap3A_1433, %swap3A_1434, %swap3A_1435], %gather3A_1408 {strides = array<i32>} : memref<8x2x8x128xf32, #tpu.memory_space<vmem>>, vector<16xf32>,
          %swap3A_1437 = arith.constant 1 : i32
          %swap3A_1438 = arith.constant 2 : i32
          %swap3A_1439 = arith.index_cast %add3A_246 : i32 to index
          %swap3A_1440 = arith.index_cast %swap3A_1437 : i32 to index
          %swap3A_1441 = arith.index_cast %swap3A_1438 : i32 to index
          %swap3A_1442 = arith.constant 64 : index
          %swap3A_1443 = tpu.vector_load %arg11[%swap3A_1439, %swap3A_1440, %swap3A_1441, %swap3A_1442] {strides = array<i32>} : memref<8x2x8x128xf32, #tpu.memory_space<vmem>>, vector<16xf32>,
          tpu.vector_store %arg11[%swap3A_1439, %swap3A_1440, %swap3A_1441, %swap3A_1442], %gather3A_1409 {strides = array<i32>} : memref<8x2x8x128xf32, #tpu.memory_space<vmem>>, vector<16xf32>,
          %swap3A_1444 = arith.constant 1 : i32
          %swap3A_1445 = arith.constant 3 : i32
          %swap3A_1446 = arith.index_cast %add3A_246 : i32 to index
          %swap3A_1447 = arith.index_cast %swap3A_1444 : i32 to index
          %swap3A_1448 = arith.index_cast %swap3A_1445 : i32 to index
          %swap3A_1449 = arith.constant 64 : index
          %swap3A_1450 = tpu.vector_load %arg11[%swap3A_1446, %swap3A_1447, %swap3A_1448, %swap3A_1449] {strides = array<i32>} : memref<8x2x8x128xf32, #tpu.memory_space<vmem>>, vector<16xf32>,
          tpu.vector_store %arg11[%swap3A_1446, %swap3A_1447, %swap3A_1448, %swap3A_1449], %gather3A_1410 {strides = array<i32>} : memref<8x2x8x128xf32, #tpu.memory_space<vmem>>, vector<16xf32>,
          %swap3A_1451 = arith.constant 1 : i32
          %swap3A_1452 = arith.constant 4 : i32
          %swap3A_1453 = arith.index_cast %add3A_246 : i32 to index
          %swap3A_1454 = arith.index_cast %swap3A_1451 : i32 to index
          %swap3A_1455 = arith.index_cast %swap3A_1452 : i32 to index
          %swap3A_1456 = arith.constant 64 : index
          %swap3A_1457 = tpu.vector_load %arg11[%swap3A_1453, %swap3A_1454, %swap3A_1455, %swap3A_1456] {strides = array<i32>} : memref<8x2x8x128xf32, #tpu.memory_space<vmem>>, vector<16xf32>,
          tpu.vector_store %arg11[%swap3A_1453, %swap3A_1454, %swap3A_1455, %swap3A_1456], %gather3A_1411 {strides = array<i32>} : memref<8x2x8x128xf32, #tpu.memory_space<vmem>>, vector<16xf32>,
          %swap3A_1458 = arith.constant 1 : i32
          %swap3A_1459 = arith.constant 5 : i32
          %swap3A_1460 = arith.index_cast %add3A_246 : i32 to index
          %swap3A_1461 = arith.index_cast %swap3A_1458 : i32 to index
          %swap3A_1462 = arith.index_cast %swap3A_1459 : i32 to index
          %swap3A_1463 = arith.constant 64 : index
          %swap3A_1464 = tpu.vector_load %arg11[%swap3A_1460, %swap3A_1461, %swap3A_1462, %swap3A_1463] {strides = array<i32>} : memref<8x2x8x128xf32, #tpu.memory_space<vmem>>, vector<16xf32>,
          tpu.vector_store %arg11[%swap3A_1460, %swap3A_1461, %swap3A_1462, %swap3A_1463], %gather3A_1412 {strides = array<i32>} : memref<8x2x8x128xf32, #tpu.memory_space<vmem>>, vector<16xf32>,
          %swap3A_1465 = arith.constant 1 : i32
          %swap3A_1466 = arith.constant 6 : i32
          %swap3A_1467 = arith.index_cast %add3A_246 : i32 to index
          %swap3A_1468 = arith.index_cast %swap3A_1465 : i32 to index
          %swap3A_1469 = arith.index_cast %swap3A_1466 : i32 to index
          %swap3A_1470 = arith.constant 64 : index
          %swap3A_1471 = tpu.vector_load %arg11[%swap3A_1467, %swap3A_1468, %swap3A_1469, %swap3A_1470] {strides = array<i32>} : memref<8x2x8x128xf32, #tpu.memory_space<vmem>>, vector<16xf32>,
          tpu.vector_store %arg11[%swap3A_1467, %swap3A_1468, %swap3A_1469, %swap3A_1470], %gather3A_1413 {strides = array<i32>} : memref<8x2x8x128xf32, #tpu.memory_space<vmem>>, vector<16xf32>,
          %swap3A_1472 = arith.constant 1 : i32
          %swap3A_1473 = arith.constant 7 : i32
          %swap3A_1474 = arith.index_cast %add3A_246 : i32 to index
          %swap3A_1475 = arith.index_cast %swap3A_1472 : i32 to index
          %swap3A_1476 = arith.index_cast %swap3A_1473 : i32 to index
          %swap3A_1477 = arith.constant 64 : index
          %swap3A_1478 = tpu.vector_load %arg11[%swap3A_1474, %swap3A_1475, %swap3A_1476, %swap3A_1477] {strides = array<i32>} : memref<8x2x8x128xf32, #tpu.memory_space<vmem>>, vector<16xf32>,
          tpu.vector_store %arg11[%swap3A_1474, %swap3A_1475, %swap3A_1476, %swap3A_1477], %gather3A_1414 {strides = array<i32>} : memref<8x2x8x128xf32, #tpu.memory_space<vmem>>, vector<16xf32>,
          %swap3A_1479 = arith.constant 1 : i32
          %swap3A_1480 = arith.constant 0 : i32
          %swap3A_1481 = arith.index_cast %add3A_246 : i32 to index
          %swap3A_1482 = arith.index_cast %swap3A_1479 : i32 to index
          %swap3A_1483 = arith.index_cast %swap3A_1480 : i32 to index
          %swap3A_1484 = arith.constant 80 : index
          %swap3A_1485 = tpu.vector_load %arg11[%swap3A_1481, %swap3A_1482, %swap3A_1483, %swap3A_1484] {strides = array<i32>} : memref<8x2x8x128xf32, #tpu.memory_space<vmem>>, vector<16xf32>,
          tpu.vector_store %arg11[%swap3A_1481, %swap3A_1482, %swap3A_1483, %swap3A_1484], %gather3A_1415 {strides = array<i32>} : memref<8x2x8x128xf32, #tpu.memory_space<vmem>>, vector<16xf32>,
          %swap3A_1486 = arith.constant 1 : i32
          %swap3A_1487 = arith.constant 1 : i32
          %swap3A_1488 = arith.index_cast %add3A_246 : i32 to index
          %swap3A_1489 = arith.index_cast %swap3A_1486 : i32 to index
          %swap3A_1490 = arith.index_cast %swap3A_1487 : i32 to index
          %swap3A_1491 = arith.constant 80 : index
          %swap3A_1492 = tpu.vector_load %arg11[%swap3A_1488, %swap3A_1489, %swap3A_1490, %swap3A_1491] {strides = array<i32>} : memref<8x2x8x128xf32, #tpu.memory_space<vmem>>, vector<16xf32>,
          tpu.vector_store %arg11[%swap3A_1488, %swap3A_1489, %swap3A_1490, %swap3A_1491], %gather3A_1416 {strides = array<i32>} : memref<8x2x8x128xf32, #tpu.memory_space<vmem>>, vector<16xf32>,
          %swap3A_1493 = arith.constant 1 : i32
          %swap3A_1494 = arith.constant 2 : i32
          %swap3A_1495 = arith.index_cast %add3A_246 : i32 to index
          %swap3A_1496 = arith.index_cast %swap3A_1493 : i32 to index
          %swap3A_1497 = arith.index_cast %swap3A_1494 : i32 to index
          %swap3A_1498 = arith.constant 80 : index
          %swap3A_1499 = tpu.vector_load %arg11[%swap3A_1495, %swap3A_1496, %swap3A_1497, %swap3A_1498] {strides = array<i32>} : memref<8x2x8x128xf32, #tpu.memory_space<vmem>>, vector<16xf32>,
          tpu.vector_store %arg11[%swap3A_1495, %swap3A_1496, %swap3A_1497, %swap3A_1498], %gather3A_1417 {strides = array<i32>} : memref<8x2x8x128xf32, #tpu.memory_space<vmem>>, vector<16xf32>,
          %swap3A_1500 = arith.constant 1 : i32
          %swap3A_1501 = arith.constant 3 : i32
          %swap3A_1502 = arith.index_cast %add3A_246 : i32 to index
          %swap3A_1503 = arith.index_cast %swap3A_1500 : i32 to index
          %swap3A_1504 = arith.index_cast %swap3A_1501 : i32 to index
          %swap3A_1505 = arith.constant 80 : index
          %swap3A_1506 = tpu.vector_load %arg11[%swap3A_1502, %swap3A_1503, %swap3A_1504, %swap3A_1505] {strides = array<i32>} : memref<8x2x8x128xf32, #tpu.memory_space<vmem>>, vector<16xf32>,
          tpu.vector_store %arg11[%swap3A_1502, %swap3A_1503, %swap3A_1504, %swap3A_1505], %gather3A_1418 {strides = array<i32>} : memref<8x2x8x128xf32, #tpu.memory_space<vmem>>, vector<16xf32>,
          %swap3A_1507 = arith.constant 1 : i32
          %swap3A_1508 = arith.constant 4 : i32
          %swap3A_1509 = arith.index_cast %add3A_246 : i32 to index
          %swap3A_1510 = arith.index_cast %swap3A_1507 : i32 to index
          %swap3A_1511 = arith.index_cast %swap3A_1508 : i32 to index
          %swap3A_1512 = arith.constant 80 : index
          %swap3A_1513 = tpu.vector_load %arg11[%swap3A_1509, %swap3A_1510, %swap3A_1511, %swap3A_1512] {strides = array<i32>} : memref<8x2x8x128xf32, #tpu.memory_space<vmem>>, vector<16xf32>,
          tpu.vector_store %arg11[%swap3A_1509, %swap3A_1510, %swap3A_1511, %swap3A_1512], %gather3A_1419 {strides = array<i32>} : memref<8x2x8x128xf32, #tpu.memory_space<vmem>>, vector<16xf32>,
          %swap3A_1514 = arith.constant 1 : i32
          %swap3A_1515 = arith.constant 5 : i32
          %swap3A_1516 = arith.index_cast %add3A_246 : i32 to index
          %swap3A_1517 = arith.index_cast %swap3A_1514 : i32 to index
          %swap3A_1518 = arith.index_cast %swap3A_1515 : i32 to index
          %swap3A_1519 = arith.constant 80 : index
          %swap3A_1520 = tpu.vector_load %arg11[%swap3A_1516, %swap3A_1517, %swap3A_1518, %swap3A_1519] {strides = array<i32>} : memref<8x2x8x128xf32, #tpu.memory_space<vmem>>, vector<16xf32>,
          tpu.vector_store %arg11[%swap3A_1516, %swap3A_1517, %swap3A_1518, %swap3A_1519], %gather3A_1420 {strides = array<i32>} : memref<8x2x8x128xf32, #tpu.memory_space<vmem>>, vector<16xf32>,
          %swap3A_1521 = arith.constant 1 : i32
          %swap3A_1522 = arith.constant 6 : i32
          %swap3A_1523 = arith.index_cast %add3A_246 : i32 to index
          %swap3A_1524 = arith.index_cast %swap3A_1521 : i32 to index
          %swap3A_1525 = arith.index_cast %swap3A_1522 : i32 to index
          %swap3A_1526 = arith.constant 80 : index
          %swap3A_1527 = tpu.vector_load %arg11[%swap3A_1523, %swap3A_1524, %swap3A_1525, %swap3A_1526] {strides = array<i32>} : memref<8x2x8x128xf32, #tpu.memory_space<vmem>>, vector<16xf32>,
          tpu.vector_store %arg11[%swap3A_1523, %swap3A_1524, %swap3A_1525, %swap3A_1526], %gather3A_1421 {strides = array<i32>} : memref<8x2x8x128xf32, #tpu.memory_space<vmem>>, vector<16xf32>,
          %swap3A_1528 = arith.constant 1 : i32
          %swap3A_1529 = arith.constant 7 : i32
          %swap3A_1530 = arith.index_cast %add3A_246 : i32 to index
          %swap3A_1531 = arith.index_cast %swap3A_1528 : i32 to index
          %swap3A_1532 = arith.index_cast %swap3A_1529 : i32 to index
          %swap3A_1533 = arith.constant 80 : index
          %swap3A_1534 = tpu.vector_load %arg11[%swap3A_1530, %swap3A_1531, %swap3A_1532, %swap3A_1533] {strides = array<i32>} : memref<8x2x8x128xf32, #tpu.memory_space<vmem>>, vector<16xf32>,
          tpu.vector_store %arg11[%swap3A_1530, %swap3A_1531, %swap3A_1532, %swap3A_1533], %gather3A_1422 {strides = array<i32>} : memref<8x2x8x128xf32, #tpu.memory_space<vmem>>, vector<16xf32>,
          %add3A_1535 = arith.constant 14560 : i32
          %add3A_1536 = arith.addi %add3A_1535, %mul3A_248 : i32
          %add3A_1537 = vector.broadcast %add3A_1536 : i32 to vector<16xi32>
          %add3A_1538 = arith.addi %mul3A_224, %add3A_1537 : vector<16xi32>
          %add3A_1539 = arith.constant 15600 : i32
          %add3A_1540 = arith.addi %add3A_1539, %mul3A_248 : i32
          %add3A_1541 = vector.broadcast %add3A_1540 : i32 to vector<16xi32>
          %add3A_1542 = arith.addi %mul3A_224, %add3A_1541 : vector<16xi32>
          %add3A_1543 = arith.constant 0 : i32
          %add3A_1544 = vector.broadcast %add3A_1543 : i32 to vector<16xi32>
          %add3A_1545 = arith.addi %add3A_1538, %add3A_1544 : vector<16xi32>
          %add3A_1546 = arith.constant 1 : i32
          %add3A_1547 = vector.broadcast %add3A_1546 : i32 to vector<16xi32>
          %add3A_1548 = arith.addi %add3A_1538, %add3A_1547 : vector<16xi32>
          %add3A_1549 = arith.constant 2 : i32
          %add3A_1550 = vector.broadcast %add3A_1549 : i32 to vector<16xi32>
          %add3A_1551 = arith.addi %add3A_1538, %add3A_1550 : vector<16xi32>
          %add3A_1552 = arith.constant 3 : i32
          %add3A_1553 = vector.broadcast %add3A_1552 : i32 to vector<16xi32>
          %add3A_1554 = arith.addi %add3A_1538, %add3A_1553 : vector<16xi32>
          %add3A_1555 = arith.constant 4 : i32
          %add3A_1556 = vector.broadcast %add3A_1555 : i32 to vector<16xi32>
          %add3A_1557 = arith.addi %add3A_1538, %add3A_1556 : vector<16xi32>
          %add3A_1558 = arith.constant 5 : i32
          %add3A_1559 = vector.broadcast %add3A_1558 : i32 to vector<16xi32>
          %add3A_1560 = arith.addi %add3A_1538, %add3A_1559 : vector<16xi32>
          %add3A_1561 = arith.constant 6 : i32
          %add3A_1562 = vector.broadcast %add3A_1561 : i32 to vector<16xi32>
          %add3A_1563 = arith.addi %add3A_1538, %add3A_1562 : vector<16xi32>
          %add3A_1564 = arith.constant 7 : i32
          %add3A_1565 = vector.broadcast %add3A_1564 : i32 to vector<16xi32>
          %add3A_1566 = arith.addi %add3A_1538, %add3A_1565 : vector<16xi32>
          %add3A_1567 = arith.constant 0 : i32
          %add3A_1568 = vector.broadcast %add3A_1567 : i32 to vector<16xi32>
          %add3A_1569 = arith.addi %add3A_1542, %add3A_1568 : vector<16xi32>
          %add3A_1570 = arith.constant 1 : i32
          %add3A_1571 = vector.broadcast %add3A_1570 : i32 to vector<16xi32>
          %add3A_1572 = arith.addi %add3A_1542, %add3A_1571 : vector<16xi32>
          %add3A_1573 = arith.constant 2 : i32
          %add3A_1574 = vector.broadcast %add3A_1573 : i32 to vector<16xi32>
          %add3A_1575 = arith.addi %add3A_1542, %add3A_1574 : vector<16xi32>
          %add3A_1576 = arith.constant 3 : i32
          %add3A_1577 = vector.broadcast %add3A_1576 : i32 to vector<16xi32>
          %add3A_1578 = arith.addi %add3A_1542, %add3A_1577 : vector<16xi32>
          %add3A_1579 = arith.constant 4 : i32
          %add3A_1580 = vector.broadcast %add3A_1579 : i32 to vector<16xi32>
          %add3A_1581 = arith.addi %add3A_1542, %add3A_1580 : vector<16xi32>
          %add3A_1582 = arith.constant 5 : i32
          %add3A_1583 = vector.broadcast %add3A_1582 : i32 to vector<16xi32>
          %add3A_1584 = arith.addi %add3A_1542, %add3A_1583 : vector<16xi32>
          %add3A_1585 = arith.constant 6 : i32
          %add3A_1586 = vector.broadcast %add3A_1585 : i32 to vector<16xi32>
          %add3A_1587 = arith.addi %add3A_1542, %add3A_1586 : vector<16xi32>
          %add3A_1588 = arith.constant 7 : i32
          %add3A_1589 = vector.broadcast %add3A_1588 : i32 to vector<16xi32>
          %add3A_1590 = arith.addi %add3A_1542, %add3A_1589 : vector<16xi32>
          %gather3A_1591 = tpu.vector_load_idx %arg12[%add3A_1545] : memref<16640xf32, #tpu.memory_space<vmem>>[vector<16xi32>], vector<16xf32>,
          %gather3A_1592 = tpu.vector_load_idx %arg12[%add3A_1548] : memref<16640xf32, #tpu.memory_space<vmem>>[vector<16xi32>], vector<16xf32>,
          %gather3A_1593 = tpu.vector_load_idx %arg12[%add3A_1551] : memref<16640xf32, #tpu.memory_space<vmem>>[vector<16xi32>], vector<16xf32>,
          %gather3A_1594 = tpu.vector_load_idx %arg12[%add3A_1554] : memref<16640xf32, #tpu.memory_space<vmem>>[vector<16xi32>], vector<16xf32>,
          %gather3A_1595 = tpu.vector_load_idx %arg12[%add3A_1557] : memref<16640xf32, #tpu.memory_space<vmem>>[vector<16xi32>], vector<16xf32>,
          %gather3A_1596 = tpu.vector_load_idx %arg12[%add3A_1560] : memref<16640xf32, #tpu.memory_space<vmem>>[vector<16xi32>], vector<16xf32>,
          %gather3A_1597 = tpu.vector_load_idx %arg12[%add3A_1563] : memref<16640xf32, #tpu.memory_space<vmem>>[vector<16xi32>], vector<16xf32>,
          %gather3A_1598 = tpu.vector_load_idx %arg12[%add3A_1566] : memref<16640xf32, #tpu.memory_space<vmem>>[vector<16xi32>], vector<16xf32>,
          %gather3A_1599 = tpu.vector_load_idx %arg12[%add3A_1569] : memref<16640xf32, #tpu.memory_space<vmem>>[vector<16xi32>], vector<16xf32>,
          %gather3A_1600 = tpu.vector_load_idx %arg12[%add3A_1572] : memref<16640xf32, #tpu.memory_space<vmem>>[vector<16xi32>], vector<16xf32>,
          %gather3A_1601 = tpu.vector_load_idx %arg12[%add3A_1575] : memref<16640xf32, #tpu.memory_space<vmem>>[vector<16xi32>], vector<16xf32>,
          %gather3A_1602 = tpu.vector_load_idx %arg12[%add3A_1578] : memref<16640xf32, #tpu.memory_space<vmem>>[vector<16xi32>], vector<16xf32>,
          %gather3A_1603 = tpu.vector_load_idx %arg12[%add3A_1581] : memref<16640xf32, #tpu.memory_space<vmem>>[vector<16xi32>], vector<16xf32>,
          %gather3A_1604 = tpu.vector_load_idx %arg12[%add3A_1584] : memref<16640xf32, #tpu.memory_space<vmem>>[vector<16xi32>], vector<16xf32>,
          %gather3A_1605 = tpu.vector_load_idx %arg12[%add3A_1587] : memref<16640xf32, #tpu.memory_space<vmem>>[vector<16xi32>], vector<16xf32>,
          %gather3A_1606 = tpu.vector_load_idx %arg12[%add3A_1590] : memref<16640xf32, #tpu.memory_space<vmem>>[vector<16xi32>], vector<16xf32>,
          %swap3A_1607 = arith.constant 1 : i32
          %swap3A_1608 = arith.constant 0 : i32
          %swap3A_1609 = arith.index_cast %add3A_246 : i32 to index
          %swap3A_1610 = arith.index_cast %swap3A_1607 : i32 to index
          %swap3A_1611 = arith.index_cast %swap3A_1608 : i32 to index
          %swap3A_1612 = arith.constant 96 : index
          %swap3A_1613 = tpu.vector_load %arg11[%swap3A_1609, %swap3A_1610, %swap3A_1611, %swap3A_1612] {strides = array<i32>} : memref<8x2x8x128xf32, #tpu.memory_space<vmem>>, vector<16xf32>,
          tpu.vector_store %arg11[%swap3A_1609, %swap3A_1610, %swap3A_1611, %swap3A_1612], %gather3A_1591 {strides = array<i32>} : memref<8x2x8x128xf32, #tpu.memory_space<vmem>>, vector<16xf32>,
          %swap3A_1614 = arith.constant 1 : i32
          %swap3A_1615 = arith.constant 1 : i32
          %swap3A_1616 = arith.index_cast %add3A_246 : i32 to index
          %swap3A_1617 = arith.index_cast %swap3A_1614 : i32 to index
          %swap3A_1618 = arith.index_cast %swap3A_1615 : i32 to index
          %swap3A_1619 = arith.constant 96 : index
          %swap3A_1620 = tpu.vector_load %arg11[%swap3A_1616, %swap3A_1617, %swap3A_1618, %swap3A_1619] {strides = array<i32>} : memref<8x2x8x128xf32, #tpu.memory_space<vmem>>, vector<16xf32>,
          tpu.vector_store %arg11[%swap3A_1616, %swap3A_1617, %swap3A_1618, %swap3A_1619], %gather3A_1592 {strides = array<i32>} : memref<8x2x8x128xf32, #tpu.memory_space<vmem>>, vector<16xf32>,
          %swap3A_1621 = arith.constant 1 : i32
          %swap3A_1622 = arith.constant 2 : i32
          %swap3A_1623 = arith.index_cast %add3A_246 : i32 to index
          %swap3A_1624 = arith.index_cast %swap3A_1621 : i32 to index
          %swap3A_1625 = arith.index_cast %swap3A_1622 : i32 to index
          %swap3A_1626 = arith.constant 96 : index
          %swap3A_1627 = tpu.vector_load %arg11[%swap3A_1623, %swap3A_1624, %swap3A_1625, %swap3A_1626] {strides = array<i32>} : memref<8x2x8x128xf32, #tpu.memory_space<vmem>>, vector<16xf32>,
          tpu.vector_store %arg11[%swap3A_1623, %swap3A_1624, %swap3A_1625, %swap3A_1626], %gather3A_1593 {strides = array<i32>} : memref<8x2x8x128xf32, #tpu.memory_space<vmem>>, vector<16xf32>,
          %swap3A_1628 = arith.constant 1 : i32
          %swap3A_1629 = arith.constant 3 : i32
          %swap3A_1630 = arith.index_cast %add3A_246 : i32 to index
          %swap3A_1631 = arith.index_cast %swap3A_1628 : i32 to index
          %swap3A_1632 = arith.index_cast %swap3A_1629 : i32 to index
          %swap3A_1633 = arith.constant 96 : index
          %swap3A_1634 = tpu.vector_load %arg11[%swap3A_1630, %swap3A_1631, %swap3A_1632, %swap3A_1633] {strides = array<i32>} : memref<8x2x8x128xf32, #tpu.memory_space<vmem>>, vector<16xf32>,
          tpu.vector_store %arg11[%swap3A_1630, %swap3A_1631, %swap3A_1632, %swap3A_1633], %gather3A_1594 {strides = array<i32>} : memref<8x2x8x128xf32, #tpu.memory_space<vmem>>, vector<16xf32>,
          %swap3A_1635 = arith.constant 1 : i32
          %swap3A_1636 = arith.constant 4 : i32
          %swap3A_1637 = arith.index_cast %add3A_246 : i32 to index
          %swap3A_1638 = arith.index_cast %swap3A_1635 : i32 to index
          %swap3A_1639 = arith.index_cast %swap3A_1636 : i32 to index
          %swap3A_1640 = arith.constant 96 : index
          %swap3A_1641 = tpu.vector_load %arg11[%swap3A_1637, %swap3A_1638, %swap3A_1639, %swap3A_1640] {strides = array<i32>} : memref<8x2x8x128xf32, #tpu.memory_space<vmem>>, vector<16xf32>,
          tpu.vector_store %arg11[%swap3A_1637, %swap3A_1638, %swap3A_1639, %swap3A_1640], %gather3A_1595 {strides = array<i32>} : memref<8x2x8x128xf32, #tpu.memory_space<vmem>>, vector<16xf32>,
          %swap3A_1642 = arith.constant 1 : i32
          %swap3A_1643 = arith.constant 5 : i32
          %swap3A_1644 = arith.index_cast %add3A_246 : i32 to index
          %swap3A_1645 = arith.index_cast %swap3A_1642 : i32 to index
          %swap3A_1646 = arith.index_cast %swap3A_1643 : i32 to index
          %swap3A_1647 = arith.constant 96 : index
          %swap3A_1648 = tpu.vector_load %arg11[%swap3A_1644, %swap3A_1645, %swap3A_1646, %swap3A_1647] {strides = array<i32>} : memref<8x2x8x128xf32, #tpu.memory_space<vmem>>, vector<16xf32>,
          tpu.vector_store %arg11[%swap3A_1644, %swap3A_1645, %swap3A_1646, %swap3A_1647], %gather3A_1596 {strides = array<i32>} : memref<8x2x8x128xf32, #tpu.memory_space<vmem>>, vector<16xf32>,
          %swap3A_1649 = arith.constant 1 : i32
          %swap3A_1650 = arith.constant 6 : i32
          %swap3A_1651 = arith.index_cast %add3A_246 : i32 to index
          %swap3A_1652 = arith.index_cast %swap3A_1649 : i32 to index
          %swap3A_1653 = arith.index_cast %swap3A_1650 : i32 to index
          %swap3A_1654 = arith.constant 96 : index
          %swap3A_1655 = tpu.vector_load %arg11[%swap3A_1651, %swap3A_1652, %swap3A_1653, %swap3A_1654] {strides = array<i32>} : memref<8x2x8x128xf32, #tpu.memory_space<vmem>>, vector<16xf32>,
          tpu.vector_store %arg11[%swap3A_1651, %swap3A_1652, %swap3A_1653, %swap3A_1654], %gather3A_1597 {strides = array<i32>} : memref<8x2x8x128xf32, #tpu.memory_space<vmem>>, vector<16xf32>,
          %swap3A_1656 = arith.constant 1 : i32
          %swap3A_1657 = arith.constant 7 : i32
          %swap3A_1658 = arith.index_cast %add3A_246 : i32 to index
          %swap3A_1659 = arith.index_cast %swap3A_1656 : i32 to index
          %swap3A_1660 = arith.index_cast %swap3A_1657 : i32 to index
          %swap3A_1661 = arith.constant 96 : index
          %swap3A_1662 = tpu.vector_load %arg11[%swap3A_1658, %swap3A_1659, %swap3A_1660, %swap3A_1661] {strides = array<i32>} : memref<8x2x8x128xf32, #tpu.memory_space<vmem>>, vector<16xf32>,
          tpu.vector_store %arg11[%swap3A_1658, %swap3A_1659, %swap3A_1660, %swap3A_1661], %gather3A_1598 {strides = array<i32>} : memref<8x2x8x128xf32, #tpu.memory_space<vmem>>, vector<16xf32>,
          %swap3A_1663 = arith.constant 1 : i32
          %swap3A_1664 = arith.constant 0 : i32
          %swap3A_1665 = arith.index_cast %add3A_246 : i32 to index
          %swap3A_1666 = arith.index_cast %swap3A_1663 : i32 to index
          %swap3A_1667 = arith.index_cast %swap3A_1664 : i32 to index
          %swap3A_1668 = arith.constant 112 : index
          %swap3A_1669 = tpu.vector_load %arg11[%swap3A_1665, %swap3A_1666, %swap3A_1667, %swap3A_1668] {strides = array<i32>} : memref<8x2x8x128xf32, #tpu.memory_space<vmem>>, vector<16xf32>,
          tpu.vector_store %arg11[%swap3A_1665, %swap3A_1666, %swap3A_1667, %swap3A_1668], %gather3A_1599 {strides = array<i32>} : memref<8x2x8x128xf32, #tpu.memory_space<vmem>>, vector<16xf32>,
          %swap3A_1670 = arith.constant 1 : i32
          %swap3A_1671 = arith.constant 1 : i32
          %swap3A_1672 = arith.index_cast %add3A_246 : i32 to index
          %swap3A_1673 = arith.index_cast %swap3A_1670 : i32 to index
          %swap3A_1674 = arith.index_cast %swap3A_1671 : i32 to index
          %swap3A_1675 = arith.constant 112 : index
          %swap3A_1676 = tpu.vector_load %arg11[%swap3A_1672, %swap3A_1673, %swap3A_1674, %swap3A_1675] {strides = array<i32>} : memref<8x2x8x128xf32, #tpu.memory_space<vmem>>, vector<16xf32>,
          tpu.vector_store %arg11[%swap3A_1672, %swap3A_1673, %swap3A_1674, %swap3A_1675], %gather3A_1600 {strides = array<i32>} : memref<8x2x8x128xf32, #tpu.memory_space<vmem>>, vector<16xf32>,
          %swap3A_1677 = arith.constant 1 : i32
          %swap3A_1678 = arith.constant 2 : i32
          %swap3A_1679 = arith.index_cast %add3A_246 : i32 to index
          %swap3A_1680 = arith.index_cast %swap3A_1677 : i32 to index
          %swap3A_1681 = arith.index_cast %swap3A_1678 : i32 to index
          %swap3A_1682 = arith.constant 112 : index
          %swap3A_1683 = tpu.vector_load %arg11[%swap3A_1679, %swap3A_1680, %swap3A_1681, %swap3A_1682] {strides = array<i32>} : memref<8x2x8x128xf32, #tpu.memory_space<vmem>>, vector<16xf32>,
          tpu.vector_store %arg11[%swap3A_1679, %swap3A_1680, %swap3A_1681, %swap3A_1682], %gather3A_1601 {strides = array<i32>} : memref<8x2x8x128xf32, #tpu.memory_space<vmem>>, vector<16xf32>,
          %swap3A_1684 = arith.constant 1 : i32
          %swap3A_1685 = arith.constant 3 : i32
          %swap3A_1686 = arith.index_cast %add3A_246 : i32 to index
          %swap3A_1687 = arith.index_cast %swap3A_1684 : i32 to index
          %swap3A_1688 = arith.index_cast %swap3A_1685 : i32 to index
          %swap3A_1689 = arith.constant 112 : index
          %swap3A_1690 = tpu.vector_load %arg11[%swap3A_1686, %swap3A_1687, %swap3A_1688, %swap3A_1689] {strides = array<i32>} : memref<8x2x8x128xf32, #tpu.memory_space<vmem>>, vector<16xf32>,
          tpu.vector_store %arg11[%swap3A_1686, %swap3A_1687, %swap3A_1688, %swap3A_1689], %gather3A_1602 {strides = array<i32>} : memref<8x2x8x128xf32, #tpu.memory_space<vmem>>, vector<16xf32>,
          %swap3A_1691 = arith.constant 1 : i32
          %swap3A_1692 = arith.constant 4 : i32
          %swap3A_1693 = arith.index_cast %add3A_246 : i32 to index
          %swap3A_1694 = arith.index_cast %swap3A_1691 : i32 to index
          %swap3A_1695 = arith.index_cast %swap3A_1692 : i32 to index
          %swap3A_1696 = arith.constant 112 : index
          %swap3A_1697 = tpu.vector_load %arg11[%swap3A_1693, %swap3A_1694, %swap3A_1695, %swap3A_1696] {strides = array<i32>} : memref<8x2x8x128xf32, #tpu.memory_space<vmem>>, vector<16xf32>,
          tpu.vector_store %arg11[%swap3A_1693, %swap3A_1694, %swap3A_1695, %swap3A_1696], %gather3A_1603 {strides = array<i32>} : memref<8x2x8x128xf32, #tpu.memory_space<vmem>>, vector<16xf32>,
          %swap3A_1698 = arith.constant 1 : i32
          %swap3A_1699 = arith.constant 5 : i32
          %swap3A_1700 = arith.index_cast %add3A_246 : i32 to index
          %swap3A_1701 = arith.index_cast %swap3A_1698 : i32 to index
          %swap3A_1702 = arith.index_cast %swap3A_1699 : i32 to index
          %swap3A_1703 = arith.constant 112 : index
          %swap3A_1704 = tpu.vector_load %arg11[%swap3A_1700, %swap3A_1701, %swap3A_1702, %swap3A_1703] {strides = array<i32>} : memref<8x2x8x128xf32, #tpu.memory_space<vmem>>, vector<16xf32>,
          tpu.vector_store %arg11[%swap3A_1700, %swap3A_1701, %swap3A_1702, %swap3A_1703], %gather3A_1604 {strides = array<i32>} : memref<8x2x8x128xf32, #tpu.memory_space<vmem>>, vector<16xf32>,
          %swap3A_1705 = arith.constant 1 : i32
          %swap3A_1706 = arith.constant 6 : i32
          %swap3A_1707 = arith.index_cast %add3A_246 : i32 to index
          %swap3A_1708 = arith.index_cast %swap3A_1705 : i32 to index
          %swap3A_1709 = arith.index_cast %swap3A_1706 : i32 to index
          %swap3A_1710 = arith.constant 112 : index
          %swap3A_1711 = tpu.vector_load %arg11[%swap3A_1707, %swap3A_1708, %swap3A_1709, %swap3A_1710] {strides = array<i32>} : memref<8x2x8x128xf32, #tpu.memory_space<vmem>>, vector<16xf32>,
          tpu.vector_store %arg11[%swap3A_1707, %swap3A_1708, %swap3A_1709, %swap3A_1710], %gather3A_1605 {strides = array<i32>} : memref<8x2x8x128xf32, #tpu.memory_space<vmem>>, vector<16xf32>,
          %swap3A_1712 = arith.constant 1 : i32
          %swap3A_1713 = arith.constant 7 : i32
          %swap3A_1714 = arith.index_cast %add3A_246 : i32 to index
          %swap3A_1715 = arith.index_cast %swap3A_1712 : i32 to index
          %swap3A_1716 = arith.index_cast %swap3A_1713 : i32 to index
          %swap3A_1717 = arith.constant 112 : index
          %swap3A_1718 = tpu.vector_load %arg11[%swap3A_1714, %swap3A_1715, %swap3A_1716, %swap3A_1717] {strides = array<i32>} : memref<8x2x8x128xf32, #tpu.memory_space<vmem>>, vector<16xf32>,
          tpu.vector_store %arg11[%swap3A_1714, %swap3A_1715, %swap3A_1716, %swap3A_1717], %gather3A_1606 {strides = array<i32>} : memref<8x2x8x128xf32, #tpu.memory_space<vmem>>, vector<16xf32>,
        }
        %scan3A_229 = arith.constant 8 : i32
        %mul3A_230 = arith.constant 2 : i32
        %mul3A_231 = arith.muli %mul3A_230, %select_n3A_9 : i32
        %dma_start3A_232 = arith.constant 0 : i32
        %dma_start3A_233 = arith.constant 0 : i32
        %dma_start3A_234 = arith.constant 0 : i32
        %dma_start3A_235 = tpu.memref_slice %arg5[%add3A_160, %dma_start3A_232, %mul3A_231, %dma_start3A_233, %dma_start3A_234] : memref<200x8x32x8x128xf32, #tpu.memory_space<hbm>> -> memref<1x8x2x8x128xf32, #tpu.memory_space<hbm>>
        %dma_start3A_236 = tpu.memref_squeeze %dma_start3A_235 : memref<1x8x2x8x128xf32, #tpu.memory_space<hbm>> -> memref<8x2x8x128xf32, #tpu.memory_space<hbm>>
        %dma_start3A_237 = arith.constant 0 : i32
        %dma_start3A_238 = arith.constant 0 : i32
        %dma_start3A_239 = arith.constant 0 : i32
        %dma_start3A_240 = tpu.memref_slice %arg5[%add3A_160, %dma_start3A_237, %mul3A_231, %dma_start3A_238, %dma_start3A_239] : memref<200x8x32x8x128xf32, #tpu.memory_space<hbm>> -> memref<1x8x2x8x128xf32, #tpu.memory_space<hbm>>
        %dma_start3A_241 = tpu.memref_squeeze %dma_start3A_240 : memref<1x8x2x8x128xf32, #tpu.memory_space<hbm>> -> memref<8x2x8x128xf32, #tpu.memory_space<hbm>>
        tpu.enqueue_dma source(%arg11 : memref<8x2x8x128xf32, #tpu.memory_space<vmem>>) target(%dma_start3A_241 : memref<8x2x8x128xf32, #tpu.memory_space<hbm>>) target_semaphore(%arg17 : memref<!tpu.dma_semaphore, #tpu.memory_space<semaphore_mem>>)
      } else {
      }
    }
    %scan3A_110 = arith.constant 100 : i32
    %add3A_111 = arith.constant 98 : i32
    %add3A_112 = arith.addi %mul3A_32, %add3A_111 : i32
    %mul3A_113 = arith.constant 2 : i32
    %mul3A_114 = arith.muli %mul3A_113, %select_n3A_9 : i32
    %dma_wait3A = arith.constant 0 : i32
    %dma_wait3A_115 = arith.constant 0 : i32
    %dma_wait3A_116 = arith.constant 0 : i32
    %dma_wait3A_117 = tpu.memref_slice %arg5[%add3A_112, %dma_wait3A, %mul3A_114, %dma_wait3A_115, %dma_wait3A_116] : memref<200x8x32x8x128xf32, #tpu.memory_space<hbm>> -> memref<1x8x2x8x128xf32, #tpu.memory_space<hbm>>
    %dma_wait3A_118 = tpu.memref_squeeze %dma_wait3A_117 : memref<1x8x2x8x128xf32, #tpu.memory_space<hbm>> -> memref<8x2x8x128xf32, #tpu.memory_space<hbm>>
    %dma_wait3A_119 = arith.constant 0 : i32
    %dma_wait3A_120 = arith.constant 0 : i32
    %dma_wait3A_121 = arith.constant 0 : i32
    %dma_wait3A_122 = tpu.memref_slice %arg5[%add3A_112, %dma_wait3A_119, %mul3A_114, %dma_wait3A_120, %dma_wait3A_121] : memref<200x8x32x8x128xf32, #tpu.memory_space<hbm>> -> memref<1x8x2x8x128xf32, #tpu.memory_space<hbm>>
    %dma_wait3A_123 = tpu.memref_squeeze %dma_wait3A_122 : memref<1x8x2x8x128xf32, #tpu.memory_space<hbm>> -> memref<8x2x8x128xf32, #tpu.memory_space<hbm>>
    tpu.wait_dma2 semaphore(%arg16 : memref<!tpu.dma_semaphore, #tpu.memory_space<semaphore_mem>>) src(%arg10 : memref<8x2x8x128xf32, #tpu.memory_space<vmem>>) dst(%dma_wait3A_123 : memref<8x2x8x128xf32, #tpu.memory_space<hbm>>)
    %add3A_124 = arith.constant 99 : i32
    %add3A_125 = arith.addi %mul3A_32, %add3A_124 : i32
    %mul3A_126 = arith.constant 2 : i32
    %mul3A_127 = arith.muli %mul3A_126, %select_n3A_9 : i32
    %dma_wait3A_128 = arith.constant 0 : i32
    %dma_wait3A_129 = arith.constant 0 : i32
    %dma_wait3A_130 = arith.constant 0 : i32
    %dma_wait3A_131 = tpu.memref_slice %arg5[%add3A_125, %dma_wait3A_128, %mul3A_127, %dma_wait3A_129, %dma_wait3A_130] : memref<200x8x32x8x128xf32, #tpu.memory_space<hbm>> -> memref<1x8x2x8x128xf32, #tpu.memory_space<hbm>>
    %dma_wait3A_132 = tpu.memref_squeeze %dma_wait3A_131 : memref<1x8x2x8x128xf32, #tpu.memory_space<hbm>> -> memref<8x2x8x128xf32, #tpu.memory_space<hbm>>
    %dma_wait3A_133 = arith.constant 0 : i32
    %dma_wait3A_134 = arith.constant 0 : i32
    %dma_wait3A_135 = arith.constant 0 : i32
    %dma_wait3A_136 = tpu.memref_slice %arg5[%add3A_125, %dma_wait3A_133, %mul3A_127, %dma_wait3A_134, %dma_wait3A_135] : memref<200x8x32x8x128xf32, #tpu.memory_space<hbm>> -> memref<1x8x2x8x128xf32, #tpu.memory_space<hbm>>
    %dma_wait3A_137 = tpu.memref_squeeze %dma_wait3A_136 : memref<1x8x2x8x128xf32, #tpu.memory_space<hbm>> -> memref<8x2x8x128xf32, #tpu.memory_space<hbm>>
    tpu.wait_dma2 semaphore(%arg17 : memref<!tpu.dma_semaphore, #tpu.memory_space<semaphore_mem>>) src(%arg11 : memref<8x2x8x128xf32, #tpu.memory_space<vmem>>) dst(%dma_wait3A_137 : memref<8x2x8x128xf32, #tpu.memory_space<hbm>>)
    return
  }
}

</mosaic_0001>

<sc_bundles>
// kernel: kernel.3.cloned.1.call-start
scs
__scs_entry_jumppad:
0x0: {  	(pc) =	sbr.rel $0x88, $3  }
0x1: {  	(tag) =	ssettag $0x0;
	lr =	simm.s32 $0x1  }
0x2: {  	[smem:$0x3F9F] =	sst lr;
	_ =	strace $0xD0000000  }
0x3: {  	_ = 	snop  }
0x4: {  	_ = 	snop  }
0x5: {  	_ = 	snop  }
0x6: {  	_ = 	snop  }
0x7: {  	_ = 	snop  }
__scs_overlays_trampoline_lowered:
0x8: {  	[smem:$0x3FAE] =	sst s0  }
0x9: {  	[smem:$0x3FAF] =	sst s1  }
0xa: {  	[smem:$0x3FB0] =	sst s2  }
0xb: {  	[smem:$0x3FB1] =	sst s3  }
0xc: {  	[smem:$0x3FB2] =	sst s4  }
0xd: {  	[smem:$0x3FB3] =	sst s5  }
0xe: {  	[smem:$0x3FB4] =	sst s6  }
0xf: {  	[smem:$0x3FB5] =	sst s7  }
0x10: {  	[smem:$0x3FB6] =	sst s8  }
0x11: {  	[smem:$0x3FB7] =	sst s9;
	s0 =	simm.s32 @!p0 $0x0  }
0x12: {  	s1 =	sld [smem:$0x3F9D];
	s0 =	simm.s32 @p0 $0x1  }
0x13: {  	[smem:$0x3FB8] =	sst s0;
	s0 =	simm.s32 @!p1 $0x0  }
0x14: {  	s2 =	sld [smem:$0x3F9C];
	s0 =	simm.s32 @p1 $0x1  }
0x15: {  	[smem:$0x3FB9] =	sst s0;
	s0 =	simm.s32 @!p2 $0x0  }
0x16: {  	s3 =	sld [smem:$0x3FDB];
	s0 =	simm.s32 @p2 $0x1  }
0x17: {  	s4 =	simm.s32 $0x1BF5;
	[smem:$0x3FBB] =	sst s0  }
0x18: {  	s0 =	sld [smem:$0x3F9E];
	_ =	swait.ge [sflag:s4], $0x0  }
0x19: {  	s7 =	sld [smem:$0x3F9F]  }
0x1a: {  	s8 =	sadd.s32 $0xFFFFE003, lr  }
0x1b: {  	s9 =	sadd.s32 $0xFFFFFEF7, lr;
	s5 =	simm.s32 $0xFFFFFFFF;
	p2 =	slt.u32 s8, $0xFFFFF086  }
0x1c: {  	p1 =	slt.u32 s9, $0xF7A;
	s5 =	simm.s32 @!p2 $0x0  }
0x1d: {  	s5 =	simm.s32 @p1 $0x1;
	p0 =	seq.s32 s7, s2  }
0x1e: {  	s7 =	smul.u32 @!p0 $0xF7A, s2;
	p2 =	seq.s32 @!p0 s5, $0x0  }
0x1f: {  	s9 =	smul.u32 $0xF7A, s1;
	s8 =	simm.s32 @!p0 $0x1BF5;
	p2 =	por !p2, p0  }
0x20: {  	[sflag:s8] =	ssyncset.s32 @!p0 $0xFFFFF086;
	s6 =	sadd.s32 @!p0 s3, s7;
	s7 =	simm.s32 @!p0 $0x108  }
0x21: {  	s3 =	sadd.s32 s3, s9;
	s6 =	sadd.s32 @!p0 $0x88, s6;
	s7 =	simm.s32 @p2 $0x1082  }
0x22: {  	[simem:s7], [sflag:s8] =	dma.local @!p0 [hbm:s6], $0xF7A  }
0x23: {  	s9 =	sor.u32 $0xD0000000, s2;
	s6 =	simm.s32 $0x108;
	_ =	swait.ge @!p0 [sflag:s8], $0x0  }
0x24: {  	s3 =	sadd.s32 $0x88, s3;
	s6 =	simm.s32 @!p1 $0x1082;
	[sflag:s4] =	ssyncset.s32 $0xFFFFF086  }
0x25: {  	[simem:s6], [sflag:s4] =	dma.local [hbm:s3], $0xF7A  }
0x26: {  	[smem:$0x3F9F] =	sst s1;
	(tag) =	ssettag s2;
	_ =	strace s9  }
0x27: {  	s1 =	sld [smem:$0x3FAF]  }
0x28: {  	s2 =	sld [smem:$0x3FB0]  }
0x29: {  	s4 =	sld [smem:$0x3FB2]  }
0x2a: {  	p0 =	seq.s32 s5, $0x0;
	s5 =	sld [smem:$0x3FB3]  }
0x2b: {  	s6 =	sld [smem:$0x3FB4]  }
0x2c: {  	s7 =	sld [smem:$0x3FB5]  }
0x2d: {  	s3 =	simm.s32 $0x108;
	s8 =	sld [smem:$0x3FB6]  }
0x2e: {  	s3 =	simm.s32 @!p0 $0x1082;
	s9 =	sld [smem:$0x3FB7]  }
0x2f: {  	lr =	sadd.s32 s0, s3;
	s0 =	sld [smem:$0x3FAE]  }
0x30: {  	s3 =	sld [smem:$0x3FB1]  }
0x31: {  	[smem:$0x3FBA] =	sst s10  }
0x32: {  	s10 =	sld [smem:$0x3FB8];
	_ =	sdelay $0x3  }
0x33: {  	p0 =	seq.s32 s10, $0x1;
	s10 =	sld [smem:$0x3FBA];
	_ =	sdelay $0x3  }
0x34: {  	[smem:$0x3FBA] =	sst s10  }
0x35: {  	s10 =	sld [smem:$0x3FB9];
	_ =	sdelay $0x3  }
0x36: {  	p1 =	seq.s32 s10, $0x1;
	s10 =	sld [smem:$0x3FBA];
	_ =	sdelay $0x3  }
0x37: {  	[smem:$0x3FBA] =	sst s10  }
0x38: {  	s10 =	sld [smem:$0x3FBB]  }
0x39: {  	_ = 	snop;
	(pc) =	sbr.ind lr, $3  }
0x3a: {  	_ = 	snop  }
0x3b: {  	_ = 	snop  }
0x3c: {  	p2 =	seq.s32 s10, $0x1;
	s10 =	sld [smem:$0x3FBA]  }
0x3d: {  	_ =	shalt  }
0x3e: {  	_ =	shalt  }
0x3f: {  	_ =	shalt  }
0x40: {  	_ =	shalt  }
0x41: {  	_ =	shalt  }
0x42: {  	_ =	shalt  }
0x43: {  	_ =	shalt  }
0x44: {  	_ =	shalt  }
0x45: {  	_ =	shalt  }
0x46: {  	_ =	shalt  }
0x47: {  	_ =	shalt  }
0x48: {  	_ =	shalt  }
0x49: {  	_ =	shalt  }
0x4a: {  	_ =	shalt  }
0x4b: {  	_ =	shalt  }
0x4c: {  	_ =	shalt  }
0x4d: {  	_ =	shalt  }
0x4e: {  	_ =	shalt  }
0x4f: {  	_ =	shalt  }
0x50: {  	_ =	shalt  }
0x51: {  	_ =	shalt  }
0x52: {  	_ =	shalt  }
0x53: {  	_ =	shalt  }
0x54: {  	_ =	shalt  }
0x55: {  	_ =	shalt  }
0x56: {  	_ =	shalt  }
0x57: {  	_ =	shalt  }
0x58: {  	_ =	shalt  }
0x59: {  	_ =	shalt  }
0x5a: {  	_ =	shalt  }
0x5b: {  	_ =	shalt  }
0x5c: {  	_ =	shalt  }
0x5d: {  	_ =	shalt  }
0x5e: {  	_ =	shalt  }
0x5f: {  	_ =	shalt  }
0x60: {  	_ =	shalt  }
0x61: {  	_ =	shalt  }
0x62: {  	_ =	shalt  }
0x63: {  	_ =	shalt  }
0x64: {  	_ =	shalt  }
0x65: {  	_ =	shalt  }
0x66: {  	_ =	shalt  }
0x67: {  	_ =	shalt  }
0x68: {  	_ =	shalt  }
0x69: {  	_ =	shalt  }
0x6a: {  	_ =	shalt  }
0x6b: {  	_ =	shalt  }
0x6c: {  	_ =	shalt  }
0x6d: {  	_ =	shalt  }
0x6e: {  	_ =	shalt  }
0x6f: {  	_ =	shalt  }
0x70: {  	_ =	shalt  }
0x71: {  	_ =	shalt  }
0x72: {  	_ =	shalt  }
0x73: {  	_ =	shalt  }
0x74: {  	_ =	shalt  }
0x75: {  	_ =	shalt  }
0x76: {  	_ =	shalt  }
0x77: {  	_ =	shalt  }
0x78: {  	_ =	shalt  }
0x79: {  	_ =	shalt  }
0x7a: {  	_ =	shalt  }
0x7b: {  	_ =	shalt  }
0x7c: {  	_ =	shalt  }
0x7d: {  	_ =	shalt  }
0x7e: {  	_ =	shalt  }
0x7f: {  	_ =	shalt  }
0x80: {  	_ =	shalt  }
0x81: {  	_ =	shalt  }
0x82: {  	_ =	shalt  }
0x83: {  	_ =	shalt  }
0x84: {  	_ =	shalt  }
0x85: {  	_ =	shalt  }
0x86: {  	_ =	shalt  }
0x87: {  	_ =	shalt  }
.Lfunc_end0:
.L_simem_size_0:
called_computation_lowered:
.L_overlay_start_0:
0x88: {  	s2 =	sld [smem:$0x3FD9]  }
0x89: {  	s3 =	sld [smem:$0x3FFE];
	_ =	sdelay $0x1  }
0x8a: {  	s1 =	srdreg.scid  }
0x8b: {  	s0 =	sand.u32 $0x1, s1  }
0x8c: {  	s17 =	sshll.u32 s0, $0xA;
	s2 =	sadd.s32 s3, s2  }
0x8d: {  	s2 =	sadd.s32 s2, s17  }
0x8e: {  	[smem:$0x3FC6] =	sst s2  }
0x8f: {  	_ = 	snop  }
0x90: {  	s2 =	sld [smem:$0x3FC9]  }
0x91: {  	s18 =	sld [smem:$0x3FD0];
	(tm) =	ssettm $0x1  }
0x92: {  	s4 =	sld [smem:$0x3FFB];
	_ =	sdelay $0x3  }
0x93: {  	_ =	strace s4  }
0x94: {  	s4 =	sld [smem:$0x3FFC];
	_ =	sdelay $0x3  }
0x95: {  	_ =	strace s4  }
0x96: {  	s4 =	sld [smem:$0x3FFD];
	_ =	sdelay $0x3  }
0x97: {  	_ =	strace s4  }
0x98: {  	_ =	strace $0x8FFFFFFF  }
0x99: {  	s19 =	sld [smem:$0x3FDB];
	_ =	sdelay $0x1  }
0x9a: {  	s5 =	simm.s32 $_scs_section_size  }
0x9b: {  	s6 =	simm.s32 $_size__tile_overlayer_lowered;
	s7 =	simm.s32 $_tile_overlayer_lowered  }
0x9c: {  	s22 =	simm.s32 $0x1BFF;
	s21 =	sshll.u32 s7, $0x1;
	s4 =	sadd.s32 s5, s19  }
0x9d: {  	s8 =	simm.s32 $0x0;
	s20 =	sshll.u32 s6, $0x1;
	s6 =	sadd.s32 s21, s4  }
0x9e: {  	[timem:s8], [sflag:s22] =	dma.local [hbm:s6], s20  }
0x9f: {  	_ =	swait.ge [sflag:s22], s20  }
0xa0: {  	s5 =	ssub.s32 $0x0, s20;
	[sflag:s22] =	ssyncset.done $0x0  }
0xa1: {  	[sflag:s22] =	ssyncadd.s32 s5;
	_ =	sdelay $0x1  }
0xa2: {  	s23 =	simm.s32 $0x1B8B  }
0xa3: {  	_ =	swait.ge [sflag:s23], $0x1  }
0xa4: {  	[sflag:s23] =	ssyncset.done $0x0  }
0xa5: {  	s25 =	simm.s32 $0x1B8E;
	s24 =	sld [smem:$0x3FFE];
	[sflag:s23] =	ssyncadd.s32 $0xFFFFFFFF  }
0xa6: {  	s26 =	simm.s32 $execute0_lowered;
	[smem:$0x3FD2] =	sst s25  }
0xa7: {  	s6 =	sshll.u32 s26, $0x1;
	_ =	strace $0x80000046;
	[dreg:$0x1] =	wrdreg $0xFFFFFFFF  }
0xa8: {  	s28 =	simm.s32 $_size_execute0_lowered;
	s4 =	sadd.s32 s4, s6;
	[dreg:$0x0] =	wrdreg $0x0  }
0xa9: {  	s6 =	sshll.u32 s28, $0x1;
	[dreg:$0x2] =	wrdreg s4  }
0xaa: {  	[dreg:$0x3] =	wrdreg s6  }
0xab: {  	[dreg:$0x4] =	wrdreg $0xC0  }
0xac: {  	_ =	task [dreg:s8], $0x5FFFF  }
0xad: {  	[dreg:$0x1] =	wrdreg $0xFFFFFFFF  }
0xae: {  	[dreg:$0x0] =	wrdreg $0x60  }
0xaf: {  	[dreg:$0x2] =	wrdreg s2  }
0xb0: {  	[dreg:$0x3] =	wrdreg s24  }
0xb1: {  	[dreg:$0x4] =	wrdreg s18  }
0xb2: {  	[dreg:$0x5] =	wrdreg $0x9  }
0xb3: {  	_ =	task.clear_ibuf [dreg:s8], $0x6FFFF;
	_ =	strace $0x90000046  }
0xb4: {  	s29 =	simm.s32 $0x9;
	_ =	strace $0x80000048  }
0xb5: {  	_ =	swait.ge [sflag:s29], $0x1  }
0xb6: {  	[sflag:s29] =	ssyncadd.s32 $0xFFFFFFFF  }
0xb7: {  	_ =	strace $0x90000048  }
0xb8: {  	_ =	sfence  }
0xb9: {  	s30 =	sld [smem:$0x0];
	_ =	sdelay $0x2  }
0xba: {  	s31 =	sshll.u32 s1, $0xD;
	s1 =	sshrl.u32 s1, $0x2  }
0xbb: {  	s3 =	sand.u32 $0x4000, s31;
	s1 =	sadd.s32 s1, s30  }
0xbc: {  	s0 =	sor.u32 s3, s0;
	s1 =	sshll.u32 s1, $0x11  }
0xbd: {  	s0 =	sor.u32 s1, s0  }
0xbe: {  	s0 =	sadd.s32 $0x8F2B, s0  }
0xbf: {  	[sflag:s0] =	ssyncadd.remote.s32 $0x1  }
0xc0: {  	_ =	sfence.sel $0xFFFF  }
0xc1: {  	[dreg:$0x0] =	wrdreg $0xFFFFFFFF;
	(pc) =	sbr.abs _section_cstart, $3  }
0xc2: {  	[dreg:$0x1] =	wrdreg $0xFFFFFFFF  }
0xc3: {  	_ =	task.clear_ibuf [dreg:s8], $0x2FFFF;
	_ =	strace $0x9FFFFFFF  }
0xc4: {  	(tm) =	ssettm $0x7FFFFFFF  }
0xc5: {  	_ =	shalt  }
tec
execute0_lowered:
.L_overlay_start_1:
0x0: {  	(tag) =	ssettag $0x1  }
0x1: {  	s1 =	rddreg [dreg:$0x0]  }
0x2: {  	s0 =	rddreg [dreg:$0x1]  }
0x3: {  	s2 =	rddreg [dreg:$0x2];
	s4 =	simm.s32 $0x0  }
0x4: {  	s5 =	stileid.u32;
	s25 =	srdreg.scid;
	s16 =	simm.s32 $0x5  }
0x5: {  	s17 =	simm.s32 $0x80;
	s18 =	simm.s32 $0x2;
	s19 =	simm.s32 $0x10200  }
0x6: {  	v8 =	vimm.s32 $0x7654321;
	s20 =	simm.s32 $0x800;
	s21 =	simm.s32 $0x8000;
	s22 =	simm.s32 $0xC200  }
0x7: {  	v14 =	vimm.s32 $0x10765432;
	v15 =	vimm.s32 $0x21076543;
	v16 =	vimm.s32 $0x32107654;
	s23 =	simm.s32 $0x3;
	s24 =	simm.s32 $0x4;
	s28 =	simm.s32 $0x0  }
0x8: {  	v0 =	vlaneseq.u32;
	v17 =	vimm.s32 $0x43210765;
	v18 =	vimm.s32 $0x54321076;
	[smem:$0x7FF] =	sst s4;
	s3 =	sadd.s32 $0x600, s0;
	s6 =	sshll.u32 s5, $0x1  }
0x9: {  	v19 =	vimm.s32 $0x65432107;
	s9 =	sshrl.u32 s5, $0x3;
	v1 =	vmul.u32 $0x41, v0;
	v2 =	vor.u32 $0x10, v0;
	_ =	strace $0x80000047;
	[dreg:$0x4] =	wrdreg s3  }
0xa: {  	v3 =	vor.u32 $0x20, v0;
	v4 =	vor.u32 $0x30, v0;
	v13 =	vunpack.c.l.s4.s8 v8;
	s3 =	sand.u32 $0x1, s25;
	s7 =	sand.u32 $0xE, s6;
	s8 =	smul.u32 $0x64000, s9  }
0xb: {  	v12 =	vand.u32 $0x7, v0;
	v14 =	vunpack.c.l.s4.s8 v14;
	v15 =	vunpack.c.l.s4.s8 v15;
	s6 =	sadd.s32 $0xF42A00, s0;
	s30 =	sshll.u32 s9, $0x9;
	s9 =	smul.u32 $0x64, s9  }
0xc: {  	v16 =	vunpack.c.l.s4.s8 v16;
	v17 =	vunpack.c.l.s4.s8 v17;
	v18 =	vunpack.c.l.s4.s8 v18;
	s25 =	simm.s32 $0x1;
	s26 =	ssub.s32 $0x2, s3;
	s3 =	sor.u32 s3, s7  }
.Ltmp0:
0xd: {  	v19 =	vunpack.c.l.s4.s8 v19;
	v5 =	vadd.s32 $0x1, v1;
	v6 =	vadd.s32 $0x2, v1;
	s7 =	sshll.u32 s3, $0xB;
	s29 =	sand.u32 $0x78000, s8;
	(pc) =	sbr.rel .LBB2_1-.Ltmp0, $4  }
0xe: {  	v7 =	vadd.s32 $0x3, v1;
	v8 =	vadd.s32 $0x4, v1;
	v9 =	vadd.s32 $0x5, v1;
	s10 =	sshrl.u32 s26, $0x1;
	s3 =	sor.u32 s30, s29;
	s8 =	sor.u32 $0x400, s7  }
0xf: {  	v10 =	vadd.s32 $0x6, v1;
	v11 =	vadd.s32 $0x7, v1;
	v13 =	vunpack.c.0.s8.s32 v13;
	s0 =	ssub.s32 s26, s10;
	s31 =	sor.u32 s7, s3;
	s3 =	sor.u32 s8, s3  }
0x10: {  	v14 =	vunpack.c.0.s8.s32 v14;
	v15 =	vunpack.c.0.s8.s32 v15;
	v16 =	vunpack.c.0.s8.s32 v16;
	s26 =	simm.s32 $0x8200;
	s10 =	sshrl.u32 s31, $0x3;
	s3 =	sshrl.u32 s3, $0x3  }
0x11: {  	v17 =	vunpack.c.0.s8.s32 v17;
	v18 =	vunpack.c.0.s8.s32 v18;
	v19 =	vunpack.c.0.s8.s32 v19;
	s12 =	smax.u32 s0, $0x1;
	s10 =	sadd.s32 s1, s10;
	s11 =	sadd.s32 s1, s3  }
.LBB2_18:
0x12: {  	s28 =	sadd.s32 $0x1, s28  }
0x13: {  	_ =	swait.ge [sflag:s23], $0x4000;
	p0 =	sne.s32 s28, s12  }
.Ltmp1:
0x14: {  	[sflag:s23] =	ssyncset.done $0x0;
	(pc) =	sbr.rel @!p0 .LBB2_19-.Ltmp1, $4  }
0x15: {  	[sflag:s23] =	ssyncadd.s32 $0xFFFFC000  }
0x16: {  	_ =	swait.ge [sflag:s24], $0x4000  }
0x17: {  	[sflag:s24] =	ssyncset.done $0x0  }
0x18: {  	[sflag:s24] =	ssyncadd.s32 $0xFFFFC000  }
.LBB2_1:
0x19: {  	s0 =	rddreg [dreg:$0x4];
	s3 =	simm.s32 $0x14300  }
0x1a: {  	[tilespmem:s3], [sflag:$0x5] =	stream.linear.gather [hbm4b:s0+s4], $0x3200, $0x38;
	[tilespmem:$0x17500] =	vst v63  }
0x1b: {  	_ =	swait.ge [sflag:s16], $0x3200  }
0x1c: {  	[sflag:s16] =	ssyncset.done $0x0  }
0x1d: {  	[sflag:s16] =	ssyncadd.s32 $0xFFFFCE00  }
0x1e: {  	[tilespmem:s4], [sflag:$0x5] =	stream.linear.gather [hbm4b:s10+s4], $0x80, $0x38;
	[tilespmem:$0x17500] =	vst v63  }
0x1f: {  	_ =	swait.ge [sflag:s16], $0x80  }
0x20: {  	[sflag:s16] =	ssyncset.done $0x0  }
0x21: {  	[sflag:s16] =	ssyncadd.s32 $0xFFFFFF80  }
0x22: {  	[tilespmem:s17], [sflag:$0x5] =	stream.linear.gather [hbm4b:s11+s4], $0x80, $0x38;
	[tilespmem:$0x17500] =	vst v63  }
0x23: {  	_ =	swait.ge [sflag:s16], $0x80  }
.Ltmp2:
0x24: {  	[sflag:s16] =	ssyncset.done $0x0;
	(pc) =	sbr.rel .LBB2_2-.Ltmp2, $4  }
0x25: {  	s30 =	simm.s32 $0x200;
	[sflag:s16] =	ssyncadd.s32 $0xFFFFFF80  }
0x26: {  	[tilespmem:s30], [sflag:$0x1] =	stream.indirect.gather [hbm4b:s6+s17], $0x40, s4, s17, $0xb8;
	[tilespmem:$0x17500] =	vst v63  }
0x27: {  	s31 =	simm.s32 $0x2200;
	s0 =	simm.s32 $0x0  }
0x28: {  	[tilespmem:s31], [sflag:$0x1] =	stream.indirect.gather [hbm4b:s6+s17], $0x40, s17, s17, $0xb8;
	[tilespmem:$0x17500] =	vst v63  }
.LBB2_17:
0x29: {  	p0 =	sne.s32 s29, $0x64  }
.Ltmp3:
0x2a: {  	_ = 	snop;
	(pc) =	sbr.rel @!p0 .LBB2_18-.Ltmp3, $2  }
0x2b: {  	_ =	sdelay $0x2  }
0x2c: {  	s0 =	smov.u32 s29  }
.LBB2_2:
0x2d: {  	s29 =	sadd.s32 $0x1, s0;
	p0 =	seq.s32 s0, $0x63  }
0x2e: {  	s3 =	sand.u32 @!p0 $0x1, s29  }
0x2f: {  	p1 =	seq.s32 @!p0 s3, $0x1;
	s3 =	sadd.s32 @!p0 s9, s29  }
0x30: {  	s13 =	sshll.u32 @!p0 s3, $0xC;
	s3 =	sshll.u32 @!p0 s3, $0x7;
	p2 =	por !p1, p0  }
0x31: {  	s13 =	sand.u32 @!p0 $0x1F8000, s13;
	s30 =	sand.u32 @!p2 $0x380, s3  }
0x32: {  	s30 =	sor.u32 @!p2 s13, s30  }
0x33: {  	s31 =	sor.u32 @!p2 s7, s30  }
0x34: {  	s31 =	sshrl.u32 @!p2 s31, $0x3  }
0x35: {  	s14 =	simm.s32 @!p2 $0x0;
	s15 =	simm.s32 @!p2 $0x100;
	s31 =	sadd.s32 @!p2 s1, s31  }
0x36: {  	[tilespmem:s15], [sflag:$0x5] =	stream.linear.gather @!p2 [hbm4b:s31+s14], $0x80, $0x38;
	[tilespmem:$0x17500] =	vst v63  }
0x37: {  	s31 =	simm.s32 @!p2 $0x5  }
0x38: {  	s30 =	sor.u32 @!p2 s8, s30;
	_ =	swait.ge @!p2 [sflag:s31], $0x80  }
0x39: {  	s30 =	sshrl.u32 @!p2 s30, $0x3;
	[sflag:s31] =	ssyncset.done @!p2 $0x0  }
0x3a: {  	s5 =	simm.s32 @!p2 $0x180;
	s30 =	sadd.s32 @!p2 s1, s30;
	[sflag:s31] =	ssyncadd.s32 @!p2 $0xFFFFFF80  }
0x3b: {  	[tilespmem:s5], [sflag:$0x5] =	stream.linear.gather @!p2 [hbm4b:s30+s14], $0x80, $0x38;
	[tilespmem:$0x17500] =	vst v63  }
0x3c: {  	p1 =	por p1, p0;
	_ =	swait.ge @!p2 [sflag:s31], $0x80  }
0x3d: {  	s3 =	sand.u32 @!p1 $0x300, s3;
	[sflag:s31] =	ssyncset.done @!p2 $0x0  }
0x3e: {  	s14 =	simm.s32 @!p2 $0x80;
	s30 =	simm.s32 @!p2 $0x4200;
	[sflag:s31] =	ssyncadd.s32 @!p2 $0xFFFFFF80  }
0x3f: {  	[tilespmem:s30], [sflag:$0x2] =	stream.indirect.gather @!p2 [hbm4b:s6+s14], $0x40, s15, s14, $0xb8;
	[tilespmem:$0x17500] =	vst v63  }
0x40: {  	s3 =	sor.u32 @!p1 s13, s3;
	s15 =	simm.s32 @!p2 $0x6200  }
0x41: {  	[tilespmem:s15], [sflag:$0x2] =	stream.indirect.gather @!p2 [hbm4b:s6+s14], $0x40, s5, s14, $0xb8;
	[tilespmem:$0x17500] =	vst v63  }
0x42: {  	s5 =	sor.u32 @!p1 s7, s3  }
0x43: {  	s5 =	sshrl.u32 @!p1 s5, $0x3  }
0x44: {  	s13 =	simm.s32 @!p1 $0x0;
	s5 =	sadd.s32 @!p1 s1, s5  }
0x45: {  	[tilespmem:s13], [sflag:$0x5] =	stream.linear.gather @!p1 [hbm4b:s5+s13], $0x80, $0x38;
	[tilespmem:$0x17500] =	vst v63  }
0x46: {  	s5 =	simm.s32 @!p1 $0x5  }
0x47: {  	s3 =	sor.u32 @!p1 s8, s3;
	_ =	swait.ge @!p1 [sflag:s5], $0x80  }
0x48: {  	s3 =	sshrl.u32 @!p1 s3, $0x3;
	[sflag:s5] =	ssyncset.done @!p1 $0x0  }
0x49: {  	s14 =	simm.s32 @!p1 $0x80;
	s3 =	sadd.s32 @!p1 s1, s3;
	[sflag:s5] =	ssyncadd.s32 @!p1 $0xFFFFFF80  }
0x4a: {  	[tilespmem:s14], [sflag:$0x5] =	stream.linear.gather @!p1 [hbm4b:s3+s13], $0x80, $0x38;
	[tilespmem:$0x17500] =	vst v63  }
0x4b: {  	_ =	swait.ge @!p1 [sflag:s5], $0x80  }
0x4c: {  	[sflag:s5] =	ssyncset.done @!p1 $0x0  }
0x4d: {  	s3 =	simm.s32 @!p1 $0x200;
	[sflag:s5] =	ssyncadd.s32 @!p1 $0xFFFFFF80  }
0x4e: {  	[tilespmem:s3], [sflag:$0x1] =	stream.indirect.gather @!p1 [hbm4b:s6+s14], $0x40, s13, s14, $0xb8;
	[tilespmem:$0x17500] =	vst v63  }
0x4f: {  	s3 =	simm.s32 @!p1 $0x2200  }
0x50: {  	[tilespmem:s3], [sflag:$0x1] =	stream.indirect.gather @!p1 [hbm4b:s6+s14], $0x40, s14, s14, $0xb8;
	[tilespmem:$0x17500] =	vst v63  }
0x51: {  	s3 =	sand.u32 @!p0 $0x1, s0  }
0x52: {  	p1 =	seq.s32 @!p0 s3, $0x1  }
0x53: {  	p0 =	por p0, p1  }
.Ltmp4:
0x54: {  	_ = 	snop;
	(pc) =	sbr.rel @!p0 .LBB2_3-.Ltmp4, $2  }
0x55: {  	_ =	sdelay $0x2  }
0x56: {  	s30 =	sadd.s32 s9, s0  }
0x57: {  	_ =	swait.ge [sflag:s18], $0x2000  }
0x58: {  	[sflag:s18] =	ssyncset.done $0x0  }
0x59: {  	[sflag:s18] =	ssyncadd.s32 $0xFFFFE000  }
0x5a: {  	_ =	swait.ge [sflag:s18], $0x2000  }
0x5b: {  	s3 =	sshll.u32 s30, $0x6;
	[sflag:s18] =	ssyncset.done $0x0  }
0x5c: {  	s3 =	sand.u32 $0x3FFFFFC0, s3;
	[sflag:s18] =	ssyncadd.s32 $0xFFFFE000  }
0x5d: {  	v20 =	vld [tilespmem:s3+$0x14300]  }
0x5e: {  	v21 =	vld [tilespmem:s3+$0x14310]  }
0x5f: {  	v22 =	vld [tilespmem:s3+$0x14320]  }
0x60: {  	s31 =	simm.s32 $0x4280;
	v23 =	vld [tilespmem:s3+$0x14330];
	s3 =	simm.s32 $0xC3  }
.LBB2_11:
0x61: {  	v24 =	vld [tilespmem:s31+$0xFFFFFF80]  }
0x62: {  	v25 =	vld [tilespmem:s31+$0xFFFFFF90]  }
0x63: {  	v26 =	vld [tilespmem:s31+$0xFFFFFFA0]  }
0x64: {  	v27 =	vld [tilespmem:s31+$0xFFFFFFB0]  }
0x65: {  	v28 =	vld [tilespmem:s31+$0xFFFFFFC0]  }
0x66: {  	v29 =	vld [tilespmem:s31+$0xFFFFFFD0]  }
0x67: {  	v30 =	vld [tilespmem:s31+$0xFFFFFFE0]  }
0x68: {  	v31 =	vld [tilespmem:s31+$0xFFFFFFF0]  }
0x69: {  	v32 =	vld [tilespmem:s31+$0x0]  }
0x6a: {  	v33 =	vld [tilespmem:s31+$0x10];
	s5 =	sadd.s32 $0xFFFFFF3D, s3  }
0x6b: {  	v34 =	vld [tilespmem:s31+$0x20];
	v35 =	vadd.s32 s5, v0  }
0x6c: {  	v36 =	vld [tilespmem:s31+$0x30];
	v37 =	vadd.s32 s5, v2  }
0x6d: {  	v38 =	vld [tilespmem:s31+$0x40];
	v39 =	vadd.s32 s5, v3  }
0x6e: {  	v40 =	vld [tilespmem:s31+$0x50];
	s13 =	sadd.s32 $0xFFFFFF7E, s3;
	v41 =	vadd.s32 s5, v4;
	v24 =	vadd.f32 v24, v20  }
0x6f: {  	v42 =	vld [tilespmem:s31+$0x60];
	v43 =	vadd.s32 s13, v0;
	v25 =	vadd.f32 v25, v21  }
0x70: {  	v44 =	vld [tilespmem:s31+$0x70];
	v45 =	vadd.s32 s13, v2;
	v26 =	vadd.f32 v26, v22;
	[tilespmem:v35+s19+$0x0] =	vst.idx.msk $0xffff, v24  }
0x71: {  	v47 =	vadd.s32 s13, v3;
	v27 =	vadd.f32 v27, v23;
	[tilespmem:v37+s19+$0x0] =	vst.idx.msk $0xffff, v25  }
0x72: {  	s15 =	sadd.s32 $0xFFFFFFBF, s3;
	v48 =	vadd.s32 s13, v4;
	v28 =	vadd.f32 v28, v20;
	[tilespmem:v39+s19+$0x0] =	vst.idx.msk $0xffff, v26  }
0x73: {  	v49 =	vadd.s32 s15, v0;
	v29 =	vadd.f32 v29, v21;
	[tilespmem:v41+s19+$0x0] =	vst.idx.msk $0xffff, v27  }
0x74: {  	v50 =	vadd.s32 s15, v2;
	v30 =	vadd.f32 v30, v22;
	[tilespmem:v43+s19+$0x0] =	vst.idx.msk $0xffff, v28  }
0x75: {  	v51 =	vadd.s32 s15, v3;
	v31 =	vadd.f32 v31, v23;
	[tilespmem:v45+s19+$0x0] =	vst.idx.msk $0xffff, v29  }
0x76: {  	v52 =	vadd.s32 s15, v4;
	v32 =	vadd.f32 v32, v20;
	[tilespmem:v47+s19+$0x0] =	vst.idx.msk $0xffff, v30  }
0x77: {  	v53 =	vadd.s32 s3, v0;
	v54 =	vadd.f32 v33, v21;
	[tilespmem:v48+s19+$0x0] =	vst.idx.msk $0xffff, v31  }
0x78: {  	v55 =	vadd.s32 s3, v2;
	v56 =	vadd.f32 v34, v22;
	[tilespmem:v49+s19+$0x0] =	vst.idx.msk $0xffff, v32  }
0x79: {  	v57 =	vadd.s32 s3, v3;
	v58 =	vadd.f32 v36, v23;
	[tilespmem:v50+s19+$0x0] =	vst.idx.msk $0xffff, v54  }
0x7a: {  	v59 =	vadd.s32 s3, v4;
	p0 =	sne.s32 s3, $0x203F;
	v60 =	vadd.f32 v38, v20;
	[tilespmem:v51+s19+$0x0] =	vst.idx.msk $0xffff, v56  }
.Ltmp5:
0x7b: {  	v61 =	vadd.f32 v40, v21;
	[tilespmem:v52+s19+$0x0] =	vst.idx.msk $0xffff, v58;
	(pc) =	sbr.rel @p0 .LBB2_11-.Ltmp5, $4  }
0x7c: {  	v62 =	vadd.f32 v42, v22;
	[tilespmem:v53+s19+$0x0] =	vst.idx.msk $0xffff, v60  }
0x7d: {  	v63 =	vadd.f32 v44, v23;
	[tilespmem:v55+s19+$0x0] =	vst.idx.msk $0xffff, v61  }
0x7e: {  	[tilespmem:v57+s19+$0x0] =	vst.idx.msk $0xffff, v62  }
0x7f: {  	s31 =	sadd.s32 $0x100, s31;
	s3 =	sadd.s32 $0x104, s3;
	[tilespmem:v59+s19+$0x0] =	vst.idx.msk $0xffff, v63  }
0x80: {  	s31 =	simm.s32 $0x62F0  }
0x81: {  	v25 =	vld [tilespmem:s31+$0x0]  }
0x82: {  	v24 =	vld [tilespmem:s31+$0xFFFFFFF0]  }
0x83: {  	v26 =	vld [tilespmem:s31+$0xFFFFFFE0]  }
0x84: {  	v27 =	vld [tilespmem:s31+$0xFFFFFFD0]  }
0x85: {  	v28 =	vld [tilespmem:s31+$0xFFFFFFC0]  }
0x86: {  	v29 =	vld [tilespmem:s31+$0xFFFFFFB0]  }
0x87: {  	v30 =	vld [tilespmem:s31+$0xFFFFFFA0]  }
0x88: {  	v31 =	vld [tilespmem:s31+$0xFFFFFF90]  }
0x89: {  	v33 =	vld [tilespmem:s31+$0xFFFFFF10]  }
0x8a: {  	s3 =	simm.s32 $0x2080;
	v34 =	vld [tilespmem:s31+$0xFFFFFF20]  }
0x8b: {  	v35 =	vadd.s32 s3, v0;
	v36 =	vld [tilespmem:s31+$0xFFFFFF30]  }
0x8c: {  	v37 =	vadd.s32 s3, v2;
	v38 =	vld [tilespmem:s31+$0xFFFFFF40]  }
0x8d: {  	v39 =	vadd.s32 s3, v3;
	v40 =	vld [tilespmem:s31+$0xFFFFFF50]  }
0x8e: {  	s5 =	simm.s32 $0x20C1;
	v41 =	vadd.s32 s3, v4;
	v42 =	vld [tilespmem:s31+$0xFFFFFF60];
	v33 =	vadd.f32 v33, v20  }
0x8f: {  	v43 =	vadd.s32 s5, v0;
	v44 =	vld [tilespmem:s31+$0xFFFFFF70];
	v34 =	vadd.f32 v34, v21  }
0x90: {  	v32 =	vld [tilespmem:s31+$0xFFFFFF80];
	v45 =	vadd.s32 s5, v2;
	v36 =	vadd.f32 v36, v22;
	[tilespmem:v35+s19+$0x0] =	vst.idx.msk $0xffff, v33  }
0x91: {  	v50 =	vadd.s32 s5, v3;
	v51 =	vadd.f32 v38, v23;
	[tilespmem:v37+s19+$0x0] =	vst.idx.msk $0xffff, v34  }
0x92: {  	s14 =	simm.s32 $0x2102;
	v52 =	vadd.s32 s5, v4;
	v53 =	vadd.f32 v40, v20;
	[tilespmem:v39+s19+$0x0] =	vst.idx.msk $0xffff, v36  }
0x93: {  	v54 =	vadd.s32 s14, v0;
	v55 =	vadd.f32 v42, v21;
	[tilespmem:v41+s19+$0x0] =	vst.idx.msk $0xffff, v51  }
0x94: {  	v56 =	vadd.s32 s14, v2;
	v57 =	vadd.f32 v44, v22;
	[tilespmem:v43+s19+$0x0] =	vst.idx.msk $0xffff, v53  }
0x95: {  	v58 =	vadd.s32 s14, v3;
	v32 =	vadd.f32 v32, v23;
	[tilespmem:v45+s19+$0x0] =	vst.idx.msk $0xffff, v55  }
0x96: {  	s15 =	simm.s32 $0x2143;
	v59 =	vadd.s32 s14, v4;
	v31 =	vadd.f32 v31, v20;
	[tilespmem:v50+s19+$0x0] =	vst.idx.msk $0xffff, v57  }
0x97: {  	v60 =	vadd.s32 s15, v0;
	v30 =	vadd.f32 v30, v21;
	[tilespmem:v52+s19+$0x0] =	vst.idx.msk $0xffff, v32  }
0x98: {  	v61 =	vadd.s32 s15, v2;
	v29 =	vadd.f32 v29, v22;
	[tilespmem:v54+s19+$0x0] =	vst.idx.msk $0xffff, v31  }
0x99: {  	v62 =	vadd.s32 s15, v3;
	v28 =	vadd.f32 v28, v23;
	[tilespmem:v56+s19+$0x0] =	vst.idx.msk $0xffff, v30  }
0x9a: {  	v27 =	vadd.f32 v27, v20;
	[tilespmem:v58+s19+$0x0] =	vst.idx.msk $0xffff, v29  }
0x9b: {  	v26 =	vadd.f32 v26, v21;
	v63 =	vadd.f32 v24, v22;
	v24 =	vadd.s32 s15, v4;
	[tilespmem:v59+s19+$0x0] =	vst.idx.msk $0xffff, v28  }
0x9c: {  	[tilespmem:v60+s19+$0x0] =	vst.idx.msk $0xffff, v27  }
0x9d: {  	[tilespmem:v61+s19+$0x0] =	vst.idx.msk $0xffff, v26  }
0x9e: {  	s3 =	simm.s32 $0x2184;
	v25 =	vadd.f32 v25, v23;
	[tilespmem:v62+s19+$0x0] =	vst.idx.msk $0xffff, v63  }
.LBB2_13:
0x9f: {  	p0 =	sne.s32 s3, $0x3FFC  }
0xa0: {  	[tilespmem:v24+s19+$0x0] =	vst.idx.msk $0xffff, v25;
	s31 =	sadd.s32 $0x100, s31;
	s13 =	smov.u32 s3;
	s3 =	sadd.s32 $0x104, s3  }
0xa1: {  	v25 =	vld [tilespmem:s31+$0x0]  }
0xa2: {  	v26 =	vld [tilespmem:s31+$0xFFFFFFF0]  }
0xa3: {  	v27 =	vld [tilespmem:s31+$0xFFFFFFE0]  }
0xa4: {  	v28 =	vld [tilespmem:s31+$0xFFFFFFD0]  }
0xa5: {  	v24 =	vld [tilespmem:s31+$0xFFFFFFC0]  }
0xa6: {  	v29 =	vld [tilespmem:s31+$0xFFFFFFB0]  }
0xa7: {  	v30 =	vld [tilespmem:s31+$0xFFFFFFA0]  }
0xa8: {  	v31 =	vld [tilespmem:s31+$0xFFFFFF90]  }
0xa9: {  	v32 =	vld [tilespmem:s31+$0xFFFFFF80]  }
0xaa: {  	v33 =	vld [tilespmem:s31+$0xFFFFFF10]  }
0xab: {  	v34 =	vld [tilespmem:s31+$0xFFFFFF20]  }
0xac: {  	v35 =	vadd.s32 s13, v0;
	v36 =	vld [tilespmem:s31+$0xFFFFFF30]  }
0xad: {  	v37 =	vadd.s32 s13, v2;
	v38 =	vld [tilespmem:s31+$0xFFFFFF40]  }
0xae: {  	v39 =	vadd.s32 s13, v3;
	v40 =	vld [tilespmem:s31+$0xFFFFFF50]  }
0xaf: {  	s5 =	sadd.s32 $0x41, s13;
	v41 =	vadd.s32 s13, v4;
	v42 =	vld [tilespmem:s31+$0xFFFFFF60];
	v33 =	vadd.f32 v33, v20  }
0xb0: {  	v43 =	vadd.s32 s5, v0;
	v44 =	vld [tilespmem:s31+$0xFFFFFF70];
	v34 =	vadd.f32 v34, v21  }
0xb1: {  	v45 =	vadd.s32 s5, v2;
	v36 =	vadd.f32 v36, v22;
	[tilespmem:v35+s19+$0x0] =	vst.idx.msk $0xffff, v33  }
0xb2: {  	v33 =	vadd.s32 s5, v3;
	v35 =	vadd.f32 v38, v23;
	[tilespmem:v37+s19+$0x0] =	vst.idx.msk $0xffff, v34  }
0xb3: {  	s14 =	sadd.s32 $0x82, s13;
	v34 =	vadd.s32 s5, v4;
	v37 =	vadd.f32 v40, v20;
	[tilespmem:v39+s19+$0x0] =	vst.idx.msk $0xffff, v36  }
0xb4: {  	v36 =	vadd.s32 s14, v0;
	v38 =	vadd.f32 v42, v21;
	[tilespmem:v41+s19+$0x0] =	vst.idx.msk $0xffff, v35  }
0xb5: {  	v35 =	vadd.s32 s14, v2;
	v39 =	vadd.f32 v44, v22;
	[tilespmem:v43+s19+$0x0] =	vst.idx.msk $0xffff, v37  }
0xb6: {  	v32 =	vadd.f32 v32, v23;
	v37 =	vadd.s32 s14, v3;
	[tilespmem:v45+s19+$0x0] =	vst.idx.msk $0xffff, v38  }
0xb7: {  	v31 =	vadd.f32 v31, v20;
	s5 =	sadd.s32 $0xC3, s13;
	v38 =	vadd.s32 s14, v4;
	[tilespmem:v33+s19+$0x0] =	vst.idx.msk $0xffff, v39  }
0xb8: {  	v30 =	vadd.f32 v30, v21;
	v33 =	vadd.s32 s5, v0;
	[tilespmem:v34+s19+$0x0] =	vst.idx.msk $0xffff, v32  }
0xb9: {  	v29 =	vadd.f32 v29, v22;
	v32 =	vadd.s32 s5, v2;
	[tilespmem:v36+s19+$0x0] =	vst.idx.msk $0xffff, v31  }
0xba: {  	v34 =	vadd.f32 v24, v23;
	v31 =	vadd.s32 s5, v3;
	[tilespmem:v35+s19+$0x0] =	vst.idx.msk $0xffff, v30  }
.Ltmp6:
0xbb: {  	v28 =	vadd.f32 v28, v20;
	v24 =	vadd.s32 s5, v4;
	[tilespmem:v37+s19+$0x0] =	vst.idx.msk $0xffff, v29;
	(pc) =	sbr.rel @p0 .LBB2_13-.Ltmp6, $4  }
0xbc: {  	v27 =	vadd.f32 v27, v21;
	[tilespmem:v38+s19+$0x0] =	vst.idx.msk $0xffff, v34  }
0xbd: {  	v26 =	vadd.f32 v26, v22;
	[tilespmem:v33+s19+$0x0] =	vst.idx.msk $0xffff, v28  }
0xbe: {  	v25 =	vadd.f32 v25, v23;
	[tilespmem:v32+s19+$0x0] =	vst.idx.msk $0xffff, v27  }
0xbf: {  	[tilespmem:v31+s19+$0x0] =	vst.idx.msk $0xffff, v26  }
0xc0: {  	_ =	sdelay $0x2  }
0xc1: {  	p0 =	slt.u32 s0, $0x2  }
0xc2: {  	[tilespmem:v24+s19+$0x0] =	vst.idx.msk $0xffff, v25;
	s0 =	simm.s32 @!p0 $0x4  }
0xc3: {  	_ =	swait.ge @!p0 [sflag:s0], $0x4000  }
0xc4: {  	[sflag:s0] =	ssyncset.done @!p0 $0x0  }
0xc5: {  	s31 =	simm.s32 $0x2080;
	[sflag:s0] =	ssyncadd.s32 @!p0 $0xFFFFC000;
	s0 =	simm.s32 $0xC600  }
.LBB2_15:
0xc6: {  	s3 =	sadd.s32 $0xFFFFDF80, s31  }
0xc7: {  	v20 =	vadd.s32 s3, v1  }
0xc8: {  	v21 =	vadd.s32 s3, v5;
	v20 =	vand.u32 $0x7F8, v20  }
0xc9: {  	v22 =	vadd.s32 s3, v6;
	v21 =	vand.u32 $0x7F8, v21;
	v20 =	vor.u32 v12, v20  }
0xca: {  	v23 =	vadd.s32 s3, v7;
	v22 =	vand.u32 $0x7F8, v22;
	v21 =	vor.u32 v13, v21  }
0xcb: {  	v24 =	vadd.s32 s3, v8;
	v23 =	vand.u32 $0x7F8, v23;
	v22 =	vor.u32 v14, v22  }
0xcc: {  	v25 =	vadd.s32 s3, v9;
	v24 =	vand.u32 $0x7F8, v24;
	v23 =	vor.u32 v15, v23  }
0xcd: {  	v26 =	vadd.s32 s3, v10;
	v25 =	vand.u32 $0x7F8, v25;
	v24 =	vor.u32 v16, v24  }
0xce: {  	s5 =	sadd.s32 $0xFFFFE390, s31;
	v27 =	vadd.s32 s3, v11;
	v26 =	vand.u32 $0x7F8, v26;
	v25 =	vor.u32 v17, v25;
	v20 =	vld.idx.msk [tilespmem:v20+s19+$0x0], $0xffff  }
0xcf: {  	v28 =	vadd.s32 s5, v1;
	v27 =	vand.u32 $0x7F8, v27;
	v26 =	vor.u32 v18, v26;
	v21 =	vld.idx.msk [tilespmem:v21+s19+$0x0], $0xffff  }
0xd0: {  	v29 =	vadd.s32 s5, v5;
	v28 =	vand.u32 $0xFF8, v28;
	v27 =	vor.u32 v19, v27;
	v22 =	vld.idx.msk [tilespmem:v22+s19+$0x0], $0xffff  }
0xd1: {  	v30 =	vadd.s32 s5, v6;
	v29 =	vand.u32 $0xFF8, v29;
	v28 =	vor.u32 v12, v28;
	v23 =	vld.idx.msk [tilespmem:v23+s19+$0x0], $0xffff  }
0xd2: {  	v31 =	vadd.s32 s5, v7;
	v30 =	vand.u32 $0xFF8, v30;
	v29 =	vor.u32 v13, v29;
	v24 =	vld.idx.msk [tilespmem:v24+s19+$0x0], $0xffff  }
0xd3: {  	v32 =	vadd.s32 s5, v8;
	v31 =	vand.u32 $0xFF8, v31;
	v30 =	vor.u32 v14, v30;
	v25 =	vld.idx.msk [tilespmem:v25+s19+$0x0], $0xffff  }
0xd4: {  	v33 =	vadd.s32 s5, v9;
	v32 =	vand.u32 $0xFF8, v32;
	v31 =	vor.u32 v15, v31;
	v26 =	vld.idx.msk [tilespmem:v26+s19+$0x0], $0xffff  }
0xd5: {  	v34 =	vadd.s32 s5, v10;
	v33 =	vand.u32 $0xFF8, v33;
	v32 =	vor.u32 v16, v32;
	v27 =	vld.idx.msk [tilespmem:v27+s19+$0x0], $0xffff  }
0xd6: {  	v35 =	vadd.s32 s5, v11;
	v34 =	vand.u32 $0xFF8, v34;
	v33 =	vor.u32 v17, v33;
	v28 =	vld.idx.msk [tilespmem:v28+s19+$0x0], $0xffff  }
0xd7: {  	v35 =	vand.u32 $0xFF8, v35;
	v34 =	vor.u32 v18, v34;
	v29 =	vld.idx.msk [tilespmem:v29+s19+$0x0], $0xffff  }
0xd8: {  	v35 =	vor.u32 v19, v35;
	v30 =	vld.idx.msk [tilespmem:v30+s19+$0x0], $0xffff  }
0xd9: {  	v31 =	vld.idx.msk [tilespmem:v31+s19+$0x0], $0xffff  }
0xda: {  	v32 =	vld.idx.msk [tilespmem:v32+s19+$0x0], $0xffff  }
0xdb: {  	v33 =	vld.idx.msk [tilespmem:v33+s19+$0x0], $0xffff  }
0xdc: {  	v34 =	vld.idx.msk [tilespmem:v34+s19+$0x0], $0xffff  }
0xdd: {  	v35 =	vld.idx.msk [tilespmem:v35+s19+$0x0], $0xffff;
	[tilespmem:s0+$0xFFFFFC00] =	vst v20  }
0xde: {  	[tilespmem:s0+$0xFFFFFC80] =	vst v21  }
0xdf: {  	[tilespmem:s0+$0xFFFFFD00] =	vst v22  }
0xe0: {  	[tilespmem:s0+$0xFFFFFD80] =	vst v23  }
0xe1: {  	[tilespmem:s0+$0xFFFFFE00] =	vst v24  }
0xe2: {  	[tilespmem:s0+$0xFFFFFE80] =	vst v25  }
0xe3: {  	[tilespmem:s0+$0xFFFFFF00] =	vst v26  }
0xe4: {  	[tilespmem:s0+$0xFFFFFF80] =	vst v27  }
0xe5: {  	s14 =	sadd.s32 $0xFFFFE7A0, s31;
	[tilespmem:s0+$0xFFFFFC10] =	vst v28  }
0xe6: {  	v49 =	vadd.s32 s14, v5;
	[tilespmem:s0+$0xFFFFFC90] =	vst v29  }
0xe7: {  	v50 =	vadd.s32 s14, v6;
	[tilespmem:s0+$0xFFFFFD10] =	vst v30;
	v21 =	vand.u32 $0xFF8, v49  }
0xe8: {  	v51 =	vadd.s32 s14, v7;
	[tilespmem:s0+$0xFFFFFD90] =	vst v31;
	v22 =	vand.u32 $0xFF8, v50;
	v21 =	vor.u32 v13, v21  }
0xe9: {  	v52 =	vadd.s32 s14, v8;
	[tilespmem:s0+$0xFFFFFE10] =	vst v32;
	v23 =	vand.u32 $0xFF8, v51;
	v22 =	vor.u32 v14, v22  }
0xea: {  	v53 =	vadd.s32 s14, v9;
	[tilespmem:s0+$0xFFFFFE90] =	vst v33;
	v24 =	vand.u32 $0xFF8, v52;
	v23 =	vor.u32 v15, v23  }
0xeb: {  	v54 =	vadd.s32 s14, v10;
	[tilespmem:s0+$0xFFFFFF10] =	vst v34;
	v25 =	vand.u32 $0xFF8, v53;
	v24 =	vor.u32 v16, v24  }
0xec: {  	s15 =	sadd.s32 $0xFFFFEBB0, s31;
	v55 =	vadd.s32 s14, v11;
	[tilespmem:s0+$0xFFFFFF90] =	vst v35;
	v26 =	vand.u32 $0xFF8, v54;
	v25 =	vor.u32 v17, v25  }
0xed: {  	v56 =	vadd.s32 s15, v1;
	v27 =	vand.u32 $0xFF8, v55;
	v26 =	vor.u32 v18, v26;
	v21 =	vld.idx.msk [tilespmem:v21+s19+$0x0], $0xffff  }
0xee: {  	v57 =	vadd.s32 s15, v5;
	v28 =	vand.u32 $0x1FF8, v56;
	v27 =	vor.u32 v19, v27;
	v22 =	vld.idx.msk [tilespmem:v22+s19+$0x0], $0xffff  }
0xef: {  	v58 =	vadd.s32 s15, v6;
	v29 =	vand.u32 $0x1FF8, v57;
	v28 =	vor.u32 v12, v28;
	v23 =	vld.idx.msk [tilespmem:v23+s19+$0x0], $0xffff  }
0xf0: {  	v59 =	vadd.s32 s15, v7;
	v30 =	vand.u32 $0x1FF8, v58;
	v29 =	vor.u32 v13, v29;
	v24 =	vld.idx.msk [tilespmem:v24+s19+$0x0], $0xffff  }
0xf1: {  	v60 =	vadd.s32 s15, v8;
	v31 =	vand.u32 $0x1FF8, v59;
	v30 =	vor.u32 v14, v30;
	v25 =	vld.idx.msk [tilespmem:v25+s19+$0x0], $0xffff  }
0xf2: {  	v61 =	vadd.s32 s15, v9;
	v32 =	vand.u32 $0x1FF8, v60;
	v31 =	vor.u32 v15, v31;
	v26 =	vld.idx.msk [tilespmem:v26+s19+$0x0], $0xffff  }
0xf3: {  	v62 =	vadd.s32 s15, v10;
	v33 =	vand.u32 $0x1FF8, v61;
	v32 =	vor.u32 v16, v32;
	v27 =	vld.idx.msk [tilespmem:v27+s19+$0x0], $0xffff  }
0xf4: {  	v63 =	vadd.s32 s15, v11;
	v34 =	vand.u32 $0x1FF8, v62;
	v33 =	vor.u32 v17, v33;
	v28 =	vld.idx.msk [tilespmem:v28+s19+$0x0], $0xffff  }
0xf5: {  	v20 =	vadd.s32 s14, v1;
	v35 =	vand.u32 $0x1FF8, v63;
	v34 =	vor.u32 v18, v34;
	v29 =	vld.idx.msk [tilespmem:v29+s19+$0x0], $0xffff  }
0xf6: {  	v20 =	vand.u32 $0xFF8, v20;
	v35 =	vor.u32 v19, v35;
	v30 =	vld.idx.msk [tilespmem:v30+s19+$0x0], $0xffff  }
0xf7: {  	v20 =	vor.u32 v12, v20;
	v31 =	vld.idx.msk [tilespmem:v31+s19+$0x0], $0xffff  }
0xf8: {  	v32 =	vld.idx.msk [tilespmem:v32+s19+$0x0], $0xffff  }
0xf9: {  	v33 =	vld.idx.msk [tilespmem:v33+s19+$0x0], $0xffff  }
0xfa: {  	v34 =	vld.idx.msk [tilespmem:v34+s19+$0x0], $0xffff  }
0xfb: {  	v35 =	vld.idx.msk [tilespmem:v35+s19+$0x0], $0xffff  }
0xfc: {  	v20 =	vld.idx.msk [tilespmem:v20+s19+$0x0], $0xffff;
	[tilespmem:s0+$0xFFFFFCA0] =	vst v21  }
0xfd: {  	[tilespmem:s0+$0xFFFFFD20] =	vst v22  }
0xfe: {  	[tilespmem:s0+$0xFFFFFDA0] =	vst v23  }
0xff: {  	[tilespmem:s0+$0xFFFFFE20] =	vst v24  }
0x100: {  	[tilespmem:s0+$0xFFFFFEA0] =	vst v25  }
0x101: {  	[tilespmem:s0+$0xFFFFFF20] =	vst v26  }
0x102: {  	[tilespmem:s0+$0xFFFFFFA0] =	vst v27  }
0x103: {  	[tilespmem:s0+$0xFFFFFC30] =	vst v28  }
0x104: {  	s5 =	sadd.s32 $0xFFFFEFC0, s31;
	[tilespmem:s0+$0xFFFFFCB0] =	vst v29  }
0x105: {  	v36 =	vadd.s32 s5, v7;
	[tilespmem:s0+$0xFFFFFD30] =	vst v30  }
0x106: {  	v37 =	vadd.s32 s5, v8;
	[tilespmem:s0+$0xFFFFFDB0] =	vst v31;
	v23 =	vand.u32 $0x17F8, v36  }
0x107: {  	v38 =	vadd.s32 s5, v9;
	[tilespmem:s0+$0xFFFFFE30] =	vst v32;
	v24 =	vand.u32 $0x17F8, v37;
	v23 =	vor.u32 v15, v23  }
0x108: {  	v39 =	vadd.s32 s5, v10;
	[tilespmem:s0+$0xFFFFFEB0] =	vst v33;
	v25 =	vand.u32 $0x17F8, v38;
	v24 =	vor.u32 v16, v24  }
0x109: {  	s13 =	sadd.s32 $0xFFFFF3D0, s31;
	v40 =	vadd.s32 s5, v11;
	[tilespmem:s0+$0xFFFFFF30] =	vst v34;
	v26 =	vand.u32 $0x17F8, v39;
	v25 =	vor.u32 v17, v25  }
0x10a: {  	v41 =	vadd.s32 s13, v1;
	[tilespmem:s0+$0xFFFFFFB0] =	vst v35;
	v27 =	vand.u32 $0x17F8, v40;
	v26 =	vor.u32 v18, v26  }
0x10b: {  	v42 =	vadd.s32 s13, v5;
	v28 =	vand.u32 $0x1FF8, v41;
	[tilespmem:s0+$0xFFFFFC20] =	vst v20;
	v27 =	vor.u32 v19, v27  }
0x10c: {  	v45 =	vadd.s32 s13, v8;
	v29 =	vand.u32 $0x1FF8, v42;
	v28 =	vor.u32 v12, v28;
	v23 =	vld.idx.msk [tilespmem:v23+s19+$0x0], $0xffff  }
0x10d: {  	v46 =	vadd.s32 s13, v9;
	v32 =	vand.u32 $0x1FF8, v45;
	v29 =	vor.u32 v13, v29;
	v24 =	vld.idx.msk [tilespmem:v24+s19+$0x0], $0xffff  }
0x10e: {  	v47 =	vadd.s32 s13, v10;
	v33 =	vand.u32 $0x1FF8, v46;
	v32 =	vor.u32 v16, v32;
	v25 =	vld.idx.msk [tilespmem:v25+s19+$0x0], $0xffff  }
0x10f: {  	v48 =	vadd.s32 s13, v11;
	v34 =	vand.u32 $0x1FF8, v47;
	v33 =	vor.u32 v17, v33;
	v26 =	vld.idx.msk [tilespmem:v26+s19+$0x0], $0xffff  }
0x110: {  	v30 =	vadd.s32 s5, v5;
	v35 =	vand.u32 $0x1FF8, v48;
	v34 =	vor.u32 v18, v34;
	v27 =	vld.idx.msk [tilespmem:v27+s19+$0x0], $0xffff  }
0x111: {  	v31 =	vadd.s32 s5, v6;
	v21 =	vand.u32 $0x17F8, v30;
	v35 =	vor.u32 v19, v35;
	v28 =	vld.idx.msk [tilespmem:v28+s19+$0x0], $0xffff  }
0x112: {  	v43 =	vadd.s32 s13, v6;
	v22 =	vand.u32 $0x17F8, v31;
	v21 =	vor.u32 v13, v21;
	v29 =	vld.idx.msk [tilespmem:v29+s19+$0x0], $0xffff  }
0x113: {  	v44 =	vadd.s32 s13, v7;
	v30 =	vand.u32 $0x1FF8, v43;
	v22 =	vor.u32 v14, v22;
	v32 =	vld.idx.msk [tilespmem:v32+s19+$0x0], $0xffff  }
0x114: {  	v20 =	vadd.s32 s5, v1;
	v31 =	vand.u32 $0x1FF8, v44;
	v30 =	vor.u32 v14, v30;
	v33 =	vld.idx.msk [tilespmem:v33+s19+$0x0], $0xffff  }
0x115: {  	v20 =	vand.u32 $0x17F8, v20;
	v31 =	vor.u32 v15, v31;
	v34 =	vld.idx.msk [tilespmem:v34+s19+$0x0], $0xffff  }
0x116: {  	v20 =	vor.u32 v12, v20;
	v35 =	vld.idx.msk [tilespmem:v35+s19+$0x0], $0xffff  }
0x117: {  	v21 =	vld.idx.msk [tilespmem:v21+s19+$0x0], $0xffff  }
0x118: {  	v22 =	vld.idx.msk [tilespmem:v22+s19+$0x0], $0xffff  }
0x119: {  	v30 =	vld.idx.msk [tilespmem:v30+s19+$0x0], $0xffff  }
0x11a: {  	v31 =	vld.idx.msk [tilespmem:v31+s19+$0x0], $0xffff  }
0x11b: {  	v20 =	vld.idx.msk [tilespmem:v20+s19+$0x0], $0xffff;
	[tilespmem:s0+$0xFFFFFDC0] =	vst v23  }
0x11c: {  	[tilespmem:s0+$0xFFFFFE40] =	vst v24  }
0x11d: {  	[tilespmem:s0+$0xFFFFFEC0] =	vst v25  }
0x11e: {  	[tilespmem:s0+$0xFFFFFF40] =	vst v26  }
0x11f: {  	[tilespmem:s0+$0xFFFFFFC0] =	vst v27  }
0x120: {  	[tilespmem:s0+$0xFFFFFC50] =	vst v28  }
0x121: {  	[tilespmem:s0+$0xFFFFFCD0] =	vst v29  }
0x122: {  	[tilespmem:s0+$0xFFFFFE50] =	vst v32  }
0x123: {  	s14 =	sadd.s32 $0xFFFFF7E0, s31;
	[tilespmem:s0+$0xFFFFFED0] =	vst v33  }
0x124: {  	v51 =	vadd.s32 s14, v7;
	[tilespmem:s0+$0xFFFFFF50] =	vst v34  }
0x125: {  	v52 =	vadd.s32 s14, v8;
	v23 =	vand.u32 $0x1FF8, v51;
	[tilespmem:s0+$0xFFFFFFD0] =	vst v35  }
0x126: {  	v53 =	vadd.s32 s14, v9;
	v24 =	vand.u32 $0x1FF8, v52;
	[tilespmem:s0+$0xFFFFFCC0] =	vst v21;
	v23 =	vor.u32 v15, v23  }
0x127: {  	v54 =	vadd.s32 s14, v10;
	v25 =	vand.u32 $0x1FF8, v53;
	[tilespmem:s0+$0xFFFFFD40] =	vst v22;
	v24 =	vor.u32 v16, v24  }
0x128: {  	s15 =	sadd.s32 $0xFFFFFBF0, s31;
	v55 =	vadd.s32 s14, v11;
	v26 =	vand.u32 $0x1FF8, v54;
	[tilespmem:s0+$0xFFFFFD50] =	vst v30;
	v25 =	vor.u32 v17, v25  }
0x129: {  	v56 =	vadd.s32 s15, v1;
	v27 =	vand.u32 $0x1FF8, v55;
	[tilespmem:s0+$0xFFFFFDD0] =	vst v31;
	v26 =	vor.u32 v18, v26  }
0x12a: {  	v57 =	vadd.s32 s15, v5;
	v28 =	vand.u32 $0x3FF8, v56;
	v27 =	vor.u32 v19, v27;
	[tilespmem:s0+$0xFFFFFC40] =	vst v20  }
0x12b: {  	v60 =	vadd.s32 s15, v8;
	v29 =	vand.u32 $0x3FF8, v57;
	v28 =	vor.u32 v12, v28;
	v23 =	vld.idx.msk [tilespmem:v23+s19+$0x0], $0xffff  }
0x12c: {  	v61 =	vadd.s32 s15, v9;
	v32 =	vand.u32 $0x3FF8, v60;
	v29 =	vor.u32 v13, v29;
	v24 =	vld.idx.msk [tilespmem:v24+s19+$0x0], $0xffff  }
0x12d: {  	v62 =	vadd.s32 s15, v10;
	v33 =	vand.u32 $0x3FF8, v61;
	v32 =	vor.u32 v16, v32;
	v25 =	vld.idx.msk [tilespmem:v25+s19+$0x0], $0xffff  }
0x12e: {  	v63 =	vadd.s32 s15, v11;
	v34 =	vand.u32 $0x3FF8, v62;
	v33 =	vor.u32 v17, v33;
	v26 =	vld.idx.msk [tilespmem:v26+s19+$0x0], $0xffff  }
0x12f: {  	v49 =	vadd.s32 s14, v5;
	v35 =	vand.u32 $0x3FF8, v63;
	v34 =	vor.u32 v18, v34;
	v27 =	vld.idx.msk [tilespmem:v27+s19+$0x0], $0xffff  }
0x130: {  	v50 =	vadd.s32 s14, v6;
	v21 =	vand.u32 $0x1FF8, v49;
	v35 =	vor.u32 v19, v35;
	v28 =	vld.idx.msk [tilespmem:v28+s19+$0x0], $0xffff  }
0x131: {  	v58 =	vadd.s32 s15, v6;
	v22 =	vand.u32 $0x1FF8, v50;
	v21 =	vor.u32 v13, v21;
	v29 =	vld.idx.msk [tilespmem:v29+s19+$0x0], $0xffff  }
0x132: {  	v59 =	vadd.s32 s15, v7;
	v30 =	vand.u32 $0x3FF8, v58;
	v22 =	vor.u32 v14, v22;
	v32 =	vld.idx.msk [tilespmem:v32+s19+$0x0], $0xffff  }
0x133: {  	v31 =	vand.u32 $0x3FF8, v59;
	v20 =	vadd.s32 s14, v1;
	v30 =	vor.u32 v14, v30;
	v33 =	vld.idx.msk [tilespmem:v33+s19+$0x0], $0xffff  }
0x134: {  	v31 =	vor.u32 v15, v31;
	v20 =	vand.u32 $0x1FF8, v20;
	v34 =	vld.idx.msk [tilespmem:v34+s19+$0x0], $0xffff  }
0x135: {  	v20 =	vor.u32 v12, v20;
	v35 =	vld.idx.msk [tilespmem:v35+s19+$0x0], $0xffff  }
0x136: {  	v21 =	vld.idx.msk [tilespmem:v21+s19+$0x0], $0xffff  }
0x137: {  	v22 =	vld.idx.msk [tilespmem:v22+s19+$0x0], $0xffff  }
0x138: {  	v30 =	vld.idx.msk [tilespmem:v30+s19+$0x0], $0xffff  }
0x139: {  	v31 =	vld.idx.msk [tilespmem:v31+s19+$0x0], $0xffff  }
0x13a: {  	v20 =	vld.idx.msk [tilespmem:v20+s19+$0x0], $0xffff;
	[tilespmem:s0+$0xFFFFFDE0] =	vst v23  }
0x13b: {  	[tilespmem:s0+$0xFFFFFE60] =	vst v24  }
0x13c: {  	[tilespmem:s0+$0xFFFFFEE0] =	vst v25  }
0x13d: {  	[tilespmem:s0+$0xFFFFFF60] =	vst v26  }
0x13e: {  	[tilespmem:s0+$0xFFFFFFE0] =	vst v27  }
0x13f: {  	[tilespmem:s0+$0xFFFFFC70] =	vst v28  }
0x140: {  	[tilespmem:s0+$0xFFFFFCF0] =	vst v29  }
0x141: {  	[tilespmem:s0+$0xFFFFFE70] =	vst v32  }
0x142: {  	[tilespmem:s0+$0xFFFFFEF0] =	vst v33  }
0x143: {  	v36 =	vadd.s32 s31, v7;
	[tilespmem:s0+$0xFFFFFF70] =	vst v34  }
0x144: {  	v37 =	vadd.s32 s31, v8;
	v23 =	vand.u32 $0x27F8, v36;
	[tilespmem:s0+$0xFFFFFFF0] =	vst v35  }
0x145: {  	v38 =	vadd.s32 s31, v9;
	v24 =	vand.u32 $0x27F8, v37;
	[tilespmem:s0+$0xFFFFFCE0] =	vst v21;
	v23 =	vor.u32 v15, v23  }
0x146: {  	v39 =	vadd.s32 s31, v10;
	v25 =	vand.u32 $0x27F8, v38;
	[tilespmem:s0+$0xFFFFFD60] =	vst v22;
	v24 =	vor.u32 v16, v24  }
0x147: {  	s13 =	sadd.s32 $0x410, s31;
	v40 =	vadd.s32 s31, v11;
	v26 =	vand.u32 $0x27F8, v39;
	[tilespmem:s0+$0xFFFFFD70] =	vst v30;
	v25 =	vor.u32 v17, v25  }
0x148: {  	v41 =	vadd.s32 s13, v1;
	v27 =	vand.u32 $0x27F8, v40;
	[tilespmem:s0+$0xFFFFFDF0] =	vst v31;
	v26 =	vor.u32 v18, v26  }
0x149: {  	v42 =	vadd.s32 s13, v5;
	v28 =	vand.u32 $0x2FF8, v41;
	v27 =	vor.u32 v19, v27;
	[tilespmem:s0+$0xFFFFFC60] =	vst v20  }
0x14a: {  	v45 =	vadd.s32 s13, v8;
	v29 =	vand.u32 $0x2FF8, v42;
	v28 =	vor.u32 v12, v28;
	v23 =	vld.idx.msk [tilespmem:v23+s19+$0x0], $0xffff  }
0x14b: {  	v46 =	vadd.s32 s13, v9;
	v32 =	vand.u32 $0x2FF8, v45;
	v29 =	vor.u32 v13, v29;
	v24 =	vld.idx.msk [tilespmem:v24+s19+$0x0], $0xffff  }
0x14c: {  	v47 =	vadd.s32 s13, v10;
	v33 =	vand.u32 $0x2FF8, v46;
	v32 =	vor.u32 v16, v32;
	v25 =	vld.idx.msk [tilespmem:v25+s19+$0x0], $0xffff  }
0x14d: {  	v48 =	vadd.s32 s13, v11;
	v34 =	vand.u32 $0x2FF8, v47;
	v33 =	vor.u32 v17, v33;
	v26 =	vld.idx.msk [tilespmem:v26+s19+$0x0], $0xffff  }
0x14e: {  	v35 =	vand.u32 $0x2FF8, v48;
	v30 =	vadd.s32 s31, v5;
	v34 =	vor.u32 v18, v34;
	v27 =	vld.idx.msk [tilespmem:v27+s19+$0x0], $0xffff  }
0x14f: {  	v31 =	vadd.s32 s31, v6;
	v35 =	vor.u32 v19, v35;
	v21 =	vand.u32 $0x27F8, v30;
	v28 =	vld.idx.msk [tilespmem:v28+s19+$0x0], $0xffff  }
0x150: {  	v43 =	vadd.s32 s13, v6;
	v22 =	vand.u32 $0x27F8, v31;
	v21 =	vor.u32 v13, v21;
	v29 =	vld.idx.msk [tilespmem:v29+s19+$0x0], $0xffff  }
0x151: {  	v44 =	vadd.s32 s13, v7;
	v30 =	vand.u32 $0x2FF8, v43;
	v22 =	vor.u32 v14, v22;
	v32 =	vld.idx.msk [tilespmem:v32+s19+$0x0], $0xffff  }
0x152: {  	v31 =	vand.u32 $0x2FF8, v44;
	v20 =	vadd.s32 s31, v1;
	v30 =	vor.u32 v14, v30;
	v33 =	vld.idx.msk [tilespmem:v33+s19+$0x0], $0xffff  }
0x153: {  	v31 =	vor.u32 v15, v31;
	v20 =	vand.u32 $0x27F8, v20;
	v34 =	vld.idx.msk [tilespmem:v34+s19+$0x0], $0xffff  }
0x154: {  	v20 =	vor.u32 v12, v20;
	v35 =	vld.idx.msk [tilespmem:v35+s19+$0x0], $0xffff  }
0x155: {  	v21 =	vld.idx.msk [tilespmem:v21+s19+$0x0], $0xffff  }
0x156: {  	v22 =	vld.idx.msk [tilespmem:v22+s19+$0x0], $0xffff  }
0x157: {  	v30 =	vld.idx.msk [tilespmem:v30+s19+$0x0], $0xffff  }
0x158: {  	v31 =	vld.idx.msk [tilespmem:v31+s19+$0x0], $0xffff  }
0x159: {  	v20 =	vld.idx.msk [tilespmem:v20+s19+$0x0], $0xffff;
	[tilespmem:s0+$0x180] =	vst v23  }
0x15a: {  	[tilespmem:s0+$0x200] =	vst v24  }
0x15b: {  	[tilespmem:s0+$0x280] =	vst v25  }
0x15c: {  	[tilespmem:s0+$0x300] =	vst v26  }
0x15d: {  	[tilespmem:s0+$0x380] =	vst v27  }
0x15e: {  	[tilespmem:s0+$0x10] =	vst v28  }
0x15f: {  	[tilespmem:s0+$0x90] =	vst v29  }
0x160: {  	[tilespmem:s0+$0x210] =	vst v32  }
0x161: {  	s14 =	sadd.s32 $0x820, s31;
	[tilespmem:s0+$0x290] =	vst v33  }
0x162: {  	v51 =	vadd.s32 s14, v7;
	[tilespmem:s0+$0x310] =	vst v34  }
0x163: {  	v52 =	vadd.s32 s14, v8;
	v23 =	vand.u32 $0x2FF8, v51;
	[tilespmem:s0+$0x390] =	vst v35  }
0x164: {  	v53 =	vadd.s32 s14, v9;
	v24 =	vand.u32 $0x2FF8, v52;
	v23 =	vor.u32 v15, v23;
	[tilespmem:s0+$0x80] =	vst v21  }
0x165: {  	v54 =	vadd.s32 s14, v10;
	v25 =	vand.u32 $0x2FF8, v53;
	v24 =	vor.u32 v16, v24;
	[tilespmem:s0+$0x100] =	vst v22  }
0x166: {  	s15 =	sadd.s32 $0xC30, s31;
	v55 =	vadd.s32 s14, v11;
	v26 =	vand.u32 $0x2FF8, v54;
	v25 =	vor.u32 v17, v25;
	[tilespmem:s0+$0x110] =	vst v30  }
0x167: {  	v56 =	vadd.s32 s15, v1;
	v27 =	vand.u32 $0x2FF8, v55;
	v26 =	vor.u32 v18, v26;
	[tilespmem:s0+$0x190] =	vst v31  }
0x168: {  	v57 =	vadd.s32 s15, v5;
	v28 =	vand.u32 $0x3FF8, v56;
	v27 =	vor.u32 v19, v27;
	[tilespmem:s0+$0x0] =	vst v20  }
0x169: {  	v60 =	vadd.s32 s15, v8;
	v29 =	vand.u32 $0x3FF8, v57;
	v28 =	vor.u32 v12, v28;
	v23 =	vld.idx.msk [tilespmem:v23+s19+$0x0], $0xffff  }
0x16a: {  	v61 =	vadd.s32 s15, v9;
	v32 =	vand.u32 $0x3FF8, v60;
	v29 =	vor.u32 v13, v29;
	v24 =	vld.idx.msk [tilespmem:v24+s19+$0x0], $0xffff  }
0x16b: {  	v62 =	vadd.s32 s15, v10;
	v33 =	vand.u32 $0x3FF8, v61;
	v32 =	vor.u32 v16, v32;
	v25 =	vld.idx.msk [tilespmem:v25+s19+$0x0], $0xffff  }
0x16c: {  	v63 =	vadd.s32 s15, v11;
	v34 =	vand.u32 $0x3FF8, v62;
	v33 =	vor.u32 v17, v33;
	v26 =	vld.idx.msk [tilespmem:v26+s19+$0x0], $0xffff  }
0x16d: {  	v49 =	vadd.s32 s14, v5;
	v35 =	vand.u32 $0x3FF8, v63;
	v34 =	vor.u32 v18, v34;
	v27 =	vld.idx.msk [tilespmem:v27+s19+$0x0], $0xffff  }
0x16e: {  	v50 =	vadd.s32 s14, v6;
	v35 =	vor.u32 v19, v35;
	v21 =	vand.u32 $0x2FF8, v49;
	v28 =	vld.idx.msk [tilespmem:v28+s19+$0x0], $0xffff  }
0x16f: {  	v58 =	vadd.s32 s15, v6;
	v22 =	vand.u32 $0x2FF8, v50;
	v21 =	vor.u32 v13, v21;
	v29 =	vld.idx.msk [tilespmem:v29+s19+$0x0], $0xffff  }
0x170: {  	v59 =	vadd.s32 s15, v7;
	v30 =	vand.u32 $0x3FF8, v58;
	v22 =	vor.u32 v14, v22;
	v32 =	vld.idx.msk [tilespmem:v32+s19+$0x0], $0xffff  }
0x171: {  	v31 =	vand.u32 $0x3FF8, v59;
	v30 =	vor.u32 v14, v30;
	v20 =	vadd.s32 s14, v1;
	v33 =	vld.idx.msk [tilespmem:v33+s19+$0x0], $0xffff  }
0x172: {  	v31 =	vor.u32 v15, v31;
	v20 =	vand.u32 $0x2FF8, v20;
	v34 =	vld.idx.msk [tilespmem:v34+s19+$0x0], $0xffff  }
0x173: {  	v20 =	vor.u32 v12, v20;
	v35 =	vld.idx.msk [tilespmem:v35+s19+$0x0], $0xffff  }
0x174: {  	v21 =	vld.idx.msk [tilespmem:v21+s19+$0x0], $0xffff  }
0x175: {  	v22 =	vld.idx.msk [tilespmem:v22+s19+$0x0], $0xffff  }
0x176: {  	v30 =	vld.idx.msk [tilespmem:v30+s19+$0x0], $0xffff  }
0x177: {  	v31 =	vld.idx.msk [tilespmem:v31+s19+$0x0], $0xffff  }
0x178: {  	v20 =	vld.idx.msk [tilespmem:v20+s19+$0x0], $0xffff;
	[tilespmem:s0+$0x1A0] =	vst v23  }
0x179: {  	[tilespmem:s0+$0x220] =	vst v24  }
0x17a: {  	[tilespmem:s0+$0x2A0] =	vst v25  }
0x17b: {  	[tilespmem:s0+$0x320] =	vst v26  }
0x17c: {  	[tilespmem:s0+$0x3A0] =	vst v27  }
0x17d: {  	[tilespmem:s0+$0x30] =	vst v28  }
0x17e: {  	[tilespmem:s0+$0xB0] =	vst v29  }
0x17f: {  	[tilespmem:s0+$0x230] =	vst v32  }
0x180: {  	s5 =	sadd.s32 $0x1040, s31;
	[tilespmem:s0+$0x2B0] =	vst v33  }
0x181: {  	v36 =	vadd.s32 s5, v7;
	[tilespmem:s0+$0x330] =	vst v34  }
0x182: {  	v37 =	vadd.s32 s5, v8;
	v23 =	vand.u32 $0x37F8, v36;
	[tilespmem:s0+$0x3B0] =	vst v35  }
0x183: {  	v38 =	vadd.s32 s5, v9;
	v24 =	vand.u32 $0x37F8, v37;
	v23 =	vor.u32 v15, v23;
	[tilespmem:s0+$0xA0] =	vst v21  }
0x184: {  	v39 =	vadd.s32 s5, v10;
	v25 =	vand.u32 $0x37F8, v38;
	v24 =	vor.u32 v16, v24;
	[tilespmem:s0+$0x120] =	vst v22  }
0x185: {  	s13 =	sadd.s32 $0x1450, s31;
	v40 =	vadd.s32 s5, v11;
	v26 =	vand.u32 $0x37F8, v39;
	v25 =	vor.u32 v17, v25;
	[tilespmem:s0+$0x130] =	vst v30  }
0x186: {  	v41 =	vadd.s32 s13, v1;
	v27 =	vand.u32 $0x37F8, v40;
	v26 =	vor.u32 v18, v26;
	[tilespmem:s0+$0x1B0] =	vst v31  }
0x187: {  	v42 =	vadd.s32 s13, v5;
	v28 =	vand.u32 $0x3FF8, v41;
	v27 =	vor.u32 v19, v27;
	[tilespmem:s0+$0x20] =	vst v20  }
0x188: {  	v45 =	vadd.s32 s13, v8;
	v29 =	vand.u32 $0x3FF8, v42;
	v28 =	vor.u32 v12, v28;
	v23 =	vld.idx.msk [tilespmem:v23+s19+$0x0], $0xffff  }
0x189: {  	v46 =	vadd.s32 s13, v9;
	v32 =	vand.u32 $0x3FF8, v45;
	v29 =	vor.u32 v13, v29;
	v24 =	vld.idx.msk [tilespmem:v24+s19+$0x0], $0xffff  }
0x18a: {  	v47 =	vadd.s32 s13, v10;
	v33 =	vand.u32 $0x3FF8, v46;
	v32 =	vor.u32 v16, v32;
	v25 =	vld.idx.msk [tilespmem:v25+s19+$0x0], $0xffff  }
0x18b: {  	v48 =	vadd.s32 s13, v11;
	v34 =	vand.u32 $0x3FF8, v47;
	v33 =	vor.u32 v17, v33;
	v26 =	vld.idx.msk [tilespmem:v26+s19+$0x0], $0xffff  }
0x18c: {  	v35 =	vand.u32 $0x3FF8, v48;
	v34 =	vor.u32 v18, v34;
	v30 =	vadd.s32 s5, v5;
	v27 =	vld.idx.msk [tilespmem:v27+s19+$0x0], $0xffff  }
0x18d: {  	v35 =	vor.u32 v19, v35;
	v31 =	vadd.s32 s5, v6;
	v21 =	vand.u32 $0x37F8, v30;
	v28 =	vld.idx.msk [tilespmem:v28+s19+$0x0], $0xffff  }
0x18e: {  	v43 =	vadd.s32 s13, v6;
	v22 =	vand.u32 $0x37F8, v31;
	v21 =	vor.u32 v13, v21;
	v29 =	vld.idx.msk [tilespmem:v29+s19+$0x0], $0xffff  }
0x18f: {  	v44 =	vadd.s32 s13, v7;
	v30 =	vand.u32 $0x3FF8, v43;
	v22 =	vor.u32 v14, v22;
	v32 =	vld.idx.msk [tilespmem:v32+s19+$0x0], $0xffff  }
0x190: {  	v31 =	vand.u32 $0x3FF8, v44;
	v30 =	vor.u32 v14, v30;
	v20 =	vadd.s32 s5, v1;
	v33 =	vld.idx.msk [tilespmem:v33+s19+$0x0], $0xffff  }
0x191: {  	v31 =	vor.u32 v15, v31;
	v20 =	vand.u32 $0x37F8, v20;
	v34 =	vld.idx.msk [tilespmem:v34+s19+$0x0], $0xffff  }
0x192: {  	v35 =	vld.idx.msk [tilespmem:v35+s19+$0x0], $0xffff;
	v20 =	vor.u32 v12, v20  }
0x193: {  	v21 =	vld.idx.msk [tilespmem:v21+s19+$0x0], $0xffff  }
0x194: {  	v22 =	vld.idx.msk [tilespmem:v22+s19+$0x0], $0xffff  }
0x195: {  	v30 =	vld.idx.msk [tilespmem:v30+s19+$0x0], $0xffff  }
0x196: {  	v31 =	vld.idx.msk [tilespmem:v31+s19+$0x0], $0xffff  }
0x197: {  	v20 =	vld.idx.msk [tilespmem:v20+s19+$0x0], $0xffff;
	[tilespmem:s0+$0x1C0] =	vst v23  }
0x198: {  	[tilespmem:s0+$0x240] =	vst v24  }
0x199: {  	[tilespmem:s0+$0x2C0] =	vst v25  }
0x19a: {  	[tilespmem:s0+$0x340] =	vst v26  }
0x19b: {  	[tilespmem:s0+$0x3C0] =	vst v27  }
0x19c: {  	[tilespmem:s0+$0x50] =	vst v28  }
0x19d: {  	[tilespmem:s0+$0xD0] =	vst v29  }
0x19e: {  	[tilespmem:s0+$0x250] =	vst v32  }
0x19f: {  	s14 =	sadd.s32 $0x1860, s31;
	[tilespmem:s0+$0x2D0] =	vst v33  }
0x1a0: {  	v51 =	vadd.s32 s14, v7;
	[tilespmem:s0+$0x350] =	vst v34  }
0x1a1: {  	v52 =	vadd.s32 s14, v8;
	v23 =	vand.u32 $0x3FF8, v51;
	[tilespmem:s0+$0x3D0] =	vst v35  }
0x1a2: {  	v53 =	vadd.s32 s14, v9;
	v24 =	vand.u32 $0x3FF8, v52;
	v23 =	vor.u32 v15, v23;
	[tilespmem:s0+$0xC0] =	vst v21  }
0x1a3: {  	v54 =	vadd.s32 s14, v10;
	v25 =	vand.u32 $0x3FF8, v53;
	v24 =	vor.u32 v16, v24;
	[tilespmem:s0+$0x140] =	vst v22  }
0x1a4: {  	s15 =	sadd.s32 $0x1C70, s31;
	v55 =	vadd.s32 s14, v11;
	v26 =	vand.u32 $0x3FF8, v54;
	v25 =	vor.u32 v17, v25;
	[tilespmem:s0+$0x150] =	vst v30  }
0x1a5: {  	v56 =	vadd.s32 s15, v1;
	v27 =	vand.u32 $0x3FF8, v55;
	v26 =	vor.u32 v18, v26;
	[tilespmem:s0+$0x1D0] =	vst v31  }
0x1a6: {  	v57 =	vadd.s32 s15, v5;
	v28 =	vand.u32 $0x7FF8, v56;
	v27 =	vor.u32 v19, v27;
	[tilespmem:s0+$0x40] =	vst v20  }
0x1a7: {  	v60 =	vadd.s32 s15, v8;
	v29 =	vand.u32 $0x7FF8, v57;
	v28 =	vor.u32 v12, v28;
	v23 =	vld.idx.msk [tilespmem:v23+s19+$0x0], $0xffff  }
0x1a8: {  	v61 =	vadd.s32 s15, v9;
	v32 =	vand.u32 $0x7FF8, v60;
	v29 =	vor.u32 v13, v29;
	v24 =	vld.idx.msk [tilespmem:v24+s19+$0x0], $0xffff  }
0x1a9: {  	v62 =	vadd.s32 s15, v10;
	v33 =	vand.u32 $0x7FF8, v61;
	v32 =	vor.u32 v16, v32;
	v25 =	vld.idx.msk [tilespmem:v25+s19+$0x0], $0xffff  }
0x1aa: {  	v63 =	vadd.s32 s15, v11;
	v34 =	vand.u32 $0x7FF8, v62;
	v33 =	vor.u32 v17, v33;
	v26 =	vld.idx.msk [tilespmem:v26+s19+$0x0], $0xffff  }
0x1ab: {  	v49 =	vadd.s32 s14, v5;
	v35 =	vand.u32 $0x7FF8, v63;
	v34 =	vor.u32 v18, v34;
	v27 =	vld.idx.msk [tilespmem:v27+s19+$0x0], $0xffff  }
0x1ac: {  	v50 =	vadd.s32 s14, v6;
	v35 =	vor.u32 v19, v35;
	v21 =	vand.u32 $0x3FF8, v49;
	v28 =	vld.idx.msk [tilespmem:v28+s19+$0x0], $0xffff  }
0x1ad: {  	v58 =	vadd.s32 s15, v6;
	v22 =	vand.u32 $0x3FF8, v50;
	v21 =	vor.u32 v13, v21;
	v29 =	vld.idx.msk [tilespmem:v29+s19+$0x0], $0xffff  }
0x1ae: {  	v59 =	vadd.s32 s15, v7;
	v30 =	vand.u32 $0x7FF8, v58;
	v22 =	vor.u32 v14, v22;
	v32 =	vld.idx.msk [tilespmem:v32+s19+$0x0], $0xffff  }
0x1af: {  	v31 =	vand.u32 $0x7FF8, v59;
	v30 =	vor.u32 v14, v30;
	v20 =	vadd.s32 s14, v1;
	v33 =	vld.idx.msk [tilespmem:v33+s19+$0x0], $0xffff  }
0x1b0: {  	v31 =	vor.u32 v15, v31;
	v20 =	vand.u32 $0x3FF8, v20;
	v34 =	vld.idx.msk [tilespmem:v34+s19+$0x0], $0xffff  }
0x1b1: {  	v35 =	vld.idx.msk [tilespmem:v35+s19+$0x0], $0xffff;
	v20 =	vor.u32 v12, v20  }
0x1b2: {  	v21 =	vld.idx.msk [tilespmem:v21+s19+$0x0], $0xffff  }
0x1b3: {  	v22 =	vld.idx.msk [tilespmem:v22+s19+$0x0], $0xffff  }
0x1b4: {  	v30 =	vld.idx.msk [tilespmem:v30+s19+$0x0], $0xffff  }
0x1b5: {  	v31 =	vld.idx.msk [tilespmem:v31+s19+$0x0], $0xffff  }
0x1b6: {  	v20 =	vld.idx.msk [tilespmem:v20+s19+$0x0], $0xffff;
	[tilespmem:s0+$0x1E0] =	vst v23  }
0x1b7: {  	[tilespmem:s0+$0x260] =	vst v24  }
0x1b8: {  	[tilespmem:s0+$0x2E0] =	vst v25  }
0x1b9: {  	[tilespmem:s0+$0x360] =	vst v26  }
0x1ba: {  	[tilespmem:s0+$0x3E0] =	vst v27  }
0x1bb: {  	[tilespmem:s0+$0x70] =	vst v28  }
0x1bc: {  	[tilespmem:s0+$0xF0] =	vst v29  }
0x1bd: {  	[tilespmem:s0+$0x270] =	vst v32  }
0x1be: {  	[tilespmem:s0+$0x2F0] =	vst v33  }
0x1bf: {  	[tilespmem:s0+$0x370] =	vst v34  }
0x1c0: {  	p0 =	sne.s32 s31, $0x20B8;
	[tilespmem:s0+$0x3F0] =	vst v35  }
.Ltmp7:
0x1c1: {  	[tilespmem:s0+$0xE0] =	vst v21;
	(pc) =	sbr.rel @p0 .LBB2_15-.Ltmp7, $4  }
0x1c2: {  	[tilespmem:s0+$0x160] =	vst v22  }
0x1c3: {  	[tilespmem:s0+$0x170] =	vst v30  }
0x1c4: {  	[tilespmem:s0+$0x1F0] =	vst v31  }
0x1c5: {  	s31 =	sadd.s32 $0x8, s31;
	[tilespmem:s0+$0x60] =	vst v20;
	s0 =	sadd.s32 $0x800, s0  }
.Ltmp8:
0x1c6: {  	s0 =	sshll.u32 s30, $0x12;
	(pc) =	sbr.rel .LBB2_17-.Ltmp8, $4  }
0x1c7: {  	s0 =	sor.u32 s7, s0  }
0x1c8: {  	s0 =	sshrl.u32 s0, $0x3  }
0x1c9: {  	s0 =	sadd.s32 s2, s0  }
0x1ca: {  	[hbm4b:s0+s20] =	stream.strided.scatter [tilespmem:s22], [sflag:$0x4], $0x4000, s21, s20, $0x38;
	[tilespmem:$0x17500] =	vst v63  }
.LBB2_3:
0x1cb: {  	_ =	swait.ge [sflag:s25], $0x2000  }
0x1cc: {  	[sflag:s25] =	ssyncset.done $0x0  }
0x1cd: {  	[sflag:s25] =	ssyncadd.s32 $0xFFFFE000  }
0x1ce: {  	_ =	swait.ge [sflag:s25], $0x2000  }
0x1cf: {  	s3 =	sshll.u32 s30, $0x6;
	[sflag:s25] =	ssyncset.done $0x0  }
0x1d0: {  	s3 =	sand.u32 $0x3FFFFFC0, s3;
	[sflag:s25] =	ssyncadd.s32 $0xFFFFE000  }
0x1d1: {  	v20 =	vld [tilespmem:s3+$0x14300]  }
0x1d2: {  	v21 =	vld [tilespmem:s3+$0x14310]  }
0x1d3: {  	v22 =	vld [tilespmem:s3+$0x14320]  }
0x1d4: {  	s31 =	simm.s32 $0x280;
	v23 =	vld [tilespmem:s3+$0x14330];
	s3 =	simm.s32 $0xC3  }
.LBB2_4:
0x1d5: {  	v24 =	vld [tilespmem:s31+$0xFFFFFF80]  }
0x1d6: {  	v25 =	vld [tilespmem:s31+$0xFFFFFF90]  }
0x1d7: {  	v26 =	vld [tilespmem:s31+$0xFFFFFFA0]  }
0x1d8: {  	v27 =	vld [tilespmem:s31+$0xFFFFFFB0]  }
0x1d9: {  	v28 =	vld [tilespmem:s31+$0xFFFFFFC0]  }
0x1da: {  	v29 =	vld [tilespmem:s31+$0xFFFFFFD0]  }
0x1db: {  	v30 =	vld [tilespmem:s31+$0xFFFFFFE0]  }
0x1dc: {  	v31 =	vld [tilespmem:s31+$0xFFFFFFF0]  }
0x1dd: {  	v32 =	vld [tilespmem:s31+$0x0]  }
0x1de: {  	v33 =	vld [tilespmem:s31+$0x10];
	s5 =	sadd.s32 $0xFFFFFF3D, s3  }
0x1df: {  	v34 =	vld [tilespmem:s31+$0x20];
	v35 =	vadd.s32 s5, v0  }
0x1e0: {  	v36 =	vld [tilespmem:s31+$0x30];
	v37 =	vadd.s32 s5, v2  }
0x1e1: {  	v38 =	vld [tilespmem:s31+$0x40];
	v39 =	vadd.s32 s5, v3  }
0x1e2: {  	v40 =	vld [tilespmem:s31+$0x50];
	s13 =	sadd.s32 $0xFFFFFF7E, s3;
	v41 =	vadd.s32 s5, v4;
	v24 =	vadd.f32 v24, v20  }
0x1e3: {  	v42 =	vld [tilespmem:s31+$0x60];
	v43 =	vadd.s32 s13, v0;
	v25 =	vadd.f32 v25, v21  }
0x1e4: {  	v44 =	vld [tilespmem:s31+$0x70];
	v45 =	vadd.s32 s13, v2;
	v26 =	vadd.f32 v26, v22;
	[tilespmem:v35+s19+$0x0] =	vst.idx.msk $0xffff, v24  }
0x1e5: {  	v47 =	vadd.s32 s13, v3;
	v27 =	vadd.f32 v27, v23;
	[tilespmem:v37+s19+$0x0] =	vst.idx.msk $0xffff, v25  }
0x1e6: {  	s15 =	sadd.s32 $0xFFFFFFBF, s3;
	v48 =	vadd.s32 s13, v4;
	v28 =	vadd.f32 v28, v20;
	[tilespmem:v39+s19+$0x0] =	vst.idx.msk $0xffff, v26  }
0x1e7: {  	v49 =	vadd.s32 s15, v0;
	v29 =	vadd.f32 v29, v21;
	[tilespmem:v41+s19+$0x0] =	vst.idx.msk $0xffff, v27  }
0x1e8: {  	v50 =	vadd.s32 s15, v2;
	v30 =	vadd.f32 v30, v22;
	[tilespmem:v43+s19+$0x0] =	vst.idx.msk $0xffff, v28  }
0x1e9: {  	v51 =	vadd.s32 s15, v3;
	v31 =	vadd.f32 v31, v23;
	[tilespmem:v45+s19+$0x0] =	vst.idx.msk $0xffff, v29  }
0x1ea: {  	v52 =	vadd.s32 s15, v4;
	v32 =	vadd.f32 v32, v20;
	[tilespmem:v47+s19+$0x0] =	vst.idx.msk $0xffff, v30  }
0x1eb: {  	v53 =	vadd.s32 s3, v0;
	v54 =	vadd.f32 v33, v21;
	[tilespmem:v48+s19+$0x0] =	vst.idx.msk $0xffff, v31  }
0x1ec: {  	v55 =	vadd.s32 s3, v2;
	v56 =	vadd.f32 v34, v22;
	[tilespmem:v49+s19+$0x0] =	vst.idx.msk $0xffff, v32  }
0x1ed: {  	v57 =	vadd.s32 s3, v3;
	v58 =	vadd.f32 v36, v23;
	[tilespmem:v50+s19+$0x0] =	vst.idx.msk $0xffff, v54  }
0x1ee: {  	v59 =	vadd.s32 s3, v4;
	p0 =	sne.s32 s3, $0x203F;
	v60 =	vadd.f32 v38, v20;
	[tilespmem:v51+s19+$0x0] =	vst.idx.msk $0xffff, v56  }
.Ltmp9:
0x1ef: {  	v61 =	vadd.f32 v40, v21;
	[tilespmem:v52+s19+$0x0] =	vst.idx.msk $0xffff, v58;
	(pc) =	sbr.rel @p0 .LBB2_4-.Ltmp9, $4  }
0x1f0: {  	v62 =	vadd.f32 v42, v22;
	[tilespmem:v53+s19+$0x0] =	vst.idx.msk $0xffff, v60  }
0x1f1: {  	v63 =	vadd.f32 v44, v23;
	[tilespmem:v55+s19+$0x0] =	vst.idx.msk $0xffff, v61  }
0x1f2: {  	[tilespmem:v57+s19+$0x0] =	vst.idx.msk $0xffff, v62  }
0x1f3: {  	s31 =	sadd.s32 $0x100, s31;
	s3 =	sadd.s32 $0x104, s3;
	[tilespmem:v59+s19+$0x0] =	vst.idx.msk $0xffff, v63  }
0x1f4: {  	s31 =	simm.s32 $0x22F0  }
0x1f5: {  	v25 =	vld [tilespmem:s31+$0x0]  }
0x1f6: {  	v24 =	vld [tilespmem:s31+$0xFFFFFFF0]  }
0x1f7: {  	v26 =	vld [tilespmem:s31+$0xFFFFFFE0]  }
0x1f8: {  	v27 =	vld [tilespmem:s31+$0xFFFFFFD0]  }
0x1f9: {  	v28 =	vld [tilespmem:s31+$0xFFFFFFC0]  }
0x1fa: {  	v29 =	vld [tilespmem:s31+$0xFFFFFFB0]  }
0x1fb: {  	v30 =	vld [tilespmem:s31+$0xFFFFFFA0]  }
0x1fc: {  	v31 =	vld [tilespmem:s31+$0xFFFFFF90]  }
0x1fd: {  	v33 =	vld [tilespmem:s31+$0xFFFFFF10]  }
0x1fe: {  	s3 =	simm.s32 $0x2080;
	v34 =	vld [tilespmem:s31+$0xFFFFFF20]  }
0x1ff: {  	v35 =	vadd.s32 s3, v0;
	v36 =	vld [tilespmem:s31+$0xFFFFFF30]  }
0x200: {  	v37 =	vadd.s32 s3, v2;
	v38 =	vld [tilespmem:s31+$0xFFFFFF40]  }
0x201: {  	v39 =	vadd.s32 s3, v3;
	v40 =	vld [tilespmem:s31+$0xFFFFFF50]  }
0x202: {  	s5 =	simm.s32 $0x20C1;
	v41 =	vadd.s32 s3, v4;
	v42 =	vld [tilespmem:s31+$0xFFFFFF60];
	v33 =	vadd.f32 v33, v20  }
0x203: {  	v43 =	vadd.s32 s5, v0;
	v44 =	vld [tilespmem:s31+$0xFFFFFF70];
	v34 =	vadd.f32 v34, v21  }
0x204: {  	v32 =	vld [tilespmem:s31+$0xFFFFFF80];
	v45 =	vadd.s32 s5, v2;
	v36 =	vadd.f32 v36, v22;
	[tilespmem:v35+s19+$0x0] =	vst.idx.msk $0xffff, v33  }
0x205: {  	v50 =	vadd.s32 s5, v3;
	v51 =	vadd.f32 v38, v23;
	[tilespmem:v37+s19+$0x0] =	vst.idx.msk $0xffff, v34  }
0x206: {  	s14 =	simm.s32 $0x2102;
	v52 =	vadd.s32 s5, v4;
	v53 =	vadd.f32 v40, v20;
	[tilespmem:v39+s19+$0x0] =	vst.idx.msk $0xffff, v36  }
0x207: {  	v54 =	vadd.s32 s14, v0;
	v55 =	vadd.f32 v42, v21;
	[tilespmem:v41+s19+$0x0] =	vst.idx.msk $0xffff, v51  }
0x208: {  	v56 =	vadd.s32 s14, v2;
	v57 =	vadd.f32 v44, v22;
	[tilespmem:v43+s19+$0x0] =	vst.idx.msk $0xffff, v53  }
0x209: {  	v58 =	vadd.s32 s14, v3;
	v32 =	vadd.f32 v32, v23;
	[tilespmem:v45+s19+$0x0] =	vst.idx.msk $0xffff, v55  }
0x20a: {  	s15 =	simm.s32 $0x2143;
	v59 =	vadd.s32 s14, v4;
	v31 =	vadd.f32 v31, v20;
	[tilespmem:v50+s19+$0x0] =	vst.idx.msk $0xffff, v57  }
0x20b: {  	v60 =	vadd.s32 s15, v0;
	v30 =	vadd.f32 v30, v21;
	[tilespmem:v52+s19+$0x0] =	vst.idx.msk $0xffff, v32  }
0x20c: {  	v61 =	vadd.s32 s15, v2;
	v29 =	vadd.f32 v29, v22;
	[tilespmem:v54+s19+$0x0] =	vst.idx.msk $0xffff, v31  }
0x20d: {  	v62 =	vadd.s32 s15, v3;
	v28 =	vadd.f32 v28, v23;
	[tilespmem:v56+s19+$0x0] =	vst.idx.msk $0xffff, v30  }
0x20e: {  	v27 =	vadd.f32 v27, v20;
	[tilespmem:v58+s19+$0x0] =	vst.idx.msk $0xffff, v29  }
0x20f: {  	v26 =	vadd.f32 v26, v21;
	v63 =	vadd.f32 v24, v22;
	v24 =	vadd.s32 s15, v4;
	[tilespmem:v59+s19+$0x0] =	vst.idx.msk $0xffff, v28  }
0x210: {  	[tilespmem:v60+s19+$0x0] =	vst.idx.msk $0xffff, v27  }
0x211: {  	[tilespmem:v61+s19+$0x0] =	vst.idx.msk $0xffff, v26  }
0x212: {  	s3 =	simm.s32 $0x2184;
	v25 =	vadd.f32 v25, v23;
	[tilespmem:v62+s19+$0x0] =	vst.idx.msk $0xffff, v63  }
.LBB2_6:
0x213: {  	p0 =	sne.s32 s3, $0x3FFC  }
0x214: {  	[tilespmem:v24+s19+$0x0] =	vst.idx.msk $0xffff, v25;
	s31 =	sadd.s32 $0x100, s31;
	s13 =	smov.u32 s3;
	s3 =	sadd.s32 $0x104, s3  }
0x215: {  	v25 =	vld [tilespmem:s31+$0x0]  }
0x216: {  	v26 =	vld [tilespmem:s31+$0xFFFFFFF0]  }
0x217: {  	v27 =	vld [tilespmem:s31+$0xFFFFFFE0]  }
0x218: {  	v28 =	vld [tilespmem:s31+$0xFFFFFFD0]  }
0x219: {  	v24 =	vld [tilespmem:s31+$0xFFFFFFC0]  }
0x21a: {  	v29 =	vld [tilespmem:s31+$0xFFFFFFB0]  }
0x21b: {  	v30 =	vld [tilespmem:s31+$0xFFFFFFA0]  }
0x21c: {  	v31 =	vld [tilespmem:s31+$0xFFFFFF90]  }
0x21d: {  	v32 =	vld [tilespmem:s31+$0xFFFFFF80]  }
0x21e: {  	v33 =	vld [tilespmem:s31+$0xFFFFFF10]  }
0x21f: {  	v34 =	vld [tilespmem:s31+$0xFFFFFF20]  }
0x220: {  	v35 =	vadd.s32 s13, v0;
	v36 =	vld [tilespmem:s31+$0xFFFFFF30]  }
0x221: {  	v37 =	vadd.s32 s13, v2;
	v38 =	vld [tilespmem:s31+$0xFFFFFF40]  }
0x222: {  	v39 =	vadd.s32 s13, v3;
	v40 =	vld [tilespmem:s31+$0xFFFFFF50]  }
0x223: {  	s5 =	sadd.s32 $0x41, s13;
	v41 =	vadd.s32 s13, v4;
	v42 =	vld [tilespmem:s31+$0xFFFFFF60];
	v33 =	vadd.f32 v33, v20  }
0x224: {  	v43 =	vadd.s32 s5, v0;
	v44 =	vld [tilespmem:s31+$0xFFFFFF70];
	v34 =	vadd.f32 v34, v21  }
0x225: {  	v45 =	vadd.s32 s5, v2;
	v36 =	vadd.f32 v36, v22;
	[tilespmem:v35+s19+$0x0] =	vst.idx.msk $0xffff, v33  }
0x226: {  	v33 =	vadd.s32 s5, v3;
	v35 =	vadd.f32 v38, v23;
	[tilespmem:v37+s19+$0x0] =	vst.idx.msk $0xffff, v34  }
0x227: {  	s14 =	sadd.s32 $0x82, s13;
	v34 =	vadd.s32 s5, v4;
	v37 =	vadd.f32 v40, v20;
	[tilespmem:v39+s19+$0x0] =	vst.idx.msk $0xffff, v36  }
0x228: {  	v36 =	vadd.s32 s14, v0;
	v38 =	vadd.f32 v42, v21;
	[tilespmem:v41+s19+$0x0] =	vst.idx.msk $0xffff, v35  }
0x229: {  	v35 =	vadd.s32 s14, v2;
	v39 =	vadd.f32 v44, v22;
	[tilespmem:v43+s19+$0x0] =	vst.idx.msk $0xffff, v37  }
0x22a: {  	v32 =	vadd.f32 v32, v23;
	v37 =	vadd.s32 s14, v3;
	[tilespmem:v45+s19+$0x0] =	vst.idx.msk $0xffff, v38  }
0x22b: {  	v31 =	vadd.f32 v31, v20;
	s5 =	sadd.s32 $0xC3, s13;
	v38 =	vadd.s32 s14, v4;
	[tilespmem:v33+s19+$0x0] =	vst.idx.msk $0xffff, v39  }
0x22c: {  	v30 =	vadd.f32 v30, v21;
	v33 =	vadd.s32 s5, v0;
	[tilespmem:v34+s19+$0x0] =	vst.idx.msk $0xffff, v32  }
0x22d: {  	v29 =	vadd.f32 v29, v22;
	v32 =	vadd.s32 s5, v2;
	[tilespmem:v36+s19+$0x0] =	vst.idx.msk $0xffff, v31  }
0x22e: {  	v34 =	vadd.f32 v24, v23;
	v31 =	vadd.s32 s5, v3;
	[tilespmem:v35+s19+$0x0] =	vst.idx.msk $0xffff, v30  }
.Ltmp10:
0x22f: {  	v28 =	vadd.f32 v28, v20;
	v24 =	vadd.s32 s5, v4;
	[tilespmem:v37+s19+$0x0] =	vst.idx.msk $0xffff, v29;
	(pc) =	sbr.rel @p0 .LBB2_6-.Ltmp10, $4  }
0x230: {  	v27 =	vadd.f32 v27, v21;
	[tilespmem:v38+s19+$0x0] =	vst.idx.msk $0xffff, v34  }
0x231: {  	v26 =	vadd.f32 v26, v22;
	[tilespmem:v33+s19+$0x0] =	vst.idx.msk $0xffff, v28  }
0x232: {  	v25 =	vadd.f32 v25, v23;
	[tilespmem:v32+s19+$0x0] =	vst.idx.msk $0xffff, v27  }
0x233: {  	[tilespmem:v31+s19+$0x0] =	vst.idx.msk $0xffff, v26  }
0x234: {  	_ =	sdelay $0x2  }
0x235: {  	p0 =	slt.u32 s0, $0x2  }
0x236: {  	[tilespmem:v24+s19+$0x0] =	vst.idx.msk $0xffff, v25;
	s0 =	simm.s32 @!p0 $0x3  }
0x237: {  	_ =	swait.ge @!p0 [sflag:s0], $0x4000  }
0x238: {  	[sflag:s0] =	ssyncset.done @!p0 $0x0  }
0x239: {  	s31 =	simm.s32 $0x2080;
	[sflag:s0] =	ssyncadd.s32 @!p0 $0xFFFFC000;
	s0 =	simm.s32 $0x8600  }
.LBB2_8:
0x23a: {  	s3 =	sadd.s32 $0xFFFFDF80, s31  }
0x23b: {  	v20 =	vadd.s32 s3, v1  }
0x23c: {  	v21 =	vadd.s32 s3, v5;
	v20 =	vand.u32 $0x7F8, v20  }
0x23d: {  	v22 =	vadd.s32 s3, v6;
	v21 =	vand.u32 $0x7F8, v21;
	v20 =	vor.u32 v12, v20  }
0x23e: {  	v23 =	vadd.s32 s3, v7;
	v22 =	vand.u32 $0x7F8, v22;
	v21 =	vor.u32 v13, v21  }
0x23f: {  	v24 =	vadd.s32 s3, v8;
	v23 =	vand.u32 $0x7F8, v23;
	v22 =	vor.u32 v14, v22  }
0x240: {  	v25 =	vadd.s32 s3, v9;
	v24 =	vand.u32 $0x7F8, v24;
	v23 =	vor.u32 v15, v23  }
0x241: {  	v26 =	vadd.s32 s3, v10;
	v25 =	vand.u32 $0x7F8, v25;
	v24 =	vor.u32 v16, v24  }
0x242: {  	s5 =	sadd.s32 $0xFFFFE390, s31;
	v27 =	vadd.s32 s3, v11;
	v26 =	vand.u32 $0x7F8, v26;
	v25 =	vor.u32 v17, v25;
	v20 =	vld.idx.msk [tilespmem:v20+s19+$0x0], $0xffff  }
0x243: {  	v28 =	vadd.s32 s5, v1;
	v27 =	vand.u32 $0x7F8, v27;
	v26 =	vor.u32 v18, v26;
	v21 =	vld.idx.msk [tilespmem:v21+s19+$0x0], $0xffff  }
0x244: {  	v29 =	vadd.s32 s5, v5;
	v28 =	vand.u32 $0xFF8, v28;
	v27 =	vor.u32 v19, v27;
	v22 =	vld.idx.msk [tilespmem:v22+s19+$0x0], $0xffff  }
0x245: {  	v30 =	vadd.s32 s5, v6;
	v29 =	vand.u32 $0xFF8, v29;
	v28 =	vor.u32 v12, v28;
	v23 =	vld.idx.msk [tilespmem:v23+s19+$0x0], $0xffff  }
0x246: {  	v31 =	vadd.s32 s5, v7;
	v30 =	vand.u32 $0xFF8, v30;
	v29 =	vor.u32 v13, v29;
	v24 =	vld.idx.msk [tilespmem:v24+s19+$0x0], $0xffff  }
0x247: {  	v32 =	vadd.s32 s5, v8;
	v31 =	vand.u32 $0xFF8, v31;
	v30 =	vor.u32 v14, v30;
	v25 =	vld.idx.msk [tilespmem:v25+s19+$0x0], $0xffff  }
0x248: {  	v33 =	vadd.s32 s5, v9;
	v32 =	vand.u32 $0xFF8, v32;
	v31 =	vor.u32 v15, v31;
	v26 =	vld.idx.msk [tilespmem:v26+s19+$0x0], $0xffff  }
0x249: {  	v34 =	vadd.s32 s5, v10;
	v33 =	vand.u32 $0xFF8, v33;
	v32 =	vor.u32 v16, v32;
	v27 =	vld.idx.msk [tilespmem:v27+s19+$0x0], $0xffff  }
0x24a: {  	v35 =	vadd.s32 s5, v11;
	v34 =	vand.u32 $0xFF8, v34;
	v33 =	vor.u32 v17, v33;
	v28 =	vld.idx.msk [tilespmem:v28+s19+$0x0], $0xffff  }
0x24b: {  	v35 =	vand.u32 $0xFF8, v35;
	v34 =	vor.u32 v18, v34;
	v29 =	vld.idx.msk [tilespmem:v29+s19+$0x0], $0xffff  }
0x24c: {  	v35 =	vor.u32 v19, v35;
	v30 =	vld.idx.msk [tilespmem:v30+s19+$0x0], $0xffff  }
0x24d: {  	v31 =	vld.idx.msk [tilespmem:v31+s19+$0x0], $0xffff  }
0x24e: {  	v32 =	vld.idx.msk [tilespmem:v32+s19+$0x0], $0xffff  }
0x24f: {  	v33 =	vld.idx.msk [tilespmem:v33+s19+$0x0], $0xffff  }
0x250: {  	v34 =	vld.idx.msk [tilespmem:v34+s19+$0x0], $0xffff  }
0x251: {  	v35 =	vld.idx.msk [tilespmem:v35+s19+$0x0], $0xffff;
	[tilespmem:s0+$0xFFFFFC00] =	vst v20  }
0x252: {  	[tilespmem:s0+$0xFFFFFC80] =	vst v21  }
0x253: {  	[tilespmem:s0+$0xFFFFFD00] =	vst v22  }
0x254: {  	[tilespmem:s0+$0xFFFFFD80] =	vst v23  }
0x255: {  	[tilespmem:s0+$0xFFFFFE00] =	vst v24  }
0x256: {  	[tilespmem:s0+$0xFFFFFE80] =	vst v25  }
0x257: {  	[tilespmem:s0+$0xFFFFFF00] =	vst v26  }
0x258: {  	[tilespmem:s0+$0xFFFFFF80] =	vst v27  }
0x259: {  	s14 =	sadd.s32 $0xFFFFE7A0, s31;
	[tilespmem:s0+$0xFFFFFC10] =	vst v28  }
0x25a: {  	v49 =	vadd.s32 s14, v5;
	[tilespmem:s0+$0xFFFFFC90] =	vst v29  }
0x25b: {  	v50 =	vadd.s32 s14, v6;
	[tilespmem:s0+$0xFFFFFD10] =	vst v30;
	v21 =	vand.u32 $0xFF8, v49  }
0x25c: {  	v51 =	vadd.s32 s14, v7;
	[tilespmem:s0+$0xFFFFFD90] =	vst v31;
	v22 =	vand.u32 $0xFF8, v50;
	v21 =	vor.u32 v13, v21  }
0x25d: {  	v52 =	vadd.s32 s14, v8;
	[tilespmem:s0+$0xFFFFFE10] =	vst v32;
	v23 =	vand.u32 $0xFF8, v51;
	v22 =	vor.u32 v14, v22  }
0x25e: {  	v53 =	vadd.s32 s14, v9;
	[tilespmem:s0+$0xFFFFFE90] =	vst v33;
	v24 =	vand.u32 $0xFF8, v52;
	v23 =	vor.u32 v15, v23  }
0x25f: {  	v54 =	vadd.s32 s14, v10;
	[tilespmem:s0+$0xFFFFFF10] =	vst v34;
	v25 =	vand.u32 $0xFF8, v53;
	v24 =	vor.u32 v16, v24  }
0x260: {  	s15 =	sadd.s32 $0xFFFFEBB0, s31;
	v55 =	vadd.s32 s14, v11;
	[tilespmem:s0+$0xFFFFFF90] =	vst v35;
	v26 =	vand.u32 $0xFF8, v54;
	v25 =	vor.u32 v17, v25  }
0x261: {  	v56 =	vadd.s32 s15, v1;
	v27 =	vand.u32 $0xFF8, v55;
	v26 =	vor.u32 v18, v26;
	v21 =	vld.idx.msk [tilespmem:v21+s19+$0x0], $0xffff  }
0x262: {  	v57 =	vadd.s32 s15, v5;
	v28 =	vand.u32 $0x1FF8, v56;
	v27 =	vor.u32 v19, v27;
	v22 =	vld.idx.msk [tilespmem:v22+s19+$0x0], $0xffff  }
0x263: {  	v58 =	vadd.s32 s15, v6;
	v29 =	vand.u32 $0x1FF8, v57;
	v28 =	vor.u32 v12, v28;
	v23 =	vld.idx.msk [tilespmem:v23+s19+$0x0], $0xffff  }
0x264: {  	v59 =	vadd.s32 s15, v7;
	v30 =	vand.u32 $0x1FF8, v58;
	v29 =	vor.u32 v13, v29;
	v24 =	vld.idx.msk [tilespmem:v24+s19+$0x0], $0xffff  }
0x265: {  	v60 =	vadd.s32 s15, v8;
	v31 =	vand.u32 $0x1FF8, v59;
	v30 =	vor.u32 v14, v30;
	v25 =	vld.idx.msk [tilespmem:v25+s19+$0x0], $0xffff  }
0x266: {  	v61 =	vadd.s32 s15, v9;
	v32 =	vand.u32 $0x1FF8, v60;
	v31 =	vor.u32 v15, v31;
	v26 =	vld.idx.msk [tilespmem:v26+s19+$0x0], $0xffff  }
0x267: {  	v62 =	vadd.s32 s15, v10;
	v33 =	vand.u32 $0x1FF8, v61;
	v32 =	vor.u32 v16, v32;
	v27 =	vld.idx.msk [tilespmem:v27+s19+$0x0], $0xffff  }
0x268: {  	v63 =	vadd.s32 s15, v11;
	v34 =	vand.u32 $0x1FF8, v62;
	v33 =	vor.u32 v17, v33;
	v28 =	vld.idx.msk [tilespmem:v28+s19+$0x0], $0xffff  }
0x269: {  	v20 =	vadd.s32 s14, v1;
	v35 =	vand.u32 $0x1FF8, v63;
	v34 =	vor.u32 v18, v34;
	v29 =	vld.idx.msk [tilespmem:v29+s19+$0x0], $0xffff  }
0x26a: {  	v20 =	vand.u32 $0xFF8, v20;
	v35 =	vor.u32 v19, v35;
	v30 =	vld.idx.msk [tilespmem:v30+s19+$0x0], $0xffff  }
0x26b: {  	v20 =	vor.u32 v12, v20;
	v31 =	vld.idx.msk [tilespmem:v31+s19+$0x0], $0xffff  }
0x26c: {  	v32 =	vld.idx.msk [tilespmem:v32+s19+$0x0], $0xffff  }
0x26d: {  	v33 =	vld.idx.msk [tilespmem:v33+s19+$0x0], $0xffff  }
0x26e: {  	v34 =	vld.idx.msk [tilespmem:v34+s19+$0x0], $0xffff  }
0x26f: {  	v35 =	vld.idx.msk [tilespmem:v35+s19+$0x0], $0xffff  }
0x270: {  	v20 =	vld.idx.msk [tilespmem:v20+s19+$0x0], $0xffff;
	[tilespmem:s0+$0xFFFFFCA0] =	vst v21  }
0x271: {  	[tilespmem:s0+$0xFFFFFD20] =	vst v22  }
0x272: {  	[tilespmem:s0+$0xFFFFFDA0] =	vst v23  }
0x273: {  	[tilespmem:s0+$0xFFFFFE20] =	vst v24  }
0x274: {  	[tilespmem:s0+$0xFFFFFEA0] =	vst v25  }
0x275: {  	[tilespmem:s0+$0xFFFFFF20] =	vst v26  }
0x276: {  	[tilespmem:s0+$0xFFFFFFA0] =	vst v27  }
0x277: {  	[tilespmem:s0+$0xFFFFFC30] =	vst v28  }
0x278: {  	s5 =	sadd.s32 $0xFFFFEFC0, s31;
	[tilespmem:s0+$0xFFFFFCB0] =	vst v29  }
0x279: {  	v36 =	vadd.s32 s5, v7;
	[tilespmem:s0+$0xFFFFFD30] =	vst v30  }
0x27a: {  	v37 =	vadd.s32 s5, v8;
	[tilespmem:s0+$0xFFFFFDB0] =	vst v31;
	v23 =	vand.u32 $0x17F8, v36  }
0x27b: {  	v38 =	vadd.s32 s5, v9;
	[tilespmem:s0+$0xFFFFFE30] =	vst v32;
	v24 =	vand.u32 $0x17F8, v37;
	v23 =	vor.u32 v15, v23  }
0x27c: {  	v39 =	vadd.s32 s5, v10;
	[tilespmem:s0+$0xFFFFFEB0] =	vst v33;
	v25 =	vand.u32 $0x17F8, v38;
	v24 =	vor.u32 v16, v24  }
0x27d: {  	s13 =	sadd.s32 $0xFFFFF3D0, s31;
	v40 =	vadd.s32 s5, v11;
	[tilespmem:s0+$0xFFFFFF30] =	vst v34;
	v26 =	vand.u32 $0x17F8, v39;
	v25 =	vor.u32 v17, v25  }
0x27e: {  	v41 =	vadd.s32 s13, v1;
	[tilespmem:s0+$0xFFFFFFB0] =	vst v35;
	v27 =	vand.u32 $0x17F8, v40;
	v26 =	vor.u32 v18, v26  }
0x27f: {  	v42 =	vadd.s32 s13, v5;
	v28 =	vand.u32 $0x1FF8, v41;
	[tilespmem:s0+$0xFFFFFC20] =	vst v20;
	v27 =	vor.u32 v19, v27  }
0x280: {  	v45 =	vadd.s32 s13, v8;
	v29 =	vand.u32 $0x1FF8, v42;
	v28 =	vor.u32 v12, v28;
	v23 =	vld.idx.msk [tilespmem:v23+s19+$0x0], $0xffff  }
0x281: {  	v46 =	vadd.s32 s13, v9;
	v32 =	vand.u32 $0x1FF8, v45;
	v29 =	vor.u32 v13, v29;
	v24 =	vld.idx.msk [tilespmem:v24+s19+$0x0], $0xffff  }
0x282: {  	v47 =	vadd.s32 s13, v10;
	v33 =	vand.u32 $0x1FF8, v46;
	v32 =	vor.u32 v16, v32;
	v25 =	vld.idx.msk [tilespmem:v25+s19+$0x0], $0xffff  }
0x283: {  	v48 =	vadd.s32 s13, v11;
	v34 =	vand.u32 $0x1FF8, v47;
	v33 =	vor.u32 v17, v33;
	v26 =	vld.idx.msk [tilespmem:v26+s19+$0x0], $0xffff  }
0x284: {  	v30 =	vadd.s32 s5, v5;
	v35 =	vand.u32 $0x1FF8, v48;
	v34 =	vor.u32 v18, v34;
	v27 =	vld.idx.msk [tilespmem:v27+s19+$0x0], $0xffff  }
0x285: {  	v31 =	vadd.s32 s5, v6;
	v21 =	vand.u32 $0x17F8, v30;
	v35 =	vor.u32 v19, v35;
	v28 =	vld.idx.msk [tilespmem:v28+s19+$0x0], $0xffff  }
0x286: {  	v43 =	vadd.s32 s13, v6;
	v22 =	vand.u32 $0x17F8, v31;
	v21 =	vor.u32 v13, v21;
	v29 =	vld.idx.msk [tilespmem:v29+s19+$0x0], $0xffff  }
0x287: {  	v44 =	vadd.s32 s13, v7;
	v30 =	vand.u32 $0x1FF8, v43;
	v22 =	vor.u32 v14, v22;
	v32 =	vld.idx.msk [tilespmem:v32+s19+$0x0], $0xffff  }
0x288: {  	v20 =	vadd.s32 s5, v1;
	v31 =	vand.u32 $0x1FF8, v44;
	v30 =	vor.u32 v14, v30;
	v33 =	vld.idx.msk [tilespmem:v33+s19+$0x0], $0xffff  }
0x289: {  	v20 =	vand.u32 $0x17F8, v20;
	v31 =	vor.u32 v15, v31;
	v34 =	vld.idx.msk [tilespmem:v34+s19+$0x0], $0xffff  }
0x28a: {  	v20 =	vor.u32 v12, v20;
	v35 =	vld.idx.msk [tilespmem:v35+s19+$0x0], $0xffff  }
0x28b: {  	v21 =	vld.idx.msk [tilespmem:v21+s19+$0x0], $0xffff  }
0x28c: {  	v22 =	vld.idx.msk [tilespmem:v22+s19+$0x0], $0xffff  }
0x28d: {  	v30 =	vld.idx.msk [tilespmem:v30+s19+$0x0], $0xffff  }
0x28e: {  	v31 =	vld.idx.msk [tilespmem:v31+s19+$0x0], $0xffff  }
0x28f: {  	v20 =	vld.idx.msk [tilespmem:v20+s19+$0x0], $0xffff;
	[tilespmem:s0+$0xFFFFFDC0] =	vst v23  }
0x290: {  	[tilespmem:s0+$0xFFFFFE40] =	vst v24  }
0x291: {  	[tilespmem:s0+$0xFFFFFEC0] =	vst v25  }
0x292: {  	[tilespmem:s0+$0xFFFFFF40] =	vst v26  }
0x293: {  	[tilespmem:s0+$0xFFFFFFC0] =	vst v27  }
0x294: {  	[tilespmem:s0+$0xFFFFFC50] =	vst v28  }
0x295: {  	[tilespmem:s0+$0xFFFFFCD0] =	vst v29  }
0x296: {  	[tilespmem:s0+$0xFFFFFE50] =	vst v32  }
0x297: {  	s14 =	sadd.s32 $0xFFFFF7E0, s31;
	[tilespmem:s0+$0xFFFFFED0] =	vst v33  }
0x298: {  	v51 =	vadd.s32 s14, v7;
	[tilespmem:s0+$0xFFFFFF50] =	vst v34  }
0x299: {  	v52 =	vadd.s32 s14, v8;
	v23 =	vand.u32 $0x1FF8, v51;
	[tilespmem:s0+$0xFFFFFFD0] =	vst v35  }
0x29a: {  	v53 =	vadd.s32 s14, v9;
	v24 =	vand.u32 $0x1FF8, v52;
	[tilespmem:s0+$0xFFFFFCC0] =	vst v21;
	v23 =	vor.u32 v15, v23  }
0x29b: {  	v54 =	vadd.s32 s14, v10;
	v25 =	vand.u32 $0x1FF8, v53;
	[tilespmem:s0+$0xFFFFFD40] =	vst v22;
	v24 =	vor.u32 v16, v24  }
0x29c: {  	s15 =	sadd.s32 $0xFFFFFBF0, s31;
	v55 =	vadd.s32 s14, v11;
	v26 =	vand.u32 $0x1FF8, v54;
	[tilespmem:s0+$0xFFFFFD50] =	vst v30;
	v25 =	vor.u32 v17, v25  }
0x29d: {  	v56 =	vadd.s32 s15, v1;
	v27 =	vand.u32 $0x1FF8, v55;
	[tilespmem:s0+$0xFFFFFDD0] =	vst v31;
	v26 =	vor.u32 v18, v26  }
0x29e: {  	v57 =	vadd.s32 s15, v5;
	v28 =	vand.u32 $0x3FF8, v56;
	v27 =	vor.u32 v19, v27;
	[tilespmem:s0+$0xFFFFFC40] =	vst v20  }
0x29f: {  	v60 =	vadd.s32 s15, v8;
	v29 =	vand.u32 $0x3FF8, v57;
	v28 =	vor.u32 v12, v28;
	v23 =	vld.idx.msk [tilespmem:v23+s19+$0x0], $0xffff  }
0x2a0: {  	v61 =	vadd.s32 s15, v9;
	v32 =	vand.u32 $0x3FF8, v60;
	v29 =	vor.u32 v13, v29;
	v24 =	vld.idx.msk [tilespmem:v24+s19+$0x0], $0xffff  }
0x2a1: {  	v62 =	vadd.s32 s15, v10;
	v33 =	vand.u32 $0x3FF8, v61;
	v32 =	vor.u32 v16, v32;
	v25 =	vld.idx.msk [tilespmem:v25+s19+$0x0], $0xffff  }
0x2a2: {  	v63 =	vadd.s32 s15, v11;
	v34 =	vand.u32 $0x3FF8, v62;
	v33 =	vor.u32 v17, v33;
	v26 =	vld.idx.msk [tilespmem:v26+s19+$0x0], $0xffff  }
0x2a3: {  	v49 =	vadd.s32 s14, v5;
	v35 =	vand.u32 $0x3FF8, v63;
	v34 =	vor.u32 v18, v34;
	v27 =	vld.idx.msk [tilespmem:v27+s19+$0x0], $0xffff  }
0x2a4: {  	v50 =	vadd.s32 s14, v6;
	v21 =	vand.u32 $0x1FF8, v49;
	v35 =	vor.u32 v19, v35;
	v28 =	vld.idx.msk [tilespmem:v28+s19+$0x0], $0xffff  }
0x2a5: {  	v58 =	vadd.s32 s15, v6;
	v22 =	vand.u32 $0x1FF8, v50;
	v21 =	vor.u32 v13, v21;
	v29 =	vld.idx.msk [tilespmem:v29+s19+$0x0], $0xffff  }
0x2a6: {  	v59 =	vadd.s32 s15, v7;
	v30 =	vand.u32 $0x3FF8, v58;
	v22 =	vor.u32 v14, v22;
	v32 =	vld.idx.msk [tilespmem:v32+s19+$0x0], $0xffff  }
0x2a7: {  	v31 =	vand.u32 $0x3FF8, v59;
	v20 =	vadd.s32 s14, v1;
	v30 =	vor.u32 v14, v30;
	v33 =	vld.idx.msk [tilespmem:v33+s19+$0x0], $0xffff  }
0x2a8: {  	v31 =	vor.u32 v15, v31;
	v20 =	vand.u32 $0x1FF8, v20;
	v34 =	vld.idx.msk [tilespmem:v34+s19+$0x0], $0xffff  }
0x2a9: {  	v20 =	vor.u32 v12, v20;
	v35 =	vld.idx.msk [tilespmem:v35+s19+$0x0], $0xffff  }
0x2aa: {  	v21 =	vld.idx.msk [tilespmem:v21+s19+$0x0], $0xffff  }
0x2ab: {  	v22 =	vld.idx.msk [tilespmem:v22+s19+$0x0], $0xffff  }
0x2ac: {  	v30 =	vld.idx.msk [tilespmem:v30+s19+$0x0], $0xffff  }
0x2ad: {  	v31 =	vld.idx.msk [tilespmem:v31+s19+$0x0], $0xffff  }
0x2ae: {  	v20 =	vld.idx.msk [tilespmem:v20+s19+$0x0], $0xffff;
	[tilespmem:s0+$0xFFFFFDE0] =	vst v23  }
0x2af: {  	[tilespmem:s0+$0xFFFFFE60] =	vst v24  }
0x2b0: {  	[tilespmem:s0+$0xFFFFFEE0] =	vst v25  }
0x2b1: {  	[tilespmem:s0+$0xFFFFFF60] =	vst v26  }
0x2b2: {  	[tilespmem:s0+$0xFFFFFFE0] =	vst v27  }
0x2b3: {  	[tilespmem:s0+$0xFFFFFC70] =	vst v28  }
0x2b4: {  	[tilespmem:s0+$0xFFFFFCF0] =	vst v29  }
0x2b5: {  	[tilespmem:s0+$0xFFFFFE70] =	vst v32  }
0x2b6: {  	[tilespmem:s0+$0xFFFFFEF0] =	vst v33  }
0x2b7: {  	v36 =	vadd.s32 s31, v7;
	[tilespmem:s0+$0xFFFFFF70] =	vst v34  }
0x2b8: {  	v37 =	vadd.s32 s31, v8;
	v23 =	vand.u32 $0x27F8, v36;
	[tilespmem:s0+$0xFFFFFFF0] =	vst v35  }
0x2b9: {  	v38 =	vadd.s32 s31, v9;
	v24 =	vand.u32 $0x27F8, v37;
	[tilespmem:s0+$0xFFFFFCE0] =	vst v21;
	v23 =	vor.u32 v15, v23  }
0x2ba: {  	v39 =	vadd.s32 s31, v10;
	v25 =	vand.u32 $0x27F8, v38;
	[tilespmem:s0+$0xFFFFFD60] =	vst v22;
	v24 =	vor.u32 v16, v24  }
0x2bb: {  	s13 =	sadd.s32 $0x410, s31;
	v40 =	vadd.s32 s31, v11;
	v26 =	vand.u32 $0x27F8, v39;
	[tilespmem:s0+$0xFFFFFD70] =	vst v30;
	v25 =	vor.u32 v17, v25  }
0x2bc: {  	v41 =	vadd.s32 s13, v1;
	v27 =	vand.u32 $0x27F8, v40;
	[tilespmem:s0+$0xFFFFFDF0] =	vst v31;
	v26 =	vor.u32 v18, v26  }
0x2bd: {  	v42 =	vadd.s32 s13, v5;
	v28 =	vand.u32 $0x2FF8, v41;
	v27 =	vor.u32 v19, v27;
	[tilespmem:s0+$0xFFFFFC60] =	vst v20  }
0x2be: {  	v45 =	vadd.s32 s13, v8;
	v29 =	vand.u32 $0x2FF8, v42;
	v28 =	vor.u32 v12, v28;
	v23 =	vld.idx.msk [tilespmem:v23+s19+$0x0], $0xffff  }
0x2bf: {  	v46 =	vadd.s32 s13, v9;
	v32 =	vand.u32 $0x2FF8, v45;
	v29 =	vor.u32 v13, v29;
	v24 =	vld.idx.msk [tilespmem:v24+s19+$0x0], $0xffff  }
0x2c0: {  	v47 =	vadd.s32 s13, v10;
	v33 =	vand.u32 $0x2FF8, v46;
	v32 =	vor.u32 v16, v32;
	v25 =	vld.idx.msk [tilespmem:v25+s19+$0x0], $0xffff  }
0x2c1: {  	v48 =	vadd.s32 s13, v11;
	v34 =	vand.u32 $0x2FF8, v47;
	v33 =	vor.u32 v17, v33;
	v26 =	vld.idx.msk [tilespmem:v26+s19+$0x0], $0xffff  }
0x2c2: {  	v35 =	vand.u32 $0x2FF8, v48;
	v30 =	vadd.s32 s31, v5;
	v34 =	vor.u32 v18, v34;
	v27 =	vld.idx.msk [tilespmem:v27+s19+$0x0], $0xffff  }
0x2c3: {  	v31 =	vadd.s32 s31, v6;
	v35 =	vor.u32 v19, v35;
	v21 =	vand.u32 $0x27F8, v30;
	v28 =	vld.idx.msk [tilespmem:v28+s19+$0x0], $0xffff  }
0x2c4: {  	v43 =	vadd.s32 s13, v6;
	v22 =	vand.u32 $0x27F8, v31;
	v21 =	vor.u32 v13, v21;
	v29 =	vld.idx.msk [tilespmem:v29+s19+$0x0], $0xffff  }
0x2c5: {  	v44 =	vadd.s32 s13, v7;
	v30 =	vand.u32 $0x2FF8, v43;
	v22 =	vor.u32 v14, v22;
	v32 =	vld.idx.msk [tilespmem:v32+s19+$0x0], $0xffff  }
0x2c6: {  	v31 =	vand.u32 $0x2FF8, v44;
	v20 =	vadd.s32 s31, v1;
	v30 =	vor.u32 v14, v30;
	v33 =	vld.idx.msk [tilespmem:v33+s19+$0x0], $0xffff  }
0x2c7: {  	v31 =	vor.u32 v15, v31;
	v20 =	vand.u32 $0x27F8, v20;
	v34 =	vld.idx.msk [tilespmem:v34+s19+$0x0], $0xffff  }
0x2c8: {  	v20 =	vor.u32 v12, v20;
	v35 =	vld.idx.msk [tilespmem:v35+s19+$0x0], $0xffff  }
0x2c9: {  	v21 =	vld.idx.msk [tilespmem:v21+s19+$0x0], $0xffff  }
0x2ca: {  	v22 =	vld.idx.msk [tilespmem:v22+s19+$0x0], $0xffff  }
0x2cb: {  	v30 =	vld.idx.msk [tilespmem:v30+s19+$0x0], $0xffff  }
0x2cc: {  	v31 =	vld.idx.msk [tilespmem:v31+s19+$0x0], $0xffff  }
0x2cd: {  	v20 =	vld.idx.msk [tilespmem:v20+s19+$0x0], $0xffff;
	[tilespmem:s0+$0x180] =	vst v23  }
0x2ce: {  	[tilespmem:s0+$0x200] =	vst v24  }
0x2cf: {  	[tilespmem:s0+$0x280] =	vst v25  }
0x2d0: {  	[tilespmem:s0+$0x300] =	vst v26  }
0x2d1: {  	[tilespmem:s0+$0x380] =	vst v27  }
0x2d2: {  	[tilespmem:s0+$0x10] =	vst v28  }
0x2d3: {  	[tilespmem:s0+$0x90] =	vst v29  }
0x2d4: {  	[tilespmem:s0+$0x210] =	vst v32  }
0x2d5: {  	s14 =	sadd.s32 $0x820, s31;
	[tilespmem:s0+$0x290] =	vst v33  }
0x2d6: {  	v51 =	vadd.s32 s14, v7;
	[tilespmem:s0+$0x310] =	vst v34  }
0x2d7: {  	v52 =	vadd.s32 s14, v8;
	v23 =	vand.u32 $0x2FF8, v51;
	[tilespmem:s0+$0x390] =	vst v35  }
0x2d8: {  	v53 =	vadd.s32 s14, v9;
	v24 =	vand.u32 $0x2FF8, v52;
	v23 =	vor.u32 v15, v23;
	[tilespmem:s0+$0x80] =	vst v21  }
0x2d9: {  	v54 =	vadd.s32 s14, v10;
	v25 =	vand.u32 $0x2FF8, v53;
	v24 =	vor.u32 v16, v24;
	[tilespmem:s0+$0x100] =	vst v22  }
0x2da: {  	s15 =	sadd.s32 $0xC30, s31;
	v55 =	vadd.s32 s14, v11;
	v26 =	vand.u32 $0x2FF8, v54;
	v25 =	vor.u32 v17, v25;
	[tilespmem:s0+$0x110] =	vst v30  }
0x2db: {  	v56 =	vadd.s32 s15, v1;
	v27 =	vand.u32 $0x2FF8, v55;
	v26 =	vor.u32 v18, v26;
	[tilespmem:s0+$0x190] =	vst v31  }
0x2dc: {  	v57 =	vadd.s32 s15, v5;
	v28 =	vand.u32 $0x3FF8, v56;
	v27 =	vor.u32 v19, v27;
	[tilespmem:s0+$0x0] =	vst v20  }
0x2dd: {  	v60 =	vadd.s32 s15, v8;
	v29 =	vand.u32 $0x3FF8, v57;
	v28 =	vor.u32 v12, v28;
	v23 =	vld.idx.msk [tilespmem:v23+s19+$0x0], $0xffff  }
0x2de: {  	v61 =	vadd.s32 s15, v9;
	v32 =	vand.u32 $0x3FF8, v60;
	v29 =	vor.u32 v13, v29;
	v24 =	vld.idx.msk [tilespmem:v24+s19+$0x0], $0xffff  }
0x2df: {  	v62 =	vadd.s32 s15, v10;
	v33 =	vand.u32 $0x3FF8, v61;
	v32 =	vor.u32 v16, v32;
	v25 =	vld.idx.msk [tilespmem:v25+s19+$0x0], $0xffff  }
0x2e0: {  	v63 =	vadd.s32 s15, v11;
	v34 =	vand.u32 $0x3FF8, v62;
	v33 =	vor.u32 v17, v33;
	v26 =	vld.idx.msk [tilespmem:v26+s19+$0x0], $0xffff  }
0x2e1: {  	v49 =	vadd.s32 s14, v5;
	v35 =	vand.u32 $0x3FF8, v63;
	v34 =	vor.u32 v18, v34;
	v27 =	vld.idx.msk [tilespmem:v27+s19+$0x0], $0xffff  }
0x2e2: {  	v50 =	vadd.s32 s14, v6;
	v35 =	vor.u32 v19, v35;
	v21 =	vand.u32 $0x2FF8, v49;
	v28 =	vld.idx.msk [tilespmem:v28+s19+$0x0], $0xffff  }
0x2e3: {  	v58 =	vadd.s32 s15, v6;
	v22 =	vand.u32 $0x2FF8, v50;
	v21 =	vor.u32 v13, v21;
	v29 =	vld.idx.msk [tilespmem:v29+s19+$0x0], $0xffff  }
0x2e4: {  	v59 =	vadd.s32 s15, v7;
	v30 =	vand.u32 $0x3FF8, v58;
	v22 =	vor.u32 v14, v22;
	v32 =	vld.idx.msk [tilespmem:v32+s19+$0x0], $0xffff  }
0x2e5: {  	v31 =	vand.u32 $0x3FF8, v59;
	v30 =	vor.u32 v14, v30;
	v20 =	vadd.s32 s14, v1;
	v33 =	vld.idx.msk [tilespmem:v33+s19+$0x0], $0xffff  }
0x2e6: {  	v31 =	vor.u32 v15, v31;
	v20 =	vand.u32 $0x2FF8, v20;
	v34 =	vld.idx.msk [tilespmem:v34+s19+$0x0], $0xffff  }
0x2e7: {  	v20 =	vor.u32 v12, v20;
	v35 =	vld.idx.msk [tilespmem:v35+s19+$0x0], $0xffff  }
0x2e8: {  	v21 =	vld.idx.msk [tilespmem:v21+s19+$0x0], $0xffff  }
0x2e9: {  	v22 =	vld.idx.msk [tilespmem:v22+s19+$0x0], $0xffff  }
0x2ea: {  	v30 =	vld.idx.msk [tilespmem:v30+s19+$0x0], $0xffff  }
0x2eb: {  	v31 =	vld.idx.msk [tilespmem:v31+s19+$0x0], $0xffff  }
0x2ec: {  	v20 =	vld.idx.msk [tilespmem:v20+s19+$0x0], $0xffff;
	[tilespmem:s0+$0x1A0] =	vst v23  }
0x2ed: {  	[tilespmem:s0+$0x220] =	vst v24  }
0x2ee: {  	[tilespmem:s0+$0x2A0] =	vst v25  }
0x2ef: {  	[tilespmem:s0+$0x320] =	vst v26  }
0x2f0: {  	[tilespmem:s0+$0x3A0] =	vst v27  }
0x2f1: {  	[tilespmem:s0+$0x30] =	vst v28  }
0x2f2: {  	[tilespmem:s0+$0xB0] =	vst v29  }
0x2f3: {  	[tilespmem:s0+$0x230] =	vst v32  }
0x2f4: {  	s5 =	sadd.s32 $0x1040, s31;
	[tilespmem:s0+$0x2B0] =	vst v33  }
0x2f5: {  	v36 =	vadd.s32 s5, v7;
	[tilespmem:s0+$0x330] =	vst v34  }
0x2f6: {  	v37 =	vadd.s32 s5, v8;
	v23 =	vand.u32 $0x37F8, v36;
	[tilespmem:s0+$0x3B0] =	vst v35  }
0x2f7: {  	v38 =	vadd.s32 s5, v9;
	v24 =	vand.u32 $0x37F8, v37;
	v23 =	vor.u32 v15, v23;
	[tilespmem:s0+$0xA0] =	vst v21  }
0x2f8: {  	v39 =	vadd.s32 s5, v10;
	v25 =	vand.u32 $0x37F8, v38;
	v24 =	vor.u32 v16, v24;
	[tilespmem:s0+$0x120] =	vst v22  }
0x2f9: {  	s13 =	sadd.s32 $0x1450, s31;
	v40 =	vadd.s32 s5, v11;
	v26 =	vand.u32 $0x37F8, v39;
	v25 =	vor.u32 v17, v25;
	[tilespmem:s0+$0x130] =	vst v30  }
0x2fa: {  	v41 =	vadd.s32 s13, v1;
	v27 =	vand.u32 $0x37F8, v40;
	v26 =	vor.u32 v18, v26;
	[tilespmem:s0+$0x1B0] =	vst v31  }
0x2fb: {  	v42 =	vadd.s32 s13, v5;
	v28 =	vand.u32 $0x3FF8, v41;
	v27 =	vor.u32 v19, v27;
	[tilespmem:s0+$0x20] =	vst v20  }
0x2fc: {  	v45 =	vadd.s32 s13, v8;
	v29 =	vand.u32 $0x3FF8, v42;
	v28 =	vor.u32 v12, v28;
	v23 =	vld.idx.msk [tilespmem:v23+s19+$0x0], $0xffff  }
0x2fd: {  	v46 =	vadd.s32 s13, v9;
	v32 =	vand.u32 $0x3FF8, v45;
	v29 =	vor.u32 v13, v29;
	v24 =	vld.idx.msk [tilespmem:v24+s19+$0x0], $0xffff  }
0x2fe: {  	v47 =	vadd.s32 s13, v10;
	v33 =	vand.u32 $0x3FF8, v46;
	v32 =	vor.u32 v16, v32;
	v25 =	vld.idx.msk [tilespmem:v25+s19+$0x0], $0xffff  }
0x2ff: {  	v48 =	vadd.s32 s13, v11;
	v34 =	vand.u32 $0x3FF8, v47;
	v33 =	vor.u32 v17, v33;
	v26 =	vld.idx.msk [tilespmem:v26+s19+$0x0], $0xffff  }
0x300: {  	v35 =	vand.u32 $0x3FF8, v48;
	v34 =	vor.u32 v18, v34;
	v30 =	vadd.s32 s5, v5;
	v27 =	vld.idx.msk [tilespmem:v27+s19+$0x0], $0xffff  }
0x301: {  	v35 =	vor.u32 v19, v35;
	v31 =	vadd.s32 s5, v6;
	v21 =	vand.u32 $0x37F8, v30;
	v28 =	vld.idx.msk [tilespmem:v28+s19+$0x0], $0xffff  }
0x302: {  	v43 =	vadd.s32 s13, v6;
	v22 =	vand.u32 $0x37F8, v31;
	v21 =	vor.u32 v13, v21;
	v29 =	vld.idx.msk [tilespmem:v29+s19+$0x0], $0xffff  }
0x303: {  	v44 =	vadd.s32 s13, v7;
	v30 =	vand.u32 $0x3FF8, v43;
	v22 =	vor.u32 v14, v22;
	v32 =	vld.idx.msk [tilespmem:v32+s19+$0x0], $0xffff  }
0x304: {  	v31 =	vand.u32 $0x3FF8, v44;
	v30 =	vor.u32 v14, v30;
	v20 =	vadd.s32 s5, v1;
	v33 =	vld.idx.msk [tilespmem:v33+s19+$0x0], $0xffff  }
0x305: {  	v31 =	vor.u32 v15, v31;
	v20 =	vand.u32 $0x37F8, v20;
	v34 =	vld.idx.msk [tilespmem:v34+s19+$0x0], $0xffff  }
0x306: {  	v35 =	vld.idx.msk [tilespmem:v35+s19+$0x0], $0xffff;
	v20 =	vor.u32 v12, v20  }
0x307: {  	v21 =	vld.idx.msk [tilespmem:v21+s19+$0x0], $0xffff  }
0x308: {  	v22 =	vld.idx.msk [tilespmem:v22+s19+$0x0], $0xffff  }
0x309: {  	v30 =	vld.idx.msk [tilespmem:v30+s19+$0x0], $0xffff  }
0x30a: {  	v31 =	vld.idx.msk [tilespmem:v31+s19+$0x0], $0xffff  }
0x30b: {  	v20 =	vld.idx.msk [tilespmem:v20+s19+$0x0], $0xffff;
	[tilespmem:s0+$0x1C0] =	vst v23  }
0x30c: {  	[tilespmem:s0+$0x240] =	vst v24  }
0x30d: {  	[tilespmem:s0+$0x2C0] =	vst v25  }
0x30e: {  	[tilespmem:s0+$0x340] =	vst v26  }
0x30f: {  	[tilespmem:s0+$0x3C0] =	vst v27  }
0x310: {  	[tilespmem:s0+$0x50] =	vst v28  }
0x311: {  	[tilespmem:s0+$0xD0] =	vst v29  }
0x312: {  	[tilespmem:s0+$0x250] =	vst v32  }
0x313: {  	s14 =	sadd.s32 $0x1860, s31;
	[tilespmem:s0+$0x2D0] =	vst v33  }
0x314: {  	v51 =	vadd.s32 s14, v7;
	[tilespmem:s0+$0x350] =	vst v34  }
0x315: {  	v52 =	vadd.s32 s14, v8;
	v23 =	vand.u32 $0x3FF8, v51;
	[tilespmem:s0+$0x3D0] =	vst v35  }
0x316: {  	v53 =	vadd.s32 s14, v9;
	v24 =	vand.u32 $0x3FF8, v52;
	v23 =	vor.u32 v15, v23;
	[tilespmem:s0+$0xC0] =	vst v21  }
0x317: {  	v54 =	vadd.s32 s14, v10;
	v25 =	vand.u32 $0x3FF8, v53;
	v24 =	vor.u32 v16, v24;
	[tilespmem:s0+$0x140] =	vst v22  }
0x318: {  	s15 =	sadd.s32 $0x1C70, s31;
	v55 =	vadd.s32 s14, v11;
	v26 =	vand.u32 $0x3FF8, v54;
	v25 =	vor.u32 v17, v25;
	[tilespmem:s0+$0x150] =	vst v30  }
0x319: {  	v56 =	vadd.s32 s15, v1;
	v27 =	vand.u32 $0x3FF8, v55;
	v26 =	vor.u32 v18, v26;
	[tilespmem:s0+$0x1D0] =	vst v31  }
0x31a: {  	v57 =	vadd.s32 s15, v5;
	v28 =	vand.u32 $0x7FF8, v56;
	v27 =	vor.u32 v19, v27;
	[tilespmem:s0+$0x40] =	vst v20  }
0x31b: {  	v60 =	vadd.s32 s15, v8;
	v29 =	vand.u32 $0x7FF8, v57;
	v28 =	vor.u32 v12, v28;
	v23 =	vld.idx.msk [tilespmem:v23+s19+$0x0], $0xffff  }
0x31c: {  	v61 =	vadd.s32 s15, v9;
	v32 =	vand.u32 $0x7FF8, v60;
	v29 =	vor.u32 v13, v29;
	v24 =	vld.idx.msk [tilespmem:v24+s19+$0x0], $0xffff  }
0x31d: {  	v62 =	vadd.s32 s15, v10;
	v33 =	vand.u32 $0x7FF8, v61;
	v32 =	vor.u32 v16, v32;
	v25 =	vld.idx.msk [tilespmem:v25+s19+$0x0], $0xffff  }
0x31e: {  	v63 =	vadd.s32 s15, v11;
	v34 =	vand.u32 $0x7FF8, v62;
	v33 =	vor.u32 v17, v33;
	v26 =	vld.idx.msk [tilespmem:v26+s19+$0x0], $0xffff  }
0x31f: {  	v49 =	vadd.s32 s14, v5;
	v35 =	vand.u32 $0x7FF8, v63;
	v34 =	vor.u32 v18, v34;
	v27 =	vld.idx.msk [tilespmem:v27+s19+$0x0], $0xffff  }
0x320: {  	v50 =	vadd.s32 s14, v6;
	v35 =	vor.u32 v19, v35;
	v21 =	vand.u32 $0x3FF8, v49;
	v28 =	vld.idx.msk [tilespmem:v28+s19+$0x0], $0xffff  }
0x321: {  	v58 =	vadd.s32 s15, v6;
	v22 =	vand.u32 $0x3FF8, v50;
	v21 =	vor.u32 v13, v21;
	v29 =	vld.idx.msk [tilespmem:v29+s19+$0x0], $0xffff  }
0x322: {  	v59 =	vadd.s32 s15, v7;
	v30 =	vand.u32 $0x7FF8, v58;
	v22 =	vor.u32 v14, v22;
	v32 =	vld.idx.msk [tilespmem:v32+s19+$0x0], $0xffff  }
0x323: {  	v31 =	vand.u32 $0x7FF8, v59;
	v30 =	vor.u32 v14, v30;
	v20 =	vadd.s32 s14, v1;
	v33 =	vld.idx.msk [tilespmem:v33+s19+$0x0], $0xffff  }
0x324: {  	v31 =	vor.u32 v15, v31;
	v20 =	vand.u32 $0x3FF8, v20;
	v34 =	vld.idx.msk [tilespmem:v34+s19+$0x0], $0xffff  }
0x325: {  	v35 =	vld.idx.msk [tilespmem:v35+s19+$0x0], $0xffff;
	v20 =	vor.u32 v12, v20  }
0x326: {  	v21 =	vld.idx.msk [tilespmem:v21+s19+$0x0], $0xffff  }
0x327: {  	v22 =	vld.idx.msk [tilespmem:v22+s19+$0x0], $0xffff  }
0x328: {  	v30 =	vld.idx.msk [tilespmem:v30+s19+$0x0], $0xffff  }
0x329: {  	v31 =	vld.idx.msk [tilespmem:v31+s19+$0x0], $0xffff  }
0x32a: {  	v20 =	vld.idx.msk [tilespmem:v20+s19+$0x0], $0xffff;
	[tilespmem:s0+$0x1E0] =	vst v23  }
0x32b: {  	[tilespmem:s0+$0x260] =	vst v24  }
0x32c: {  	[tilespmem:s0+$0x2E0] =	vst v25  }
0x32d: {  	[tilespmem:s0+$0x360] =	vst v26  }
0x32e: {  	[tilespmem:s0+$0x3E0] =	vst v27  }
0x32f: {  	[tilespmem:s0+$0x70] =	vst v28  }
0x330: {  	[tilespmem:s0+$0xF0] =	vst v29  }
0x331: {  	[tilespmem:s0+$0x270] =	vst v32  }
0x332: {  	[tilespmem:s0+$0x2F0] =	vst v33  }
0x333: {  	[tilespmem:s0+$0x370] =	vst v34  }
0x334: {  	p0 =	sne.s32 s31, $0x20B8;
	[tilespmem:s0+$0x3F0] =	vst v35  }
.Ltmp11:
0x335: {  	[tilespmem:s0+$0xE0] =	vst v21;
	(pc) =	sbr.rel @p0 .LBB2_8-.Ltmp11, $4  }
0x336: {  	[tilespmem:s0+$0x160] =	vst v22  }
0x337: {  	[tilespmem:s0+$0x170] =	vst v30  }
0x338: {  	[tilespmem:s0+$0x1F0] =	vst v31  }
0x339: {  	s31 =	sadd.s32 $0x8, s31;
	[tilespmem:s0+$0x60] =	vst v20;
	s0 =	sadd.s32 $0x800, s0  }
.Ltmp12:
0x33a: {  	s0 =	sshll.u32 s30, $0x12;
	(pc) =	sbr.rel .LBB2_17-.Ltmp12, $4  }
0x33b: {  	s0 =	sor.u32 s7, s0  }
0x33c: {  	s0 =	sshrl.u32 s0, $0x3  }
0x33d: {  	s0 =	sadd.s32 s2, s0  }
0x33e: {  	[hbm4b:s0+s20] =	stream.strided.scatter [tilespmem:s26], [sflag:$0x3], $0x4000, s21, s20, $0x38;
	[tilespmem:$0x17500] =	vst v63  }
.LBB2_19:
0x33f: {  	_ =	sfence.sel $0x180000  }
0x340: {  	[bflag:$0x0] =	sbarrier.arrive $0xFFFF  }
0x341: {  	_ =	strace $0x90000047  }
0x342: {  	s0 =	stileid.u32;
	[bflag:$0x2] =	sbarrier.arrive $0xFFFF  }
0x343: {  	p0 =	sne.s32 s0, $0x0;
	s0 =	rddreg [dreg:$0x3]  }
0x344: {  	s0 =	sadd.s32 @!p0 $0x100000, s0  }
0x345: {  	[sflag:s0] =	ssyncadd.tile.s32 @!p0 $0x1;
	_ =	shalt  }
.Lfunc_end2:
_tile_overlayer_lowered:
.L_overlay_start_2:
0x346: {  	(tag) =	ssettag $0x2  }
0x347: {  	s0 =	rddreg [dreg:$0x0];
	s2 =	stileid.u32  }
0x348: {  	s1 =	rddreg [dreg:$0x1];
	p0 =	sne.s32 s2, $0x0  }
0x349: {  	s3 =	rddreg [dreg:$0x2];
	[bflag:$0x3] =	sbarrier.arrive $0xFFFF;
	s2 =	simm.s32 @!p0 $0x1C05  }
0x34a: {  	[timem:s3], [sflag:s2] =	dma.local @!p0 [hbm:s0], s1  }
0x34b: {  	s0 =	simm.s32 @!p0 $0x5  }
0x34c: {  	_ =	swait.ge @!p0 [sflag:s0], s1  }
0x34d: {  	s1 =	ssub.s32 @!p0 $0x0, s1;
	[sflag:s0] =	ssyncset.done @!p0 $0x0  }
0x34e: {  	[sflag:s0] =	ssyncadd.s32 @!p0 s1  }
0x34f: {  	[bflag:$0x3] =	sbarrier.arrive $0xFFFF  }
0x350: {  	_ =	shalt  }

</sc_bundles>
